<compile_context>
chip_gen: v7x
topology: tpu7x:2x2x1
jax: 0.10.2.dev20260603
libtpu: 0.0.44.dev20260713+nightly
codegen_flags: <defaults>
</compile_context>

<pallas_src>
import jax
import jax.numpy as jnp
from jax import lax
from jax.experimental import pallas as pl
from jax.experimental.pallas import tpu as pltpu
from jax.experimental.pallas import tpu_sc as plsc

N = 10000
NPAD = 10112
E = 320000
EPAD = 322560
D = 128
H1 = 256
H2 = 64
NC, NS = 2, 16
BLK = 96

_MESH = dict(core_axis_name="c", subcore_axis_name="s", num_cores=NC,
             num_subcores=NS)
_SC_PARAMS = pltpu.CompilerParams(needs_layout_passes=False)



def _deg_kernel(dst_a_hbm, dst_b_hbm, out_hbm, hist, idx0, idx1,
                isem0, isem1):
    cid = lax.axis_index("c")
    sid = lax.axis_index("s")
    wid = cid * NS + sid
    ones = jnp.full((16,), 1.0, jnp.float32)
    zeros = jnp.zeros((16,), jnp.float32)

    idx = (idx0, idx1)
    isem = (isem0, isem1)
    nblk = EPAD // (NC * NS) // 480

    def one_graph(dst_hbm, out_row):
        def zero(i, _):
            hist[pl.ds(i * 16, 16)] = zeros
            return 0
        lax.fori_loop(0, NPAD // 16, zero, 0)
        base = wid * (EPAD // (NC * NS))

        def load(b, p):
            pltpu.async_copy(dst_hbm.at[pl.ds(base + b * 480, 480)], idx[p],
                             isem[p])

        def consume(b, p):
            pltpu.make_async_copy(dst_hbm.at[pl.ds(base, 480)], idx[p],
                                  isem[p]).wait()

            @pl.when(b + 1 < nblk)
            def _():
                load(b + 1, 1 - p)

            for j in range(30):
                iv = idx[p][pl.ds(j * 16, 16)]
                plsc.addupdate_scatter(hist, [iv], ones)

        load(0, 0)

        def pair(m, _):
            consume(2 * m, 0)
            consume(2 * m + 1, 1)
            return 0
        lax.fori_loop(0, nblk // 2, pair, 0)
        if nblk % 2:
            consume(nblk - 1, 0)
        pltpu.sync_copy(hist, out_hbm.at[out_row])

    one_graph(dst_a_hbm, wid)
    one_graph(dst_b_hbm, 32 + wid)


def _deg(dst_a, dst_b):
    return pl.kernel(
        _deg_kernel,
        out_type=jax.ShapeDtypeStruct((2 * NC * NS, NPAD), jnp.float32),
        mesh=plsc.VectorSubcoreMesh(**_MESH),
        scratch_types=[pltpu.VMEM((NPAD,), jnp.float32),
                       pltpu.VMEM((480,), jnp.int32),
                       pltpu.VMEM((480,), jnp.int32),
                       pltpu.SemaphoreType.DMA, pltpu.SemaphoreType.DMA],
        compiler_params=_SC_PARAMS,
    )(dst_a, dst_b)


def _edge_loop(src_hbm, dst_hbm, h_hbm, acc, bufs, base, nblk):
    (idxs, idxd, rows, isem, gsem, ssem) = bufs

    def prefetch(b, s):
        off = base + b * BLK
        pltpu.async_copy(src_hbm.at[pl.ds(off, BLK)], idxs[s], isem[s])
        pltpu.async_copy(dst_hbm.at[pl.ds(off, BLK)], idxd[s], isem[s])

    def wait_prefetch(s):
        pltpu.make_async_copy(src_hbm.at[pl.ds(base, BLK)], idxs[s],
                              isem[s]).wait()
        pltpu.make_async_copy(dst_hbm.at[pl.ds(base, BLK)], idxd[s],
                              isem[s]).wait()

    def fire_gather(s):
        pltpu.async_copy(h_hbm.at[idxs[s]], rows[s], gsem[s])

    def wait_gather(s):
        pltpu.make_async_copy(h_hbm.at[idxs[s]], rows[s], gsem[s]).wait()

    def fire_scatter(s):
        pltpu.async_copy(rows[s], acc.at[idxd[s]], ssem[s], add=True)

    def wait_scatter(s):
        pltpu.make_async_copy(rows[s], acc.at[idxd[s]], ssem[s]).wait()

    def step(b, s, prev=True, prev2=True, pref=True):
        wait_prefetch(s)
        fire_gather(s)
        if prev:
            wait_gather((s + 2) % 4)
            fire_scatter((s + 2) % 4)
        if prev2:
            wait_scatter((s + 1) % 4)
        if pref:
            prefetch(b + 1, (s + 1) % 4)

    prefetch(0, 0)
    step(0, 0, prev=False, prev2=False)
    step(1, 1, prev=False, prev2=False)
    step(2, 2, prev2=False)
    ntrip = (nblk - 3) // 4

    def trip(m, _):
        b = 3 + 4 * m
        step(b, 3)
        step(b + 1, 0)
        step(b + 2, 1)
        step(b + 3, 2)
        return 0
    lax.fori_loop(0, ntrip, trip, 0)
    for b in range(3 + 4 * ntrip, nblk):
        step(b, b % 4, pref=(b + 1 < nblk))
    s2, s1 = (nblk - 2) % 4, (nblk - 1) % 4
    wait_gather(s2)
    fire_scatter(s2)
    wait_gather(s1)
    fire_scatter(s1)
    wait_scatter((nblk - 3) % 4)
    wait_scatter(s2)
    wait_scatter(s1)


def _prop_kernel(hl_hbm, hp_hbm, src_l_hbm, dst_l_hbm, src_p_hbm,
                 dst_p_hbm, z_hbm, ol_hbm, op_hbm, acc, idxs0, idxs1,
                 idxs2, idxs3, idxd0, idxd1, idxd2, idxd3, rows0, rows1,
                 rows2, rows3, isem0, isem1, isem2, isem3, gsem0, gsem1,
                 gsem2, gsem3, ssem0, ssem1, ssem2, ssem3):
    cid = lax.axis_index("c")
    sid = lax.axis_index("s")
    bufs = ((idxs0, idxs1, idxs2, idxs3), (idxd0, idxd1, idxd2, idxd3),
            (rows0, rows1, rows2, rows3), (isem0, isem1, isem2, isem3),
            (gsem0, gsem1, gsem2, gsem3),
            (ssem0, ssem1, ssem2, ssem3))
    rows_per = NPAD // NS
    sl = pl.ds(sid * rows_per, rows_per)
    pltpu.sync_copy(z_hbm, acc.at[sl])
    plsc.subcore_barrier()
    base = sid * (EPAD // NS)
    nblk = EPAD // NS // BLK

    @pl.when(cid == 0)
    def _():
        _edge_loop(src_l_hbm, dst_l_hbm, hl_hbm, acc, bufs, base, nblk)

    @pl.when(cid == 1)
    def _():
        _edge_loop(src_p_hbm, dst_p_hbm, hp_hbm, acc, bufs, base, nblk)

    plsc.subcore_barrier()

    @pl.when(cid == 0)
    def _():
        pltpu.sync_copy(acc.at[sl], ol_hbm.at[sl])

    @pl.when(cid == 1)
    def _():
        pltpu.sync_copy(acc.at[sl], op_hbm.at[sl])


def _prop(hl, hp, src_l, dst_l, src_p, dst_p, zrows):
    return pl.kernel(
        _prop_kernel,
        out_type=(jax.ShapeDtypeStruct((NPAD, 128), jnp.float32),) * 2,
        mesh=plsc.VectorSubcoreMesh(**_MESH),
        scratch_types=([pltpu.VMEM_SHARED((NPAD, 128), jnp.float32)]
                       + [pltpu.VMEM((BLK,), jnp.int32)] * 8
                       + [pltpu.VMEM((BLK, 128), jnp.float32)] * 4
                       + [pltpu.SemaphoreType.DMA] * 12),
        compiler_params=_SC_PARAMS,
    )(hl, hp, src_l, dst_l, src_p, dst_p, zrows)



RB = 256
GB = (NPAD + RB - 1) // RB


def _rdeg(degp):
    return lax.rsqrt(jnp.maximum(jnp.sum(degp, axis=0), 1.0))


def _row_mask(i):
    rows = i * RB + lax.broadcasted_iota(jnp.int32, (RB, 1), 0)
    return rows < N


def _tc_scale_body(xl_ref, xp_ref, dl_ref, dp_ref, ol_ref, op_ref):
    m = _row_mask(pl.program_id(0))
    ol_ref[...] = jnp.where(m, xl_ref[...] * _rdeg(dl_ref[...])[:, None], 0.0)
    op_ref[...] = jnp.where(m, xp_ref[...] * _rdeg(dp_ref[...])[:, None], 0.0)


def _tc_scale(xl, xp, degp):
    return pl.pallas_call(
        _tc_scale_body,
        grid=(GB,),
        in_specs=[pl.BlockSpec((RB, D), lambda i: (i, 0)),
                  pl.BlockSpec((RB, D), lambda i: (i, 0)),
                  pl.BlockSpec((NC * NS, RB), lambda i: (0, i)),
                  pl.BlockSpec((NC * NS, RB), lambda i: (1, i))],
        out_specs=[pl.BlockSpec((RB, D), lambda i: (i, 0))] * 2,
        out_shape=[jax.ShapeDtypeStruct((NPAD, D), jnp.float32)] * 2,
    )(xl, xp, degp, degp)


def _tc_mid_body(pl_ref, pp_ref, w0l_ref, w0p_ref, wcl_ref, wcp_ref,
                 dl_ref, dp_ref, ol_ref, op_ref):
    def one(p_ref, w0_ref, wc_ref, d_ref, o_ref):
        rdeg = _rdeg(d_ref[...])
        h = jnp.dot(p_ref[...], w0_ref[...],
                    preferred_element_type=jnp.float32)
        hidden = jnp.maximum(h * rdeg[:, None], 0.0)
        o_ref[...] = jnp.dot(
            hidden, wc_ref[...],
            preferred_element_type=jnp.float32) * rdeg[:, None]
    one(pl_ref, w0l_ref, wcl_ref, dl_ref, ol_ref)
    one(pp_ref, w0p_ref, wcp_ref, dp_ref, op_ref)


def _tc_mid(p1l, p1p, w0l, w0p, wcl, wcp, degp):
    return pl.pallas_call(
        _tc_mid_body,
        grid=(GB,),
        in_specs=[pl.BlockSpec((RB, D), lambda i: (i, 0)),
                  pl.BlockSpec((RB, D), lambda i: (i, 0)),
                  pl.BlockSpec((D, H1), lambda i: (0, 0)),
                  pl.BlockSpec((D, H1), lambda i: (0, 0)),
                  pl.BlockSpec((H1, 2 * H2), lambda i: (0, 0)),
                  pl.BlockSpec((H1, 2 * H2), lambda i: (0, 0)),
                  pl.BlockSpec((NC * NS, RB), lambda i: (0, i)),
                  pl.BlockSpec((NC * NS, RB), lambda i: (1, i))],
        out_specs=[pl.BlockSpec((RB, 2 * H2), lambda i: (i, 0))] * 2,
        out_shape=[jax.ShapeDtypeStruct((NPAD, 2 * H2), jnp.float32)] * 2,
    )(p1l, p1p, w0l, w0p, wcl, wcp, degp, degp)


def _tc_out_body(ql_ref, qp_ref, dl_ref, dp_ref, el_ref, ep_ref,
                 ml_ref, sl_ref, zl_ref, mp_ref, sp_ref, zp_ref):
    def one(q_ref, d_ref, e_ref, m_ref, s_ref, z_ref):
        p = q_ref[...] * _rdeg(d_ref[...])[:, None]
        mean = p[:, :H2]
        std = jnp.exp(p[:, H2:])
        m_ref[...] = mean
        s_ref[...] = std
        z_ref[...] = mean + e_ref[...] * std
    one(ql_ref, dl_ref, el_ref, ml_ref, sl_ref, zl_ref)
    one(qp_ref, dp_ref, ep_ref, mp_ref, sp_ref, zp_ref)


def _tc_out(ql, qp, degp, eps_l, eps_p):
    return pl.pallas_call(
        _tc_out_body,
        grid=(GB,),
        in_specs=[pl.BlockSpec((RB, 2 * H2), lambda i: (i, 0)),
                  pl.BlockSpec((RB, 2 * H2), lambda i: (i, 0)),
                  pl.BlockSpec((NC * NS, RB), lambda i: (0, i)),
                  pl.BlockSpec((NC * NS, RB), lambda i: (1, i)),
                  pl.BlockSpec((RB, H2), lambda i: (i, 0)),
                  pl.BlockSpec((RB, H2), lambda i: (i, 0))],
        out_specs=[pl.BlockSpec((RB, H2), lambda i: (i, 0))] * 6,
        out_shape=[jax.ShapeDtypeStruct((N, H2), jnp.float32)] * 6,
    )(ql, qp, degp, degp, eps_l, eps_p)



def _pad_edges(edge_index):
    pad = N + (jnp.arange(EPAD - E, dtype=jnp.int32) % (NPAD - N))
    src = jnp.concatenate([edge_index[0].astype(jnp.int32), pad])
    dst = jnp.concatenate([edge_index[1].astype(jnp.int32), pad])
    return src, dst


def kernel(xl0, xp0, edge_index_l, edge_index_p, eps_l, eps_p,
           W0_l, Wm_l, Ws_l, W0_p, Wm_p, Ws_p):
    src_l, dst_l = _pad_edges(edge_index_l)
    src_p, dst_p = _pad_edges(edge_index_p)
    zrows = jnp.zeros((NPAD // NS, 128), jnp.float32)
    degp = _deg(dst_l, dst_p)
    xs_l, xs_p = _tc_scale(xl0, xp0, degp)
    p1l, p1p = _prop(xs_l, xs_p, src_l, dst_l, src_p, dst_p, zrows)
    wc_l = jnp.concatenate([Wm_l, Ws_l], axis=1)
    wc_p = jnp.concatenate([Wm_p, Ws_p], axis=1)
    h2l, h2p = _tc_mid(p1l, p1p, W0_l, W0_p, wc_l, wc_p, degp)
    ql, qp = _prop(h2l, h2p, src_l, dst_l, src_p, dst_p, zrows)
    hl, stdl, xl, hp, stdp, xp = _tc_out(ql, qp, degp, eps_l, eps_p)
    return (hl, stdl, xl, hp, stdp, xp)

# --- scband reference (transcript-rebuilt; emitter-appended) ---
"""Pipeline reference for scband-frn-71846212927616 (READ-ONLY COPY).

The authoritative reference and input builder live on the scoring server;
editing this copy changes nothing except your own understanding.
"""

import jax, jax.numpy as jnp
import numpy as np

N_L = 10000
N_P = 10000
E_L = 320000
E_P = 320000
D_L = 128
D_P = 128
H1 = 256
H2 = 64


def setup_inputs(seed: int = 0) -> dict:
    key = jax.random.key(seed)
    ks = jax.random.split(key, 12)
    xl0 = jax.random.normal(ks[0], (N_L, D_L), dtype=jnp.float32)
    xp0 = jax.random.normal(ks[1], (N_P, D_P), dtype=jnp.float32)
    edge_index_l = jax.random.randint(ks[2], (2, E_L), 0, N_L)
    edge_index_p = jax.random.randint(ks[3], (2, E_P), 0, N_P)
    eps_l = jax.random.normal(ks[4], (N_L, H2), dtype=jnp.float32)
    eps_p = jax.random.normal(ks[5], (N_P, H2), dtype=jnp.float32)
    W0_l = jax.random.normal(ks[6], (D_L, H1), dtype=jnp.float32) * 0.05
    Wm_l = jax.random.normal(ks[7], (H1, H2), dtype=jnp.float32) * 0.05
    Ws_l = jax.random.normal(ks[8], (H1, H2), dtype=jnp.float32) * 0.05
    W0_p = jax.random.normal(ks[9], (D_P, H1), dtype=jnp.float32) * 0.05
    Wm_p = jax.random.normal(ks[10], (H1, H2), dtype=jnp.float32) * 0.05
    Ws_p = jax.random.normal(ks[11], (H1, H2), dtype=jnp.float32) * 0.05
    return {"xl0": xl0, "xp0": xp0, "edge_index_l": edge_index_l,
            "edge_index_p": edge_index_p, "eps_l": eps_l, "eps_p": eps_p,
            "W0_l": W0_l, "Wm_l": Wm_l, "Ws_l": Ws_l,
            "W0_p": W0_p, "Wm_p": Wm_p, "Ws_p": Ws_p}


def _gcn_layer(x, src, dst, W, n, act):
    # GCN propagation with symmetric degree normalization (sparse, edge-list form)
    deg = jnp.zeros((n,), jnp.float32).at[dst].add(1.0)
    deg = jnp.maximum(deg, 1.0)
    norm = 1.0 / jnp.sqrt(deg[src] * deg[dst])
    h = x @ W
    msg = h[src] * norm[:, None]
    out = jnp.zeros((n, W.shape[1]), jnp.float32).at[dst].add(msg)
    if act:
        out = jax.nn.relu(out)
    return out


def _vgae(x, edge_index, eps, W0, Wm, Ws, n):
    src = edge_index[0]
    dst = edge_index[1]
    hidden = _gcn_layer(x, src, dst, W0, n, True)
    mean = _gcn_layer(hidden, src, dst, Wm, n, False)
    logstd = _gcn_layer(hidden, src, dst, Ws, n, False)
    std = jnp.exp(logstd)
    z = mean + eps * std
    return mean, std, z


def reference(xl0, xp0, edge_index_l, edge_index_p, eps_l, eps_p,
              W0_l, Wm_l, Ws_l, W0_p, Wm_p, Ws_p):
    hl, stdl, xl = _vgae(xl0, edge_index_l, eps_l, W0_l, Wm_l, Ws_l, N_L)
    hp, stdp, xp = _vgae(xp0, edge_index_p, eps_p, W0_p, Wm_p, Ws_p, N_P)
    return (hl, stdl, xl, hp, stdp, xp)

if __name__ == "__main__":
    import jax
    _d = setup_inputs()
    print(jax.jit(kernel)(*tuple(_d.values())))

</pallas_src>

<mosaic_0001>
#map = affine_map<(d0, d1) -> (0)>
#map1 = affine_map<(d0, d1) -> (0, 0)>
module attributes {stable_mosaic.version = 14 : i64} {
  func.func @_deg_kernel(%arg0: i32, %arg1: i32, %arg2: memref<322560xi32, #tpu.memory_space<hbm>>, %arg3: memref<322560xi32, #tpu.memory_space<hbm>>, %arg4: memref<64x10112xf32, #tpu.memory_space<hbm>>, %arg5: memref<10112xf32, #tpu.memory_space<vmem>>, %arg6: memref<480xi32, #tpu.memory_space<vmem>>, %arg7: memref<480xi32, #tpu.memory_space<vmem>>, %arg8: memref<!tpu.dma_semaphore, #tpu.memory_space<semaphore_mem>>, %arg9: memref<!tpu.dma_semaphore, #tpu.memory_space<semaphore_mem>>) attributes {dimension_semantics = [#tpu.dimension_semantics<core_parallel>, #tpu.dimension_semantics<subcore_parallel>], iteration_bounds = array<i64: 2, 16>, scalar_prefetch = 0 : i64, scratch_operands = 5 : i64, tpu.core_type = #tpu.core_type<sc_vector_subcore>, window_params = [{transform_indices = #map}, {transform_indices = #map}, {transform_indices = #map1}]} {
    %mul3A = arith.constant 16 : i32
    %mul3A_0 = arith.muli %arg0, %mul3A : i32
    %add3A = arith.addi %mul3A_0, %arg1 : i32
    %broadcast_in_dim3A = arith.constant 1.000000e+00 : f32
    %broadcast_in_dim3A_1 = vector.broadcast %broadcast_in_dim3A : f32 to vector<16xf32>
    %broadcast_in_dim3A_2 = arith.constant 0.000000e+00 : f32
    %broadcast_in_dim3A_3 = vector.broadcast %broadcast_in_dim3A_2 : f32 to vector<16xf32>
    %scan3A = arith.constant 0 : i32
    %scan3A_4 = arith.constant 0 : i32
    %scan3A_5 = arith.constant 632 : i32
    %scan3A_6 = arith.addi %scan3A_4, %scan3A_5 : i32
    %scan3A_7 = arith.constant 1 : i32
    %scan3A_8 = scf.for %scan3A_166 = %scan3A_4 to %scan3A_6 step %scan3A_7 iter_args(%scan3A_167 = %scan3A) -> (i32)  : i32 {
      %mul3A_168 = arith.constant 16 : i32
      %mul3A_169 = arith.muli %scan3A_166, %mul3A_168 : i32
      %swap3A = arith.index_cast %mul3A_169 : i32 to index
      %swap3A_170 = tpu.vector_load %arg5[%swap3A] {strides = array<i32>} : memref<10112xf32, #tpu.memory_space<vmem>>, vector<16xf32>,
      tpu.vector_store %arg5[%swap3A], %broadcast_in_dim3A_3 {strides = array<i32>} : memref<10112xf32, #tpu.memory_space<vmem>>, vector<16xf32>,
      %scan3A_171 = arith.constant 0 : i32
      scf.yield %scan3A_171 : i32
    }
    %scan3A_9 = arith.constant 632 : i32
    %mul3A_10 = arith.constant 10080 : i32
    %mul3A_11 = arith.muli %add3A, %mul3A_10 : i32
    %add3A_12 = arith.constant 0 : i32
    %add3A_13 = arith.addi %mul3A_11, %add3A_12 : i32
    %dma_start3A = tpu.memref_slice %arg2[%add3A_13] : memref<322560xi32, #tpu.memory_space<hbm>> -> memref<480xi32, #tpu.memory_space<hbm>>
    %dma_start3A_14 = tpu.memref_slice %arg2[%add3A_13] : memref<322560xi32, #tpu.memory_space<hbm>> -> memref<480xi32, #tpu.memory_space<hbm>>
    tpu.enqueue_dma source(%dma_start3A_14 : memref<480xi32, #tpu.memory_space<hbm>>) target(%arg6 : memref<480xi32, #tpu.memory_space<vmem>>) target_semaphore(%arg8 : memref<!tpu.dma_semaphore, #tpu.memory_space<semaphore_mem>>)
    %scan3A_15 = arith.constant 0 : i32
    %scan3A_16 = arith.constant 0 : i32
    %scan3A_17 = arith.constant 10 : i32
    %scan3A_18 = arith.addi %scan3A_16, %scan3A_17 : i32
    %scan3A_19 = arith.constant 1 : i32
    %scan3A_20 = scf.for %scan3A_166 = %scan3A_16 to %scan3A_18 step %scan3A_19 iter_args(%scan3A_167 = %scan3A_15) -> (i32)  : i32 {
      %mul3A_168 = arith.constant 2 : i32
      %mul3A_169 = arith.muli %mul3A_168, %scan3A_166 : i32
      %dma_wait3A_170 = tpu.memref_slice %arg2[%mul3A_11] : memref<322560xi32, #tpu.memory_space<hbm>> -> memref<480xi32, #tpu.memory_space<hbm>>
      %dma_wait3A_171 = tpu.memref_slice %arg2[%mul3A_11] : memref<322560xi32, #tpu.memory_space<hbm>> -> memref<480xi32, #tpu.memory_space<hbm>>
      tpu.wait_dma2 semaphore(%arg8 : memref<!tpu.dma_semaphore, #tpu.memory_space<semaphore_mem>>) src(%dma_wait3A_171 : memref<480xi32, #tpu.memory_space<hbm>>) dst(%arg6 : memref<480xi32, #tpu.memory_space<vmem>>)
      %add3A_172 = arith.constant 1 : i32
      %add3A_173 = arith.addi %mul3A_169, %add3A_172 : i32
      %lt3A = arith.constant 21 : i32
      %lt3A_174 = arith.cmpi slt, %add3A_173, %lt3A : i32
      %convert_element_type3A = arith.extui %lt3A_174 : i1 to i32
      %cond3A = arith.constant 0 : i32
      %cond3A_175 = arith.cmpi ne, %convert_element_type3A, %cond3A : i32
      scf.if %cond3A_175 {
        %add3A_310 = arith.constant 1 : i32
        %add3A_311 = arith.addi %mul3A_169, %add3A_310 : i32
        %mul3A_312 = arith.constant 480 : i32
        %mul3A_313 = arith.muli %add3A_311, %mul3A_312 : i32
        %add3A_314 = arith.addi %mul3A_11, %mul3A_313 : i32
        %dma_start3A_315 = tpu.memref_slice %arg2[%add3A_314] : memref<322560xi32, #tpu.memory_space<hbm>> -> memref<480xi32, #tpu.memory_space<hbm>>
        %dma_start3A_316 = tpu.memref_slice %arg2[%add3A_314] : memref<322560xi32, #tpu.memory_space<hbm>> -> memref<480xi32, #tpu.memory_space<hbm>>
        tpu.enqueue_dma source(%dma_start3A_316 : memref<480xi32, #tpu.memory_space<hbm>>) target(%arg7 : memref<480xi32, #tpu.memory_space<vmem>>) target_semaphore(%arg9 : memref<!tpu.dma_semaphore, #tpu.memory_space<semaphore_mem>>)
      } else {
      }
      %get3A_176 = arith.constant 0 : index
      %get3A_177 = tpu.vector_load %arg6[%get3A_176] {strides = array<i32>} : memref<480xi32, #tpu.memory_space<vmem>>, vector<16xi32>,
      tpu.vector_store_idx %arg5[%get3A_177], %broadcast_in_dim3A_1 {add = true} : memref<10112xf32, #tpu.memory_space<vmem>>[vector<16xi32>], vector<16xf32>,
      %get3A_178 = arith.constant 16 : index
      %get3A_179 = tpu.vector_load %arg6[%get3A_178] {strides = array<i32>} : memref<480xi32, #tpu.memory_space<vmem>>, vector<16xi32>,
      tpu.vector_store_idx %arg5[%get3A_179], %broadcast_in_dim3A_1 {add = true} : memref<10112xf32, #tpu.memory_space<vmem>>[vector<16xi32>], vector<16xf32>,
      %get3A_180 = arith.constant 32 : index
      %get3A_181 = tpu.vector_load %arg6[%get3A_180] {strides = array<i32>} : memref<480xi32, #tpu.memory_space<vmem>>, vector<16xi32>,
      tpu.vector_store_idx %arg5[%get3A_181], %broadcast_in_dim3A_1 {add = true} : memref<10112xf32, #tpu.memory_space<vmem>>[vector<16xi32>], vector<16xf32>,
      %get3A_182 = arith.constant 48 : index
      %get3A_183 = tpu.vector_load %arg6[%get3A_182] {strides = array<i32>} : memref<480xi32, #tpu.memory_space<vmem>>, vector<16xi32>,
      tpu.vector_store_idx %arg5[%get3A_183], %broadcast_in_dim3A_1 {add = true} : memref<10112xf32, #tpu.memory_space<vmem>>[vector<16xi32>], vector<16xf32>,
      %get3A_184 = arith.constant 64 : index
      %get3A_185 = tpu.vector_load %arg6[%get3A_184] {strides = array<i32>} : memref<480xi32, #tpu.memory_space<vmem>>, vector<16xi32>,
      tpu.vector_store_idx %arg5[%get3A_185], %broadcast_in_dim3A_1 {add = true} : memref<10112xf32, #tpu.memory_space<vmem>>[vector<16xi32>], vector<16xf32>,
      %get3A_186 = arith.constant 80 : index
      %get3A_187 = tpu.vector_load %arg6[%get3A_186] {strides = array<i32>} : memref<480xi32, #tpu.memory_space<vmem>>, vector<16xi32>,
      tpu.vector_store_idx %arg5[%get3A_187], %broadcast_in_dim3A_1 {add = true} : memref<10112xf32, #tpu.memory_space<vmem>>[vector<16xi32>], vector<16xf32>,
      %get3A_188 = arith.constant 96 : index
      %get3A_189 = tpu.vector_load %arg6[%get3A_188] {strides = array<i32>} : memref<480xi32, #tpu.memory_space<vmem>>, vector<16xi32>,
      tpu.vector_store_idx %arg5[%get3A_189], %broadcast_in_dim3A_1 {add = true} : memref<10112xf32, #tpu.memory_space<vmem>>[vector<16xi32>], vector<16xf32>,
      %get3A_190 = arith.constant 112 : index
      %get3A_191 = tpu.vector_load %arg6[%get3A_190] {strides = array<i32>} : memref<480xi32, #tpu.memory_space<vmem>>, vector<16xi32>,
      tpu.vector_store_idx %arg5[%get3A_191], %broadcast_in_dim3A_1 {add = true} : memref<10112xf32, #tpu.memory_space<vmem>>[vector<16xi32>], vector<16xf32>,
      %get3A_192 = arith.constant 128 : index
      %get3A_193 = tpu.vector_load %arg6[%get3A_192] {strides = array<i32>} : memref<480xi32, #tpu.memory_space<vmem>>, vector<16xi32>,
      tpu.vector_store_idx %arg5[%get3A_193], %broadcast_in_dim3A_1 {add = true} : memref<10112xf32, #tpu.memory_space<vmem>>[vector<16xi32>], vector<16xf32>,
      %get3A_194 = arith.constant 144 : index
      %get3A_195 = tpu.vector_load %arg6[%get3A_194] {strides = array<i32>} : memref<480xi32, #tpu.memory_space<vmem>>, vector<16xi32>,
      tpu.vector_store_idx %arg5[%get3A_195], %broadcast_in_dim3A_1 {add = true} : memref<10112xf32, #tpu.memory_space<vmem>>[vector<16xi32>], vector<16xf32>,
      %get3A_196 = arith.constant 160 : index
      %get3A_197 = tpu.vector_load %arg6[%get3A_196] {strides = array<i32>} : memref<480xi32, #tpu.memory_space<vmem>>, vector<16xi32>,
      tpu.vector_store_idx %arg5[%get3A_197], %broadcast_in_dim3A_1 {add = true} : memref<10112xf32, #tpu.memory_space<vmem>>[vector<16xi32>], vector<16xf32>,
      %get3A_198 = arith.constant 176 : index
      %get3A_199 = tpu.vector_load %arg6[%get3A_198] {strides = array<i32>} : memref<480xi32, #tpu.memory_space<vmem>>, vector<16xi32>,
      tpu.vector_store_idx %arg5[%get3A_199], %broadcast_in_dim3A_1 {add = true} : memref<10112xf32, #tpu.memory_space<vmem>>[vector<16xi32>], vector<16xf32>,
      %get3A_200 = arith.constant 192 : index
      %get3A_201 = tpu.vector_load %arg6[%get3A_200] {strides = array<i32>} : memref<480xi32, #tpu.memory_space<vmem>>, vector<16xi32>,
      tpu.vector_store_idx %arg5[%get3A_201], %broadcast_in_dim3A_1 {add = true} : memref<10112xf32, #tpu.memory_space<vmem>>[vector<16xi32>], vector<16xf32>,
      %get3A_202 = arith.constant 208 : index
      %get3A_203 = tpu.vector_load %arg6[%get3A_202] {strides = array<i32>} : memref<480xi32, #tpu.memory_space<vmem>>, vector<16xi32>,
      tpu.vector_store_idx %arg5[%get3A_203], %broadcast_in_dim3A_1 {add = true} : memref<10112xf32, #tpu.memory_space<vmem>>[vector<16xi32>], vector<16xf32>,
      %get3A_204 = arith.constant 224 : index
      %get3A_205 = tpu.vector_load %arg6[%get3A_204] {strides = array<i32>} : memref<480xi32, #tpu.memory_space<vmem>>, vector<16xi32>,
      tpu.vector_store_idx %arg5[%get3A_205], %broadcast_in_dim3A_1 {add = true} : memref<10112xf32, #tpu.memory_space<vmem>>[vector<16xi32>], vector<16xf32>,
      %get3A_206 = arith.constant 240 : index
      %get3A_207 = tpu.vector_load %arg6[%get3A_206] {strides = array<i32>} : memref<480xi32, #tpu.memory_space<vmem>>, vector<16xi32>,
      tpu.vector_store_idx %arg5[%get3A_207], %broadcast_in_dim3A_1 {add = true} : memref<10112xf32, #tpu.memory_space<vmem>>[vector<16xi32>], vector<16xf32>,
      %get3A_208 = arith.constant 256 : index
      %get3A_209 = tpu.vector_load %arg6[%get3A_208] {strides = array<i32>} : memref<480xi32, #tpu.memory_space<vmem>>, vector<16xi32>,
      tpu.vector_store_idx %arg5[%get3A_209], %broadcast_in_dim3A_1 {add = true} : memref<10112xf32, #tpu.memory_space<vmem>>[vector<16xi32>], vector<16xf32>,
      %get3A_210 = arith.constant 272 : index
      %get3A_211 = tpu.vector_load %arg6[%get3A_210] {strides = array<i32>} : memref<480xi32, #tpu.memory_space<vmem>>, vector<16xi32>,
      tpu.vector_store_idx %arg5[%get3A_211], %broadcast_in_dim3A_1 {add = true} : memref<10112xf32, #tpu.memory_space<vmem>>[vector<16xi32>], vector<16xf32>,
      %get3A_212 = arith.constant 288 : index
      %get3A_213 = tpu.vector_load %arg6[%get3A_212] {strides = array<i32>} : memref<480xi32, #tpu.memory_space<vmem>>, vector<16xi32>,
      tpu.vector_store_idx %arg5[%get3A_213], %broadcast_in_dim3A_1 {add = true} : memref<10112xf32, #tpu.memory_space<vmem>>[vector<16xi32>], vector<16xf32>,
      %get3A_214 = arith.constant 304 : index
      %get3A_215 = tpu.vector_load %arg6[%get3A_214] {strides = array<i32>} : memref<480xi32, #tpu.memory_space<vmem>>, vector<16xi32>,
      tpu.vector_store_idx %arg5[%get3A_215], %broadcast_in_dim3A_1 {add = true} : memref<10112xf32, #tpu.memory_space<vmem>>[vector<16xi32>], vector<16xf32>,
      %get3A_216 = arith.constant 320 : index
      %get3A_217 = tpu.vector_load %arg6[%get3A_216] {strides = array<i32>} : memref<480xi32, #tpu.memory_space<vmem>>, vector<16xi32>,
      tpu.vector_store_idx %arg5[%get3A_217], %broadcast_in_dim3A_1 {add = true} : memref<10112xf32, #tpu.memory_space<vmem>>[vector<16xi32>], vector<16xf32>,
      %get3A_218 = arith.constant 336 : index
      %get3A_219 = tpu.vector_load %arg6[%get3A_218] {strides = array<i32>} : memref<480xi32, #tpu.memory_space<vmem>>, vector<16xi32>,
      tpu.vector_store_idx %arg5[%get3A_219], %broadcast_in_dim3A_1 {add = true} : memref<10112xf32, #tpu.memory_space<vmem>>[vector<16xi32>], vector<16xf32>,
      %get3A_220 = arith.constant 352 : index
      %get3A_221 = tpu.vector_load %arg6[%get3A_220] {strides = array<i32>} : memref<480xi32, #tpu.memory_space<vmem>>, vector<16xi32>,
      tpu.vector_store_idx %arg5[%get3A_221], %broadcast_in_dim3A_1 {add = true} : memref<10112xf32, #tpu.memory_space<vmem>>[vector<16xi32>], vector<16xf32>,
      %get3A_222 = arith.constant 368 : index
      %get3A_223 = tpu.vector_load %arg6[%get3A_222] {strides = array<i32>} : memref<480xi32, #tpu.memory_space<vmem>>, vector<16xi32>,
      tpu.vector_store_idx %arg5[%get3A_223], %broadcast_in_dim3A_1 {add = true} : memref<10112xf32, #tpu.memory_space<vmem>>[vector<16xi32>], vector<16xf32>,
      %get3A_224 = arith.constant 384 : index
      %get3A_225 = tpu.vector_load %arg6[%get3A_224] {strides = array<i32>} : memref<480xi32, #tpu.memory_space<vmem>>, vector<16xi32>,
      tpu.vector_store_idx %arg5[%get3A_225], %broadcast_in_dim3A_1 {add = true} : memref<10112xf32, #tpu.memory_space<vmem>>[vector<16xi32>], vector<16xf32>,
      %get3A_226 = arith.constant 400 : index
      %get3A_227 = tpu.vector_load %arg6[%get3A_226] {strides = array<i32>} : memref<480xi32, #tpu.memory_space<vmem>>, vector<16xi32>,
      tpu.vector_store_idx %arg5[%get3A_227], %broadcast_in_dim3A_1 {add = true} : memref<10112xf32, #tpu.memory_space<vmem>>[vector<16xi32>], vector<16xf32>,
      %get3A_228 = arith.constant 416 : index
      %get3A_229 = tpu.vector_load %arg6[%get3A_228] {strides = array<i32>} : memref<480xi32, #tpu.memory_space<vmem>>, vector<16xi32>,
      tpu.vector_store_idx %arg5[%get3A_229], %broadcast_in_dim3A_1 {add = true} : memref<10112xf32, #tpu.memory_space<vmem>>[vector<16xi32>], vector<16xf32>,
      %get3A_230 = arith.constant 432 : index
      %get3A_231 = tpu.vector_load %arg6[%get3A_230] {strides = array<i32>} : memref<480xi32, #tpu.memory_space<vmem>>, vector<16xi32>,
      tpu.vector_store_idx %arg5[%get3A_231], %broadcast_in_dim3A_1 {add = true} : memref<10112xf32, #tpu.memory_space<vmem>>[vector<16xi32>], vector<16xf32>,
      %get3A_232 = arith.constant 448 : index
      %get3A_233 = tpu.vector_load %arg6[%get3A_232] {strides = array<i32>} : memref<480xi32, #tpu.memory_space<vmem>>, vector<16xi32>,
      tpu.vector_store_idx %arg5[%get3A_233], %broadcast_in_dim3A_1 {add = true} : memref<10112xf32, #tpu.memory_space<vmem>>[vector<16xi32>], vector<16xf32>,
      %get3A_234 = arith.constant 464 : index
      %get3A_235 = tpu.vector_load %arg6[%get3A_234] {strides = array<i32>} : memref<480xi32, #tpu.memory_space<vmem>>, vector<16xi32>,
      tpu.vector_store_idx %arg5[%get3A_235], %broadcast_in_dim3A_1 {add = true} : memref<10112xf32, #tpu.memory_space<vmem>>[vector<16xi32>], vector<16xf32>,
      %mul3A_236 = arith.constant 2 : i32
      %mul3A_237 = arith.muli %mul3A_236, %scan3A_166 : i32
      %add3A_238 = arith.constant 1 : i32
      %add3A_239 = arith.addi %mul3A_237, %add3A_238 : i32
      %dma_wait3A_240 = tpu.memref_slice %arg2[%mul3A_11] : memref<322560xi32, #tpu.memory_space<hbm>> -> memref<480xi32, #tpu.memory_space<hbm>>
      %dma_wait3A_241 = tpu.memref_slice %arg2[%mul3A_11] : memref<322560xi32, #tpu.memory_space<hbm>> -> memref<480xi32, #tpu.memory_space<hbm>>
      tpu.wait_dma2 semaphore(%arg9 : memref<!tpu.dma_semaphore, #tpu.memory_space<semaphore_mem>>) src(%dma_wait3A_241 : memref<480xi32, #tpu.memory_space<hbm>>) dst(%arg7 : memref<480xi32, #tpu.memory_space<vmem>>)
      %add3A_242 = arith.constant 1 : i32
      %add3A_243 = arith.addi %add3A_239, %add3A_242 : i32
      %lt3A_244 = arith.constant 21 : i32
      %lt3A_245 = arith.cmpi slt, %add3A_243, %lt3A_244 : i32
      %convert_element_type3A_246 = arith.extui %lt3A_245 : i1 to i32
      %cond3A_247 = arith.constant 0 : i32
      %cond3A_248 = arith.cmpi ne, %convert_element_type3A_246, %cond3A_247 : i32
      scf.if %cond3A_248 {
        %add3A_310 = arith.constant 1 : i32
        %add3A_311 = arith.addi %add3A_239, %add3A_310 : i32
        %mul3A_312 = arith.constant 480 : i32
        %mul3A_313 = arith.muli %add3A_311, %mul3A_312 : i32
        %add3A_314 = arith.addi %mul3A_11, %mul3A_313 : i32
        %dma_start3A_315 = tpu.memref_slice %arg2[%add3A_314] : memref<322560xi32, #tpu.memory_space<hbm>> -> memref<480xi32, #tpu.memory_space<hbm>>
        %dma_start3A_316 = tpu.memref_slice %arg2[%add3A_314] : memref<322560xi32, #tpu.memory_space<hbm>> -> memref<480xi32, #tpu.memory_space<hbm>>
        tpu.enqueue_dma source(%dma_start3A_316 : memref<480xi32, #tpu.memory_space<hbm>>) target(%arg6 : memref<480xi32, #tpu.memory_space<vmem>>) target_semaphore(%arg8 : memref<!tpu.dma_semaphore, #tpu.memory_space<semaphore_mem>>)
      } else {
      }
      %get3A_249 = arith.constant 0 : index
      %get3A_250 = tpu.vector_load %arg7[%get3A_249] {strides = array<i32>} : memref<480xi32, #tpu.memory_space<vmem>>, vector<16xi32>,
      tpu.vector_store_idx %arg5[%get3A_250], %broadcast_in_dim3A_1 {add = true} : memref<10112xf32, #tpu.memory_space<vmem>>[vector<16xi32>], vector<16xf32>,
      %get3A_251 = arith.constant 16 : index
      %get3A_252 = tpu.vector_load %arg7[%get3A_251] {strides = array<i32>} : memref<480xi32, #tpu.memory_space<vmem>>, vector<16xi32>,
      tpu.vector_store_idx %arg5[%get3A_252], %broadcast_in_dim3A_1 {add = true} : memref<10112xf32, #tpu.memory_space<vmem>>[vector<16xi32>], vector<16xf32>,
      %get3A_253 = arith.constant 32 : index
      %get3A_254 = tpu.vector_load %arg7[%get3A_253] {strides = array<i32>} : memref<480xi32, #tpu.memory_space<vmem>>, vector<16xi32>,
      tpu.vector_store_idx %arg5[%get3A_254], %broadcast_in_dim3A_1 {add = true} : memref<10112xf32, #tpu.memory_space<vmem>>[vector<16xi32>], vector<16xf32>,
      %get3A_255 = arith.constant 48 : index
      %get3A_256 = tpu.vector_load %arg7[%get3A_255] {strides = array<i32>} : memref<480xi32, #tpu.memory_space<vmem>>, vector<16xi32>,
      tpu.vector_store_idx %arg5[%get3A_256], %broadcast_in_dim3A_1 {add = true} : memref<10112xf32, #tpu.memory_space<vmem>>[vector<16xi32>], vector<16xf32>,
      %get3A_257 = arith.constant 64 : index
      %get3A_258 = tpu.vector_load %arg7[%get3A_257] {strides = array<i32>} : memref<480xi32, #tpu.memory_space<vmem>>, vector<16xi32>,
      tpu.vector_store_idx %arg5[%get3A_258], %broadcast_in_dim3A_1 {add = true} : memref<10112xf32, #tpu.memory_space<vmem>>[vector<16xi32>], vector<16xf32>,
      %get3A_259 = arith.constant 80 : index
      %get3A_260 = tpu.vector_load %arg7[%get3A_259] {strides = array<i32>} : memref<480xi32, #tpu.memory_space<vmem>>, vector<16xi32>,
      tpu.vector_store_idx %arg5[%get3A_260], %broadcast_in_dim3A_1 {add = true} : memref<10112xf32, #tpu.memory_space<vmem>>[vector<16xi32>], vector<16xf32>,
      %get3A_261 = arith.constant 96 : index
      %get3A_262 = tpu.vector_load %arg7[%get3A_261] {strides = array<i32>} : memref<480xi32, #tpu.memory_space<vmem>>, vector<16xi32>,
      tpu.vector_store_idx %arg5[%get3A_262], %broadcast_in_dim3A_1 {add = true} : memref<10112xf32, #tpu.memory_space<vmem>>[vector<16xi32>], vector<16xf32>,
      %get3A_263 = arith.constant 112 : index
      %get3A_264 = tpu.vector_load %arg7[%get3A_263] {strides = array<i32>} : memref<480xi32, #tpu.memory_space<vmem>>, vector<16xi32>,
      tpu.vector_store_idx %arg5[%get3A_264], %broadcast_in_dim3A_1 {add = true} : memref<10112xf32, #tpu.memory_space<vmem>>[vector<16xi32>], vector<16xf32>,
      %get3A_265 = arith.constant 128 : index
      %get3A_266 = tpu.vector_load %arg7[%get3A_265] {strides = array<i32>} : memref<480xi32, #tpu.memory_space<vmem>>, vector<16xi32>,
      tpu.vector_store_idx %arg5[%get3A_266], %broadcast_in_dim3A_1 {add = true} : memref<10112xf32, #tpu.memory_space<vmem>>[vector<16xi32>], vector<16xf32>,
      %get3A_267 = arith.constant 144 : index
      %get3A_268 = tpu.vector_load %arg7[%get3A_267] {strides = array<i32>} : memref<480xi32, #tpu.memory_space<vmem>>, vector<16xi32>,
      tpu.vector_store_idx %arg5[%get3A_268], %broadcast_in_dim3A_1 {add = true} : memref<10112xf32, #tpu.memory_space<vmem>>[vector<16xi32>], vector<16xf32>,
      %get3A_269 = arith.constant 160 : index
      %get3A_270 = tpu.vector_load %arg7[%get3A_269] {strides = array<i32>} : memref<480xi32, #tpu.memory_space<vmem>>, vector<16xi32>,
      tpu.vector_store_idx %arg5[%get3A_270], %broadcast_in_dim3A_1 {add = true} : memref<10112xf32, #tpu.memory_space<vmem>>[vector<16xi32>], vector<16xf32>,
      %get3A_271 = arith.constant 176 : index
      %get3A_272 = tpu.vector_load %arg7[%get3A_271] {strides = array<i32>} : memref<480xi32, #tpu.memory_space<vmem>>, vector<16xi32>,
      tpu.vector_store_idx %arg5[%get3A_272], %broadcast_in_dim3A_1 {add = true} : memref<10112xf32, #tpu.memory_space<vmem>>[vector<16xi32>], vector<16xf32>,
      %get3A_273 = arith.constant 192 : index
      %get3A_274 = tpu.vector_load %arg7[%get3A_273] {strides = array<i32>} : memref<480xi32, #tpu.memory_space<vmem>>, vector<16xi32>,
      tpu.vector_store_idx %arg5[%get3A_274], %broadcast_in_dim3A_1 {add = true} : memref<10112xf32, #tpu.memory_space<vmem>>[vector<16xi32>], vector<16xf32>,
      %get3A_275 = arith.constant 208 : index
      %get3A_276 = tpu.vector_load %arg7[%get3A_275] {strides = array<i32>} : memref<480xi32, #tpu.memory_space<vmem>>, vector<16xi32>,
      tpu.vector_store_idx %arg5[%get3A_276], %broadcast_in_dim3A_1 {add = true} : memref<10112xf32, #tpu.memory_space<vmem>>[vector<16xi32>], vector<16xf32>,
      %get3A_277 = arith.constant 224 : index
      %get3A_278 = tpu.vector_load %arg7[%get3A_277] {strides = array<i32>} : memref<480xi32, #tpu.memory_space<vmem>>, vector<16xi32>,
      tpu.vector_store_idx %arg5[%get3A_278], %broadcast_in_dim3A_1 {add = true} : memref<10112xf32, #tpu.memory_space<vmem>>[vector<16xi32>], vector<16xf32>,
      %get3A_279 = arith.constant 240 : index
      %get3A_280 = tpu.vector_load %arg7[%get3A_279] {strides = array<i32>} : memref<480xi32, #tpu.memory_space<vmem>>, vector<16xi32>,
      tpu.vector_store_idx %arg5[%get3A_280], %broadcast_in_dim3A_1 {add = true} : memref<10112xf32, #tpu.memory_space<vmem>>[vector<16xi32>], vector<16xf32>,
      %get3A_281 = arith.constant 256 : index
      %get3A_282 = tpu.vector_load %arg7[%get3A_281] {strides = array<i32>} : memref<480xi32, #tpu.memory_space<vmem>>, vector<16xi32>,
      tpu.vector_store_idx %arg5[%get3A_282], %broadcast_in_dim3A_1 {add = true} : memref<10112xf32, #tpu.memory_space<vmem>>[vector<16xi32>], vector<16xf32>,
      %get3A_283 = arith.constant 272 : index
      %get3A_284 = tpu.vector_load %arg7[%get3A_283] {strides = array<i32>} : memref<480xi32, #tpu.memory_space<vmem>>, vector<16xi32>,
      tpu.vector_store_idx %arg5[%get3A_284], %broadcast_in_dim3A_1 {add = true} : memref<10112xf32, #tpu.memory_space<vmem>>[vector<16xi32>], vector<16xf32>,
      %get3A_285 = arith.constant 288 : index
      %get3A_286 = tpu.vector_load %arg7[%get3A_285] {strides = array<i32>} : memref<480xi32, #tpu.memory_space<vmem>>, vector<16xi32>,
      tpu.vector_store_idx %arg5[%get3A_286], %broadcast_in_dim3A_1 {add = true} : memref<10112xf32, #tpu.memory_space<vmem>>[vector<16xi32>], vector<16xf32>,
      %get3A_287 = arith.constant 304 : index
      %get3A_288 = tpu.vector_load %arg7[%get3A_287] {strides = array<i32>} : memref<480xi32, #tpu.memory_space<vmem>>, vector<16xi32>,
      tpu.vector_store_idx %arg5[%get3A_288], %broadcast_in_dim3A_1 {add = true} : memref<10112xf32, #tpu.memory_space<vmem>>[vector<16xi32>], vector<16xf32>,
      %get3A_289 = arith.constant 320 : index
      %get3A_290 = tpu.vector_load %arg7[%get3A_289] {strides = array<i32>} : memref<480xi32, #tpu.memory_space<vmem>>, vector<16xi32>,
      tpu.vector_store_idx %arg5[%get3A_290], %broadcast_in_dim3A_1 {add = true} : memref<10112xf32, #tpu.memory_space<vmem>>[vector<16xi32>], vector<16xf32>,
      %get3A_291 = arith.constant 336 : index
      %get3A_292 = tpu.vector_load %arg7[%get3A_291] {strides = array<i32>} : memref<480xi32, #tpu.memory_space<vmem>>, vector<16xi32>,
      tpu.vector_store_idx %arg5[%get3A_292], %broadcast_in_dim3A_1 {add = true} : memref<10112xf32, #tpu.memory_space<vmem>>[vector<16xi32>], vector<16xf32>,
      %get3A_293 = arith.constant 352 : index
      %get3A_294 = tpu.vector_load %arg7[%get3A_293] {strides = array<i32>} : memref<480xi32, #tpu.memory_space<vmem>>, vector<16xi32>,
      tpu.vector_store_idx %arg5[%get3A_294], %broadcast_in_dim3A_1 {add = true} : memref<10112xf32, #tpu.memory_space<vmem>>[vector<16xi32>], vector<16xf32>,
      %get3A_295 = arith.constant 368 : index
      %get3A_296 = tpu.vector_load %arg7[%get3A_295] {strides = array<i32>} : memref<480xi32, #tpu.memory_space<vmem>>, vector<16xi32>,
      tpu.vector_store_idx %arg5[%get3A_296], %broadcast_in_dim3A_1 {add = true} : memref<10112xf32, #tpu.memory_space<vmem>>[vector<16xi32>], vector<16xf32>,
      %get3A_297 = arith.constant 384 : index
      %get3A_298 = tpu.vector_load %arg7[%get3A_297] {strides = array<i32>} : memref<480xi32, #tpu.memory_space<vmem>>, vector<16xi32>,
      tpu.vector_store_idx %arg5[%get3A_298], %broadcast_in_dim3A_1 {add = true} : memref<10112xf32, #tpu.memory_space<vmem>>[vector<16xi32>], vector<16xf32>,
      %get3A_299 = arith.constant 400 : index
      %get3A_300 = tpu.vector_load %arg7[%get3A_299] {strides = array<i32>} : memref<480xi32, #tpu.memory_space<vmem>>, vector<16xi32>,
      tpu.vector_store_idx %arg5[%get3A_300], %broadcast_in_dim3A_1 {add = true} : memref<10112xf32, #tpu.memory_space<vmem>>[vector<16xi32>], vector<16xf32>,
      %get3A_301 = arith.constant 416 : index
      %get3A_302 = tpu.vector_load %arg7[%get3A_301] {strides = array<i32>} : memref<480xi32, #tpu.memory_space<vmem>>, vector<16xi32>,
      tpu.vector_store_idx %arg5[%get3A_302], %broadcast_in_dim3A_1 {add = true} : memref<10112xf32, #tpu.memory_space<vmem>>[vector<16xi32>], vector<16xf32>,
      %get3A_303 = arith.constant 432 : index
      %get3A_304 = tpu.vector_load %arg7[%get3A_303] {strides = array<i32>} : memref<480xi32, #tpu.memory_space<vmem>>, vector<16xi32>,
      tpu.vector_store_idx %arg5[%get3A_304], %broadcast_in_dim3A_1 {add = true} : memref<10112xf32, #tpu.memory_space<vmem>>[vector<16xi32>], vector<16xf32>,
      %get3A_305 = arith.constant 448 : index
      %get3A_306 = tpu.vector_load %arg7[%get3A_305] {strides = array<i32>} : memref<480xi32, #tpu.memory_space<vmem>>, vector<16xi32>,
      tpu.vector_store_idx %arg5[%get3A_306], %broadcast_in_dim3A_1 {add = true} : memref<10112xf32, #tpu.memory_space<vmem>>[vector<16xi32>], vector<16xf32>,
      %get3A_307 = arith.constant 464 : index
      %get3A_308 = tpu.vector_load %arg7[%get3A_307] {strides = array<i32>} : memref<480xi32, #tpu.memory_space<vmem>>, vector<16xi32>,
      tpu.vector_store_idx %arg5[%get3A_308], %broadcast_in_dim3A_1 {add = true} : memref<10112xf32, #tpu.memory_space<vmem>>[vector<16xi32>], vector<16xf32>,
      %scan3A_309 = arith.constant 0 : i32
      scf.yield %scan3A_309 : i32
    }
    %scan3A_21 = arith.constant 10 : i32
    %dma_wait3A = tpu.memref_slice %arg2[%mul3A_11] : memref<322560xi32, #tpu.memory_space<hbm>> -> memref<480xi32, #tpu.memory_space<hbm>>
    %dma_wait3A_22 = tpu.memref_slice %arg2[%mul3A_11] : memref<322560xi32, #tpu.memory_space<hbm>> -> memref<480xi32, #tpu.memory_space<hbm>>
    tpu.wait_dma2 semaphore(%arg8 : memref<!tpu.dma_semaphore, #tpu.memory_space<semaphore_mem>>) src(%dma_wait3A_22 : memref<480xi32, #tpu.memory_space<hbm>>) dst(%arg6 : memref<480xi32, #tpu.memory_space<vmem>>)
    %get3A = arith.constant 0 : index
    %get3A_23 = tpu.vector_load %arg6[%get3A] {strides = array<i32>} : memref<480xi32, #tpu.memory_space<vmem>>, vector<16xi32>,
    tpu.vector_store_idx %arg5[%get3A_23], %broadcast_in_dim3A_1 {add = true} : memref<10112xf32, #tpu.memory_space<vmem>>[vector<16xi32>], vector<16xf32>,
    %get3A_24 = arith.constant 16 : index
    %get3A_25 = tpu.vector_load %arg6[%get3A_24] {strides = array<i32>} : memref<480xi32, #tpu.memory_space<vmem>>, vector<16xi32>,
    tpu.vector_store_idx %arg5[%get3A_25], %broadcast_in_dim3A_1 {add = true} : memref<10112xf32, #tpu.memory_space<vmem>>[vector<16xi32>], vector<16xf32>,
    %get3A_26 = arith.constant 32 : index
    %get3A_27 = tpu.vector_load %arg6[%get3A_26] {strides = array<i32>} : memref<480xi32, #tpu.memory_space<vmem>>, vector<16xi32>,
    tpu.vector_store_idx %arg5[%get3A_27], %broadcast_in_dim3A_1 {add = true} : memref<10112xf32, #tpu.memory_space<vmem>>[vector<16xi32>], vector<16xf32>,
    %get3A_28 = arith.constant 48 : index
    %get3A_29 = tpu.vector_load %arg6[%get3A_28] {strides = array<i32>} : memref<480xi32, #tpu.memory_space<vmem>>, vector<16xi32>,
    tpu.vector_store_idx %arg5[%get3A_29], %broadcast_in_dim3A_1 {add = true} : memref<10112xf32, #tpu.memory_space<vmem>>[vector<16xi32>], vector<16xf32>,
    %get3A_30 = arith.constant 64 : index
    %get3A_31 = tpu.vector_load %arg6[%get3A_30] {strides = array<i32>} : memref<480xi32, #tpu.memory_space<vmem>>, vector<16xi32>,
    tpu.vector_store_idx %arg5[%get3A_31], %broadcast_in_dim3A_1 {add = true} : memref<10112xf32, #tpu.memory_space<vmem>>[vector<16xi32>], vector<16xf32>,
    %get3A_32 = arith.constant 80 : index
    %get3A_33 = tpu.vector_load %arg6[%get3A_32] {strides = array<i32>} : memref<480xi32, #tpu.memory_space<vmem>>, vector<16xi32>,
    tpu.vector_store_idx %arg5[%get3A_33], %broadcast_in_dim3A_1 {add = true} : memref<10112xf32, #tpu.memory_space<vmem>>[vector<16xi32>], vector<16xf32>,
    %get3A_34 = arith.constant 96 : index
    %get3A_35 = tpu.vector_load %arg6[%get3A_34] {strides = array<i32>} : memref<480xi32, #tpu.memory_space<vmem>>, vector<16xi32>,
    tpu.vector_store_idx %arg5[%get3A_35], %broadcast_in_dim3A_1 {add = true} : memref<10112xf32, #tpu.memory_space<vmem>>[vector<16xi32>], vector<16xf32>,
    %get3A_36 = arith.constant 112 : index
    %get3A_37 = tpu.vector_load %arg6[%get3A_36] {strides = array<i32>} : memref<480xi32, #tpu.memory_space<vmem>>, vector<16xi32>,
    tpu.vector_store_idx %arg5[%get3A_37], %broadcast_in_dim3A_1 {add = true} : memref<10112xf32, #tpu.memory_space<vmem>>[vector<16xi32>], vector<16xf32>,
    %get3A_38 = arith.constant 128 : index
    %get3A_39 = tpu.vector_load %arg6[%get3A_38] {strides = array<i32>} : memref<480xi32, #tpu.memory_space<vmem>>, vector<16xi32>,
    tpu.vector_store_idx %arg5[%get3A_39], %broadcast_in_dim3A_1 {add = true} : memref<10112xf32, #tpu.memory_space<vmem>>[vector<16xi32>], vector<16xf32>,
    %get3A_40 = arith.constant 144 : index
    %get3A_41 = tpu.vector_load %arg6[%get3A_40] {strides = array<i32>} : memref<480xi32, #tpu.memory_space<vmem>>, vector<16xi32>,
    tpu.vector_store_idx %arg5[%get3A_41], %broadcast_in_dim3A_1 {add = true} : memref<10112xf32, #tpu.memory_space<vmem>>[vector<16xi32>], vector<16xf32>,
    %get3A_42 = arith.constant 160 : index
    %get3A_43 = tpu.vector_load %arg6[%get3A_42] {strides = array<i32>} : memref<480xi32, #tpu.memory_space<vmem>>, vector<16xi32>,
    tpu.vector_store_idx %arg5[%get3A_43], %broadcast_in_dim3A_1 {add = true} : memref<10112xf32, #tpu.memory_space<vmem>>[vector<16xi32>], vector<16xf32>,
    %get3A_44 = arith.constant 176 : index
    %get3A_45 = tpu.vector_load %arg6[%get3A_44] {strides = array<i32>} : memref<480xi32, #tpu.memory_space<vmem>>, vector<16xi32>,
    tpu.vector_store_idx %arg5[%get3A_45], %broadcast_in_dim3A_1 {add = true} : memref<10112xf32, #tpu.memory_space<vmem>>[vector<16xi32>], vector<16xf32>,
    %get3A_46 = arith.constant 192 : index
    %get3A_47 = tpu.vector_load %arg6[%get3A_46] {strides = array<i32>} : memref<480xi32, #tpu.memory_space<vmem>>, vector<16xi32>,
    tpu.vector_store_idx %arg5[%get3A_47], %broadcast_in_dim3A_1 {add = true} : memref<10112xf32, #tpu.memory_space<vmem>>[vector<16xi32>], vector<16xf32>,
    %get3A_48 = arith.constant 208 : index
    %get3A_49 = tpu.vector_load %arg6[%get3A_48] {strides = array<i32>} : memref<480xi32, #tpu.memory_space<vmem>>, vector<16xi32>,
    tpu.vector_store_idx %arg5[%get3A_49], %broadcast_in_dim3A_1 {add = true} : memref<10112xf32, #tpu.memory_space<vmem>>[vector<16xi32>], vector<16xf32>,
    %get3A_50 = arith.constant 224 : index
    %get3A_51 = tpu.vector_load %arg6[%get3A_50] {strides = array<i32>} : memref<480xi32, #tpu.memory_space<vmem>>, vector<16xi32>,
    tpu.vector_store_idx %arg5[%get3A_51], %broadcast_in_dim3A_1 {add = true} : memref<10112xf32, #tpu.memory_space<vmem>>[vector<16xi32>], vector<16xf32>,
    %get3A_52 = arith.constant 240 : index
    %get3A_53 = tpu.vector_load %arg6[%get3A_52] {strides = array<i32>} : memref<480xi32, #tpu.memory_space<vmem>>, vector<16xi32>,
    tpu.vector_store_idx %arg5[%get3A_53], %broadcast_in_dim3A_1 {add = true} : memref<10112xf32, #tpu.memory_space<vmem>>[vector<16xi32>], vector<16xf32>,
    %get3A_54 = arith.constant 256 : index
    %get3A_55 = tpu.vector_load %arg6[%get3A_54] {strides = array<i32>} : memref<480xi32, #tpu.memory_space<vmem>>, vector<16xi32>,
    tpu.vector_store_idx %arg5[%get3A_55], %broadcast_in_dim3A_1 {add = true} : memref<10112xf32, #tpu.memory_space<vmem>>[vector<16xi32>], vector<16xf32>,
    %get3A_56 = arith.constant 272 : index
    %get3A_57 = tpu.vector_load %arg6[%get3A_56] {strides = array<i32>} : memref<480xi32, #tpu.memory_space<vmem>>, vector<16xi32>,
    tpu.vector_store_idx %arg5[%get3A_57], %broadcast_in_dim3A_1 {add = true} : memref<10112xf32, #tpu.memory_space<vmem>>[vector<16xi32>], vector<16xf32>,
    %get3A_58 = arith.constant 288 : index
    %get3A_59 = tpu.vector_load %arg6[%get3A_58] {strides = array<i32>} : memref<480xi32, #tpu.memory_space<vmem>>, vector<16xi32>,
    tpu.vector_store_idx %arg5[%get3A_59], %broadcast_in_dim3A_1 {add = true} : memref<10112xf32, #tpu.memory_space<vmem>>[vector<16xi32>], vector<16xf32>,
    %get3A_60 = arith.constant 304 : index
    %get3A_61 = tpu.vector_load %arg6[%get3A_60] {strides = array<i32>} : memref<480xi32, #tpu.memory_space<vmem>>, vector<16xi32>,
    tpu.vector_store_idx %arg5[%get3A_61], %broadcast_in_dim3A_1 {add = true} : memref<10112xf32, #tpu.memory_space<vmem>>[vector<16xi32>], vector<16xf32>,
    %get3A_62 = arith.constant 320 : index
    %get3A_63 = tpu.vector_load %arg6[%get3A_62] {strides = array<i32>} : memref<480xi32, #tpu.memory_space<vmem>>, vector<16xi32>,
    tpu.vector_store_idx %arg5[%get3A_63], %broadcast_in_dim3A_1 {add = true} : memref<10112xf32, #tpu.memory_space<vmem>>[vector<16xi32>], vector<16xf32>,
    %get3A_64 = arith.constant 336 : index
    %get3A_65 = tpu.vector_load %arg6[%get3A_64] {strides = array<i32>} : memref<480xi32, #tpu.memory_space<vmem>>, vector<16xi32>,
    tpu.vector_store_idx %arg5[%get3A_65], %broadcast_in_dim3A_1 {add = true} : memref<10112xf32, #tpu.memory_space<vmem>>[vector<16xi32>], vector<16xf32>,
    %get3A_66 = arith.constant 352 : index
    %get3A_67 = tpu.vector_load %arg6[%get3A_66] {strides = array<i32>} : memref<480xi32, #tpu.memory_space<vmem>>, vector<16xi32>,
    tpu.vector_store_idx %arg5[%get3A_67], %broadcast_in_dim3A_1 {add = true} : memref<10112xf32, #tpu.memory_space<vmem>>[vector<16xi32>], vector<16xf32>,
    %get3A_68 = arith.constant 368 : index
    %get3A_69 = tpu.vector_load %arg6[%get3A_68] {strides = array<i32>} : memref<480xi32, #tpu.memory_space<vmem>>, vector<16xi32>,
    tpu.vector_store_idx %arg5[%get3A_69], %broadcast_in_dim3A_1 {add = true} : memref<10112xf32, #tpu.memory_space<vmem>>[vector<16xi32>], vector<16xf32>,
    %get3A_70 = arith.constant 384 : index
    %get3A_71 = tpu.vector_load %arg6[%get3A_70] {strides = array<i32>} : memref<480xi32, #tpu.memory_space<vmem>>, vector<16xi32>,
    tpu.vector_store_idx %arg5[%get3A_71], %broadcast_in_dim3A_1 {add = true} : memref<10112xf32, #tpu.memory_space<vmem>>[vector<16xi32>], vector<16xf32>,
    %get3A_72 = arith.constant 400 : index
    %get3A_73 = tpu.vector_load %arg6[%get3A_72] {strides = array<i32>} : memref<480xi32, #tpu.memory_space<vmem>>, vector<16xi32>,
    tpu.vector_store_idx %arg5[%get3A_73], %broadcast_in_dim3A_1 {add = true} : memref<10112xf32, #tpu.memory_space<vmem>>[vector<16xi32>], vector<16xf32>,
    %get3A_74 = arith.constant 416 : index
    %get3A_75 = tpu.vector_load %arg6[%get3A_74] {strides = array<i32>} : memref<480xi32, #tpu.memory_space<vmem>>, vector<16xi32>,
    tpu.vector_store_idx %arg5[%get3A_75], %broadcast_in_dim3A_1 {add = true} : memref<10112xf32, #tpu.memory_space<vmem>>[vector<16xi32>], vector<16xf32>,
    %get3A_76 = arith.constant 432 : index
    %get3A_77 = tpu.vector_load %arg6[%get3A_76] {strides = array<i32>} : memref<480xi32, #tpu.memory_space<vmem>>, vector<16xi32>,
    tpu.vector_store_idx %arg5[%get3A_77], %broadcast_in_dim3A_1 {add = true} : memref<10112xf32, #tpu.memory_space<vmem>>[vector<16xi32>], vector<16xf32>,
    %get3A_78 = arith.constant 448 : index
    %get3A_79 = tpu.vector_load %arg6[%get3A_78] {strides = array<i32>} : memref<480xi32, #tpu.memory_space<vmem>>, vector<16xi32>,
    tpu.vector_store_idx %arg5[%get3A_79], %broadcast_in_dim3A_1 {add = true} : memref<10112xf32, #tpu.memory_space<vmem>>[vector<16xi32>], vector<16xf32>,
    %get3A_80 = arith.constant 464 : index
    %get3A_81 = tpu.vector_load %arg6[%get3A_80] {strides = array<i32>} : memref<480xi32, #tpu.memory_space<vmem>>, vector<16xi32>,
    tpu.vector_store_idx %arg5[%get3A_81], %broadcast_in_dim3A_1 {add = true} : memref<10112xf32, #tpu.memory_space<vmem>>[vector<16xi32>], vector<16xf32>,
    "tpu.region"() ({
      %run_scoped3A = tpu.sem_alloc : memref<!tpu.dma_semaphore, #tpu.memory_space<semaphore_mem>>
      %dma_start3A_166 = arith.constant 0 : i32
      %dma_start3A_167 = tpu.memref_slice %arg4[%add3A, %dma_start3A_166] : memref<64x10112xf32, #tpu.memory_space<hbm>> -> memref<1x10112xf32, #tpu.memory_space<hbm>>
      %dma_start3A_168 = tpu.memref_squeeze %dma_start3A_167 : memref<1x10112xf32, #tpu.memory_space<hbm>> -> memref<10112xf32, #tpu.memory_space<hbm>>
      %dma_start3A_169 = arith.constant 0 : i32
      %dma_start3A_170 = tpu.memref_slice %arg4[%add3A, %dma_start3A_169] : memref<64x10112xf32, #tpu.memory_space<hbm>> -> memref<1x10112xf32, #tpu.memory_space<hbm>>
      %dma_start3A_171 = tpu.memref_squeeze %dma_start3A_170 : memref<1x10112xf32, #tpu.memory_space<hbm>> -> memref<10112xf32, #tpu.memory_space<hbm>>
      tpu.enqueue_dma source(%arg5 : memref<10112xf32, #tpu.memory_space<vmem>>) target(%dma_start3A_171 : memref<10112xf32, #tpu.memory_space<hbm>>) target_semaphore(%run_scoped3A : memref<!tpu.dma_semaphore, #tpu.memory_space<semaphore_mem>>)
      %dma_wait3A_172 = arith.constant 0 : i32
      %dma_wait3A_173 = tpu.memref_slice %arg4[%add3A, %dma_wait3A_172] : memref<64x10112xf32, #tpu.memory_space<hbm>> -> memref<1x10112xf32, #tpu.memory_space<hbm>>
      %dma_wait3A_174 = tpu.memref_squeeze %dma_wait3A_173 : memref<1x10112xf32, #tpu.memory_space<hbm>> -> memref<10112xf32, #tpu.memory_space<hbm>>
      %dma_wait3A_175 = arith.constant 0 : i32
      %dma_wait3A_176 = tpu.memref_slice %arg4[%add3A, %dma_wait3A_175] : memref<64x10112xf32, #tpu.memory_space<hbm>> -> memref<1x10112xf32, #tpu.memory_space<hbm>>
      %dma_wait3A_177 = tpu.memref_squeeze %dma_wait3A_176 : memref<1x10112xf32, #tpu.memory_space<hbm>> -> memref<10112xf32, #tpu.memory_space<hbm>>
      tpu.wait_dma2 semaphore(%run_scoped3A : memref<!tpu.dma_semaphore, #tpu.memory_space<semaphore_mem>>) src(%arg5 : memref<10112xf32, #tpu.memory_space<vmem>>) dst(%dma_wait3A_177 : memref<10112xf32, #tpu.memory_space<hbm>>)
      tpu.yield
    }) : () -> ()
    %add3A_82 = arith.constant 32 : i32
    %add3A_83 = arith.addi %add3A_82, %add3A : i32
    %scan3A_84 = arith.constant 0 : i32
    %scan3A_85 = arith.constant 0 : i32
    %scan3A_86 = arith.constant 632 : i32
    %scan3A_87 = arith.addi %scan3A_85, %scan3A_86 : i32
    %scan3A_88 = arith.constant 1 : i32
    %scan3A_89 = scf.for %scan3A_166 = %scan3A_85 to %scan3A_87 step %scan3A_88 iter_args(%scan3A_167 = %scan3A_84) -> (i32)  : i32 {
      %mul3A_168 = arith.constant 16 : i32
      %mul3A_169 = arith.muli %scan3A_166, %mul3A_168 : i32
      %swap3A = arith.index_cast %mul3A_169 : i32 to index
      %swap3A_170 = tpu.vector_load %arg5[%swap3A] {strides = array<i32>} : memref<10112xf32, #tpu.memory_space<vmem>>, vector<16xf32>,
      tpu.vector_store %arg5[%swap3A], %broadcast_in_dim3A_3 {strides = array<i32>} : memref<10112xf32, #tpu.memory_space<vmem>>, vector<16xf32>,
      %scan3A_171 = arith.constant 0 : i32
      scf.yield %scan3A_171 : i32
    }
    %scan3A_90 = arith.constant 632 : i32
    %mul3A_91 = arith.constant 10080 : i32
    %mul3A_92 = arith.muli %add3A, %mul3A_91 : i32
    %add3A_93 = arith.constant 0 : i32
    %add3A_94 = arith.addi %mul3A_92, %add3A_93 : i32
    %dma_start3A_95 = tpu.memref_slice %arg3[%add3A_94] : memref<322560xi32, #tpu.memory_space<hbm>> -> memref<480xi32, #tpu.memory_space<hbm>>
    %dma_start3A_96 = tpu.memref_slice %arg3[%add3A_94] : memref<322560xi32, #tpu.memory_space<hbm>> -> memref<480xi32, #tpu.memory_space<hbm>>
    tpu.enqueue_dma source(%dma_start3A_96 : memref<480xi32, #tpu.memory_space<hbm>>) target(%arg6 : memref<480xi32, #tpu.memory_space<vmem>>) target_semaphore(%arg8 : memref<!tpu.dma_semaphore, #tpu.memory_space<semaphore_mem>>)
    %scan3A_97 = arith.constant 0 : i32
    %scan3A_98 = arith.constant 0 : i32
    %scan3A_99 = arith.constant 10 : i32
    %scan3A_100 = arith.addi %scan3A_98, %scan3A_99 : i32
    %scan3A_101 = arith.constant 1 : i32
    %scan3A_102 = scf.for %scan3A_166 = %scan3A_98 to %scan3A_100 step %scan3A_101 iter_args(%scan3A_167 = %scan3A_97) -> (i32)  : i32 {
      %mul3A_168 = arith.constant 2 : i32
      %mul3A_169 = arith.muli %mul3A_168, %scan3A_166 : i32
      %dma_wait3A_170 = tpu.memref_slice %arg3[%mul3A_92] : memref<322560xi32, #tpu.memory_space<hbm>> -> memref<480xi32, #tpu.memory_space<hbm>>
      %dma_wait3A_171 = tpu.memref_slice %arg3[%mul3A_92] : memref<322560xi32, #tpu.memory_space<hbm>> -> memref<480xi32, #tpu.memory_space<hbm>>
      tpu.wait_dma2 semaphore(%arg8 : memref<!tpu.dma_semaphore, #tpu.memory_space<semaphore_mem>>) src(%dma_wait3A_171 : memref<480xi32, #tpu.memory_space<hbm>>) dst(%arg6 : memref<480xi32, #tpu.memory_space<vmem>>)
      %add3A_172 = arith.constant 1 : i32
      %add3A_173 = arith.addi %mul3A_169, %add3A_172 : i32
      %lt3A = arith.constant 21 : i32
      %lt3A_174 = arith.cmpi slt, %add3A_173, %lt3A : i32
      %convert_element_type3A = arith.extui %lt3A_174 : i1 to i32
      %cond3A = arith.constant 0 : i32
      %cond3A_175 = arith.cmpi ne, %convert_element_type3A, %cond3A : i32
      scf.if %cond3A_175 {
        %add3A_310 = arith.constant 1 : i32
        %add3A_311 = arith.addi %mul3A_169, %add3A_310 : i32
        %mul3A_312 = arith.constant 480 : i32
        %mul3A_313 = arith.muli %add3A_311, %mul3A_312 : i32
        %add3A_314 = arith.addi %mul3A_92, %mul3A_313 : i32
        %dma_start3A_315 = tpu.memref_slice %arg3[%add3A_314] : memref<322560xi32, #tpu.memory_space<hbm>> -> memref<480xi32, #tpu.memory_space<hbm>>
        %dma_start3A_316 = tpu.memref_slice %arg3[%add3A_314] : memref<322560xi32, #tpu.memory_space<hbm>> -> memref<480xi32, #tpu.memory_space<hbm>>
        tpu.enqueue_dma source(%dma_start3A_316 : memref<480xi32, #tpu.memory_space<hbm>>) target(%arg7 : memref<480xi32, #tpu.memory_space<vmem>>) target_semaphore(%arg9 : memref<!tpu.dma_semaphore, #tpu.memory_space<semaphore_mem>>)
      } else {
      }
      %get3A_176 = arith.constant 0 : index
      %get3A_177 = tpu.vector_load %arg6[%get3A_176] {strides = array<i32>} : memref<480xi32, #tpu.memory_space<vmem>>, vector<16xi32>,
      tpu.vector_store_idx %arg5[%get3A_177], %broadcast_in_dim3A_1 {add = true} : memref<10112xf32, #tpu.memory_space<vmem>>[vector<16xi32>], vector<16xf32>,
      %get3A_178 = arith.constant 16 : index
      %get3A_179 = tpu.vector_load %arg6[%get3A_178] {strides = array<i32>} : memref<480xi32, #tpu.memory_space<vmem>>, vector<16xi32>,
      tpu.vector_store_idx %arg5[%get3A_179], %broadcast_in_dim3A_1 {add = true} : memref<10112xf32, #tpu.memory_space<vmem>>[vector<16xi32>], vector<16xf32>,
      %get3A_180 = arith.constant 32 : index
      %get3A_181 = tpu.vector_load %arg6[%get3A_180] {strides = array<i32>} : memref<480xi32, #tpu.memory_space<vmem>>, vector<16xi32>,
      tpu.vector_store_idx %arg5[%get3A_181], %broadcast_in_dim3A_1 {add = true} : memref<10112xf32, #tpu.memory_space<vmem>>[vector<16xi32>], vector<16xf32>,
      %get3A_182 = arith.constant 48 : index
      %get3A_183 = tpu.vector_load %arg6[%get3A_182] {strides = array<i32>} : memref<480xi32, #tpu.memory_space<vmem>>, vector<16xi32>,
      tpu.vector_store_idx %arg5[%get3A_183], %broadcast_in_dim3A_1 {add = true} : memref<10112xf32, #tpu.memory_space<vmem>>[vector<16xi32>], vector<16xf32>,
      %get3A_184 = arith.constant 64 : index
      %get3A_185 = tpu.vector_load %arg6[%get3A_184] {strides = array<i32>} : memref<480xi32, #tpu.memory_space<vmem>>, vector<16xi32>,
      tpu.vector_store_idx %arg5[%get3A_185], %broadcast_in_dim3A_1 {add = true} : memref<10112xf32, #tpu.memory_space<vmem>>[vector<16xi32>], vector<16xf32>,
      %get3A_186 = arith.constant 80 : index
      %get3A_187 = tpu.vector_load %arg6[%get3A_186] {strides = array<i32>} : memref<480xi32, #tpu.memory_space<vmem>>, vector<16xi32>,
      tpu.vector_store_idx %arg5[%get3A_187], %broadcast_in_dim3A_1 {add = true} : memref<10112xf32, #tpu.memory_space<vmem>>[vector<16xi32>], vector<16xf32>,
      %get3A_188 = arith.constant 96 : index
      %get3A_189 = tpu.vector_load %arg6[%get3A_188] {strides = array<i32>} : memref<480xi32, #tpu.memory_space<vmem>>, vector<16xi32>,
      tpu.vector_store_idx %arg5[%get3A_189], %broadcast_in_dim3A_1 {add = true} : memref<10112xf32, #tpu.memory_space<vmem>>[vector<16xi32>], vector<16xf32>,
      %get3A_190 = arith.constant 112 : index
      %get3A_191 = tpu.vector_load %arg6[%get3A_190] {strides = array<i32>} : memref<480xi32, #tpu.memory_space<vmem>>, vector<16xi32>,
      tpu.vector_store_idx %arg5[%get3A_191], %broadcast_in_dim3A_1 {add = true} : memref<10112xf32, #tpu.memory_space<vmem>>[vector<16xi32>], vector<16xf32>,
      %get3A_192 = arith.constant 128 : index
      %get3A_193 = tpu.vector_load %arg6[%get3A_192] {strides = array<i32>} : memref<480xi32, #tpu.memory_space<vmem>>, vector<16xi32>,
      tpu.vector_store_idx %arg5[%get3A_193], %broadcast_in_dim3A_1 {add = true} : memref<10112xf32, #tpu.memory_space<vmem>>[vector<16xi32>], vector<16xf32>,
      %get3A_194 = arith.constant 144 : index
      %get3A_195 = tpu.vector_load %arg6[%get3A_194] {strides = array<i32>} : memref<480xi32, #tpu.memory_space<vmem>>, vector<16xi32>,
      tpu.vector_store_idx %arg5[%get3A_195], %broadcast_in_dim3A_1 {add = true} : memref<10112xf32, #tpu.memory_space<vmem>>[vector<16xi32>], vector<16xf32>,
      %get3A_196 = arith.constant 160 : index
      %get3A_197 = tpu.vector_load %arg6[%get3A_196] {strides = array<i32>} : memref<480xi32, #tpu.memory_space<vmem>>, vector<16xi32>,
      tpu.vector_store_idx %arg5[%get3A_197], %broadcast_in_dim3A_1 {add = true} : memref<10112xf32, #tpu.memory_space<vmem>>[vector<16xi32>], vector<16xf32>,
      %get3A_198 = arith.constant 176 : index
      %get3A_199 = tpu.vector_load %arg6[%get3A_198] {strides = array<i32>} : memref<480xi32, #tpu.memory_space<vmem>>, vector<16xi32>,
      tpu.vector_store_idx %arg5[%get3A_199], %broadcast_in_dim3A_1 {add = true} : memref<10112xf32, #tpu.memory_space<vmem>>[vector<16xi32>], vector<16xf32>,
      %get3A_200 = arith.constant 192 : index
      %get3A_201 = tpu.vector_load %arg6[%get3A_200] {strides = array<i32>} : memref<480xi32, #tpu.memory_space<vmem>>, vector<16xi32>,
      tpu.vector_store_idx %arg5[%get3A_201], %broadcast_in_dim3A_1 {add = true} : memref<10112xf32, #tpu.memory_space<vmem>>[vector<16xi32>], vector<16xf32>,
      %get3A_202 = arith.constant 208 : index
      %get3A_203 = tpu.vector_load %arg6[%get3A_202] {strides = array<i32>} : memref<480xi32, #tpu.memory_space<vmem>>, vector<16xi32>,
      tpu.vector_store_idx %arg5[%get3A_203], %broadcast_in_dim3A_1 {add = true} : memref<10112xf32, #tpu.memory_space<vmem>>[vector<16xi32>], vector<16xf32>,
      %get3A_204 = arith.constant 224 : index
      %get3A_205 = tpu.vector_load %arg6[%get3A_204] {strides = array<i32>} : memref<480xi32, #tpu.memory_space<vmem>>, vector<16xi32>,
      tpu.vector_store_idx %arg5[%get3A_205], %broadcast_in_dim3A_1 {add = true} : memref<10112xf32, #tpu.memory_space<vmem>>[vector<16xi32>], vector<16xf32>,
      %get3A_206 = arith.constant 240 : index
      %get3A_207 = tpu.vector_load %arg6[%get3A_206] {strides = array<i32>} : memref<480xi32, #tpu.memory_space<vmem>>, vector<16xi32>,
      tpu.vector_store_idx %arg5[%get3A_207], %broadcast_in_dim3A_1 {add = true} : memref<10112xf32, #tpu.memory_space<vmem>>[vector<16xi32>], vector<16xf32>,
      %get3A_208 = arith.constant 256 : index
      %get3A_209 = tpu.vector_load %arg6[%get3A_208] {strides = array<i32>} : memref<480xi32, #tpu.memory_space<vmem>>, vector<16xi32>,
      tpu.vector_store_idx %arg5[%get3A_209], %broadcast_in_dim3A_1 {add = true} : memref<10112xf32, #tpu.memory_space<vmem>>[vector<16xi32>], vector<16xf32>,
      %get3A_210 = arith.constant 272 : index
      %get3A_211 = tpu.vector_load %arg6[%get3A_210] {strides = array<i32>} : memref<480xi32, #tpu.memory_space<vmem>>, vector<16xi32>,
      tpu.vector_store_idx %arg5[%get3A_211], %broadcast_in_dim3A_1 {add = true} : memref<10112xf32, #tpu.memory_space<vmem>>[vector<16xi32>], vector<16xf32>,
      %get3A_212 = arith.constant 288 : index
      %get3A_213 = tpu.vector_load %arg6[%get3A_212] {strides = array<i32>} : memref<480xi32, #tpu.memory_space<vmem>>, vector<16xi32>,
      tpu.vector_store_idx %arg5[%get3A_213], %broadcast_in_dim3A_1 {add = true} : memref<10112xf32, #tpu.memory_space<vmem>>[vector<16xi32>], vector<16xf32>,
      %get3A_214 = arith.constant 304 : index
      %get3A_215 = tpu.vector_load %arg6[%get3A_214] {strides = array<i32>} : memref<480xi32, #tpu.memory_space<vmem>>, vector<16xi32>,
      tpu.vector_store_idx %arg5[%get3A_215], %broadcast_in_dim3A_1 {add = true} : memref<10112xf32, #tpu.memory_space<vmem>>[vector<16xi32>], vector<16xf32>,
      %get3A_216 = arith.constant 320 : index
      %get3A_217 = tpu.vector_load %arg6[%get3A_216] {strides = array<i32>} : memref<480xi32, #tpu.memory_space<vmem>>, vector<16xi32>,
      tpu.vector_store_idx %arg5[%get3A_217], %broadcast_in_dim3A_1 {add = true} : memref<10112xf32, #tpu.memory_space<vmem>>[vector<16xi32>], vector<16xf32>,
      %get3A_218 = arith.constant 336 : index
      %get3A_219 = tpu.vector_load %arg6[%get3A_218] {strides = array<i32>} : memref<480xi32, #tpu.memory_space<vmem>>, vector<16xi32>,
      tpu.vector_store_idx %arg5[%get3A_219], %broadcast_in_dim3A_1 {add = true} : memref<10112xf32, #tpu.memory_space<vmem>>[vector<16xi32>], vector<16xf32>,
      %get3A_220 = arith.constant 352 : index
      %get3A_221 = tpu.vector_load %arg6[%get3A_220] {strides = array<i32>} : memref<480xi32, #tpu.memory_space<vmem>>, vector<16xi32>,
      tpu.vector_store_idx %arg5[%get3A_221], %broadcast_in_dim3A_1 {add = true} : memref<10112xf32, #tpu.memory_space<vmem>>[vector<16xi32>], vector<16xf32>,
      %get3A_222 = arith.constant 368 : index
      %get3A_223 = tpu.vector_load %arg6[%get3A_222] {strides = array<i32>} : memref<480xi32, #tpu.memory_space<vmem>>, vector<16xi32>,
      tpu.vector_store_idx %arg5[%get3A_223], %broadcast_in_dim3A_1 {add = true} : memref<10112xf32, #tpu.memory_space<vmem>>[vector<16xi32>], vector<16xf32>,
      %get3A_224 = arith.constant 384 : index
      %get3A_225 = tpu.vector_load %arg6[%get3A_224] {strides = array<i32>} : memref<480xi32, #tpu.memory_space<vmem>>, vector<16xi32>,
      tpu.vector_store_idx %arg5[%get3A_225], %broadcast_in_dim3A_1 {add = true} : memref<10112xf32, #tpu.memory_space<vmem>>[vector<16xi32>], vector<16xf32>,
      %get3A_226 = arith.constant 400 : index
      %get3A_227 = tpu.vector_load %arg6[%get3A_226] {strides = array<i32>} : memref<480xi32, #tpu.memory_space<vmem>>, vector<16xi32>,
      tpu.vector_store_idx %arg5[%get3A_227], %broadcast_in_dim3A_1 {add = true} : memref<10112xf32, #tpu.memory_space<vmem>>[vector<16xi32>], vector<16xf32>,
      %get3A_228 = arith.constant 416 : index
      %get3A_229 = tpu.vector_load %arg6[%get3A_228] {strides = array<i32>} : memref<480xi32, #tpu.memory_space<vmem>>, vector<16xi32>,
      tpu.vector_store_idx %arg5[%get3A_229], %broadcast_in_dim3A_1 {add = true} : memref<10112xf32, #tpu.memory_space<vmem>>[vector<16xi32>], vector<16xf32>,
      %get3A_230 = arith.constant 432 : index
      %get3A_231 = tpu.vector_load %arg6[%get3A_230] {strides = array<i32>} : memref<480xi32, #tpu.memory_space<vmem>>, vector<16xi32>,
      tpu.vector_store_idx %arg5[%get3A_231], %broadcast_in_dim3A_1 {add = true} : memref<10112xf32, #tpu.memory_space<vmem>>[vector<16xi32>], vector<16xf32>,
      %get3A_232 = arith.constant 448 : index
      %get3A_233 = tpu.vector_load %arg6[%get3A_232] {strides = array<i32>} : memref<480xi32, #tpu.memory_space<vmem>>, vector<16xi32>,
      tpu.vector_store_idx %arg5[%get3A_233], %broadcast_in_dim3A_1 {add = true} : memref<10112xf32, #tpu.memory_space<vmem>>[vector<16xi32>], vector<16xf32>,
      %get3A_234 = arith.constant 464 : index
      %get3A_235 = tpu.vector_load %arg6[%get3A_234] {strides = array<i32>} : memref<480xi32, #tpu.memory_space<vmem>>, vector<16xi32>,
      tpu.vector_store_idx %arg5[%get3A_235], %broadcast_in_dim3A_1 {add = true} : memref<10112xf32, #tpu.memory_space<vmem>>[vector<16xi32>], vector<16xf32>,
      %mul3A_236 = arith.constant 2 : i32
      %mul3A_237 = arith.muli %mul3A_236, %scan3A_166 : i32
      %add3A_238 = arith.constant 1 : i32
      %add3A_239 = arith.addi %mul3A_237, %add3A_238 : i32
      %dma_wait3A_240 = tpu.memref_slice %arg3[%mul3A_92] : memref<322560xi32, #tpu.memory_space<hbm>> -> memref<480xi32, #tpu.memory_space<hbm>>
      %dma_wait3A_241 = tpu.memref_slice %arg3[%mul3A_92] : memref<322560xi32, #tpu.memory_space<hbm>> -> memref<480xi32, #tpu.memory_space<hbm>>
      tpu.wait_dma2 semaphore(%arg9 : memref<!tpu.dma_semaphore, #tpu.memory_space<semaphore_mem>>) src(%dma_wait3A_241 : memref<480xi32, #tpu.memory_space<hbm>>) dst(%arg7 : memref<480xi32, #tpu.memory_space<vmem>>)
      %add3A_242 = arith.constant 1 : i32
      %add3A_243 = arith.addi %add3A_239, %add3A_242 : i32
      %lt3A_244 = arith.constant 21 : i32
      %lt3A_245 = arith.cmpi slt, %add3A_243, %lt3A_244 : i32
      %convert_element_type3A_246 = arith.extui %lt3A_245 : i1 to i32
      %cond3A_247 = arith.constant 0 : i32
      %cond3A_248 = arith.cmpi ne, %convert_element_type3A_246, %cond3A_247 : i32
      scf.if %cond3A_248 {
        %add3A_310 = arith.constant 1 : i32
        %add3A_311 = arith.addi %add3A_239, %add3A_310 : i32
        %mul3A_312 = arith.constant 480 : i32
        %mul3A_313 = arith.muli %add3A_311, %mul3A_312 : i32
        %add3A_314 = arith.addi %mul3A_92, %mul3A_313 : i32
        %dma_start3A_315 = tpu.memref_slice %arg3[%add3A_314] : memref<322560xi32, #tpu.memory_space<hbm>> -> memref<480xi32, #tpu.memory_space<hbm>>
        %dma_start3A_316 = tpu.memref_slice %arg3[%add3A_314] : memref<322560xi32, #tpu.memory_space<hbm>> -> memref<480xi32, #tpu.memory_space<hbm>>
        tpu.enqueue_dma source(%dma_start3A_316 : memref<480xi32, #tpu.memory_space<hbm>>) target(%arg6 : memref<480xi32, #tpu.memory_space<vmem>>) target_semaphore(%arg8 : memref<!tpu.dma_semaphore, #tpu.memory_space<semaphore_mem>>)
      } else {
      }
      %get3A_249 = arith.constant 0 : index
      %get3A_250 = tpu.vector_load %arg7[%get3A_249] {strides = array<i32>} : memref<480xi32, #tpu.memory_space<vmem>>, vector<16xi32>,
      tpu.vector_store_idx %arg5[%get3A_250], %broadcast_in_dim3A_1 {add = true} : memref<10112xf32, #tpu.memory_space<vmem>>[vector<16xi32>], vector<16xf32>,
      %get3A_251 = arith.constant 16 : index
      %get3A_252 = tpu.vector_load %arg7[%get3A_251] {strides = array<i32>} : memref<480xi32, #tpu.memory_space<vmem>>, vector<16xi32>,
      tpu.vector_store_idx %arg5[%get3A_252], %broadcast_in_dim3A_1 {add = true} : memref<10112xf32, #tpu.memory_space<vmem>>[vector<16xi32>], vector<16xf32>,
      %get3A_253 = arith.constant 32 : index
      %get3A_254 = tpu.vector_load %arg7[%get3A_253] {strides = array<i32>} : memref<480xi32, #tpu.memory_space<vmem>>, vector<16xi32>,
      tpu.vector_store_idx %arg5[%get3A_254], %broadcast_in_dim3A_1 {add = true} : memref<10112xf32, #tpu.memory_space<vmem>>[vector<16xi32>], vector<16xf32>,
      %get3A_255 = arith.constant 48 : index
      %get3A_256 = tpu.vector_load %arg7[%get3A_255] {strides = array<i32>} : memref<480xi32, #tpu.memory_space<vmem>>, vector<16xi32>,
      tpu.vector_store_idx %arg5[%get3A_256], %broadcast_in_dim3A_1 {add = true} : memref<10112xf32, #tpu.memory_space<vmem>>[vector<16xi32>], vector<16xf32>,
      %get3A_257 = arith.constant 64 : index
      %get3A_258 = tpu.vector_load %arg7[%get3A_257] {strides = array<i32>} : memref<480xi32, #tpu.memory_space<vmem>>, vector<16xi32>,
      tpu.vector_store_idx %arg5[%get3A_258], %broadcast_in_dim3A_1 {add = true} : memref<10112xf32, #tpu.memory_space<vmem>>[vector<16xi32>], vector<16xf32>,
      %get3A_259 = arith.constant 80 : index
      %get3A_260 = tpu.vector_load %arg7[%get3A_259] {strides = array<i32>} : memref<480xi32, #tpu.memory_space<vmem>>, vector<16xi32>,
      tpu.vector_store_idx %arg5[%get3A_260], %broadcast_in_dim3A_1 {add = true} : memref<10112xf32, #tpu.memory_space<vmem>>[vector<16xi32>], vector<16xf32>,
      %get3A_261 = arith.constant 96 : index
      %get3A_262 = tpu.vector_load %arg7[%get3A_261] {strides = array<i32>} : memref<480xi32, #tpu.memory_space<vmem>>, vector<16xi32>,
      tpu.vector_store_idx %arg5[%get3A_262], %broadcast_in_dim3A_1 {add = true} : memref<10112xf32, #tpu.memory_space<vmem>>[vector<16xi32>], vector<16xf32>,
      %get3A_263 = arith.constant 112 : index
      %get3A_264 = tpu.vector_load %arg7[%get3A_263] {strides = array<i32>} : memref<480xi32, #tpu.memory_space<vmem>>, vector<16xi32>,
      tpu.vector_store_idx %arg5[%get3A_264], %broadcast_in_dim3A_1 {add = true} : memref<10112xf32, #tpu.memory_space<vmem>>[vector<16xi32>], vector<16xf32>,
      %get3A_265 = arith.constant 128 : index
      %get3A_266 = tpu.vector_load %arg7[%get3A_265] {strides = array<i32>} : memref<480xi32, #tpu.memory_space<vmem>>, vector<16xi32>,
      tpu.vector_store_idx %arg5[%get3A_266], %broadcast_in_dim3A_1 {add = true} : memref<10112xf32, #tpu.memory_space<vmem>>[vector<16xi32>], vector<16xf32>,
      %get3A_267 = arith.constant 144 : index
      %get3A_268 = tpu.vector_load %arg7[%get3A_267] {strides = array<i32>} : memref<480xi32, #tpu.memory_space<vmem>>, vector<16xi32>,
      tpu.vector_store_idx %arg5[%get3A_268], %broadcast_in_dim3A_1 {add = true} : memref<10112xf32, #tpu.memory_space<vmem>>[vector<16xi32>], vector<16xf32>,
      %get3A_269 = arith.constant 160 : index
      %get3A_270 = tpu.vector_load %arg7[%get3A_269] {strides = array<i32>} : memref<480xi32, #tpu.memory_space<vmem>>, vector<16xi32>,
      tpu.vector_store_idx %arg5[%get3A_270], %broadcast_in_dim3A_1 {add = true} : memref<10112xf32, #tpu.memory_space<vmem>>[vector<16xi32>], vector<16xf32>,
      %get3A_271 = arith.constant 176 : index
      %get3A_272 = tpu.vector_load %arg7[%get3A_271] {strides = array<i32>} : memref<480xi32, #tpu.memory_space<vmem>>, vector<16xi32>,
      tpu.vector_store_idx %arg5[%get3A_272], %broadcast_in_dim3A_1 {add = true} : memref<10112xf32, #tpu.memory_space<vmem>>[vector<16xi32>], vector<16xf32>,
      %get3A_273 = arith.constant 192 : index
      %get3A_274 = tpu.vector_load %arg7[%get3A_273] {strides = array<i32>} : memref<480xi32, #tpu.memory_space<vmem>>, vector<16xi32>,
      tpu.vector_store_idx %arg5[%get3A_274], %broadcast_in_dim3A_1 {add = true} : memref<10112xf32, #tpu.memory_space<vmem>>[vector<16xi32>], vector<16xf32>,
      %get3A_275 = arith.constant 208 : index
      %get3A_276 = tpu.vector_load %arg7[%get3A_275] {strides = array<i32>} : memref<480xi32, #tpu.memory_space<vmem>>, vector<16xi32>,
      tpu.vector_store_idx %arg5[%get3A_276], %broadcast_in_dim3A_1 {add = true} : memref<10112xf32, #tpu.memory_space<vmem>>[vector<16xi32>], vector<16xf32>,
      %get3A_277 = arith.constant 224 : index
      %get3A_278 = tpu.vector_load %arg7[%get3A_277] {strides = array<i32>} : memref<480xi32, #tpu.memory_space<vmem>>, vector<16xi32>,
      tpu.vector_store_idx %arg5[%get3A_278], %broadcast_in_dim3A_1 {add = true} : memref<10112xf32, #tpu.memory_space<vmem>>[vector<16xi32>], vector<16xf32>,
      %get3A_279 = arith.constant 240 : index
      %get3A_280 = tpu.vector_load %arg7[%get3A_279] {strides = array<i32>} : memref<480xi32, #tpu.memory_space<vmem>>, vector<16xi32>,
      tpu.vector_store_idx %arg5[%get3A_280], %broadcast_in_dim3A_1 {add = true} : memref<10112xf32, #tpu.memory_space<vmem>>[vector<16xi32>], vector<16xf32>,
      %get3A_281 = arith.constant 256 : index
      %get3A_282 = tpu.vector_load %arg7[%get3A_281] {strides = array<i32>} : memref<480xi32, #tpu.memory_space<vmem>>, vector<16xi32>,
      tpu.vector_store_idx %arg5[%get3A_282], %broadcast_in_dim3A_1 {add = true} : memref<10112xf32, #tpu.memory_space<vmem>>[vector<16xi32>], vector<16xf32>,
      %get3A_283 = arith.constant 272 : index
      %get3A_284 = tpu.vector_load %arg7[%get3A_283] {strides = array<i32>} : memref<480xi32, #tpu.memory_space<vmem>>, vector<16xi32>,
      tpu.vector_store_idx %arg5[%get3A_284], %broadcast_in_dim3A_1 {add = true} : memref<10112xf32, #tpu.memory_space<vmem>>[vector<16xi32>], vector<16xf32>,
      %get3A_285 = arith.constant 288 : index
      %get3A_286 = tpu.vector_load %arg7[%get3A_285] {strides = array<i32>} : memref<480xi32, #tpu.memory_space<vmem>>, vector<16xi32>,
      tpu.vector_store_idx %arg5[%get3A_286], %broadcast_in_dim3A_1 {add = true} : memref<10112xf32, #tpu.memory_space<vmem>>[vector<16xi32>], vector<16xf32>,
      %get3A_287 = arith.constant 304 : index
      %get3A_288 = tpu.vector_load %arg7[%get3A_287] {strides = array<i32>} : memref<480xi32, #tpu.memory_space<vmem>>, vector<16xi32>,
      tpu.vector_store_idx %arg5[%get3A_288], %broadcast_in_dim3A_1 {add = true} : memref<10112xf32, #tpu.memory_space<vmem>>[vector<16xi32>], vector<16xf32>,
      %get3A_289 = arith.constant 320 : index
      %get3A_290 = tpu.vector_load %arg7[%get3A_289] {strides = array<i32>} : memref<480xi32, #tpu.memory_space<vmem>>, vector<16xi32>,
      tpu.vector_store_idx %arg5[%get3A_290], %broadcast_in_dim3A_1 {add = true} : memref<10112xf32, #tpu.memory_space<vmem>>[vector<16xi32>], vector<16xf32>,
      %get3A_291 = arith.constant 336 : index
      %get3A_292 = tpu.vector_load %arg7[%get3A_291] {strides = array<i32>} : memref<480xi32, #tpu.memory_space<vmem>>, vector<16xi32>,
      tpu.vector_store_idx %arg5[%get3A_292], %broadcast_in_dim3A_1 {add = true} : memref<10112xf32, #tpu.memory_space<vmem>>[vector<16xi32>], vector<16xf32>,
      %get3A_293 = arith.constant 352 : index
      %get3A_294 = tpu.vector_load %arg7[%get3A_293] {strides = array<i32>} : memref<480xi32, #tpu.memory_space<vmem>>, vector<16xi32>,
      tpu.vector_store_idx %arg5[%get3A_294], %broadcast_in_dim3A_1 {add = true} : memref<10112xf32, #tpu.memory_space<vmem>>[vector<16xi32>], vector<16xf32>,
      %get3A_295 = arith.constant 368 : index
      %get3A_296 = tpu.vector_load %arg7[%get3A_295] {strides = array<i32>} : memref<480xi32, #tpu.memory_space<vmem>>, vector<16xi32>,
      tpu.vector_store_idx %arg5[%get3A_296], %broadcast_in_dim3A_1 {add = true} : memref<10112xf32, #tpu.memory_space<vmem>>[vector<16xi32>], vector<16xf32>,
      %get3A_297 = arith.constant 384 : index
      %get3A_298 = tpu.vector_load %arg7[%get3A_297] {strides = array<i32>} : memref<480xi32, #tpu.memory_space<vmem>>, vector<16xi32>,
      tpu.vector_store_idx %arg5[%get3A_298], %broadcast_in_dim3A_1 {add = true} : memref<10112xf32, #tpu.memory_space<vmem>>[vector<16xi32>], vector<16xf32>,
      %get3A_299 = arith.constant 400 : index
      %get3A_300 = tpu.vector_load %arg7[%get3A_299] {strides = array<i32>} : memref<480xi32, #tpu.memory_space<vmem>>, vector<16xi32>,
      tpu.vector_store_idx %arg5[%get3A_300], %broadcast_in_dim3A_1 {add = true} : memref<10112xf32, #tpu.memory_space<vmem>>[vector<16xi32>], vector<16xf32>,
      %get3A_301 = arith.constant 416 : index
      %get3A_302 = tpu.vector_load %arg7[%get3A_301] {strides = array<i32>} : memref<480xi32, #tpu.memory_space<vmem>>, vector<16xi32>,
      tpu.vector_store_idx %arg5[%get3A_302], %broadcast_in_dim3A_1 {add = true} : memref<10112xf32, #tpu.memory_space<vmem>>[vector<16xi32>], vector<16xf32>,
      %get3A_303 = arith.constant 432 : index
      %get3A_304 = tpu.vector_load %arg7[%get3A_303] {strides = array<i32>} : memref<480xi32, #tpu.memory_space<vmem>>, vector<16xi32>,
      tpu.vector_store_idx %arg5[%get3A_304], %broadcast_in_dim3A_1 {add = true} : memref<10112xf32, #tpu.memory_space<vmem>>[vector<16xi32>], vector<16xf32>,
      %get3A_305 = arith.constant 448 : index
      %get3A_306 = tpu.vector_load %arg7[%get3A_305] {strides = array<i32>} : memref<480xi32, #tpu.memory_space<vmem>>, vector<16xi32>,
      tpu.vector_store_idx %arg5[%get3A_306], %broadcast_in_dim3A_1 {add = true} : memref<10112xf32, #tpu.memory_space<vmem>>[vector<16xi32>], vector<16xf32>,
      %get3A_307 = arith.constant 464 : index
      %get3A_308 = tpu.vector_load %arg7[%get3A_307] {strides = array<i32>} : memref<480xi32, #tpu.memory_space<vmem>>, vector<16xi32>,
      tpu.vector_store_idx %arg5[%get3A_308], %broadcast_in_dim3A_1 {add = true} : memref<10112xf32, #tpu.memory_space<vmem>>[vector<16xi32>], vector<16xf32>,
      %scan3A_309 = arith.constant 0 : i32
      scf.yield %scan3A_309 : i32
    }
    %scan3A_103 = arith.constant 10 : i32
    %dma_wait3A_104 = tpu.memref_slice %arg3[%mul3A_92] : memref<322560xi32, #tpu.memory_space<hbm>> -> memref<480xi32, #tpu.memory_space<hbm>>
    %dma_wait3A_105 = tpu.memref_slice %arg3[%mul3A_92] : memref<322560xi32, #tpu.memory_space<hbm>> -> memref<480xi32, #tpu.memory_space<hbm>>
    tpu.wait_dma2 semaphore(%arg8 : memref<!tpu.dma_semaphore, #tpu.memory_space<semaphore_mem>>) src(%dma_wait3A_105 : memref<480xi32, #tpu.memory_space<hbm>>) dst(%arg6 : memref<480xi32, #tpu.memory_space<vmem>>)
    %get3A_106 = arith.constant 0 : index
    %get3A_107 = tpu.vector_load %arg6[%get3A_106] {strides = array<i32>} : memref<480xi32, #tpu.memory_space<vmem>>, vector<16xi32>,
    tpu.vector_store_idx %arg5[%get3A_107], %broadcast_in_dim3A_1 {add = true} : memref<10112xf32, #tpu.memory_space<vmem>>[vector<16xi32>], vector<16xf32>,
    %get3A_108 = arith.constant 16 : index
    %get3A_109 = tpu.vector_load %arg6[%get3A_108] {strides = array<i32>} : memref<480xi32, #tpu.memory_space<vmem>>, vector<16xi32>,
    tpu.vector_store_idx %arg5[%get3A_109], %broadcast_in_dim3A_1 {add = true} : memref<10112xf32, #tpu.memory_space<vmem>>[vector<16xi32>], vector<16xf32>,
    %get3A_110 = arith.constant 32 : index
    %get3A_111 = tpu.vector_load %arg6[%get3A_110] {strides = array<i32>} : memref<480xi32, #tpu.memory_space<vmem>>, vector<16xi32>,
    tpu.vector_store_idx %arg5[%get3A_111], %broadcast_in_dim3A_1 {add = true} : memref<10112xf32, #tpu.memory_space<vmem>>[vector<16xi32>], vector<16xf32>,
    %get3A_112 = arith.constant 48 : index
    %get3A_113 = tpu.vector_load %arg6[%get3A_112] {strides = array<i32>} : memref<480xi32, #tpu.memory_space<vmem>>, vector<16xi32>,
    tpu.vector_store_idx %arg5[%get3A_113], %broadcast_in_dim3A_1 {add = true} : memref<10112xf32, #tpu.memory_space<vmem>>[vector<16xi32>], vector<16xf32>,
    %get3A_114 = arith.constant 64 : index
    %get3A_115 = tpu.vector_load %arg6[%get3A_114] {strides = array<i32>} : memref<480xi32, #tpu.memory_space<vmem>>, vector<16xi32>,
    tpu.vector_store_idx %arg5[%get3A_115], %broadcast_in_dim3A_1 {add = true} : memref<10112xf32, #tpu.memory_space<vmem>>[vector<16xi32>], vector<16xf32>,
    %get3A_116 = arith.constant 80 : index
    %get3A_117 = tpu.vector_load %arg6[%get3A_116] {strides = array<i32>} : memref<480xi32, #tpu.memory_space<vmem>>, vector<16xi32>,
    tpu.vector_store_idx %arg5[%get3A_117], %broadcast_in_dim3A_1 {add = true} : memref<10112xf32, #tpu.memory_space<vmem>>[vector<16xi32>], vector<16xf32>,
    %get3A_118 = arith.constant 96 : index
    %get3A_119 = tpu.vector_load %arg6[%get3A_118] {strides = array<i32>} : memref<480xi32, #tpu.memory_space<vmem>>, vector<16xi32>,
    tpu.vector_store_idx %arg5[%get3A_119], %broadcast_in_dim3A_1 {add = true} : memref<10112xf32, #tpu.memory_space<vmem>>[vector<16xi32>], vector<16xf32>,
    %get3A_120 = arith.constant 112 : index
    %get3A_121 = tpu.vector_load %arg6[%get3A_120] {strides = array<i32>} : memref<480xi32, #tpu.memory_space<vmem>>, vector<16xi32>,
    tpu.vector_store_idx %arg5[%get3A_121], %broadcast_in_dim3A_1 {add = true} : memref<10112xf32, #tpu.memory_space<vmem>>[vector<16xi32>], vector<16xf32>,
    %get3A_122 = arith.constant 128 : index
    %get3A_123 = tpu.vector_load %arg6[%get3A_122] {strides = array<i32>} : memref<480xi32, #tpu.memory_space<vmem>>, vector<16xi32>,
    tpu.vector_store_idx %arg5[%get3A_123], %broadcast_in_dim3A_1 {add = true} : memref<10112xf32, #tpu.memory_space<vmem>>[vector<16xi32>], vector<16xf32>,
    %get3A_124 = arith.constant 144 : index
    %get3A_125 = tpu.vector_load %arg6[%get3A_124] {strides = array<i32>} : memref<480xi32, #tpu.memory_space<vmem>>, vector<16xi32>,
    tpu.vector_store_idx %arg5[%get3A_125], %broadcast_in_dim3A_1 {add = true} : memref<10112xf32, #tpu.memory_space<vmem>>[vector<16xi32>], vector<16xf32>,
    %get3A_126 = arith.constant 160 : index
    %get3A_127 = tpu.vector_load %arg6[%get3A_126] {strides = array<i32>} : memref<480xi32, #tpu.memory_space<vmem>>, vector<16xi32>,
    tpu.vector_store_idx %arg5[%get3A_127], %broadcast_in_dim3A_1 {add = true} : memref<10112xf32, #tpu.memory_space<vmem>>[vector<16xi32>], vector<16xf32>,
    %get3A_128 = arith.constant 176 : index
    %get3A_129 = tpu.vector_load %arg6[%get3A_128] {strides = array<i32>} : memref<480xi32, #tpu.memory_space<vmem>>, vector<16xi32>,
    tpu.vector_store_idx %arg5[%get3A_129], %broadcast_in_dim3A_1 {add = true} : memref<10112xf32, #tpu.memory_space<vmem>>[vector<16xi32>], vector<16xf32>,
    %get3A_130 = arith.constant 192 : index
    %get3A_131 = tpu.vector_load %arg6[%get3A_130] {strides = array<i32>} : memref<480xi32, #tpu.memory_space<vmem>>, vector<16xi32>,
    tpu.vector_store_idx %arg5[%get3A_131], %broadcast_in_dim3A_1 {add = true} : memref<10112xf32, #tpu.memory_space<vmem>>[vector<16xi32>], vector<16xf32>,
    %get3A_132 = arith.constant 208 : index
    %get3A_133 = tpu.vector_load %arg6[%get3A_132] {strides = array<i32>} : memref<480xi32, #tpu.memory_space<vmem>>, vector<16xi32>,
    tpu.vector_store_idx %arg5[%get3A_133], %broadcast_in_dim3A_1 {add = true} : memref<10112xf32, #tpu.memory_space<vmem>>[vector<16xi32>], vector<16xf32>,
    %get3A_134 = arith.constant 224 : index
    %get3A_135 = tpu.vector_load %arg6[%get3A_134] {strides = array<i32>} : memref<480xi32, #tpu.memory_space<vmem>>, vector<16xi32>,
    tpu.vector_store_idx %arg5[%get3A_135], %broadcast_in_dim3A_1 {add = true} : memref<10112xf32, #tpu.memory_space<vmem>>[vector<16xi32>], vector<16xf32>,
    %get3A_136 = arith.constant 240 : index
    %get3A_137 = tpu.vector_load %arg6[%get3A_136] {strides = array<i32>} : memref<480xi32, #tpu.memory_space<vmem>>, vector<16xi32>,
    tpu.vector_store_idx %arg5[%get3A_137], %broadcast_in_dim3A_1 {add = true} : memref<10112xf32, #tpu.memory_space<vmem>>[vector<16xi32>], vector<16xf32>,
    %get3A_138 = arith.constant 256 : index
    %get3A_139 = tpu.vector_load %arg6[%get3A_138] {strides = array<i32>} : memref<480xi32, #tpu.memory_space<vmem>>, vector<16xi32>,
    tpu.vector_store_idx %arg5[%get3A_139], %broadcast_in_dim3A_1 {add = true} : memref<10112xf32, #tpu.memory_space<vmem>>[vector<16xi32>], vector<16xf32>,
    %get3A_140 = arith.constant 272 : index
    %get3A_141 = tpu.vector_load %arg6[%get3A_140] {strides = array<i32>} : memref<480xi32, #tpu.memory_space<vmem>>, vector<16xi32>,
    tpu.vector_store_idx %arg5[%get3A_141], %broadcast_in_dim3A_1 {add = true} : memref<10112xf32, #tpu.memory_space<vmem>>[vector<16xi32>], vector<16xf32>,
    %get3A_142 = arith.constant 288 : index
    %get3A_143 = tpu.vector_load %arg6[%get3A_142] {strides = array<i32>} : memref<480xi32, #tpu.memory_space<vmem>>, vector<16xi32>,
    tpu.vector_store_idx %arg5[%get3A_143], %broadcast_in_dim3A_1 {add = true} : memref<10112xf32, #tpu.memory_space<vmem>>[vector<16xi32>], vector<16xf32>,
    %get3A_144 = arith.constant 304 : index
    %get3A_145 = tpu.vector_load %arg6[%get3A_144] {strides = array<i32>} : memref<480xi32, #tpu.memory_space<vmem>>, vector<16xi32>,
    tpu.vector_store_idx %arg5[%get3A_145], %broadcast_in_dim3A_1 {add = true} : memref<10112xf32, #tpu.memory_space<vmem>>[vector<16xi32>], vector<16xf32>,
    %get3A_146 = arith.constant 320 : index
    %get3A_147 = tpu.vector_load %arg6[%get3A_146] {strides = array<i32>} : memref<480xi32, #tpu.memory_space<vmem>>, vector<16xi32>,
    tpu.vector_store_idx %arg5[%get3A_147], %broadcast_in_dim3A_1 {add = true} : memref<10112xf32, #tpu.memory_space<vmem>>[vector<16xi32>], vector<16xf32>,
    %get3A_148 = arith.constant 336 : index
    %get3A_149 = tpu.vector_load %arg6[%get3A_148] {strides = array<i32>} : memref<480xi32, #tpu.memory_space<vmem>>, vector<16xi32>,
    tpu.vector_store_idx %arg5[%get3A_149], %broadcast_in_dim3A_1 {add = true} : memref<10112xf32, #tpu.memory_space<vmem>>[vector<16xi32>], vector<16xf32>,
    %get3A_150 = arith.constant 352 : index
    %get3A_151 = tpu.vector_load %arg6[%get3A_150] {strides = array<i32>} : memref<480xi32, #tpu.memory_space<vmem>>, vector<16xi32>,
    tpu.vector_store_idx %arg5[%get3A_151], %broadcast_in_dim3A_1 {add = true} : memref<10112xf32, #tpu.memory_space<vmem>>[vector<16xi32>], vector<16xf32>,
    %get3A_152 = arith.constant 368 : index
    %get3A_153 = tpu.vector_load %arg6[%get3A_152] {strides = array<i32>} : memref<480xi32, #tpu.memory_space<vmem>>, vector<16xi32>,
    tpu.vector_store_idx %arg5[%get3A_153], %broadcast_in_dim3A_1 {add = true} : memref<10112xf32, #tpu.memory_space<vmem>>[vector<16xi32>], vector<16xf32>,
    %get3A_154 = arith.constant 384 : index
    %get3A_155 = tpu.vector_load %arg6[%get3A_154] {strides = array<i32>} : memref<480xi32, #tpu.memory_space<vmem>>, vector<16xi32>,
    tpu.vector_store_idx %arg5[%get3A_155], %broadcast_in_dim3A_1 {add = true} : memref<10112xf32, #tpu.memory_space<vmem>>[vector<16xi32>], vector<16xf32>,
    %get3A_156 = arith.constant 400 : index
    %get3A_157 = tpu.vector_load %arg6[%get3A_156] {strides = array<i32>} : memref<480xi32, #tpu.memory_space<vmem>>, vector<16xi32>,
    tpu.vector_store_idx %arg5[%get3A_157], %broadcast_in_dim3A_1 {add = true} : memref<10112xf32, #tpu.memory_space<vmem>>[vector<16xi32>], vector<16xf32>,
    %get3A_158 = arith.constant 416 : index
    %get3A_159 = tpu.vector_load %arg6[%get3A_158] {strides = array<i32>} : memref<480xi32, #tpu.memory_space<vmem>>, vector<16xi32>,
    tpu.vector_store_idx %arg5[%get3A_159], %broadcast_in_dim3A_1 {add = true} : memref<10112xf32, #tpu.memory_space<vmem>>[vector<16xi32>], vector<16xf32>,
    %get3A_160 = arith.constant 432 : index
    %get3A_161 = tpu.vector_load %arg6[%get3A_160] {strides = array<i32>} : memref<480xi32, #tpu.memory_space<vmem>>, vector<16xi32>,
    tpu.vector_store_idx %arg5[%get3A_161], %broadcast_in_dim3A_1 {add = true} : memref<10112xf32, #tpu.memory_space<vmem>>[vector<16xi32>], vector<16xf32>,
    %get3A_162 = arith.constant 448 : index
    %get3A_163 = tpu.vector_load %arg6[%get3A_162] {strides = array<i32>} : memref<480xi32, #tpu.memory_space<vmem>>, vector<16xi32>,
    tpu.vector_store_idx %arg5[%get3A_163], %broadcast_in_dim3A_1 {add = true} : memref<10112xf32, #tpu.memory_space<vmem>>[vector<16xi32>], vector<16xf32>,
    %get3A_164 = arith.constant 464 : index
    %get3A_165 = tpu.vector_load %arg6[%get3A_164] {strides = array<i32>} : memref<480xi32, #tpu.memory_space<vmem>>, vector<16xi32>,
    tpu.vector_store_idx %arg5[%get3A_165], %broadcast_in_dim3A_1 {add = true} : memref<10112xf32, #tpu.memory_space<vmem>>[vector<16xi32>], vector<16xf32>,
    "tpu.region"() ({
      %run_scoped3A = tpu.sem_alloc : memref<!tpu.dma_semaphore, #tpu.memory_space<semaphore_mem>>
      %dma_start3A_166 = arith.constant 0 : i32
      %dma_start3A_167 = tpu.memref_slice %arg4[%add3A_83, %dma_start3A_166] : memref<64x10112xf32, #tpu.memory_space<hbm>> -> memref<1x10112xf32, #tpu.memory_space<hbm>>
      %dma_start3A_168 = tpu.memref_squeeze %dma_start3A_167 : memref<1x10112xf32, #tpu.memory_space<hbm>> -> memref<10112xf32, #tpu.memory_space<hbm>>
      %dma_start3A_169 = arith.constant 0 : i32
      %dma_start3A_170 = tpu.memref_slice %arg4[%add3A_83, %dma_start3A_169] : memref<64x10112xf32, #tpu.memory_space<hbm>> -> memref<1x10112xf32, #tpu.memory_space<hbm>>
      %dma_start3A_171 = tpu.memref_squeeze %dma_start3A_170 : memref<1x10112xf32, #tpu.memory_space<hbm>> -> memref<10112xf32, #tpu.memory_space<hbm>>
      tpu.enqueue_dma source(%arg5 : memref<10112xf32, #tpu.memory_space<vmem>>) target(%dma_start3A_171 : memref<10112xf32, #tpu.memory_space<hbm>>) target_semaphore(%run_scoped3A : memref<!tpu.dma_semaphore, #tpu.memory_space<semaphore_mem>>)
      %dma_wait3A_172 = arith.constant 0 : i32
      %dma_wait3A_173 = tpu.memref_slice %arg4[%add3A_83, %dma_wait3A_172] : memref<64x10112xf32, #tpu.memory_space<hbm>> -> memref<1x10112xf32, #tpu.memory_space<hbm>>
      %dma_wait3A_174 = tpu.memref_squeeze %dma_wait3A_173 : memref<1x10112xf32, #tpu.memory_space<hbm>> -> memref<10112xf32, #tpu.memory_space<hbm>>
      %dma_wait3A_175 = arith.constant 0 : i32
      %dma_wait3A_176 = tpu.memref_slice %arg4[%add3A_83, %dma_wait3A_175] : memref<64x10112xf32, #tpu.memory_space<hbm>> -> memref<1x10112xf32, #tpu.memory_space<hbm>>
      %dma_wait3A_177 = tpu.memref_squeeze %dma_wait3A_176 : memref<1x10112xf32, #tpu.memory_space<hbm>> -> memref<10112xf32, #tpu.memory_space<hbm>>
      tpu.wait_dma2 semaphore(%run_scoped3A : memref<!tpu.dma_semaphore, #tpu.memory_space<semaphore_mem>>) src(%arg5 : memref<10112xf32, #tpu.memory_space<vmem>>) dst(%dma_wait3A_177 : memref<10112xf32, #tpu.memory_space<hbm>>)
      tpu.yield
    }) : () -> ()
    return
  }
}

#map = affine_map<(d0, d1) -> (0, 0)>
#map1 = affine_map<(d0, d1) -> (0)>
module attributes {stable_mosaic.version = 14 : i64} {
  func.func @_prop_kernel(%arg0: i32, %arg1: i32, %arg2: memref<10112x128xf32, #tpu.memory_space<hbm>>, %arg3: memref<10112x128xf32, #tpu.memory_space<hbm>>, %arg4: memref<322560xi32, #tpu.memory_space<hbm>>, %arg5: memref<322560xi32, #tpu.memory_space<hbm>>, %arg6: memref<322560xi32, #tpu.memory_space<hbm>>, %arg7: memref<322560xi32, #tpu.memory_space<hbm>>, %arg8: memref<632x128xf32, #tpu.memory_space<hbm>>, %arg9: memref<10112x128xf32, #tpu.memory_space<hbm>>, %arg10: memref<10112x128xf32, #tpu.memory_space<hbm>>, %arg11: memref<10112x128xf32, #tpu.memory_space<vmem_shared>>, %arg12: memref<96xi32, #tpu.memory_space<vmem>>, %arg13: memref<96xi32, #tpu.memory_space<vmem>>, %arg14: memref<96xi32, #tpu.memory_space<vmem>>, %arg15: memref<96xi32, #tpu.memory_space<vmem>>, %arg16: memref<96xi32, #tpu.memory_space<vmem>>, %arg17: memref<96xi32, #tpu.memory_space<vmem>>, %arg18: memref<96xi32, #tpu.memory_space<vmem>>, %arg19: memref<96xi32, #tpu.memory_space<vmem>>, %arg20: memref<96x128xf32, #tpu.memory_space<vmem>>, %arg21: memref<96x128xf32, #tpu.memory_space<vmem>>, %arg22: memref<96x128xf32, #tpu.memory_space<vmem>>, %arg23: memref<96x128xf32, #tpu.memory_space<vmem>>, %arg24: memref<!tpu.dma_semaphore, #tpu.memory_space<semaphore_mem>>, %arg25: memref<!tpu.dma_semaphore, #tpu.memory_space<semaphore_mem>>, %arg26: memref<!tpu.dma_semaphore, #tpu.memory_space<semaphore_mem>>, %arg27: memref<!tpu.dma_semaphore, #tpu.memory_space<semaphore_mem>>, %arg28: memref<!tpu.dma_semaphore, #tpu.memory_space<semaphore_mem>>, %arg29: memref<!tpu.dma_semaphore, #tpu.memory_space<semaphore_mem>>, %arg30: memref<!tpu.dma_semaphore, #tpu.memory_space<semaphore_mem>>, %arg31: memref<!tpu.dma_semaphore, #tpu.memory_space<semaphore_mem>>, %arg32: memref<!tpu.dma_semaphore, #tpu.memory_space<semaphore_mem>>, %arg33: memref<!tpu.dma_semaphore, #tpu.memory_space<semaphore_mem>>, %arg34: memref<!tpu.dma_semaphore, #tpu.memory_space<semaphore_mem>>, %arg35: memref<!tpu.dma_semaphore, #tpu.memory_space<semaphore_mem>>) attributes {dimension_semantics = [#tpu.dimension_semantics<core_parallel>, #tpu.dimension_semantics<subcore_parallel>], iteration_bounds = array<i64: 2, 16>, scalar_prefetch = 0 : i64, scratch_operands = 25 : i64, tpu.core_type = #tpu.core_type<sc_vector_subcore>, window_params = [{transform_indices = #map}, {transform_indices = #map}, {transform_indices = #map1}, {transform_indices = #map1}, {transform_indices = #map1}, {transform_indices = #map1}, {transform_indices = #map}, {transform_indices = #map}, {transform_indices = #map}]} {
    %mul3A = arith.constant 632 : i32
    %mul3A_0 = arith.muli %arg1, %mul3A : i32
    "tpu.region"() ({
      %run_scoped3A = tpu.sem_alloc : memref<!tpu.dma_semaphore, #tpu.memory_space<semaphore_mem>>
      %dma_start3A = arith.constant 0 : i32
      %dma_start3A_21 = tpu.memref_slice %arg11[%mul3A_0, %dma_start3A] : memref<10112x128xf32, #tpu.memory_space<vmem_shared>> -> memref<632x128xf32, #tpu.memory_space<vmem_shared>>
      tpu.enqueue_dma source(%arg8 : memref<632x128xf32, #tpu.memory_space<hbm>>) target(%dma_start3A_21 : memref<632x128xf32, #tpu.memory_space<vmem_shared>>) target_semaphore(%run_scoped3A : memref<!tpu.dma_semaphore, #tpu.memory_space<semaphore_mem>>)
      %dma_wait3A = arith.constant 0 : i32
      %dma_wait3A_22 = tpu.memref_slice %arg11[%mul3A_0, %dma_wait3A] : memref<10112x128xf32, #tpu.memory_space<vmem_shared>> -> memref<632x128xf32, #tpu.memory_space<vmem_shared>>
      tpu.wait_dma2 semaphore(%run_scoped3A : memref<!tpu.dma_semaphore, #tpu.memory_space<semaphore_mem>>) src(%arg8 : memref<632x128xf32, #tpu.memory_space<hbm>>) dst(%dma_wait3A_22 : memref<632x128xf32, #tpu.memory_space<vmem_shared>>)
      tpu.yield
    }) : () -> ()
    %barrier3A = arith.constant 0 : index
    tpu.barrier barrier_id(%barrier3A)
    %mul3A_1 = arith.constant 20160 : i32
    %mul3A_2 = arith.muli %arg1, %mul3A_1 : i32
    %eq3A = arith.constant 0 : i32
    %eq3A_3 = arith.cmpi eq, %arg0, %eq3A : i32
    %convert_element_type3A = arith.extui %eq3A_3 : i1 to i32
    %cond3A = arith.constant 0 : i32
    %cond3A_4 = arith.cmpi ne, %convert_element_type3A, %cond3A : i32
    scf.if %cond3A_4 {
      %add3A = arith.constant 0 : i32
      %add3A_21 = arith.addi %mul3A_2, %add3A : i32
      %dma_start3A = tpu.memref_slice %arg4[%add3A_21] : memref<322560xi32, #tpu.memory_space<hbm>> -> memref<96xi32, #tpu.memory_space<hbm>>
      %dma_start3A_22 = tpu.memref_slice %arg4[%add3A_21] : memref<322560xi32, #tpu.memory_space<hbm>> -> memref<96xi32, #tpu.memory_space<hbm>>
      tpu.enqueue_dma source(%dma_start3A_22 : memref<96xi32, #tpu.memory_space<hbm>>) target(%arg12 : memref<96xi32, #tpu.memory_space<vmem>>) target_semaphore(%arg24 : memref<!tpu.dma_semaphore, #tpu.memory_space<semaphore_mem>>)
      %dma_start3A_23 = tpu.memref_slice %arg5[%add3A_21] : memref<322560xi32, #tpu.memory_space<hbm>> -> memref<96xi32, #tpu.memory_space<hbm>>
      %dma_start3A_24 = tpu.memref_slice %arg5[%add3A_21] : memref<322560xi32, #tpu.memory_space<hbm>> -> memref<96xi32, #tpu.memory_space<hbm>>
      tpu.enqueue_dma source(%dma_start3A_24 : memref<96xi32, #tpu.memory_space<hbm>>) target(%arg16 : memref<96xi32, #tpu.memory_space<vmem>>) target_semaphore(%arg24 : memref<!tpu.dma_semaphore, #tpu.memory_space<semaphore_mem>>)
      %dma_wait3A = tpu.memref_slice %arg4[%mul3A_2] : memref<322560xi32, #tpu.memory_space<hbm>> -> memref<96xi32, #tpu.memory_space<hbm>>
      %dma_wait3A_25 = tpu.memref_slice %arg4[%mul3A_2] : memref<322560xi32, #tpu.memory_space<hbm>> -> memref<96xi32, #tpu.memory_space<hbm>>
      tpu.wait_dma2 semaphore(%arg24 : memref<!tpu.dma_semaphore, #tpu.memory_space<semaphore_mem>>) src(%dma_wait3A_25 : memref<96xi32, #tpu.memory_space<hbm>>) dst(%arg12 : memref<96xi32, #tpu.memory_space<vmem>>)
      %dma_wait3A_26 = tpu.memref_slice %arg5[%mul3A_2] : memref<322560xi32, #tpu.memory_space<hbm>> -> memref<96xi32, #tpu.memory_space<hbm>>
      %dma_wait3A_27 = tpu.memref_slice %arg5[%mul3A_2] : memref<322560xi32, #tpu.memory_space<hbm>> -> memref<96xi32, #tpu.memory_space<hbm>>
      tpu.wait_dma2 semaphore(%arg24 : memref<!tpu.dma_semaphore, #tpu.memory_space<semaphore_mem>>) src(%dma_wait3A_27 : memref<96xi32, #tpu.memory_space<hbm>>) dst(%arg16 : memref<96xi32, #tpu.memory_space<vmem>>)
      %dma_start3A_28 = arith.constant 0 : i32
      %dma_start3A_29 = arith.constant 0 : i32
      %dma_start3A_30 = tpu.memref_slice %arg2[%dma_start3A_28, %dma_start3A_29] : memref<10112x128xf32, #tpu.memory_space<hbm>> -> memref<10112x128xf32, #tpu.memory_space<hbm>>
      tpu.enqueue_indirect_dma source(%dma_start3A_30 : memref<10112x128xf32, #tpu.memory_space<hbm>>) target(%arg20 : memref<96x128xf32, #tpu.memory_space<vmem>>) offsets(%arg12 : memref<96xi32, #tpu.memory_space<vmem>>) semaphore(%arg28 : memref<!tpu.dma_semaphore, #tpu.memory_space<semaphore_mem>>)
      %add3A_31 = arith.constant 96 : i32
      %add3A_32 = arith.addi %mul3A_2, %add3A_31 : i32
      %dma_start3A_33 = tpu.memref_slice %arg4[%add3A_32] : memref<322560xi32, #tpu.memory_space<hbm>> -> memref<96xi32, #tpu.memory_space<hbm>>
      %dma_start3A_34 = tpu.memref_slice %arg4[%add3A_32] : memref<322560xi32, #tpu.memory_space<hbm>> -> memref<96xi32, #tpu.memory_space<hbm>>
      tpu.enqueue_dma source(%dma_start3A_34 : memref<96xi32, #tpu.memory_space<hbm>>) target(%arg13 : memref<96xi32, #tpu.memory_space<vmem>>) target_semaphore(%arg25 : memref<!tpu.dma_semaphore, #tpu.memory_space<semaphore_mem>>)
      %dma_start3A_35 = tpu.memref_slice %arg5[%add3A_32] : memref<322560xi32, #tpu.memory_space<hbm>> -> memref<96xi32, #tpu.memory_space<hbm>>
      %dma_start3A_36 = tpu.memref_slice %arg5[%add3A_32] : memref<322560xi32, #tpu.memory_space<hbm>> -> memref<96xi32, #tpu.memory_space<hbm>>
      tpu.enqueue_dma source(%dma_start3A_36 : memref<96xi32, #tpu.memory_space<hbm>>) target(%arg17 : memref<96xi32, #tpu.memory_space<vmem>>) target_semaphore(%arg25 : memref<!tpu.dma_semaphore, #tpu.memory_space<semaphore_mem>>)
      %dma_wait3A_37 = tpu.memref_slice %arg4[%mul3A_2] : memref<322560xi32, #tpu.memory_space<hbm>> -> memref<96xi32, #tpu.memory_space<hbm>>
      %dma_wait3A_38 = tpu.memref_slice %arg4[%mul3A_2] : memref<322560xi32, #tpu.memory_space<hbm>> -> memref<96xi32, #tpu.memory_space<hbm>>
      tpu.wait_dma2 semaphore(%arg25 : memref<!tpu.dma_semaphore, #tpu.memory_space<semaphore_mem>>) src(%dma_wait3A_38 : memref<96xi32, #tpu.memory_space<hbm>>) dst(%arg13 : memref<96xi32, #tpu.memory_space<vmem>>)
      %dma_wait3A_39 = tpu.memref_slice %arg5[%mul3A_2] : memref<322560xi32, #tpu.memory_space<hbm>> -> memref<96xi32, #tpu.memory_space<hbm>>
      %dma_wait3A_40 = tpu.memref_slice %arg5[%mul3A_2] : memref<322560xi32, #tpu.memory_space<hbm>> -> memref<96xi32, #tpu.memory_space<hbm>>
      tpu.wait_dma2 semaphore(%arg25 : memref<!tpu.dma_semaphore, #tpu.memory_space<semaphore_mem>>) src(%dma_wait3A_40 : memref<96xi32, #tpu.memory_space<hbm>>) dst(%arg17 : memref<96xi32, #tpu.memory_space<vmem>>)
      %dma_start3A_41 = arith.constant 0 : i32
      %dma_start3A_42 = arith.constant 0 : i32
      %dma_start3A_43 = tpu.memref_slice %arg2[%dma_start3A_41, %dma_start3A_42] : memref<10112x128xf32, #tpu.memory_space<hbm>> -> memref<10112x128xf32, #tpu.memory_space<hbm>>
      tpu.enqueue_indirect_dma source(%dma_start3A_43 : memref<10112x128xf32, #tpu.memory_space<hbm>>) target(%arg21 : memref<96x128xf32, #tpu.memory_space<vmem>>) offsets(%arg13 : memref<96xi32, #tpu.memory_space<vmem>>) semaphore(%arg29 : memref<!tpu.dma_semaphore, #tpu.memory_space<semaphore_mem>>)
      %add3A_44 = arith.constant 192 : i32
      %add3A_45 = arith.addi %mul3A_2, %add3A_44 : i32
      %dma_start3A_46 = tpu.memref_slice %arg4[%add3A_45] : memref<322560xi32, #tpu.memory_space<hbm>> -> memref<96xi32, #tpu.memory_space<hbm>>
      %dma_start3A_47 = tpu.memref_slice %arg4[%add3A_45] : memref<322560xi32, #tpu.memory_space<hbm>> -> memref<96xi32, #tpu.memory_space<hbm>>
      tpu.enqueue_dma source(%dma_start3A_47 : memref<96xi32, #tpu.memory_space<hbm>>) target(%arg14 : memref<96xi32, #tpu.memory_space<vmem>>) target_semaphore(%arg26 : memref<!tpu.dma_semaphore, #tpu.memory_space<semaphore_mem>>)
      %dma_start3A_48 = tpu.memref_slice %arg5[%add3A_45] : memref<322560xi32, #tpu.memory_space<hbm>> -> memref<96xi32, #tpu.memory_space<hbm>>
      %dma_start3A_49 = tpu.memref_slice %arg5[%add3A_45] : memref<322560xi32, #tpu.memory_space<hbm>> -> memref<96xi32, #tpu.memory_space<hbm>>
      tpu.enqueue_dma source(%dma_start3A_49 : memref<96xi32, #tpu.memory_space<hbm>>) target(%arg18 : memref<96xi32, #tpu.memory_space<vmem>>) target_semaphore(%arg26 : memref<!tpu.dma_semaphore, #tpu.memory_space<semaphore_mem>>)
      %dma_wait3A_50 = tpu.memref_slice %arg4[%mul3A_2] : memref<322560xi32, #tpu.memory_space<hbm>> -> memref<96xi32, #tpu.memory_space<hbm>>
      %dma_wait3A_51 = tpu.memref_slice %arg4[%mul3A_2] : memref<322560xi32, #tpu.memory_space<hbm>> -> memref<96xi32, #tpu.memory_space<hbm>>
      tpu.wait_dma2 semaphore(%arg26 : memref<!tpu.dma_semaphore, #tpu.memory_space<semaphore_mem>>) src(%dma_wait3A_51 : memref<96xi32, #tpu.memory_space<hbm>>) dst(%arg14 : memref<96xi32, #tpu.memory_space<vmem>>)
      %dma_wait3A_52 = tpu.memref_slice %arg5[%mul3A_2] : memref<322560xi32, #tpu.memory_space<hbm>> -> memref<96xi32, #tpu.memory_space<hbm>>
      %dma_wait3A_53 = tpu.memref_slice %arg5[%mul3A_2] : memref<322560xi32, #tpu.memory_space<hbm>> -> memref<96xi32, #tpu.memory_space<hbm>>
      tpu.wait_dma2 semaphore(%arg26 : memref<!tpu.dma_semaphore, #tpu.memory_space<semaphore_mem>>) src(%dma_wait3A_53 : memref<96xi32, #tpu.memory_space<hbm>>) dst(%arg18 : memref<96xi32, #tpu.memory_space<vmem>>)
      %dma_start3A_54 = arith.constant 0 : i32
      %dma_start3A_55 = arith.constant 0 : i32
      %dma_start3A_56 = tpu.memref_slice %arg2[%dma_start3A_54, %dma_start3A_55] : memref<10112x128xf32, #tpu.memory_space<hbm>> -> memref<10112x128xf32, #tpu.memory_space<hbm>>
      tpu.enqueue_indirect_dma source(%dma_start3A_56 : memref<10112x128xf32, #tpu.memory_space<hbm>>) target(%arg22 : memref<96x128xf32, #tpu.memory_space<vmem>>) offsets(%arg14 : memref<96xi32, #tpu.memory_space<vmem>>) semaphore(%arg30 : memref<!tpu.dma_semaphore, #tpu.memory_space<semaphore_mem>>)
      %dma_wait3A_57 = arith.constant 0 : i32
      %dma_wait3A_58 = arith.constant 0 : i32
      %dma_wait3A_59 = tpu.memref_slice %arg2[%dma_wait3A_57, %dma_wait3A_58] : memref<10112x128xf32, #tpu.memory_space<hbm>> -> memref<10112x128xf32, #tpu.memory_space<hbm>>
      tpu.wait_indirect_dma semaphore(%arg28 : memref<!tpu.dma_semaphore, #tpu.memory_space<semaphore_mem>>) src(%dma_wait3A_59 : memref<10112x128xf32, #tpu.memory_space<hbm>>) dst(%arg20 : memref<96x128xf32, #tpu.memory_space<vmem>>)
      %dma_start3A_60 = arith.constant 0 : i32
      %dma_start3A_61 = arith.constant 0 : i32
      %dma_start3A_62 = tpu.memref_slice %arg11[%dma_start3A_60, %dma_start3A_61] : memref<10112x128xf32, #tpu.memory_space<vmem_shared>> -> memref<10112x128xf32, #tpu.memory_space<vmem_shared>>
      tpu.enqueue_indirect_dma source(%arg20 : memref<96x128xf32, #tpu.memory_space<vmem>>) target(%dma_start3A_62 : memref<10112x128xf32, #tpu.memory_space<vmem_shared>>) offsets(%arg16 : memref<96xi32, #tpu.memory_space<vmem>>) semaphore(%arg32 : memref<!tpu.dma_semaphore, #tpu.memory_space<semaphore_mem>>) {add = true}
      %add3A_63 = arith.constant 288 : i32
      %add3A_64 = arith.addi %mul3A_2, %add3A_63 : i32
      %dma_start3A_65 = tpu.memref_slice %arg4[%add3A_64] : memref<322560xi32, #tpu.memory_space<hbm>> -> memref<96xi32, #tpu.memory_space<hbm>>
      %dma_start3A_66 = tpu.memref_slice %arg4[%add3A_64] : memref<322560xi32, #tpu.memory_space<hbm>> -> memref<96xi32, #tpu.memory_space<hbm>>
      tpu.enqueue_dma source(%dma_start3A_66 : memref<96xi32, #tpu.memory_space<hbm>>) target(%arg15 : memref<96xi32, #tpu.memory_space<vmem>>) target_semaphore(%arg27 : memref<!tpu.dma_semaphore, #tpu.memory_space<semaphore_mem>>)
      %dma_start3A_67 = tpu.memref_slice %arg5[%add3A_64] : memref<322560xi32, #tpu.memory_space<hbm>> -> memref<96xi32, #tpu.memory_space<hbm>>
      %dma_start3A_68 = tpu.memref_slice %arg5[%add3A_64] : memref<322560xi32, #tpu.memory_space<hbm>> -> memref<96xi32, #tpu.memory_space<hbm>>
      tpu.enqueue_dma source(%dma_start3A_68 : memref<96xi32, #tpu.memory_space<hbm>>) target(%arg19 : memref<96xi32, #tpu.memory_space<vmem>>) target_semaphore(%arg27 : memref<!tpu.dma_semaphore, #tpu.memory_space<semaphore_mem>>)
      %scan3A = arith.constant 0 : i32
      %scan3A_69 = arith.constant 0 : i32
      %scan3A_70 = arith.constant 51 : i32
      %scan3A_71 = arith.addi %scan3A_69, %scan3A_70 : i32
      %scan3A_72 = arith.constant 1 : i32
      %scan3A_73 = scf.for %scan3A_156 = %scan3A_69 to %scan3A_71 step %scan3A_72 iter_args(%scan3A_157 = %scan3A) -> (i32)  : i32 {
        %mul3A_158 = arith.constant 4 : i32
        %mul3A_159 = arith.muli %mul3A_158, %scan3A_156 : i32
        %add3A_160 = arith.constant 3 : i32
        %add3A_161 = arith.addi %add3A_160, %mul3A_159 : i32
        %dma_wait3A_162 = tpu.memref_slice %arg4[%mul3A_2] : memref<322560xi32, #tpu.memory_space<hbm>> -> memref<96xi32, #tpu.memory_space<hbm>>
        %dma_wait3A_163 = tpu.memref_slice %arg4[%mul3A_2] : memref<322560xi32, #tpu.memory_space<hbm>> -> memref<96xi32, #tpu.memory_space<hbm>>
        tpu.wait_dma2 semaphore(%arg27 : memref<!tpu.dma_semaphore, #tpu.memory_space<semaphore_mem>>) src(%dma_wait3A_163 : memref<96xi32, #tpu.memory_space<hbm>>) dst(%arg15 : memref<96xi32, #tpu.memory_space<vmem>>)
        %dma_wait3A_164 = tpu.memref_slice %arg5[%mul3A_2] : memref<322560xi32, #tpu.memory_space<hbm>> -> memref<96xi32, #tpu.memory_space<hbm>>
        %dma_wait3A_165 = tpu.memref_slice %arg5[%mul3A_2] : memref<322560xi32, #tpu.memory_space<hbm>> -> memref<96xi32, #tpu.memory_space<hbm>>
        tpu.wait_dma2 semaphore(%arg27 : memref<!tpu.dma_semaphore, #tpu.memory_space<semaphore_mem>>) src(%dma_wait3A_165 : memref<96xi32, #tpu.memory_space<hbm>>) dst(%arg19 : memref<96xi32, #tpu.memory_space<vmem>>)
        %dma_start3A_166 = arith.constant 0 : i32
        %dma_start3A_167 = arith.constant 0 : i32
        %dma_start3A_168 = tpu.memref_slice %arg2[%dma_start3A_166, %dma_start3A_167] : memref<10112x128xf32, #tpu.memory_space<hbm>> -> memref<10112x128xf32, #tpu.memory_space<hbm>>
        tpu.enqueue_indirect_dma source(%dma_start3A_168 : memref<10112x128xf32, #tpu.memory_space<hbm>>) target(%arg23 : memref<96x128xf32, #tpu.memory_space<vmem>>) offsets(%arg15 : memref<96xi32, #tpu.memory_space<vmem>>) semaphore(%arg31 : memref<!tpu.dma_semaphore, #tpu.memory_space<semaphore_mem>>)
        %dma_wait3A_169 = arith.constant 0 : i32
        %dma_wait3A_170 = arith.constant 0 : i32
        %dma_wait3A_171 = tpu.memref_slice %arg2[%dma_wait3A_169, %dma_wait3A_170] : memref<10112x128xf32, #tpu.memory_space<hbm>> -> memref<10112x128xf32, #tpu.memory_space<hbm>>
        tpu.wait_indirect_dma semaphore(%arg29 : memref<!tpu.dma_semaphore, #tpu.memory_space<semaphore_mem>>) src(%dma_wait3A_171 : memref<10112x128xf32, #tpu.memory_space<hbm>>) dst(%arg21 : memref<96x128xf32, #tpu.memory_space<vmem>>)
        %dma_start3A_172 = arith.constant 0 : i32
        %dma_start3A_173 = arith.constant 0 : i32
        %dma_start3A_174 = tpu.memref_slice %arg11[%dma_start3A_172, %dma_start3A_173] : memref<10112x128xf32, #tpu.memory_space<vmem_shared>> -> memref<10112x128xf32, #tpu.memory_space<vmem_shared>>
        tpu.enqueue_indirect_dma source(%arg21 : memref<96x128xf32, #tpu.memory_space<vmem>>) target(%dma_start3A_174 : memref<10112x128xf32, #tpu.memory_space<vmem_shared>>) offsets(%arg17 : memref<96xi32, #tpu.memory_space<vmem>>) semaphore(%arg33 : memref<!tpu.dma_semaphore, #tpu.memory_space<semaphore_mem>>) {add = true}
        %dma_wait3A_175 = arith.constant 0 : i32
        %dma_wait3A_176 = arith.constant 0 : i32
        %dma_wait3A_177 = tpu.memref_slice %arg11[%dma_wait3A_175, %dma_wait3A_176] : memref<10112x128xf32, #tpu.memory_space<vmem_shared>> -> memref<10112x128xf32, #tpu.memory_space<vmem_shared>>
        tpu.wait_indirect_dma semaphore(%arg32 : memref<!tpu.dma_semaphore, #tpu.memory_space<semaphore_mem>>) src(%arg20 : memref<96x128xf32, #tpu.memory_space<vmem>>) dst(%dma_wait3A_177 : memref<10112x128xf32, #tpu.memory_space<vmem_shared>>)
        %add3A_178 = arith.constant 1 : i32
        %add3A_179 = arith.addi %add3A_161, %add3A_178 : i32
        %mul3A_180 = arith.constant 96 : i32
        %mul3A_181 = arith.muli %add3A_179, %mul3A_180 : i32
        %add3A_182 = arith.addi %mul3A_2, %mul3A_181 : i32
        %dma_start3A_183 = tpu.memref_slice %arg4[%add3A_182] : memref<322560xi32, #tpu.memory_space<hbm>> -> memref<96xi32, #tpu.memory_space<hbm>>
        %dma_start3A_184 = tpu.memref_slice %arg4[%add3A_182] : memref<322560xi32, #tpu.memory_space<hbm>> -> memref<96xi32, #tpu.memory_space<hbm>>
        tpu.enqueue_dma source(%dma_start3A_184 : memref<96xi32, #tpu.memory_space<hbm>>) target(%arg12 : memref<96xi32, #tpu.memory_space<vmem>>) target_semaphore(%arg24 : memref<!tpu.dma_semaphore, #tpu.memory_space<semaphore_mem>>)
        %dma_start3A_185 = tpu.memref_slice %arg5[%add3A_182] : memref<322560xi32, #tpu.memory_space<hbm>> -> memref<96xi32, #tpu.memory_space<hbm>>
        %dma_start3A_186 = tpu.memref_slice %arg5[%add3A_182] : memref<322560xi32, #tpu.memory_space<hbm>> -> memref<96xi32, #tpu.memory_space<hbm>>
        tpu.enqueue_dma source(%dma_start3A_186 : memref<96xi32, #tpu.memory_space<hbm>>) target(%arg16 : memref<96xi32, #tpu.memory_space<vmem>>) target_semaphore(%arg24 : memref<!tpu.dma_semaphore, #tpu.memory_space<semaphore_mem>>)
        %add3A_187 = arith.constant 1 : i32
        %add3A_188 = arith.addi %add3A_161, %add3A_187 : i32
        %dma_wait3A_189 = tpu.memref_slice %arg4[%mul3A_2] : memref<322560xi32, #tpu.memory_space<hbm>> -> memref<96xi32, #tpu.memory_space<hbm>>
        %dma_wait3A_190 = tpu.memref_slice %arg4[%mul3A_2] : memref<322560xi32, #tpu.memory_space<hbm>> -> memref<96xi32, #tpu.memory_space<hbm>>
        tpu.wait_dma2 semaphore(%arg24 : memref<!tpu.dma_semaphore, #tpu.memory_space<semaphore_mem>>) src(%dma_wait3A_190 : memref<96xi32, #tpu.memory_space<hbm>>) dst(%arg12 : memref<96xi32, #tpu.memory_space<vmem>>)
        %dma_wait3A_191 = tpu.memref_slice %arg5[%mul3A_2] : memref<322560xi32, #tpu.memory_space<hbm>> -> memref<96xi32, #tpu.memory_space<hbm>>
        %dma_wait3A_192 = tpu.memref_slice %arg5[%mul3A_2] : memref<322560xi32, #tpu.memory_space<hbm>> -> memref<96xi32, #tpu.memory_space<hbm>>
        tpu.wait_dma2 semaphore(%arg24 : memref<!tpu.dma_semaphore, #tpu.memory_space<semaphore_mem>>) src(%dma_wait3A_192 : memref<96xi32, #tpu.memory_space<hbm>>) dst(%arg16 : memref<96xi32, #tpu.memory_space<vmem>>)
        %dma_start3A_193 = arith.constant 0 : i32
        %dma_start3A_194 = arith.constant 0 : i32
        %dma_start3A_195 = tpu.memref_slice %arg2[%dma_start3A_193, %dma_start3A_194] : memref<10112x128xf32, #tpu.memory_space<hbm>> -> memref<10112x128xf32, #tpu.memory_space<hbm>>
        tpu.enqueue_indirect_dma source(%dma_start3A_195 : memref<10112x128xf32, #tpu.memory_space<hbm>>) target(%arg20 : memref<96x128xf32, #tpu.memory_space<vmem>>) offsets(%arg12 : memref<96xi32, #tpu.memory_space<vmem>>) semaphore(%arg28 : memref<!tpu.dma_semaphore, #tpu.memory_space<semaphore_mem>>)
        %dma_wait3A_196 = arith.constant 0 : i32
        %dma_wait3A_197 = arith.constant 0 : i32
        %dma_wait3A_198 = tpu.memref_slice %arg2[%dma_wait3A_196, %dma_wait3A_197] : memref<10112x128xf32, #tpu.memory_space<hbm>> -> memref<10112x128xf32, #tpu.memory_space<hbm>>
        tpu.wait_indirect_dma semaphore(%arg30 : memref<!tpu.dma_semaphore, #tpu.memory_space<semaphore_mem>>) src(%dma_wait3A_198 : memref<10112x128xf32, #tpu.memory_space<hbm>>) dst(%arg22 : memref<96x128xf32, #tpu.memory_space<vmem>>)
        %dma_start3A_199 = arith.constant 0 : i32
        %dma_start3A_200 = arith.constant 0 : i32
        %dma_start3A_201 = tpu.memref_slice %arg11[%dma_start3A_199, %dma_start3A_200] : memref<10112x128xf32, #tpu.memory_space<vmem_shared>> -> memref<10112x128xf32, #tpu.memory_space<vmem_shared>>
        tpu.enqueue_indirect_dma source(%arg22 : memref<96x128xf32, #tpu.memory_space<vmem>>) target(%dma_start3A_201 : memref<10112x128xf32, #tpu.memory_space<vmem_shared>>) offsets(%arg18 : memref<96xi32, #tpu.memory_space<vmem>>) semaphore(%arg34 : memref<!tpu.dma_semaphore, #tpu.memory_space<semaphore_mem>>) {add = true}
        %dma_wait3A_202 = arith.constant 0 : i32
        %dma_wait3A_203 = arith.constant 0 : i32
        %dma_wait3A_204 = tpu.memref_slice %arg11[%dma_wait3A_202, %dma_wait3A_203] : memref<10112x128xf32, #tpu.memory_space<vmem_shared>> -> memref<10112x128xf32, #tpu.memory_space<vmem_shared>>
        tpu.wait_indirect_dma semaphore(%arg33 : memref<!tpu.dma_semaphore, #tpu.memory_space<semaphore_mem>>) src(%arg21 : memref<96x128xf32, #tpu.memory_space<vmem>>) dst(%dma_wait3A_204 : memref<10112x128xf32, #tpu.memory_space<vmem_shared>>)
        %add3A_205 = arith.constant 1 : i32
        %add3A_206 = arith.addi %add3A_188, %add3A_205 : i32
        %mul3A_207 = arith.constant 96 : i32
        %mul3A_208 = arith.muli %add3A_206, %mul3A_207 : i32
        %add3A_209 = arith.addi %mul3A_2, %mul3A_208 : i32
        %dma_start3A_210 = tpu.memref_slice %arg4[%add3A_209] : memref<322560xi32, #tpu.memory_space<hbm>> -> memref<96xi32, #tpu.memory_space<hbm>>
        %dma_start3A_211 = tpu.memref_slice %arg4[%add3A_209] : memref<322560xi32, #tpu.memory_space<hbm>> -> memref<96xi32, #tpu.memory_space<hbm>>
        tpu.enqueue_dma source(%dma_start3A_211 : memref<96xi32, #tpu.memory_space<hbm>>) target(%arg13 : memref<96xi32, #tpu.memory_space<vmem>>) target_semaphore(%arg25 : memref<!tpu.dma_semaphore, #tpu.memory_space<semaphore_mem>>)
        %dma_start3A_212 = tpu.memref_slice %arg5[%add3A_209] : memref<322560xi32, #tpu.memory_space<hbm>> -> memref<96xi32, #tpu.memory_space<hbm>>
        %dma_start3A_213 = tpu.memref_slice %arg5[%add3A_209] : memref<322560xi32, #tpu.memory_space<hbm>> -> memref<96xi32, #tpu.memory_space<hbm>>
        tpu.enqueue_dma source(%dma_start3A_213 : memref<96xi32, #tpu.memory_space<hbm>>) target(%arg17 : memref<96xi32, #tpu.memory_space<vmem>>) target_semaphore(%arg25 : memref<!tpu.dma_semaphore, #tpu.memory_space<semaphore_mem>>)
        %add3A_214 = arith.constant 2 : i32
        %add3A_215 = arith.addi %add3A_161, %add3A_214 : i32
        %dma_wait3A_216 = tpu.memref_slice %arg4[%mul3A_2] : memref<322560xi32, #tpu.memory_space<hbm>> -> memref<96xi32, #tpu.memory_space<hbm>>
        %dma_wait3A_217 = tpu.memref_slice %arg4[%mul3A_2] : memref<322560xi32, #tpu.memory_space<hbm>> -> memref<96xi32, #tpu.memory_space<hbm>>
        tpu.wait_dma2 semaphore(%arg25 : memref<!tpu.dma_semaphore, #tpu.memory_space<semaphore_mem>>) src(%dma_wait3A_217 : memref<96xi32, #tpu.memory_space<hbm>>) dst(%arg13 : memref<96xi32, #tpu.memory_space<vmem>>)
        %dma_wait3A_218 = tpu.memref_slice %arg5[%mul3A_2] : memref<322560xi32, #tpu.memory_space<hbm>> -> memref<96xi32, #tpu.memory_space<hbm>>
        %dma_wait3A_219 = tpu.memref_slice %arg5[%mul3A_2] : memref<322560xi32, #tpu.memory_space<hbm>> -> memref<96xi32, #tpu.memory_space<hbm>>
        tpu.wait_dma2 semaphore(%arg25 : memref<!tpu.dma_semaphore, #tpu.memory_space<semaphore_mem>>) src(%dma_wait3A_219 : memref<96xi32, #tpu.memory_space<hbm>>) dst(%arg17 : memref<96xi32, #tpu.memory_space<vmem>>)
        %dma_start3A_220 = arith.constant 0 : i32
        %dma_start3A_221 = arith.constant 0 : i32
        %dma_start3A_222 = tpu.memref_slice %arg2[%dma_start3A_220, %dma_start3A_221] : memref<10112x128xf32, #tpu.memory_space<hbm>> -> memref<10112x128xf32, #tpu.memory_space<hbm>>
        tpu.enqueue_indirect_dma source(%dma_start3A_222 : memref<10112x128xf32, #tpu.memory_space<hbm>>) target(%arg21 : memref<96x128xf32, #tpu.memory_space<vmem>>) offsets(%arg13 : memref<96xi32, #tpu.memory_space<vmem>>) semaphore(%arg29 : memref<!tpu.dma_semaphore, #tpu.memory_space<semaphore_mem>>)
        %dma_wait3A_223 = arith.constant 0 : i32
        %dma_wait3A_224 = arith.constant 0 : i32
        %dma_wait3A_225 = tpu.memref_slice %arg2[%dma_wait3A_223, %dma_wait3A_224] : memref<10112x128xf32, #tpu.memory_space<hbm>> -> memref<10112x128xf32, #tpu.memory_space<hbm>>
        tpu.wait_indirect_dma semaphore(%arg31 : memref<!tpu.dma_semaphore, #tpu.memory_space<semaphore_mem>>) src(%dma_wait3A_225 : memref<10112x128xf32, #tpu.memory_space<hbm>>) dst(%arg23 : memref<96x128xf32, #tpu.memory_space<vmem>>)
        %dma_start3A_226 = arith.constant 0 : i32
        %dma_start3A_227 = arith.constant 0 : i32
        %dma_start3A_228 = tpu.memref_slice %arg11[%dma_start3A_226, %dma_start3A_227] : memref<10112x128xf32, #tpu.memory_space<vmem_shared>> -> memref<10112x128xf32, #tpu.memory_space<vmem_shared>>
        tpu.enqueue_indirect_dma source(%arg23 : memref<96x128xf32, #tpu.memory_space<vmem>>) target(%dma_start3A_228 : memref<10112x128xf32, #tpu.memory_space<vmem_shared>>) offsets(%arg19 : memref<96xi32, #tpu.memory_space<vmem>>) semaphore(%arg35 : memref<!tpu.dma_semaphore, #tpu.memory_space<semaphore_mem>>) {add = true}
        %dma_wait3A_229 = arith.constant 0 : i32
        %dma_wait3A_230 = arith.constant 0 : i32
        %dma_wait3A_231 = tpu.memref_slice %arg11[%dma_wait3A_229, %dma_wait3A_230] : memref<10112x128xf32, #tpu.memory_space<vmem_shared>> -> memref<10112x128xf32, #tpu.memory_space<vmem_shared>>
        tpu.wait_indirect_dma semaphore(%arg34 : memref<!tpu.dma_semaphore, #tpu.memory_space<semaphore_mem>>) src(%arg22 : memref<96x128xf32, #tpu.memory_space<vmem>>) dst(%dma_wait3A_231 : memref<10112x128xf32, #tpu.memory_space<vmem_shared>>)
        %add3A_232 = arith.constant 1 : i32
        %add3A_233 = arith.addi %add3A_215, %add3A_232 : i32
        %mul3A_234 = arith.constant 96 : i32
        %mul3A_235 = arith.muli %add3A_233, %mul3A_234 : i32
        %add3A_236 = arith.addi %mul3A_2, %mul3A_235 : i32
        %dma_start3A_237 = tpu.memref_slice %arg4[%add3A_236] : memref<322560xi32, #tpu.memory_space<hbm>> -> memref<96xi32, #tpu.memory_space<hbm>>
        %dma_start3A_238 = tpu.memref_slice %arg4[%add3A_236] : memref<322560xi32, #tpu.memory_space<hbm>> -> memref<96xi32, #tpu.memory_space<hbm>>
        tpu.enqueue_dma source(%dma_start3A_238 : memref<96xi32, #tpu.memory_space<hbm>>) target(%arg14 : memref<96xi32, #tpu.memory_space<vmem>>) target_semaphore(%arg26 : memref<!tpu.dma_semaphore, #tpu.memory_space<semaphore_mem>>)
        %dma_start3A_239 = tpu.memref_slice %arg5[%add3A_236] : memref<322560xi32, #tpu.memory_space<hbm>> -> memref<96xi32, #tpu.memory_space<hbm>>
        %dma_start3A_240 = tpu.memref_slice %arg5[%add3A_236] : memref<322560xi32, #tpu.memory_space<hbm>> -> memref<96xi32, #tpu.memory_space<hbm>>
        tpu.enqueue_dma source(%dma_start3A_240 : memref<96xi32, #tpu.memory_space<hbm>>) target(%arg18 : memref<96xi32, #tpu.memory_space<vmem>>) target_semaphore(%arg26 : memref<!tpu.dma_semaphore, #tpu.memory_space<semaphore_mem>>)
        %add3A_241 = arith.constant 3 : i32
        %add3A_242 = arith.addi %add3A_161, %add3A_241 : i32
        %dma_wait3A_243 = tpu.memref_slice %arg4[%mul3A_2] : memref<322560xi32, #tpu.memory_space<hbm>> -> memref<96xi32, #tpu.memory_space<hbm>>
        %dma_wait3A_244 = tpu.memref_slice %arg4[%mul3A_2] : memref<322560xi32, #tpu.memory_space<hbm>> -> memref<96xi32, #tpu.memory_space<hbm>>
        tpu.wait_dma2 semaphore(%arg26 : memref<!tpu.dma_semaphore, #tpu.memory_space<semaphore_mem>>) src(%dma_wait3A_244 : memref<96xi32, #tpu.memory_space<hbm>>) dst(%arg14 : memref<96xi32, #tpu.memory_space<vmem>>)
        %dma_wait3A_245 = tpu.memref_slice %arg5[%mul3A_2] : memref<322560xi32, #tpu.memory_space<hbm>> -> memref<96xi32, #tpu.memory_space<hbm>>
        %dma_wait3A_246 = tpu.memref_slice %arg5[%mul3A_2] : memref<322560xi32, #tpu.memory_space<hbm>> -> memref<96xi32, #tpu.memory_space<hbm>>
        tpu.wait_dma2 semaphore(%arg26 : memref<!tpu.dma_semaphore, #tpu.memory_space<semaphore_mem>>) src(%dma_wait3A_246 : memref<96xi32, #tpu.memory_space<hbm>>) dst(%arg18 : memref<96xi32, #tpu.memory_space<vmem>>)
        %dma_start3A_247 = arith.constant 0 : i32
        %dma_start3A_248 = arith.constant 0 : i32
        %dma_start3A_249 = tpu.memref_slice %arg2[%dma_start3A_247, %dma_start3A_248] : memref<10112x128xf32, #tpu.memory_space<hbm>> -> memref<10112x128xf32, #tpu.memory_space<hbm>>
        tpu.enqueue_indirect_dma source(%dma_start3A_249 : memref<10112x128xf32, #tpu.memory_space<hbm>>) target(%arg22 : memref<96x128xf32, #tpu.memory_space<vmem>>) offsets(%arg14 : memref<96xi32, #tpu.memory_space<vmem>>) semaphore(%arg30 : memref<!tpu.dma_semaphore, #tpu.memory_space<semaphore_mem>>)
        %dma_wait3A_250 = arith.constant 0 : i32
        %dma_wait3A_251 = arith.constant 0 : i32
        %dma_wait3A_252 = tpu.memref_slice %arg2[%dma_wait3A_250, %dma_wait3A_251] : memref<10112x128xf32, #tpu.memory_space<hbm>> -> memref<10112x128xf32, #tpu.memory_space<hbm>>
        tpu.wait_indirect_dma semaphore(%arg28 : memref<!tpu.dma_semaphore, #tpu.memory_space<semaphore_mem>>) src(%dma_wait3A_252 : memref<10112x128xf32, #tpu.memory_space<hbm>>) dst(%arg20 : memref<96x128xf32, #tpu.memory_space<vmem>>)
        %dma_start3A_253 = arith.constant 0 : i32
        %dma_start3A_254 = arith.constant 0 : i32
        %dma_start3A_255 = tpu.memref_slice %arg11[%dma_start3A_253, %dma_start3A_254] : memref<10112x128xf32, #tpu.memory_space<vmem_shared>> -> memref<10112x128xf32, #tpu.memory_space<vmem_shared>>
        tpu.enqueue_indirect_dma source(%arg20 : memref<96x128xf32, #tpu.memory_space<vmem>>) target(%dma_start3A_255 : memref<10112x128xf32, #tpu.memory_space<vmem_shared>>) offsets(%arg16 : memref<96xi32, #tpu.memory_space<vmem>>) semaphore(%arg32 : memref<!tpu.dma_semaphore, #tpu.memory_space<semaphore_mem>>) {add = true}
        %dma_wait3A_256 = arith.constant 0 : i32
        %dma_wait3A_257 = arith.constant 0 : i32
        %dma_wait3A_258 = tpu.memref_slice %arg11[%dma_wait3A_256, %dma_wait3A_257] : memref<10112x128xf32, #tpu.memory_space<vmem_shared>> -> memref<10112x128xf32, #tpu.memory_space<vmem_shared>>
        tpu.wait_indirect_dma semaphore(%arg35 : memref<!tpu.dma_semaphore, #tpu.memory_space<semaphore_mem>>) src(%arg23 : memref<96x128xf32, #tpu.memory_space<vmem>>) dst(%dma_wait3A_258 : memref<10112x128xf32, #tpu.memory_space<vmem_shared>>)
        %add3A_259 = arith.constant 1 : i32
        %add3A_260 = arith.addi %add3A_242, %add3A_259 : i32
        %mul3A_261 = arith.constant 96 : i32
        %mul3A_262 = arith.muli %add3A_260, %mul3A_261 : i32
        %add3A_263 = arith.addi %mul3A_2, %mul3A_262 : i32
        %dma_start3A_264 = tpu.memref_slice %arg4[%add3A_263] : memref<322560xi32, #tpu.memory_space<hbm>> -> memref<96xi32, #tpu.memory_space<hbm>>
        %dma_start3A_265 = tpu.memref_slice %arg4[%add3A_263] : memref<322560xi32, #tpu.memory_space<hbm>> -> memref<96xi32, #tpu.memory_space<hbm>>
        tpu.enqueue_dma source(%dma_start3A_265 : memref<96xi32, #tpu.memory_space<hbm>>) target(%arg15 : memref<96xi32, #tpu.memory_space<vmem>>) target_semaphore(%arg27 : memref<!tpu.dma_semaphore, #tpu.memory_space<semaphore_mem>>)
        %dma_start3A_266 = tpu.memref_slice %arg5[%add3A_263] : memref<322560xi32, #tpu.memory_space<hbm>> -> memref<96xi32, #tpu.memory_space<hbm>>
        %dma_start3A_267 = tpu.memref_slice %arg5[%add3A_263] : memref<322560xi32, #tpu.memory_space<hbm>> -> memref<96xi32, #tpu.memory_space<hbm>>
        tpu.enqueue_dma source(%dma_start3A_267 : memref<96xi32, #tpu.memory_space<hbm>>) target(%arg19 : memref<96xi32, #tpu.memory_space<vmem>>) target_semaphore(%arg27 : memref<!tpu.dma_semaphore, #tpu.memory_space<semaphore_mem>>)
        %scan3A_268 = arith.constant 0 : i32
        scf.yield %scan3A_268 : i32
      }
      %scan3A_74 = arith.constant 51 : i32
      %dma_wait3A_75 = tpu.memref_slice %arg4[%mul3A_2] : memref<322560xi32, #tpu.memory_space<hbm>> -> memref<96xi32, #tpu.memory_space<hbm>>
      %dma_wait3A_76 = tpu.memref_slice %arg4[%mul3A_2] : memref<322560xi32, #tpu.memory_space<hbm>> -> memref<96xi32, #tpu.memory_space<hbm>>
      tpu.wait_dma2 semaphore(%arg27 : memref<!tpu.dma_semaphore, #tpu.memory_space<semaphore_mem>>) src(%dma_wait3A_76 : memref<96xi32, #tpu.memory_space<hbm>>) dst(%arg15 : memref<96xi32, #tpu.memory_space<vmem>>)
      %dma_wait3A_77 = tpu.memref_slice %arg5[%mul3A_2] : memref<322560xi32, #tpu.memory_space<hbm>> -> memref<96xi32, #tpu.memory_space<hbm>>
      %dma_wait3A_78 = tpu.memref_slice %arg5[%mul3A_2] : memref<322560xi32, #tpu.memory_space<hbm>> -> memref<96xi32, #tpu.memory_space<hbm>>
      tpu.wait_dma2 semaphore(%arg27 : memref<!tpu.dma_semaphore, #tpu.memory_space<semaphore_mem>>) src(%dma_wait3A_78 : memref<96xi32, #tpu.memory_space<hbm>>) dst(%arg19 : memref<96xi32, #tpu.memory_space<vmem>>)
      %dma_start3A_79 = arith.constant 0 : i32
      %dma_start3A_80 = arith.constant 0 : i32
      %dma_start3A_81 = tpu.memref_slice %arg2[%dma_start3A_79, %dma_start3A_80] : memref<10112x128xf32, #tpu.memory_space<hbm>> -> memref<10112x128xf32, #tpu.memory_space<hbm>>
      tpu.enqueue_indirect_dma source(%dma_start3A_81 : memref<10112x128xf32, #tpu.memory_space<hbm>>) target(%arg23 : memref<96x128xf32, #tpu.memory_space<vmem>>) offsets(%arg15 : memref<96xi32, #tpu.memory_space<vmem>>) semaphore(%arg31 : memref<!tpu.dma_semaphore, #tpu.memory_space<semaphore_mem>>)
      %dma_wait3A_82 = arith.constant 0 : i32
      %dma_wait3A_83 = arith.constant 0 : i32
      %dma_wait3A_84 = tpu.memref_slice %arg2[%dma_wait3A_82, %dma_wait3A_83] : memref<10112x128xf32, #tpu.memory_space<hbm>> -> memref<10112x128xf32, #tpu.memory_space<hbm>>
      tpu.wait_indirect_dma semaphore(%arg29 : memref<!tpu.dma_semaphore, #tpu.memory_space<semaphore_mem>>) src(%dma_wait3A_84 : memref<10112x128xf32, #tpu.memory_space<hbm>>) dst(%arg21 : memref<96x128xf32, #tpu.memory_space<vmem>>)
      %dma_start3A_85 = arith.constant 0 : i32
      %dma_start3A_86 = arith.constant 0 : i32
      %dma_start3A_87 = tpu.memref_slice %arg11[%dma_start3A_85, %dma_start3A_86] : memref<10112x128xf32, #tpu.memory_space<vmem_shared>> -> memref<10112x128xf32, #tpu.memory_space<vmem_shared>>
      tpu.enqueue_indirect_dma source(%arg21 : memref<96x128xf32, #tpu.memory_space<vmem>>) target(%dma_start3A_87 : memref<10112x128xf32, #tpu.memory_space<vmem_shared>>) offsets(%arg17 : memref<96xi32, #tpu.memory_space<vmem>>) semaphore(%arg33 : memref<!tpu.dma_semaphore, #tpu.memory_space<semaphore_mem>>) {add = true}
      %dma_wait3A_88 = arith.constant 0 : i32
      %dma_wait3A_89 = arith.constant 0 : i32
      %dma_wait3A_90 = tpu.memref_slice %arg11[%dma_wait3A_88, %dma_wait3A_89] : memref<10112x128xf32, #tpu.memory_space<vmem_shared>> -> memref<10112x128xf32, #tpu.memory_space<vmem_shared>>
      tpu.wait_indirect_dma semaphore(%arg32 : memref<!tpu.dma_semaphore, #tpu.memory_space<semaphore_mem>>) src(%arg20 : memref<96x128xf32, #tpu.memory_space<vmem>>) dst(%dma_wait3A_90 : memref<10112x128xf32, #tpu.memory_space<vmem_shared>>)
      %add3A_91 = arith.constant 19968 : i32
      %add3A_92 = arith.addi %mul3A_2, %add3A_91 : i32
      %dma_start3A_93 = tpu.memref_slice %arg4[%add3A_92] : memref<322560xi32, #tpu.memory_space<hbm>> -> memref<96xi32, #tpu.memory_space<hbm>>
      %dma_start3A_94 = tpu.memref_slice %arg4[%add3A_92] : memref<322560xi32, #tpu.memory_space<hbm>> -> memref<96xi32, #tpu.memory_space<hbm>>
      tpu.enqueue_dma source(%dma_start3A_94 : memref<96xi32, #tpu.memory_space<hbm>>) target(%arg12 : memref<96xi32, #tpu.memory_space<vmem>>) target_semaphore(%arg24 : memref<!tpu.dma_semaphore, #tpu.memory_space<semaphore_mem>>)
      %dma_start3A_95 = tpu.memref_slice %arg5[%add3A_92] : memref<322560xi32, #tpu.memory_space<hbm>> -> memref<96xi32, #tpu.memory_space<hbm>>
      %dma_start3A_96 = tpu.memref_slice %arg5[%add3A_92] : memref<322560xi32, #tpu.memory_space<hbm>> -> memref<96xi32, #tpu.memory_space<hbm>>
      tpu.enqueue_dma source(%dma_start3A_96 : memref<96xi32, #tpu.memory_space<hbm>>) target(%arg16 : memref<96xi32, #tpu.memory_space<vmem>>) target_semaphore(%arg24 : memref<!tpu.dma_semaphore, #tpu.memory_space<semaphore_mem>>)
      %dma_wait3A_97 = tpu.memref_slice %arg4[%mul3A_2] : memref<322560xi32, #tpu.memory_space<hbm>> -> memref<96xi32, #tpu.memory_space<hbm>>
      %dma_wait3A_98 = tpu.memref_slice %arg4[%mul3A_2] : memref<322560xi32, #tpu.memory_space<hbm>> -> memref<96xi32, #tpu.memory_space<hbm>>
      tpu.wait_dma2 semaphore(%arg24 : memref<!tpu.dma_semaphore, #tpu.memory_space<semaphore_mem>>) src(%dma_wait3A_98 : memref<96xi32, #tpu.memory_space<hbm>>) dst(%arg12 : memref<96xi32, #tpu.memory_space<vmem>>)
      %dma_wait3A_99 = tpu.memref_slice %arg5[%mul3A_2] : memref<322560xi32, #tpu.memory_space<hbm>> -> memref<96xi32, #tpu.memory_space<hbm>>
      %dma_wait3A_100 = tpu.memref_slice %arg5[%mul3A_2] : memref<322560xi32, #tpu.memory_space<hbm>> -> memref<96xi32, #tpu.memory_space<hbm>>
      tpu.wait_dma2 semaphore(%arg24 : memref<!tpu.dma_semaphore, #tpu.memory_space<semaphore_mem>>) src(%dma_wait3A_100 : memref<96xi32, #tpu.memory_space<hbm>>) dst(%arg16 : memref<96xi32, #tpu.memory_space<vmem>>)
      %dma_start3A_101 = arith.constant 0 : i32
      %dma_start3A_102 = arith.constant 0 : i32
      %dma_start3A_103 = tpu.memref_slice %arg2[%dma_start3A_101, %dma_start3A_102] : memref<10112x128xf32, #tpu.memory_space<hbm>> -> memref<10112x128xf32, #tpu.memory_space<hbm>>
      tpu.enqueue_indirect_dma source(%dma_start3A_103 : memref<10112x128xf32, #tpu.memory_space<hbm>>) target(%arg20 : memref<96x128xf32, #tpu.memory_space<vmem>>) offsets(%arg12 : memref<96xi32, #tpu.memory_space<vmem>>) semaphore(%arg28 : memref<!tpu.dma_semaphore, #tpu.memory_space<semaphore_mem>>)
      %dma_wait3A_104 = arith.constant 0 : i32
      %dma_wait3A_105 = arith.constant 0 : i32
      %dma_wait3A_106 = tpu.memref_slice %arg2[%dma_wait3A_104, %dma_wait3A_105] : memref<10112x128xf32, #tpu.memory_space<hbm>> -> memref<10112x128xf32, #tpu.memory_space<hbm>>
      tpu.wait_indirect_dma semaphore(%arg30 : memref<!tpu.dma_semaphore, #tpu.memory_space<semaphore_mem>>) src(%dma_wait3A_106 : memref<10112x128xf32, #tpu.memory_space<hbm>>) dst(%arg22 : memref<96x128xf32, #tpu.memory_space<vmem>>)
      %dma_start3A_107 = arith.constant 0 : i32
      %dma_start3A_108 = arith.constant 0 : i32
      %dma_start3A_109 = tpu.memref_slice %arg11[%dma_start3A_107, %dma_start3A_108] : memref<10112x128xf32, #tpu.memory_space<vmem_shared>> -> memref<10112x128xf32, #tpu.memory_space<vmem_shared>>
      tpu.enqueue_indirect_dma source(%arg22 : memref<96x128xf32, #tpu.memory_space<vmem>>) target(%dma_start3A_109 : memref<10112x128xf32, #tpu.memory_space<vmem_shared>>) offsets(%arg18 : memref<96xi32, #tpu.memory_space<vmem>>) semaphore(%arg34 : memref<!tpu.dma_semaphore, #tpu.memory_space<semaphore_mem>>) {add = true}
      %dma_wait3A_110 = arith.constant 0 : i32
      %dma_wait3A_111 = arith.constant 0 : i32
      %dma_wait3A_112 = tpu.memref_slice %arg11[%dma_wait3A_110, %dma_wait3A_111] : memref<10112x128xf32, #tpu.memory_space<vmem_shared>> -> memref<10112x128xf32, #tpu.memory_space<vmem_shared>>
      tpu.wait_indirect_dma semaphore(%arg33 : memref<!tpu.dma_semaphore, #tpu.memory_space<semaphore_mem>>) src(%arg21 : memref<96x128xf32, #tpu.memory_space<vmem>>) dst(%dma_wait3A_112 : memref<10112x128xf32, #tpu.memory_space<vmem_shared>>)
      %add3A_113 = arith.constant 20064 : i32
      %add3A_114 = arith.addi %mul3A_2, %add3A_113 : i32
      %dma_start3A_115 = tpu.memref_slice %arg4[%add3A_114] : memref<322560xi32, #tpu.memory_space<hbm>> -> memref<96xi32, #tpu.memory_space<hbm>>
      %dma_start3A_116 = tpu.memref_slice %arg4[%add3A_114] : memref<322560xi32, #tpu.memory_space<hbm>> -> memref<96xi32, #tpu.memory_space<hbm>>
      tpu.enqueue_dma source(%dma_start3A_116 : memref<96xi32, #tpu.memory_space<hbm>>) target(%arg13 : memref<96xi32, #tpu.memory_space<vmem>>) target_semaphore(%arg25 : memref<!tpu.dma_semaphore, #tpu.memory_space<semaphore_mem>>)
      %dma_start3A_117 = tpu.memref_slice %arg5[%add3A_114] : memref<322560xi32, #tpu.memory_space<hbm>> -> memref<96xi32, #tpu.memory_space<hbm>>
      %dma_start3A_118 = tpu.memref_slice %arg5[%add3A_114] : memref<322560xi32, #tpu.memory_space<hbm>> -> memref<96xi32, #tpu.memory_space<hbm>>
      tpu.enqueue_dma source(%dma_start3A_118 : memref<96xi32, #tpu.memory_space<hbm>>) target(%arg17 : memref<96xi32, #tpu.memory_space<vmem>>) target_semaphore(%arg25 : memref<!tpu.dma_semaphore, #tpu.memory_space<semaphore_mem>>)
      %dma_wait3A_119 = tpu.memref_slice %arg4[%mul3A_2] : memref<322560xi32, #tpu.memory_space<hbm>> -> memref<96xi32, #tpu.memory_space<hbm>>
      %dma_wait3A_120 = tpu.memref_slice %arg4[%mul3A_2] : memref<322560xi32, #tpu.memory_space<hbm>> -> memref<96xi32, #tpu.memory_space<hbm>>
      tpu.wait_dma2 semaphore(%arg25 : memref<!tpu.dma_semaphore, #tpu.memory_space<semaphore_mem>>) src(%dma_wait3A_120 : memref<96xi32, #tpu.memory_space<hbm>>) dst(%arg13 : memref<96xi32, #tpu.memory_space<vmem>>)
      %dma_wait3A_121 = tpu.memref_slice %arg5[%mul3A_2] : memref<322560xi32, #tpu.memory_space<hbm>> -> memref<96xi32, #tpu.memory_space<hbm>>
      %dma_wait3A_122 = tpu.memref_slice %arg5[%mul3A_2] : memref<322560xi32, #tpu.memory_space<hbm>> -> memref<96xi32, #tpu.memory_space<hbm>>
      tpu.wait_dma2 semaphore(%arg25 : memref<!tpu.dma_semaphore, #tpu.memory_space<semaphore_mem>>) src(%dma_wait3A_122 : memref<96xi32, #tpu.memory_space<hbm>>) dst(%arg17 : memref<96xi32, #tpu.memory_space<vmem>>)
      %dma_start3A_123 = arith.constant 0 : i32
      %dma_start3A_124 = arith.constant 0 : i32
      %dma_start3A_125 = tpu.memref_slice %arg2[%dma_start3A_123, %dma_start3A_124] : memref<10112x128xf32, #tpu.memory_space<hbm>> -> memref<10112x128xf32, #tpu.memory_space<hbm>>
      tpu.enqueue_indirect_dma source(%dma_start3A_125 : memref<10112x128xf32, #tpu.memory_space<hbm>>) target(%arg21 : memref<96x128xf32, #tpu.memory_space<vmem>>) offsets(%arg13 : memref<96xi32, #tpu.memory_space<vmem>>) semaphore(%arg29 : memref<!tpu.dma_semaphore, #tpu.memory_space<semaphore_mem>>)
      %dma_wait3A_126 = arith.constant 0 : i32
      %dma_wait3A_127 = arith.constant 0 : i32
      %dma_wait3A_128 = tpu.memref_slice %arg2[%dma_wait3A_126, %dma_wait3A_127] : memref<10112x128xf32, #tpu.memory_space<hbm>> -> memref<10112x128xf32, #tpu.memory_space<hbm>>
      tpu.wait_indirect_dma semaphore(%arg31 : memref<!tpu.dma_semaphore, #tpu.memory_space<semaphore_mem>>) src(%dma_wait3A_128 : memref<10112x128xf32, #tpu.memory_space<hbm>>) dst(%arg23 : memref<96x128xf32, #tpu.memory_space<vmem>>)
      %dma_start3A_129 = arith.constant 0 : i32
      %dma_start3A_130 = arith.constant 0 : i32
      %dma_start3A_131 = tpu.memref_slice %arg11[%dma_start3A_129, %dma_start3A_130] : memref<10112x128xf32, #tpu.memory_space<vmem_shared>> -> memref<10112x128xf32, #tpu.memory_space<vmem_shared>>
      tpu.enqueue_indirect_dma source(%arg23 : memref<96x128xf32, #tpu.memory_space<vmem>>) target(%dma_start3A_131 : memref<10112x128xf32, #tpu.memory_space<vmem_shared>>) offsets(%arg19 : memref<96xi32, #tpu.memory_space<vmem>>) semaphore(%arg35 : memref<!tpu.dma_semaphore, #tpu.memory_space<semaphore_mem>>) {add = true}
      %dma_wait3A_132 = arith.constant 0 : i32
      %dma_wait3A_133 = arith.constant 0 : i32
      %dma_wait3A_134 = tpu.memref_slice %arg11[%dma_wait3A_132, %dma_wait3A_133] : memref<10112x128xf32, #tpu.memory_space<vmem_shared>> -> memref<10112x128xf32, #tpu.memory_space<vmem_shared>>
      tpu.wait_indirect_dma semaphore(%arg34 : memref<!tpu.dma_semaphore, #tpu.memory_space<semaphore_mem>>) src(%arg22 : memref<96x128xf32, #tpu.memory_space<vmem>>) dst(%dma_wait3A_134 : memref<10112x128xf32, #tpu.memory_space<vmem_shared>>)
      %dma_wait3A_135 = arith.constant 0 : i32
      %dma_wait3A_136 = arith.constant 0 : i32
      %dma_wait3A_137 = tpu.memref_slice %arg2[%dma_wait3A_135, %dma_wait3A_136] : memref<10112x128xf32, #tpu.memory_space<hbm>> -> memref<10112x128xf32, #tpu.memory_space<hbm>>
      tpu.wait_indirect_dma semaphore(%arg28 : memref<!tpu.dma_semaphore, #tpu.memory_space<semaphore_mem>>) src(%dma_wait3A_137 : memref<10112x128xf32, #tpu.memory_space<hbm>>) dst(%arg20 : memref<96x128xf32, #tpu.memory_space<vmem>>)
      %dma_start3A_138 = arith.constant 0 : i32
      %dma_start3A_139 = arith.constant 0 : i32
      %dma_start3A_140 = tpu.memref_slice %arg11[%dma_start3A_138, %dma_start3A_139] : memref<10112x128xf32, #tpu.memory_space<vmem_shared>> -> memref<10112x128xf32, #tpu.memory_space<vmem_shared>>
      tpu.enqueue_indirect_dma source(%arg20 : memref<96x128xf32, #tpu.memory_space<vmem>>) target(%dma_start3A_140 : memref<10112x128xf32, #tpu.memory_space<vmem_shared>>) offsets(%arg16 : memref<96xi32, #tpu.memory_space<vmem>>) semaphore(%arg32 : memref<!tpu.dma_semaphore, #tpu.memory_space<semaphore_mem>>) {add = true}
      %dma_wait3A_141 = arith.constant 0 : i32
      %dma_wait3A_142 = arith.constant 0 : i32
      %dma_wait3A_143 = tpu.memref_slice %arg2[%dma_wait3A_141, %dma_wait3A_142] : memref<10112x128xf32, #tpu.memory_space<hbm>> -> memref<10112x128xf32, #tpu.memory_space<hbm>>
      tpu.wait_indirect_dma semaphore(%arg29 : memref<!tpu.dma_semaphore, #tpu.memory_space<semaphore_mem>>) src(%dma_wait3A_143 : memref<10112x128xf32, #tpu.memory_space<hbm>>) dst(%arg21 : memref<96x128xf32, #tpu.memory_space<vmem>>)
      %dma_start3A_144 = arith.constant 0 : i32
      %dma_start3A_145 = arith.constant 0 : i32
      %dma_start3A_146 = tpu.memref_slice %arg11[%dma_start3A_144, %dma_start3A_145] : memref<10112x128xf32, #tpu.memory_space<vmem_shared>> -> memref<10112x128xf32, #tpu.memory_space<vmem_shared>>
      tpu.enqueue_indirect_dma source(%arg21 : memref<96x128xf32, #tpu.memory_space<vmem>>) target(%dma_start3A_146 : memref<10112x128xf32, #tpu.memory_space<vmem_shared>>) offsets(%arg17 : memref<96xi32, #tpu.memory_space<vmem>>) semaphore(%arg33 : memref<!tpu.dma_semaphore, #tpu.memory_space<semaphore_mem>>) {add = true}
      %dma_wait3A_147 = arith.constant 0 : i32
      %dma_wait3A_148 = arith.constant 0 : i32
      %dma_wait3A_149 = tpu.memref_slice %arg11[%dma_wait3A_147, %dma_wait3A_148] : memref<10112x128xf32, #tpu.memory_space<vmem_shared>> -> memref<10112x128xf32, #tpu.memory_space<vmem_shared>>
      tpu.wait_indirect_dma semaphore(%arg35 : memref<!tpu.dma_semaphore, #tpu.memory_space<semaphore_mem>>) src(%arg23 : memref<96x128xf32, #tpu.memory_space<vmem>>) dst(%dma_wait3A_149 : memref<10112x128xf32, #tpu.memory_space<vmem_shared>>)
      %dma_wait3A_150 = arith.constant 0 : i32
      %dma_wait3A_151 = arith.constant 0 : i32
      %dma_wait3A_152 = tpu.memref_slice %arg11[%dma_wait3A_150, %dma_wait3A_151] : memref<10112x128xf32, #tpu.memory_space<vmem_shared>> -> memref<10112x128xf32, #tpu.memory_space<vmem_shared>>
      tpu.wait_indirect_dma semaphore(%arg32 : memref<!tpu.dma_semaphore, #tpu.memory_space<semaphore_mem>>) src(%arg20 : memref<96x128xf32, #tpu.memory_space<vmem>>) dst(%dma_wait3A_152 : memref<10112x128xf32, #tpu.memory_space<vmem_shared>>)
      %dma_wait3A_153 = arith.constant 0 : i32
      %dma_wait3A_154 = arith.constant 0 : i32
      %dma_wait3A_155 = tpu.memref_slice %arg11[%dma_wait3A_153, %dma_wait3A_154] : memref<10112x128xf32, #tpu.memory_space<vmem_shared>> -> memref<10112x128xf32, #tpu.memory_space<vmem_shared>>
      tpu.wait_indirect_dma semaphore(%arg33 : memref<!tpu.dma_semaphore, #tpu.memory_space<semaphore_mem>>) src(%arg21 : memref<96x128xf32, #tpu.memory_space<vmem>>) dst(%dma_wait3A_155 : memref<10112x128xf32, #tpu.memory_space<vmem_shared>>)
    } else {
    }
    %eq3A_5 = arith.constant 1 : i32
    %eq3A_6 = arith.cmpi eq, %arg0, %eq3A_5 : i32
    %convert_element_type3A_7 = arith.extui %eq3A_6 : i1 to i32
    %cond3A_8 = arith.constant 0 : i32
    %cond3A_9 = arith.cmpi ne, %convert_element_type3A_7, %cond3A_8 : i32
    scf.if %cond3A_9 {
      %add3A = arith.constant 0 : i32
      %add3A_21 = arith.addi %mul3A_2, %add3A : i32
      %dma_start3A = tpu.memref_slice %arg6[%add3A_21] : memref<322560xi32, #tpu.memory_space<hbm>> -> memref<96xi32, #tpu.memory_space<hbm>>
      %dma_start3A_22 = tpu.memref_slice %arg6[%add3A_21] : memref<322560xi32, #tpu.memory_space<hbm>> -> memref<96xi32, #tpu.memory_space<hbm>>
      tpu.enqueue_dma source(%dma_start3A_22 : memref<96xi32, #tpu.memory_space<hbm>>) target(%arg12 : memref<96xi32, #tpu.memory_space<vmem>>) target_semaphore(%arg24 : memref<!tpu.dma_semaphore, #tpu.memory_space<semaphore_mem>>)
      %dma_start3A_23 = tpu.memref_slice %arg7[%add3A_21] : memref<322560xi32, #tpu.memory_space<hbm>> -> memref<96xi32, #tpu.memory_space<hbm>>
      %dma_start3A_24 = tpu.memref_slice %arg7[%add3A_21] : memref<322560xi32, #tpu.memory_space<hbm>> -> memref<96xi32, #tpu.memory_space<hbm>>
      tpu.enqueue_dma source(%dma_start3A_24 : memref<96xi32, #tpu.memory_space<hbm>>) target(%arg16 : memref<96xi32, #tpu.memory_space<vmem>>) target_semaphore(%arg24 : memref<!tpu.dma_semaphore, #tpu.memory_space<semaphore_mem>>)
      %dma_wait3A = tpu.memref_slice %arg6[%mul3A_2] : memref<322560xi32, #tpu.memory_space<hbm>> -> memref<96xi32, #tpu.memory_space<hbm>>
      %dma_wait3A_25 = tpu.memref_slice %arg6[%mul3A_2] : memref<322560xi32, #tpu.memory_space<hbm>> -> memref<96xi32, #tpu.memory_space<hbm>>
      tpu.wait_dma2 semaphore(%arg24 : memref<!tpu.dma_semaphore, #tpu.memory_space<semaphore_mem>>) src(%dma_wait3A_25 : memref<96xi32, #tpu.memory_space<hbm>>) dst(%arg12 : memref<96xi32, #tpu.memory_space<vmem>>)
      %dma_wait3A_26 = tpu.memref_slice %arg7[%mul3A_2] : memref<322560xi32, #tpu.memory_space<hbm>> -> memref<96xi32, #tpu.memory_space<hbm>>
      %dma_wait3A_27 = tpu.memref_slice %arg7[%mul3A_2] : memref<322560xi32, #tpu.memory_space<hbm>> -> memref<96xi32, #tpu.memory_space<hbm>>
      tpu.wait_dma2 semaphore(%arg24 : memref<!tpu.dma_semaphore, #tpu.memory_space<semaphore_mem>>) src(%dma_wait3A_27 : memref<96xi32, #tpu.memory_space<hbm>>) dst(%arg16 : memref<96xi32, #tpu.memory_space<vmem>>)
      %dma_start3A_28 = arith.constant 0 : i32
      %dma_start3A_29 = arith.constant 0 : i32
      %dma_start3A_30 = tpu.memref_slice %arg3[%dma_start3A_28, %dma_start3A_29] : memref<10112x128xf32, #tpu.memory_space<hbm>> -> memref<10112x128xf32, #tpu.memory_space<hbm>>
      tpu.enqueue_indirect_dma source(%dma_start3A_30 : memref<10112x128xf32, #tpu.memory_space<hbm>>) target(%arg20 : memref<96x128xf32, #tpu.memory_space<vmem>>) offsets(%arg12 : memref<96xi32, #tpu.memory_space<vmem>>) semaphore(%arg28 : memref<!tpu.dma_semaphore, #tpu.memory_space<semaphore_mem>>)
      %add3A_31 = arith.constant 96 : i32
      %add3A_32 = arith.addi %mul3A_2, %add3A_31 : i32
      %dma_start3A_33 = tpu.memref_slice %arg6[%add3A_32] : memref<322560xi32, #tpu.memory_space<hbm>> -> memref<96xi32, #tpu.memory_space<hbm>>
      %dma_start3A_34 = tpu.memref_slice %arg6[%add3A_32] : memref<322560xi32, #tpu.memory_space<hbm>> -> memref<96xi32, #tpu.memory_space<hbm>>
      tpu.enqueue_dma source(%dma_start3A_34 : memref<96xi32, #tpu.memory_space<hbm>>) target(%arg13 : memref<96xi32, #tpu.memory_space<vmem>>) target_semaphore(%arg25 : memref<!tpu.dma_semaphore, #tpu.memory_space<semaphore_mem>>)
      %dma_start3A_35 = tpu.memref_slice %arg7[%add3A_32] : memref<322560xi32, #tpu.memory_space<hbm>> -> memref<96xi32, #tpu.memory_space<hbm>>
      %dma_start3A_36 = tpu.memref_slice %arg7[%add3A_32] : memref<322560xi32, #tpu.memory_space<hbm>> -> memref<96xi32, #tpu.memory_space<hbm>>
      tpu.enqueue_dma source(%dma_start3A_36 : memref<96xi32, #tpu.memory_space<hbm>>) target(%arg17 : memref<96xi32, #tpu.memory_space<vmem>>) target_semaphore(%arg25 : memref<!tpu.dma_semaphore, #tpu.memory_space<semaphore_mem>>)
      %dma_wait3A_37 = tpu.memref_slice %arg6[%mul3A_2] : memref<322560xi32, #tpu.memory_space<hbm>> -> memref<96xi32, #tpu.memory_space<hbm>>
      %dma_wait3A_38 = tpu.memref_slice %arg6[%mul3A_2] : memref<322560xi32, #tpu.memory_space<hbm>> -> memref<96xi32, #tpu.memory_space<hbm>>
      tpu.wait_dma2 semaphore(%arg25 : memref<!tpu.dma_semaphore, #tpu.memory_space<semaphore_mem>>) src(%dma_wait3A_38 : memref<96xi32, #tpu.memory_space<hbm>>) dst(%arg13 : memref<96xi32, #tpu.memory_space<vmem>>)
      %dma_wait3A_39 = tpu.memref_slice %arg7[%mul3A_2] : memref<322560xi32, #tpu.memory_space<hbm>> -> memref<96xi32, #tpu.memory_space<hbm>>
      %dma_wait3A_40 = tpu.memref_slice %arg7[%mul3A_2] : memref<322560xi32, #tpu.memory_space<hbm>> -> memref<96xi32, #tpu.memory_space<hbm>>
      tpu.wait_dma2 semaphore(%arg25 : memref<!tpu.dma_semaphore, #tpu.memory_space<semaphore_mem>>) src(%dma_wait3A_40 : memref<96xi32, #tpu.memory_space<hbm>>) dst(%arg17 : memref<96xi32, #tpu.memory_space<vmem>>)
      %dma_start3A_41 = arith.constant 0 : i32
      %dma_start3A_42 = arith.constant 0 : i32
      %dma_start3A_43 = tpu.memref_slice %arg3[%dma_start3A_41, %dma_start3A_42] : memref<10112x128xf32, #tpu.memory_space<hbm>> -> memref<10112x128xf32, #tpu.memory_space<hbm>>
      tpu.enqueue_indirect_dma source(%dma_start3A_43 : memref<10112x128xf32, #tpu.memory_space<hbm>>) target(%arg21 : memref<96x128xf32, #tpu.memory_space<vmem>>) offsets(%arg13 : memref<96xi32, #tpu.memory_space<vmem>>) semaphore(%arg29 : memref<!tpu.dma_semaphore, #tpu.memory_space<semaphore_mem>>)
      %add3A_44 = arith.constant 192 : i32
      %add3A_45 = arith.addi %mul3A_2, %add3A_44 : i32
      %dma_start3A_46 = tpu.memref_slice %arg6[%add3A_45] : memref<322560xi32, #tpu.memory_space<hbm>> -> memref<96xi32, #tpu.memory_space<hbm>>
      %dma_start3A_47 = tpu.memref_slice %arg6[%add3A_45] : memref<322560xi32, #tpu.memory_space<hbm>> -> memref<96xi32, #tpu.memory_space<hbm>>
      tpu.enqueue_dma source(%dma_start3A_47 : memref<96xi32, #tpu.memory_space<hbm>>) target(%arg14 : memref<96xi32, #tpu.memory_space<vmem>>) target_semaphore(%arg26 : memref<!tpu.dma_semaphore, #tpu.memory_space<semaphore_mem>>)
      %dma_start3A_48 = tpu.memref_slice %arg7[%add3A_45] : memref<322560xi32, #tpu.memory_space<hbm>> -> memref<96xi32, #tpu.memory_space<hbm>>
      %dma_start3A_49 = tpu.memref_slice %arg7[%add3A_45] : memref<322560xi32, #tpu.memory_space<hbm>> -> memref<96xi32, #tpu.memory_space<hbm>>
      tpu.enqueue_dma source(%dma_start3A_49 : memref<96xi32, #tpu.memory_space<hbm>>) target(%arg18 : memref<96xi32, #tpu.memory_space<vmem>>) target_semaphore(%arg26 : memref<!tpu.dma_semaphore, #tpu.memory_space<semaphore_mem>>)
      %dma_wait3A_50 = tpu.memref_slice %arg6[%mul3A_2] : memref<322560xi32, #tpu.memory_space<hbm>> -> memref<96xi32, #tpu.memory_space<hbm>>
      %dma_wait3A_51 = tpu.memref_slice %arg6[%mul3A_2] : memref<322560xi32, #tpu.memory_space<hbm>> -> memref<96xi32, #tpu.memory_space<hbm>>
      tpu.wait_dma2 semaphore(%arg26 : memref<!tpu.dma_semaphore, #tpu.memory_space<semaphore_mem>>) src(%dma_wait3A_51 : memref<96xi32, #tpu.memory_space<hbm>>) dst(%arg14 : memref<96xi32, #tpu.memory_space<vmem>>)
      %dma_wait3A_52 = tpu.memref_slice %arg7[%mul3A_2] : memref<322560xi32, #tpu.memory_space<hbm>> -> memref<96xi32, #tpu.memory_space<hbm>>
      %dma_wait3A_53 = tpu.memref_slice %arg7[%mul3A_2] : memref<322560xi32, #tpu.memory_space<hbm>> -> memref<96xi32, #tpu.memory_space<hbm>>
      tpu.wait_dma2 semaphore(%arg26 : memref<!tpu.dma_semaphore, #tpu.memory_space<semaphore_mem>>) src(%dma_wait3A_53 : memref<96xi32, #tpu.memory_space<hbm>>) dst(%arg18 : memref<96xi32, #tpu.memory_space<vmem>>)
      %dma_start3A_54 = arith.constant 0 : i32
      %dma_start3A_55 = arith.constant 0 : i32
      %dma_start3A_56 = tpu.memref_slice %arg3[%dma_start3A_54, %dma_start3A_55] : memref<10112x128xf32, #tpu.memory_space<hbm>> -> memref<10112x128xf32, #tpu.memory_space<hbm>>
      tpu.enqueue_indirect_dma source(%dma_start3A_56 : memref<10112x128xf32, #tpu.memory_space<hbm>>) target(%arg22 : memref<96x128xf32, #tpu.memory_space<vmem>>) offsets(%arg14 : memref<96xi32, #tpu.memory_space<vmem>>) semaphore(%arg30 : memref<!tpu.dma_semaphore, #tpu.memory_space<semaphore_mem>>)
      %dma_wait3A_57 = arith.constant 0 : i32
      %dma_wait3A_58 = arith.constant 0 : i32
      %dma_wait3A_59 = tpu.memref_slice %arg3[%dma_wait3A_57, %dma_wait3A_58] : memref<10112x128xf32, #tpu.memory_space<hbm>> -> memref<10112x128xf32, #tpu.memory_space<hbm>>
      tpu.wait_indirect_dma semaphore(%arg28 : memref<!tpu.dma_semaphore, #tpu.memory_space<semaphore_mem>>) src(%dma_wait3A_59 : memref<10112x128xf32, #tpu.memory_space<hbm>>) dst(%arg20 : memref<96x128xf32, #tpu.memory_space<vmem>>)
      %dma_start3A_60 = arith.constant 0 : i32
      %dma_start3A_61 = arith.constant 0 : i32
      %dma_start3A_62 = tpu.memref_slice %arg11[%dma_start3A_60, %dma_start3A_61] : memref<10112x128xf32, #tpu.memory_space<vmem_shared>> -> memref<10112x128xf32, #tpu.memory_space<vmem_shared>>
      tpu.enqueue_indirect_dma source(%arg20 : memref<96x128xf32, #tpu.memory_space<vmem>>) target(%dma_start3A_62 : memref<10112x128xf32, #tpu.memory_space<vmem_shared>>) offsets(%arg16 : memref<96xi32, #tpu.memory_space<vmem>>) semaphore(%arg32 : memref<!tpu.dma_semaphore, #tpu.memory_space<semaphore_mem>>) {add = true}
      %add3A_63 = arith.constant 288 : i32
      %add3A_64 = arith.addi %mul3A_2, %add3A_63 : i32
      %dma_start3A_65 = tpu.memref_slice %arg6[%add3A_64] : memref<322560xi32, #tpu.memory_space<hbm>> -> memref<96xi32, #tpu.memory_space<hbm>>
      %dma_start3A_66 = tpu.memref_slice %arg6[%add3A_64] : memref<322560xi32, #tpu.memory_space<hbm>> -> memref<96xi32, #tpu.memory_space<hbm>>
      tpu.enqueue_dma source(%dma_start3A_66 : memref<96xi32, #tpu.memory_space<hbm>>) target(%arg15 : memref<96xi32, #tpu.memory_space<vmem>>) target_semaphore(%arg27 : memref<!tpu.dma_semaphore, #tpu.memory_space<semaphore_mem>>)
      %dma_start3A_67 = tpu.memref_slice %arg7[%add3A_64] : memref<322560xi32, #tpu.memory_space<hbm>> -> memref<96xi32, #tpu.memory_space<hbm>>
      %dma_start3A_68 = tpu.memref_slice %arg7[%add3A_64] : memref<322560xi32, #tpu.memory_space<hbm>> -> memref<96xi32, #tpu.memory_space<hbm>>
      tpu.enqueue_dma source(%dma_start3A_68 : memref<96xi32, #tpu.memory_space<hbm>>) target(%arg19 : memref<96xi32, #tpu.memory_space<vmem>>) target_semaphore(%arg27 : memref<!tpu.dma_semaphore, #tpu.memory_space<semaphore_mem>>)
      %scan3A = arith.constant 0 : i32
      %scan3A_69 = arith.constant 0 : i32
      %scan3A_70 = arith.constant 51 : i32
      %scan3A_71 = arith.addi %scan3A_69, %scan3A_70 : i32
      %scan3A_72 = arith.constant 1 : i32
      %scan3A_73 = scf.for %scan3A_156 = %scan3A_69 to %scan3A_71 step %scan3A_72 iter_args(%scan3A_157 = %scan3A) -> (i32)  : i32 {
        %mul3A_158 = arith.constant 4 : i32
        %mul3A_159 = arith.muli %mul3A_158, %scan3A_156 : i32
        %add3A_160 = arith.constant 3 : i32
        %add3A_161 = arith.addi %add3A_160, %mul3A_159 : i32
        %dma_wait3A_162 = tpu.memref_slice %arg6[%mul3A_2] : memref<322560xi32, #tpu.memory_space<hbm>> -> memref<96xi32, #tpu.memory_space<hbm>>
        %dma_wait3A_163 = tpu.memref_slice %arg6[%mul3A_2] : memref<322560xi32, #tpu.memory_space<hbm>> -> memref<96xi32, #tpu.memory_space<hbm>>
        tpu.wait_dma2 semaphore(%arg27 : memref<!tpu.dma_semaphore, #tpu.memory_space<semaphore_mem>>) src(%dma_wait3A_163 : memref<96xi32, #tpu.memory_space<hbm>>) dst(%arg15 : memref<96xi32, #tpu.memory_space<vmem>>)
        %dma_wait3A_164 = tpu.memref_slice %arg7[%mul3A_2] : memref<322560xi32, #tpu.memory_space<hbm>> -> memref<96xi32, #tpu.memory_space<hbm>>
        %dma_wait3A_165 = tpu.memref_slice %arg7[%mul3A_2] : memref<322560xi32, #tpu.memory_space<hbm>> -> memref<96xi32, #tpu.memory_space<hbm>>
        tpu.wait_dma2 semaphore(%arg27 : memref<!tpu.dma_semaphore, #tpu.memory_space<semaphore_mem>>) src(%dma_wait3A_165 : memref<96xi32, #tpu.memory_space<hbm>>) dst(%arg19 : memref<96xi32, #tpu.memory_space<vmem>>)
        %dma_start3A_166 = arith.constant 0 : i32
        %dma_start3A_167 = arith.constant 0 : i32
        %dma_start3A_168 = tpu.memref_slice %arg3[%dma_start3A_166, %dma_start3A_167] : memref<10112x128xf32, #tpu.memory_space<hbm>> -> memref<10112x128xf32, #tpu.memory_space<hbm>>
        tpu.enqueue_indirect_dma source(%dma_start3A_168 : memref<10112x128xf32, #tpu.memory_space<hbm>>) target(%arg23 : memref<96x128xf32, #tpu.memory_space<vmem>>) offsets(%arg15 : memref<96xi32, #tpu.memory_space<vmem>>) semaphore(%arg31 : memref<!tpu.dma_semaphore, #tpu.memory_space<semaphore_mem>>)
        %dma_wait3A_169 = arith.constant 0 : i32
        %dma_wait3A_170 = arith.constant 0 : i32
        %dma_wait3A_171 = tpu.memref_slice %arg3[%dma_wait3A_169, %dma_wait3A_170] : memref<10112x128xf32, #tpu.memory_space<hbm>> -> memref<10112x128xf32, #tpu.memory_space<hbm>>
        tpu.wait_indirect_dma semaphore(%arg29 : memref<!tpu.dma_semaphore, #tpu.memory_space<semaphore_mem>>) src(%dma_wait3A_171 : memref<10112x128xf32, #tpu.memory_space<hbm>>) dst(%arg21 : memref<96x128xf32, #tpu.memory_space<vmem>>)
        %dma_start3A_172 = arith.constant 0 : i32
        %dma_start3A_173 = arith.constant 0 : i32
        %dma_start3A_174 = tpu.memref_slice %arg11[%dma_start3A_172, %dma_start3A_173] : memref<10112x128xf32, #tpu.memory_space<vmem_shared>> -> memref<10112x128xf32, #tpu.memory_space<vmem_shared>>
        tpu.enqueue_indirect_dma source(%arg21 : memref<96x128xf32, #tpu.memory_space<vmem>>) target(%dma_start3A_174 : memref<10112x128xf32, #tpu.memory_space<vmem_shared>>) offsets(%arg17 : memref<96xi32, #tpu.memory_space<vmem>>) semaphore(%arg33 : memref<!tpu.dma_semaphore, #tpu.memory_space<semaphore_mem>>) {add = true}
        %dma_wait3A_175 = arith.constant 0 : i32
        %dma_wait3A_176 = arith.constant 0 : i32
        %dma_wait3A_177 = tpu.memref_slice %arg11[%dma_wait3A_175, %dma_wait3A_176] : memref<10112x128xf32, #tpu.memory_space<vmem_shared>> -> memref<10112x128xf32, #tpu.memory_space<vmem_shared>>
        tpu.wait_indirect_dma semaphore(%arg32 : memref<!tpu.dma_semaphore, #tpu.memory_space<semaphore_mem>>) src(%arg20 : memref<96x128xf32, #tpu.memory_space<vmem>>) dst(%dma_wait3A_177 : memref<10112x128xf32, #tpu.memory_space<vmem_shared>>)
        %add3A_178 = arith.constant 1 : i32
        %add3A_179 = arith.addi %add3A_161, %add3A_178 : i32
        %mul3A_180 = arith.constant 96 : i32
        %mul3A_181 = arith.muli %add3A_179, %mul3A_180 : i32
        %add3A_182 = arith.addi %mul3A_2, %mul3A_181 : i32
        %dma_start3A_183 = tpu.memref_slice %arg6[%add3A_182] : memref<322560xi32, #tpu.memory_space<hbm>> -> memref<96xi32, #tpu.memory_space<hbm>>
        %dma_start3A_184 = tpu.memref_slice %arg6[%add3A_182] : memref<322560xi32, #tpu.memory_space<hbm>> -> memref<96xi32, #tpu.memory_space<hbm>>
        tpu.enqueue_dma source(%dma_start3A_184 : memref<96xi32, #tpu.memory_space<hbm>>) target(%arg12 : memref<96xi32, #tpu.memory_space<vmem>>) target_semaphore(%arg24 : memref<!tpu.dma_semaphore, #tpu.memory_space<semaphore_mem>>)
        %dma_start3A_185 = tpu.memref_slice %arg7[%add3A_182] : memref<322560xi32, #tpu.memory_space<hbm>> -> memref<96xi32, #tpu.memory_space<hbm>>
        %dma_start3A_186 = tpu.memref_slice %arg7[%add3A_182] : memref<322560xi32, #tpu.memory_space<hbm>> -> memref<96xi32, #tpu.memory_space<hbm>>
        tpu.enqueue_dma source(%dma_start3A_186 : memref<96xi32, #tpu.memory_space<hbm>>) target(%arg16 : memref<96xi32, #tpu.memory_space<vmem>>) target_semaphore(%arg24 : memref<!tpu.dma_semaphore, #tpu.memory_space<semaphore_mem>>)
        %add3A_187 = arith.constant 1 : i32
        %add3A_188 = arith.addi %add3A_161, %add3A_187 : i32
        %dma_wait3A_189 = tpu.memref_slice %arg6[%mul3A_2] : memref<322560xi32, #tpu.memory_space<hbm>> -> memref<96xi32, #tpu.memory_space<hbm>>
        %dma_wait3A_190 = tpu.memref_slice %arg6[%mul3A_2] : memref<322560xi32, #tpu.memory_space<hbm>> -> memref<96xi32, #tpu.memory_space<hbm>>
        tpu.wait_dma2 semaphore(%arg24 : memref<!tpu.dma_semaphore, #tpu.memory_space<semaphore_mem>>) src(%dma_wait3A_190 : memref<96xi32, #tpu.memory_space<hbm>>) dst(%arg12 : memref<96xi32, #tpu.memory_space<vmem>>)
        %dma_wait3A_191 = tpu.memref_slice %arg7[%mul3A_2] : memref<322560xi32, #tpu.memory_space<hbm>> -> memref<96xi32, #tpu.memory_space<hbm>>
        %dma_wait3A_192 = tpu.memref_slice %arg7[%mul3A_2] : memref<322560xi32, #tpu.memory_space<hbm>> -> memref<96xi32, #tpu.memory_space<hbm>>
        tpu.wait_dma2 semaphore(%arg24 : memref<!tpu.dma_semaphore, #tpu.memory_space<semaphore_mem>>) src(%dma_wait3A_192 : memref<96xi32, #tpu.memory_space<hbm>>) dst(%arg16 : memref<96xi32, #tpu.memory_space<vmem>>)
        %dma_start3A_193 = arith.constant 0 : i32
        %dma_start3A_194 = arith.constant 0 : i32
        %dma_start3A_195 = tpu.memref_slice %arg3[%dma_start3A_193, %dma_start3A_194] : memref<10112x128xf32, #tpu.memory_space<hbm>> -> memref<10112x128xf32, #tpu.memory_space<hbm>>
        tpu.enqueue_indirect_dma source(%dma_start3A_195 : memref<10112x128xf32, #tpu.memory_space<hbm>>) target(%arg20 : memref<96x128xf32, #tpu.memory_space<vmem>>) offsets(%arg12 : memref<96xi32, #tpu.memory_space<vmem>>) semaphore(%arg28 : memref<!tpu.dma_semaphore, #tpu.memory_space<semaphore_mem>>)
        %dma_wait3A_196 = arith.constant 0 : i32
        %dma_wait3A_197 = arith.constant 0 : i32
        %dma_wait3A_198 = tpu.memref_slice %arg3[%dma_wait3A_196, %dma_wait3A_197] : memref<10112x128xf32, #tpu.memory_space<hbm>> -> memref<10112x128xf32, #tpu.memory_space<hbm>>
        tpu.wait_indirect_dma semaphore(%arg30 : memref<!tpu.dma_semaphore, #tpu.memory_space<semaphore_mem>>) src(%dma_wait3A_198 : memref<10112x128xf32, #tpu.memory_space<hbm>>) dst(%arg22 : memref<96x128xf32, #tpu.memory_space<vmem>>)
        %dma_start3A_199 = arith.constant 0 : i32
        %dma_start3A_200 = arith.constant 0 : i32
        %dma_start3A_201 = tpu.memref_slice %arg11[%dma_start3A_199, %dma_start3A_200] : memref<10112x128xf32, #tpu.memory_space<vmem_shared>> -> memref<10112x128xf32, #tpu.memory_space<vmem_shared>>
        tpu.enqueue_indirect_dma source(%arg22 : memref<96x128xf32, #tpu.memory_space<vmem>>) target(%dma_start3A_201 : memref<10112x128xf32, #tpu.memory_space<vmem_shared>>) offsets(%arg18 : memref<96xi32, #tpu.memory_space<vmem>>) semaphore(%arg34 : memref<!tpu.dma_semaphore, #tpu.memory_space<semaphore_mem>>) {add = true}
        %dma_wait3A_202 = arith.constant 0 : i32
        %dma_wait3A_203 = arith.constant 0 : i32
        %dma_wait3A_204 = tpu.memref_slice %arg11[%dma_wait3A_202, %dma_wait3A_203] : memref<10112x128xf32, #tpu.memory_space<vmem_shared>> -> memref<10112x128xf32, #tpu.memory_space<vmem_shared>>
        tpu.wait_indirect_dma semaphore(%arg33 : memref<!tpu.dma_semaphore, #tpu.memory_space<semaphore_mem>>) src(%arg21 : memref<96x128xf32, #tpu.memory_space<vmem>>) dst(%dma_wait3A_204 : memref<10112x128xf32, #tpu.memory_space<vmem_shared>>)
        %add3A_205 = arith.constant 1 : i32
        %add3A_206 = arith.addi %add3A_188, %add3A_205 : i32
        %mul3A_207 = arith.constant 96 : i32
        %mul3A_208 = arith.muli %add3A_206, %mul3A_207 : i32
        %add3A_209 = arith.addi %mul3A_2, %mul3A_208 : i32
        %dma_start3A_210 = tpu.memref_slice %arg6[%add3A_209] : memref<322560xi32, #tpu.memory_space<hbm>> -> memref<96xi32, #tpu.memory_space<hbm>>
        %dma_start3A_211 = tpu.memref_slice %arg6[%add3A_209] : memref<322560xi32, #tpu.memory_space<hbm>> -> memref<96xi32, #tpu.memory_space<hbm>>
        tpu.enqueue_dma source(%dma_start3A_211 : memref<96xi32, #tpu.memory_space<hbm>>) target(%arg13 : memref<96xi32, #tpu.memory_space<vmem>>) target_semaphore(%arg25 : memref<!tpu.dma_semaphore, #tpu.memory_space<semaphore_mem>>)
        %dma_start3A_212 = tpu.memref_slice %arg7[%add3A_209] : memref<322560xi32, #tpu.memory_space<hbm>> -> memref<96xi32, #tpu.memory_space<hbm>>
        %dma_start3A_213 = tpu.memref_slice %arg7[%add3A_209] : memref<322560xi32, #tpu.memory_space<hbm>> -> memref<96xi32, #tpu.memory_space<hbm>>
        tpu.enqueue_dma source(%dma_start3A_213 : memref<96xi32, #tpu.memory_space<hbm>>) target(%arg17 : memref<96xi32, #tpu.memory_space<vmem>>) target_semaphore(%arg25 : memref<!tpu.dma_semaphore, #tpu.memory_space<semaphore_mem>>)
        %add3A_214 = arith.constant 2 : i32
        %add3A_215 = arith.addi %add3A_161, %add3A_214 : i32
        %dma_wait3A_216 = tpu.memref_slice %arg6[%mul3A_2] : memref<322560xi32, #tpu.memory_space<hbm>> -> memref<96xi32, #tpu.memory_space<hbm>>
        %dma_wait3A_217 = tpu.memref_slice %arg6[%mul3A_2] : memref<322560xi32, #tpu.memory_space<hbm>> -> memref<96xi32, #tpu.memory_space<hbm>>
        tpu.wait_dma2 semaphore(%arg25 : memref<!tpu.dma_semaphore, #tpu.memory_space<semaphore_mem>>) src(%dma_wait3A_217 : memref<96xi32, #tpu.memory_space<hbm>>) dst(%arg13 : memref<96xi32, #tpu.memory_space<vmem>>)
        %dma_wait3A_218 = tpu.memref_slice %arg7[%mul3A_2] : memref<322560xi32, #tpu.memory_space<hbm>> -> memref<96xi32, #tpu.memory_space<hbm>>
        %dma_wait3A_219 = tpu.memref_slice %arg7[%mul3A_2] : memref<322560xi32, #tpu.memory_space<hbm>> -> memref<96xi32, #tpu.memory_space<hbm>>
        tpu.wait_dma2 semaphore(%arg25 : memref<!tpu.dma_semaphore, #tpu.memory_space<semaphore_mem>>) src(%dma_wait3A_219 : memref<96xi32, #tpu.memory_space<hbm>>) dst(%arg17 : memref<96xi32, #tpu.memory_space<vmem>>)
        %dma_start3A_220 = arith.constant 0 : i32
        %dma_start3A_221 = arith.constant 0 : i32
        %dma_start3A_222 = tpu.memref_slice %arg3[%dma_start3A_220, %dma_start3A_221] : memref<10112x128xf32, #tpu.memory_space<hbm>> -> memref<10112x128xf32, #tpu.memory_space<hbm>>
        tpu.enqueue_indirect_dma source(%dma_start3A_222 : memref<10112x128xf32, #tpu.memory_space<hbm>>) target(%arg21 : memref<96x128xf32, #tpu.memory_space<vmem>>) offsets(%arg13 : memref<96xi32, #tpu.memory_space<vmem>>) semaphore(%arg29 : memref<!tpu.dma_semaphore, #tpu.memory_space<semaphore_mem>>)
        %dma_wait3A_223 = arith.constant 0 : i32
        %dma_wait3A_224 = arith.constant 0 : i32
        %dma_wait3A_225 = tpu.memref_slice %arg3[%dma_wait3A_223, %dma_wait3A_224] : memref<10112x128xf32, #tpu.memory_space<hbm>> -> memref<10112x128xf32, #tpu.memory_space<hbm>>
        tpu.wait_indirect_dma semaphore(%arg31 : memref<!tpu.dma_semaphore, #tpu.memory_space<semaphore_mem>>) src(%dma_wait3A_225 : memref<10112x128xf32, #tpu.memory_space<hbm>>) dst(%arg23 : memref<96x128xf32, #tpu.memory_space<vmem>>)
        %dma_start3A_226 = arith.constant 0 : i32
        %dma_start3A_227 = arith.constant 0 : i32
        %dma_start3A_228 = tpu.memref_slice %arg11[%dma_start3A_226, %dma_start3A_227] : memref<10112x128xf32, #tpu.memory_space<vmem_shared>> -> memref<10112x128xf32, #tpu.memory_space<vmem_shared>>
        tpu.enqueue_indirect_dma source(%arg23 : memref<96x128xf32, #tpu.memory_space<vmem>>) target(%dma_start3A_228 : memref<10112x128xf32, #tpu.memory_space<vmem_shared>>) offsets(%arg19 : memref<96xi32, #tpu.memory_space<vmem>>) semaphore(%arg35 : memref<!tpu.dma_semaphore, #tpu.memory_space<semaphore_mem>>) {add = true}
        %dma_wait3A_229 = arith.constant 0 : i32
        %dma_wait3A_230 = arith.constant 0 : i32
        %dma_wait3A_231 = tpu.memref_slice %arg11[%dma_wait3A_229, %dma_wait3A_230] : memref<10112x128xf32, #tpu.memory_space<vmem_shared>> -> memref<10112x128xf32, #tpu.memory_space<vmem_shared>>
        tpu.wait_indirect_dma semaphore(%arg34 : memref<!tpu.dma_semaphore, #tpu.memory_space<semaphore_mem>>) src(%arg22 : memref<96x128xf32, #tpu.memory_space<vmem>>) dst(%dma_wait3A_231 : memref<10112x128xf32, #tpu.memory_space<vmem_shared>>)
        %add3A_232 = arith.constant 1 : i32
        %add3A_233 = arith.addi %add3A_215, %add3A_232 : i32
        %mul3A_234 = arith.constant 96 : i32
        %mul3A_235 = arith.muli %add3A_233, %mul3A_234 : i32
        %add3A_236 = arith.addi %mul3A_2, %mul3A_235 : i32
        %dma_start3A_237 = tpu.memref_slice %arg6[%add3A_236] : memref<322560xi32, #tpu.memory_space<hbm>> -> memref<96xi32, #tpu.memory_space<hbm>>
        %dma_start3A_238 = tpu.memref_slice %arg6[%add3A_236] : memref<322560xi32, #tpu.memory_space<hbm>> -> memref<96xi32, #tpu.memory_space<hbm>>
        tpu.enqueue_dma source(%dma_start3A_238 : memref<96xi32, #tpu.memory_space<hbm>>) target(%arg14 : memref<96xi32, #tpu.memory_space<vmem>>) target_semaphore(%arg26 : memref<!tpu.dma_semaphore, #tpu.memory_space<semaphore_mem>>)
        %dma_start3A_239 = tpu.memref_slice %arg7[%add3A_236] : memref<322560xi32, #tpu.memory_space<hbm>> -> memref<96xi32, #tpu.memory_space<hbm>>
        %dma_start3A_240 = tpu.memref_slice %arg7[%add3A_236] : memref<322560xi32, #tpu.memory_space<hbm>> -> memref<96xi32, #tpu.memory_space<hbm>>
        tpu.enqueue_dma source(%dma_start3A_240 : memref<96xi32, #tpu.memory_space<hbm>>) target(%arg18 : memref<96xi32, #tpu.memory_space<vmem>>) target_semaphore(%arg26 : memref<!tpu.dma_semaphore, #tpu.memory_space<semaphore_mem>>)
        %add3A_241 = arith.constant 3 : i32
        %add3A_242 = arith.addi %add3A_161, %add3A_241 : i32
        %dma_wait3A_243 = tpu.memref_slice %arg6[%mul3A_2] : memref<322560xi32, #tpu.memory_space<hbm>> -> memref<96xi32, #tpu.memory_space<hbm>>
        %dma_wait3A_244 = tpu.memref_slice %arg6[%mul3A_2] : memref<322560xi32, #tpu.memory_space<hbm>> -> memref<96xi32, #tpu.memory_space<hbm>>
        tpu.wait_dma2 semaphore(%arg26 : memref<!tpu.dma_semaphore, #tpu.memory_space<semaphore_mem>>) src(%dma_wait3A_244 : memref<96xi32, #tpu.memory_space<hbm>>) dst(%arg14 : memref<96xi32, #tpu.memory_space<vmem>>)
        %dma_wait3A_245 = tpu.memref_slice %arg7[%mul3A_2] : memref<322560xi32, #tpu.memory_space<hbm>> -> memref<96xi32, #tpu.memory_space<hbm>>
        %dma_wait3A_246 = tpu.memref_slice %arg7[%mul3A_2] : memref<322560xi32, #tpu.memory_space<hbm>> -> memref<96xi32, #tpu.memory_space<hbm>>
        tpu.wait_dma2 semaphore(%arg26 : memref<!tpu.dma_semaphore, #tpu.memory_space<semaphore_mem>>) src(%dma_wait3A_246 : memref<96xi32, #tpu.memory_space<hbm>>) dst(%arg18 : memref<96xi32, #tpu.memory_space<vmem>>)
        %dma_start3A_247 = arith.constant 0 : i32
        %dma_start3A_248 = arith.constant 0 : i32
        %dma_start3A_249 = tpu.memref_slice %arg3[%dma_start3A_247, %dma_start3A_248] : memref<10112x128xf32, #tpu.memory_space<hbm>> -> memref<10112x128xf32, #tpu.memory_space<hbm>>
        tpu.enqueue_indirect_dma source(%dma_start3A_249 : memref<10112x128xf32, #tpu.memory_space<hbm>>) target(%arg22 : memref<96x128xf32, #tpu.memory_space<vmem>>) offsets(%arg14 : memref<96xi32, #tpu.memory_space<vmem>>) semaphore(%arg30 : memref<!tpu.dma_semaphore, #tpu.memory_space<semaphore_mem>>)
        %dma_wait3A_250 = arith.constant 0 : i32
        %dma_wait3A_251 = arith.constant 0 : i32
        %dma_wait3A_252 = tpu.memref_slice %arg3[%dma_wait3A_250, %dma_wait3A_251] : memref<10112x128xf32, #tpu.memory_space<hbm>> -> memref<10112x128xf32, #tpu.memory_space<hbm>>
        tpu.wait_indirect_dma semaphore(%arg28 : memref<!tpu.dma_semaphore, #tpu.memory_space<semaphore_mem>>) src(%dma_wait3A_252 : memref<10112x128xf32, #tpu.memory_space<hbm>>) dst(%arg20 : memref<96x128xf32, #tpu.memory_space<vmem>>)
        %dma_start3A_253 = arith.constant 0 : i32
        %dma_start3A_254 = arith.constant 0 : i32
        %dma_start3A_255 = tpu.memref_slice %arg11[%dma_start3A_253, %dma_start3A_254] : memref<10112x128xf32, #tpu.memory_space<vmem_shared>> -> memref<10112x128xf32, #tpu.memory_space<vmem_shared>>
        tpu.enqueue_indirect_dma source(%arg20 : memref<96x128xf32, #tpu.memory_space<vmem>>) target(%dma_start3A_255 : memref<10112x128xf32, #tpu.memory_space<vmem_shared>>) offsets(%arg16 : memref<96xi32, #tpu.memory_space<vmem>>) semaphore(%arg32 : memref<!tpu.dma_semaphore, #tpu.memory_space<semaphore_mem>>) {add = true}
        %dma_wait3A_256 = arith.constant 0 : i32
        %dma_wait3A_257 = arith.constant 0 : i32
        %dma_wait3A_258 = tpu.memref_slice %arg11[%dma_wait3A_256, %dma_wait3A_257] : memref<10112x128xf32, #tpu.memory_space<vmem_shared>> -> memref<10112x128xf32, #tpu.memory_space<vmem_shared>>
        tpu.wait_indirect_dma semaphore(%arg35 : memref<!tpu.dma_semaphore, #tpu.memory_space<semaphore_mem>>) src(%arg23 : memref<96x128xf32, #tpu.memory_space<vmem>>) dst(%dma_wait3A_258 : memref<10112x128xf32, #tpu.memory_space<vmem_shared>>)
        %add3A_259 = arith.constant 1 : i32
        %add3A_260 = arith.addi %add3A_242, %add3A_259 : i32
        %mul3A_261 = arith.constant 96 : i32
        %mul3A_262 = arith.muli %add3A_260, %mul3A_261 : i32
        %add3A_263 = arith.addi %mul3A_2, %mul3A_262 : i32
        %dma_start3A_264 = tpu.memref_slice %arg6[%add3A_263] : memref<322560xi32, #tpu.memory_space<hbm>> -> memref<96xi32, #tpu.memory_space<hbm>>
        %dma_start3A_265 = tpu.memref_slice %arg6[%add3A_263] : memref<322560xi32, #tpu.memory_space<hbm>> -> memref<96xi32, #tpu.memory_space<hbm>>
        tpu.enqueue_dma source(%dma_start3A_265 : memref<96xi32, #tpu.memory_space<hbm>>) target(%arg15 : memref<96xi32, #tpu.memory_space<vmem>>) target_semaphore(%arg27 : memref<!tpu.dma_semaphore, #tpu.memory_space<semaphore_mem>>)
        %dma_start3A_266 = tpu.memref_slice %arg7[%add3A_263] : memref<322560xi32, #tpu.memory_space<hbm>> -> memref<96xi32, #tpu.memory_space<hbm>>
        %dma_start3A_267 = tpu.memref_slice %arg7[%add3A_263] : memref<322560xi32, #tpu.memory_space<hbm>> -> memref<96xi32, #tpu.memory_space<hbm>>
        tpu.enqueue_dma source(%dma_start3A_267 : memref<96xi32, #tpu.memory_space<hbm>>) target(%arg19 : memref<96xi32, #tpu.memory_space<vmem>>) target_semaphore(%arg27 : memref<!tpu.dma_semaphore, #tpu.memory_space<semaphore_mem>>)
        %scan3A_268 = arith.constant 0 : i32
        scf.yield %scan3A_268 : i32
      }
      %scan3A_74 = arith.constant 51 : i32
      %dma_wait3A_75 = tpu.memref_slice %arg6[%mul3A_2] : memref<322560xi32, #tpu.memory_space<hbm>> -> memref<96xi32, #tpu.memory_space<hbm>>
      %dma_wait3A_76 = tpu.memref_slice %arg6[%mul3A_2] : memref<322560xi32, #tpu.memory_space<hbm>> -> memref<96xi32, #tpu.memory_space<hbm>>
      tpu.wait_dma2 semaphore(%arg27 : memref<!tpu.dma_semaphore, #tpu.memory_space<semaphore_mem>>) src(%dma_wait3A_76 : memref<96xi32, #tpu.memory_space<hbm>>) dst(%arg15 : memref<96xi32, #tpu.memory_space<vmem>>)
      %dma_wait3A_77 = tpu.memref_slice %arg7[%mul3A_2] : memref<322560xi32, #tpu.memory_space<hbm>> -> memref<96xi32, #tpu.memory_space<hbm>>
      %dma_wait3A_78 = tpu.memref_slice %arg7[%mul3A_2] : memref<322560xi32, #tpu.memory_space<hbm>> -> memref<96xi32, #tpu.memory_space<hbm>>
      tpu.wait_dma2 semaphore(%arg27 : memref<!tpu.dma_semaphore, #tpu.memory_space<semaphore_mem>>) src(%dma_wait3A_78 : memref<96xi32, #tpu.memory_space<hbm>>) dst(%arg19 : memref<96xi32, #tpu.memory_space<vmem>>)
      %dma_start3A_79 = arith.constant 0 : i32
      %dma_start3A_80 = arith.constant 0 : i32
      %dma_start3A_81 = tpu.memref_slice %arg3[%dma_start3A_79, %dma_start3A_80] : memref<10112x128xf32, #tpu.memory_space<hbm>> -> memref<10112x128xf32, #tpu.memory_space<hbm>>
      tpu.enqueue_indirect_dma source(%dma_start3A_81 : memref<10112x128xf32, #tpu.memory_space<hbm>>) target(%arg23 : memref<96x128xf32, #tpu.memory_space<vmem>>) offsets(%arg15 : memref<96xi32, #tpu.memory_space<vmem>>) semaphore(%arg31 : memref<!tpu.dma_semaphore, #tpu.memory_space<semaphore_mem>>)
      %dma_wait3A_82 = arith.constant 0 : i32
      %dma_wait3A_83 = arith.constant 0 : i32
      %dma_wait3A_84 = tpu.memref_slice %arg3[%dma_wait3A_82, %dma_wait3A_83] : memref<10112x128xf32, #tpu.memory_space<hbm>> -> memref<10112x128xf32, #tpu.memory_space<hbm>>
      tpu.wait_indirect_dma semaphore(%arg29 : memref<!tpu.dma_semaphore, #tpu.memory_space<semaphore_mem>>) src(%dma_wait3A_84 : memref<10112x128xf32, #tpu.memory_space<hbm>>) dst(%arg21 : memref<96x128xf32, #tpu.memory_space<vmem>>)
      %dma_start3A_85 = arith.constant 0 : i32
      %dma_start3A_86 = arith.constant 0 : i32
      %dma_start3A_87 = tpu.memref_slice %arg11[%dma_start3A_85, %dma_start3A_86] : memref<10112x128xf32, #tpu.memory_space<vmem_shared>> -> memref<10112x128xf32, #tpu.memory_space<vmem_shared>>
      tpu.enqueue_indirect_dma source(%arg21 : memref<96x128xf32, #tpu.memory_space<vmem>>) target(%dma_start3A_87 : memref<10112x128xf32, #tpu.memory_space<vmem_shared>>) offsets(%arg17 : memref<96xi32, #tpu.memory_space<vmem>>) semaphore(%arg33 : memref<!tpu.dma_semaphore, #tpu.memory_space<semaphore_mem>>) {add = true}
      %dma_wait3A_88 = arith.constant 0 : i32
      %dma_wait3A_89 = arith.constant 0 : i32
      %dma_wait3A_90 = tpu.memref_slice %arg11[%dma_wait3A_88, %dma_wait3A_89] : memref<10112x128xf32, #tpu.memory_space<vmem_shared>> -> memref<10112x128xf32, #tpu.memory_space<vmem_shared>>
      tpu.wait_indirect_dma semaphore(%arg32 : memref<!tpu.dma_semaphore, #tpu.memory_space<semaphore_mem>>) src(%arg20 : memref<96x128xf32, #tpu.memory_space<vmem>>) dst(%dma_wait3A_90 : memref<10112x128xf32, #tpu.memory_space<vmem_shared>>)
      %add3A_91 = arith.constant 19968 : i32
      %add3A_92 = arith.addi %mul3A_2, %add3A_91 : i32
      %dma_start3A_93 = tpu.memref_slice %arg6[%add3A_92] : memref<322560xi32, #tpu.memory_space<hbm>> -> memref<96xi32, #tpu.memory_space<hbm>>
      %dma_start3A_94 = tpu.memref_slice %arg6[%add3A_92] : memref<322560xi32, #tpu.memory_space<hbm>> -> memref<96xi32, #tpu.memory_space<hbm>>
      tpu.enqueue_dma source(%dma_start3A_94 : memref<96xi32, #tpu.memory_space<hbm>>) target(%arg12 : memref<96xi32, #tpu.memory_space<vmem>>) target_semaphore(%arg24 : memref<!tpu.dma_semaphore, #tpu.memory_space<semaphore_mem>>)
      %dma_start3A_95 = tpu.memref_slice %arg7[%add3A_92] : memref<322560xi32, #tpu.memory_space<hbm>> -> memref<96xi32, #tpu.memory_space<hbm>>
      %dma_start3A_96 = tpu.memref_slice %arg7[%add3A_92] : memref<322560xi32, #tpu.memory_space<hbm>> -> memref<96xi32, #tpu.memory_space<hbm>>
      tpu.enqueue_dma source(%dma_start3A_96 : memref<96xi32, #tpu.memory_space<hbm>>) target(%arg16 : memref<96xi32, #tpu.memory_space<vmem>>) target_semaphore(%arg24 : memref<!tpu.dma_semaphore, #tpu.memory_space<semaphore_mem>>)
      %dma_wait3A_97 = tpu.memref_slice %arg6[%mul3A_2] : memref<322560xi32, #tpu.memory_space<hbm>> -> memref<96xi32, #tpu.memory_space<hbm>>
      %dma_wait3A_98 = tpu.memref_slice %arg6[%mul3A_2] : memref<322560xi32, #tpu.memory_space<hbm>> -> memref<96xi32, #tpu.memory_space<hbm>>
      tpu.wait_dma2 semaphore(%arg24 : memref<!tpu.dma_semaphore, #tpu.memory_space<semaphore_mem>>) src(%dma_wait3A_98 : memref<96xi32, #tpu.memory_space<hbm>>) dst(%arg12 : memref<96xi32, #tpu.memory_space<vmem>>)
      %dma_wait3A_99 = tpu.memref_slice %arg7[%mul3A_2] : memref<322560xi32, #tpu.memory_space<hbm>> -> memref<96xi32, #tpu.memory_space<hbm>>
      %dma_wait3A_100 = tpu.memref_slice %arg7[%mul3A_2] : memref<322560xi32, #tpu.memory_space<hbm>> -> memref<96xi32, #tpu.memory_space<hbm>>
      tpu.wait_dma2 semaphore(%arg24 : memref<!tpu.dma_semaphore, #tpu.memory_space<semaphore_mem>>) src(%dma_wait3A_100 : memref<96xi32, #tpu.memory_space<hbm>>) dst(%arg16 : memref<96xi32, #tpu.memory_space<vmem>>)
      %dma_start3A_101 = arith.constant 0 : i32
      %dma_start3A_102 = arith.constant 0 : i32
      %dma_start3A_103 = tpu.memref_slice %arg3[%dma_start3A_101, %dma_start3A_102] : memref<10112x128xf32, #tpu.memory_space<hbm>> -> memref<10112x128xf32, #tpu.memory_space<hbm>>
      tpu.enqueue_indirect_dma source(%dma_start3A_103 : memref<10112x128xf32, #tpu.memory_space<hbm>>) target(%arg20 : memref<96x128xf32, #tpu.memory_space<vmem>>) offsets(%arg12 : memref<96xi32, #tpu.memory_space<vmem>>) semaphore(%arg28 : memref<!tpu.dma_semaphore, #tpu.memory_space<semaphore_mem>>)
      %dma_wait3A_104 = arith.constant 0 : i32
      %dma_wait3A_105 = arith.constant 0 : i32
      %dma_wait3A_106 = tpu.memref_slice %arg3[%dma_wait3A_104, %dma_wait3A_105] : memref<10112x128xf32, #tpu.memory_space<hbm>> -> memref<10112x128xf32, #tpu.memory_space<hbm>>
      tpu.wait_indirect_dma semaphore(%arg30 : memref<!tpu.dma_semaphore, #tpu.memory_space<semaphore_mem>>) src(%dma_wait3A_106 : memref<10112x128xf32, #tpu.memory_space<hbm>>) dst(%arg22 : memref<96x128xf32, #tpu.memory_space<vmem>>)
      %dma_start3A_107 = arith.constant 0 : i32
      %dma_start3A_108 = arith.constant 0 : i32
      %dma_start3A_109 = tpu.memref_slice %arg11[%dma_start3A_107, %dma_start3A_108] : memref<10112x128xf32, #tpu.memory_space<vmem_shared>> -> memref<10112x128xf32, #tpu.memory_space<vmem_shared>>
      tpu.enqueue_indirect_dma source(%arg22 : memref<96x128xf32, #tpu.memory_space<vmem>>) target(%dma_start3A_109 : memref<10112x128xf32, #tpu.memory_space<vmem_shared>>) offsets(%arg18 : memref<96xi32, #tpu.memory_space<vmem>>) semaphore(%arg34 : memref<!tpu.dma_semaphore, #tpu.memory_space<semaphore_mem>>) {add = true}
      %dma_wait3A_110 = arith.constant 0 : i32
      %dma_wait3A_111 = arith.constant 0 : i32
      %dma_wait3A_112 = tpu.memref_slice %arg11[%dma_wait3A_110, %dma_wait3A_111] : memref<10112x128xf32, #tpu.memory_space<vmem_shared>> -> memref<10112x128xf32, #tpu.memory_space<vmem_shared>>
      tpu.wait_indirect_dma semaphore(%arg33 : memref<!tpu.dma_semaphore, #tpu.memory_space<semaphore_mem>>) src(%arg21 : memref<96x128xf32, #tpu.memory_space<vmem>>) dst(%dma_wait3A_112 : memref<10112x128xf32, #tpu.memory_space<vmem_shared>>)
      %add3A_113 = arith.constant 20064 : i32
      %add3A_114 = arith.addi %mul3A_2, %add3A_113 : i32
      %dma_start3A_115 = tpu.memref_slice %arg6[%add3A_114] : memref<322560xi32, #tpu.memory_space<hbm>> -> memref<96xi32, #tpu.memory_space<hbm>>
      %dma_start3A_116 = tpu.memref_slice %arg6[%add3A_114] : memref<322560xi32, #tpu.memory_space<hbm>> -> memref<96xi32, #tpu.memory_space<hbm>>
      tpu.enqueue_dma source(%dma_start3A_116 : memref<96xi32, #tpu.memory_space<hbm>>) target(%arg13 : memref<96xi32, #tpu.memory_space<vmem>>) target_semaphore(%arg25 : memref<!tpu.dma_semaphore, #tpu.memory_space<semaphore_mem>>)
      %dma_start3A_117 = tpu.memref_slice %arg7[%add3A_114] : memref<322560xi32, #tpu.memory_space<hbm>> -> memref<96xi32, #tpu.memory_space<hbm>>
      %dma_start3A_118 = tpu.memref_slice %arg7[%add3A_114] : memref<322560xi32, #tpu.memory_space<hbm>> -> memref<96xi32, #tpu.memory_space<hbm>>
      tpu.enqueue_dma source(%dma_start3A_118 : memref<96xi32, #tpu.memory_space<hbm>>) target(%arg17 : memref<96xi32, #tpu.memory_space<vmem>>) target_semaphore(%arg25 : memref<!tpu.dma_semaphore, #tpu.memory_space<semaphore_mem>>)
      %dma_wait3A_119 = tpu.memref_slice %arg6[%mul3A_2] : memref<322560xi32, #tpu.memory_space<hbm>> -> memref<96xi32, #tpu.memory_space<hbm>>
      %dma_wait3A_120 = tpu.memref_slice %arg6[%mul3A_2] : memref<322560xi32, #tpu.memory_space<hbm>> -> memref<96xi32, #tpu.memory_space<hbm>>
      tpu.wait_dma2 semaphore(%arg25 : memref<!tpu.dma_semaphore, #tpu.memory_space<semaphore_mem>>) src(%dma_wait3A_120 : memref<96xi32, #tpu.memory_space<hbm>>) dst(%arg13 : memref<96xi32, #tpu.memory_space<vmem>>)
      %dma_wait3A_121 = tpu.memref_slice %arg7[%mul3A_2] : memref<322560xi32, #tpu.memory_space<hbm>> -> memref<96xi32, #tpu.memory_space<hbm>>
      %dma_wait3A_122 = tpu.memref_slice %arg7[%mul3A_2] : memref<322560xi32, #tpu.memory_space<hbm>> -> memref<96xi32, #tpu.memory_space<hbm>>
      tpu.wait_dma2 semaphore(%arg25 : memref<!tpu.dma_semaphore, #tpu.memory_space<semaphore_mem>>) src(%dma_wait3A_122 : memref<96xi32, #tpu.memory_space<hbm>>) dst(%arg17 : memref<96xi32, #tpu.memory_space<vmem>>)
      %dma_start3A_123 = arith.constant 0 : i32
      %dma_start3A_124 = arith.constant 0 : i32
      %dma_start3A_125 = tpu.memref_slice %arg3[%dma_start3A_123, %dma_start3A_124] : memref<10112x128xf32, #tpu.memory_space<hbm>> -> memref<10112x128xf32, #tpu.memory_space<hbm>>
      tpu.enqueue_indirect_dma source(%dma_start3A_125 : memref<10112x128xf32, #tpu.memory_space<hbm>>) target(%arg21 : memref<96x128xf32, #tpu.memory_space<vmem>>) offsets(%arg13 : memref<96xi32, #tpu.memory_space<vmem>>) semaphore(%arg29 : memref<!tpu.dma_semaphore, #tpu.memory_space<semaphore_mem>>)
      %dma_wait3A_126 = arith.constant 0 : i32
      %dma_wait3A_127 = arith.constant 0 : i32
      %dma_wait3A_128 = tpu.memref_slice %arg3[%dma_wait3A_126, %dma_wait3A_127] : memref<10112x128xf32, #tpu.memory_space<hbm>> -> memref<10112x128xf32, #tpu.memory_space<hbm>>
      tpu.wait_indirect_dma semaphore(%arg31 : memref<!tpu.dma_semaphore, #tpu.memory_space<semaphore_mem>>) src(%dma_wait3A_128 : memref<10112x128xf32, #tpu.memory_space<hbm>>) dst(%arg23 : memref<96x128xf32, #tpu.memory_space<vmem>>)
      %dma_start3A_129 = arith.constant 0 : i32
      %dma_start3A_130 = arith.constant 0 : i32
      %dma_start3A_131 = tpu.memref_slice %arg11[%dma_start3A_129, %dma_start3A_130] : memref<10112x128xf32, #tpu.memory_space<vmem_shared>> -> memref<10112x128xf32, #tpu.memory_space<vmem_shared>>
      tpu.enqueue_indirect_dma source(%arg23 : memref<96x128xf32, #tpu.memory_space<vmem>>) target(%dma_start3A_131 : memref<10112x128xf32, #tpu.memory_space<vmem_shared>>) offsets(%arg19 : memref<96xi32, #tpu.memory_space<vmem>>) semaphore(%arg35 : memref<!tpu.dma_semaphore, #tpu.memory_space<semaphore_mem>>) {add = true}
      %dma_wait3A_132 = arith.constant 0 : i32
      %dma_wait3A_133 = arith.constant 0 : i32
      %dma_wait3A_134 = tpu.memref_slice %arg11[%dma_wait3A_132, %dma_wait3A_133] : memref<10112x128xf32, #tpu.memory_space<vmem_shared>> -> memref<10112x128xf32, #tpu.memory_space<vmem_shared>>
      tpu.wait_indirect_dma semaphore(%arg34 : memref<!tpu.dma_semaphore, #tpu.memory_space<semaphore_mem>>) src(%arg22 : memref<96x128xf32, #tpu.memory_space<vmem>>) dst(%dma_wait3A_134 : memref<10112x128xf32, #tpu.memory_space<vmem_shared>>)
      %dma_wait3A_135 = arith.constant 0 : i32
      %dma_wait3A_136 = arith.constant 0 : i32
      %dma_wait3A_137 = tpu.memref_slice %arg3[%dma_wait3A_135, %dma_wait3A_136] : memref<10112x128xf32, #tpu.memory_space<hbm>> -> memref<10112x128xf32, #tpu.memory_space<hbm>>
      tpu.wait_indirect_dma semaphore(%arg28 : memref<!tpu.dma_semaphore, #tpu.memory_space<semaphore_mem>>) src(%dma_wait3A_137 : memref<10112x128xf32, #tpu.memory_space<hbm>>) dst(%arg20 : memref<96x128xf32, #tpu.memory_space<vmem>>)
      %dma_start3A_138 = arith.constant 0 : i32
      %dma_start3A_139 = arith.constant 0 : i32
      %dma_start3A_140 = tpu.memref_slice %arg11[%dma_start3A_138, %dma_start3A_139] : memref<10112x128xf32, #tpu.memory_space<vmem_shared>> -> memref<10112x128xf32, #tpu.memory_space<vmem_shared>>
      tpu.enqueue_indirect_dma source(%arg20 : memref<96x128xf32, #tpu.memory_space<vmem>>) target(%dma_start3A_140 : memref<10112x128xf32, #tpu.memory_space<vmem_shared>>) offsets(%arg16 : memref<96xi32, #tpu.memory_space<vmem>>) semaphore(%arg32 : memref<!tpu.dma_semaphore, #tpu.memory_space<semaphore_mem>>) {add = true}
      %dma_wait3A_141 = arith.constant 0 : i32
      %dma_wait3A_142 = arith.constant 0 : i32
      %dma_wait3A_143 = tpu.memref_slice %arg3[%dma_wait3A_141, %dma_wait3A_142] : memref<10112x128xf32, #tpu.memory_space<hbm>> -> memref<10112x128xf32, #tpu.memory_space<hbm>>
      tpu.wait_indirect_dma semaphore(%arg29 : memref<!tpu.dma_semaphore, #tpu.memory_space<semaphore_mem>>) src(%dma_wait3A_143 : memref<10112x128xf32, #tpu.memory_space<hbm>>) dst(%arg21 : memref<96x128xf32, #tpu.memory_space<vmem>>)
      %dma_start3A_144 = arith.constant 0 : i32
      %dma_start3A_145 = arith.constant 0 : i32
      %dma_start3A_146 = tpu.memref_slice %arg11[%dma_start3A_144, %dma_start3A_145] : memref<10112x128xf32, #tpu.memory_space<vmem_shared>> -> memref<10112x128xf32, #tpu.memory_space<vmem_shared>>
      tpu.enqueue_indirect_dma source(%arg21 : memref<96x128xf32, #tpu.memory_space<vmem>>) target(%dma_start3A_146 : memref<10112x128xf32, #tpu.memory_space<vmem_shared>>) offsets(%arg17 : memref<96xi32, #tpu.memory_space<vmem>>) semaphore(%arg33 : memref<!tpu.dma_semaphore, #tpu.memory_space<semaphore_mem>>) {add = true}
      %dma_wait3A_147 = arith.constant 0 : i32
      %dma_wait3A_148 = arith.constant 0 : i32
      %dma_wait3A_149 = tpu.memref_slice %arg11[%dma_wait3A_147, %dma_wait3A_148] : memref<10112x128xf32, #tpu.memory_space<vmem_shared>> -> memref<10112x128xf32, #tpu.memory_space<vmem_shared>>
      tpu.wait_indirect_dma semaphore(%arg35 : memref<!tpu.dma_semaphore, #tpu.memory_space<semaphore_mem>>) src(%arg23 : memref<96x128xf32, #tpu.memory_space<vmem>>) dst(%dma_wait3A_149 : memref<10112x128xf32, #tpu.memory_space<vmem_shared>>)
      %dma_wait3A_150 = arith.constant 0 : i32
      %dma_wait3A_151 = arith.constant 0 : i32
      %dma_wait3A_152 = tpu.memref_slice %arg11[%dma_wait3A_150, %dma_wait3A_151] : memref<10112x128xf32, #tpu.memory_space<vmem_shared>> -> memref<10112x128xf32, #tpu.memory_space<vmem_shared>>
      tpu.wait_indirect_dma semaphore(%arg32 : memref<!tpu.dma_semaphore, #tpu.memory_space<semaphore_mem>>) src(%arg20 : memref<96x128xf32, #tpu.memory_space<vmem>>) dst(%dma_wait3A_152 : memref<10112x128xf32, #tpu.memory_space<vmem_shared>>)
      %dma_wait3A_153 = arith.constant 0 : i32
      %dma_wait3A_154 = arith.constant 0 : i32
      %dma_wait3A_155 = tpu.memref_slice %arg11[%dma_wait3A_153, %dma_wait3A_154] : memref<10112x128xf32, #tpu.memory_space<vmem_shared>> -> memref<10112x128xf32, #tpu.memory_space<vmem_shared>>
      tpu.wait_indirect_dma semaphore(%arg33 : memref<!tpu.dma_semaphore, #tpu.memory_space<semaphore_mem>>) src(%arg21 : memref<96x128xf32, #tpu.memory_space<vmem>>) dst(%dma_wait3A_155 : memref<10112x128xf32, #tpu.memory_space<vmem_shared>>)
    } else {
    }
    %barrier3A_10 = arith.constant 0 : index
    tpu.barrier barrier_id(%barrier3A_10)
    %eq3A_11 = arith.constant 0 : i32
    %eq3A_12 = arith.cmpi eq, %arg0, %eq3A_11 : i32
    %convert_element_type3A_13 = arith.extui %eq3A_12 : i1 to i32
    %cond3A_14 = arith.constant 0 : i32
    %cond3A_15 = arith.cmpi ne, %convert_element_type3A_13, %cond3A_14 : i32
    scf.if %cond3A_15 {
      "tpu.region"() ({
        %run_scoped3A = tpu.sem_alloc : memref<!tpu.dma_semaphore, #tpu.memory_space<semaphore_mem>>
        %dma_start3A = arith.constant 0 : i32
        %dma_start3A_21 = tpu.memref_slice %arg9[%mul3A_0, %dma_start3A] : memref<10112x128xf32, #tpu.memory_space<hbm>> -> memref<632x128xf32, #tpu.memory_space<hbm>>
        %dma_start3A_22 = arith.constant 0 : i32
        %dma_start3A_23 = tpu.memref_slice %arg11[%mul3A_0, %dma_start3A_22] : memref<10112x128xf32, #tpu.memory_space<vmem_shared>> -> memref<632x128xf32, #tpu.memory_space<vmem_shared>>
        tpu.enqueue_dma source(%dma_start3A_23 : memref<632x128xf32, #tpu.memory_space<vmem_shared>>) target(%dma_start3A_21 : memref<632x128xf32, #tpu.memory_space<hbm>>) target_semaphore(%run_scoped3A : memref<!tpu.dma_semaphore, #tpu.memory_space<semaphore_mem>>)
        %dma_wait3A = arith.constant 0 : i32
        %dma_wait3A_24 = tpu.memref_slice %arg9[%mul3A_0, %dma_wait3A] : memref<10112x128xf32, #tpu.memory_space<hbm>> -> memref<632x128xf32, #tpu.memory_space<hbm>>
        %dma_wait3A_25 = arith.constant 0 : i32
        %dma_wait3A_26 = tpu.memref_slice %arg11[%mul3A_0, %dma_wait3A_25] : memref<10112x128xf32, #tpu.memory_space<vmem_shared>> -> memref<632x128xf32, #tpu.memory_space<vmem_shared>>
        tpu.wait_dma2 semaphore(%run_scoped3A : memref<!tpu.dma_semaphore, #tpu.memory_space<semaphore_mem>>) src(%dma_wait3A_26 : memref<632x128xf32, #tpu.memory_space<vmem_shared>>) dst(%dma_wait3A_24 : memref<632x128xf32, #tpu.memory_space<hbm>>)
        tpu.yield
      }) : () -> ()
    } else {
    }
    %eq3A_16 = arith.constant 1 : i32
    %eq3A_17 = arith.cmpi eq, %arg0, %eq3A_16 : i32
    %convert_element_type3A_18 = arith.extui %eq3A_17 : i1 to i32
    %cond3A_19 = arith.constant 0 : i32
    %cond3A_20 = arith.cmpi ne, %convert_element_type3A_18, %cond3A_19 : i32
    scf.if %cond3A_20 {
      "tpu.region"() ({
        %run_scoped3A = tpu.sem_alloc : memref<!tpu.dma_semaphore, #tpu.memory_space<semaphore_mem>>
        %dma_start3A = arith.constant 0 : i32
        %dma_start3A_21 = tpu.memref_slice %arg10[%mul3A_0, %dma_start3A] : memref<10112x128xf32, #tpu.memory_space<hbm>> -> memref<632x128xf32, #tpu.memory_space<hbm>>
        %dma_start3A_22 = arith.constant 0 : i32
        %dma_start3A_23 = tpu.memref_slice %arg11[%mul3A_0, %dma_start3A_22] : memref<10112x128xf32, #tpu.memory_space<vmem_shared>> -> memref<632x128xf32, #tpu.memory_space<vmem_shared>>
        tpu.enqueue_dma source(%dma_start3A_23 : memref<632x128xf32, #tpu.memory_space<vmem_shared>>) target(%dma_start3A_21 : memref<632x128xf32, #tpu.memory_space<hbm>>) target_semaphore(%run_scoped3A : memref<!tpu.dma_semaphore, #tpu.memory_space<semaphore_mem>>)
        %dma_wait3A = arith.constant 0 : i32
        %dma_wait3A_24 = tpu.memref_slice %arg10[%mul3A_0, %dma_wait3A] : memref<10112x128xf32, #tpu.memory_space<hbm>> -> memref<632x128xf32, #tpu.memory_space<hbm>>
        %dma_wait3A_25 = arith.constant 0 : i32
        %dma_wait3A_26 = tpu.memref_slice %arg11[%mul3A_0, %dma_wait3A_25] : memref<10112x128xf32, #tpu.memory_space<vmem_shared>> -> memref<632x128xf32, #tpu.memory_space<vmem_shared>>
        tpu.wait_dma2 semaphore(%run_scoped3A : memref<!tpu.dma_semaphore, #tpu.memory_space<semaphore_mem>>) src(%dma_wait3A_26 : memref<632x128xf32, #tpu.memory_space<vmem_shared>>) dst(%dma_wait3A_24 : memref<632x128xf32, #tpu.memory_space<hbm>>)
        tpu.yield
      }) : () -> ()
    } else {
    }
    return
  }
}

#map = affine_map<(d0, d1) -> (0, 0)>
#map1 = affine_map<(d0, d1) -> (0)>
module attributes {stable_mosaic.version = 14 : i64} {
  func.func @_prop_kernel(%arg0: i32, %arg1: i32, %arg2: memref<10112x128xf32, #tpu.memory_space<hbm>>, %arg3: memref<10112x128xf32, #tpu.memory_space<hbm>>, %arg4: memref<322560xi32, #tpu.memory_space<hbm>>, %arg5: memref<322560xi32, #tpu.memory_space<hbm>>, %arg6: memref<322560xi32, #tpu.memory_space<hbm>>, %arg7: memref<322560xi32, #tpu.memory_space<hbm>>, %arg8: memref<632x128xf32, #tpu.memory_space<hbm>>, %arg9: memref<10112x128xf32, #tpu.memory_space<hbm>>, %arg10: memref<10112x128xf32, #tpu.memory_space<hbm>>, %arg11: memref<10112x128xf32, #tpu.memory_space<vmem_shared>>, %arg12: memref<96xi32, #tpu.memory_space<vmem>>, %arg13: memref<96xi32, #tpu.memory_space<vmem>>, %arg14: memref<96xi32, #tpu.memory_space<vmem>>, %arg15: memref<96xi32, #tpu.memory_space<vmem>>, %arg16: memref<96xi32, #tpu.memory_space<vmem>>, %arg17: memref<96xi32, #tpu.memory_space<vmem>>, %arg18: memref<96xi32, #tpu.memory_space<vmem>>, %arg19: memref<96xi32, #tpu.memory_space<vmem>>, %arg20: memref<96x128xf32, #tpu.memory_space<vmem>>, %arg21: memref<96x128xf32, #tpu.memory_space<vmem>>, %arg22: memref<96x128xf32, #tpu.memory_space<vmem>>, %arg23: memref<96x128xf32, #tpu.memory_space<vmem>>, %arg24: memref<!tpu.dma_semaphore, #tpu.memory_space<semaphore_mem>>, %arg25: memref<!tpu.dma_semaphore, #tpu.memory_space<semaphore_mem>>, %arg26: memref<!tpu.dma_semaphore, #tpu.memory_space<semaphore_mem>>, %arg27: memref<!tpu.dma_semaphore, #tpu.memory_space<semaphore_mem>>, %arg28: memref<!tpu.dma_semaphore, #tpu.memory_space<semaphore_mem>>, %arg29: memref<!tpu.dma_semaphore, #tpu.memory_space<semaphore_mem>>, %arg30: memref<!tpu.dma_semaphore, #tpu.memory_space<semaphore_mem>>, %arg31: memref<!tpu.dma_semaphore, #tpu.memory_space<semaphore_mem>>, %arg32: memref<!tpu.dma_semaphore, #tpu.memory_space<semaphore_mem>>, %arg33: memref<!tpu.dma_semaphore, #tpu.memory_space<semaphore_mem>>, %arg34: memref<!tpu.dma_semaphore, #tpu.memory_space<semaphore_mem>>, %arg35: memref<!tpu.dma_semaphore, #tpu.memory_space<semaphore_mem>>) attributes {dimension_semantics = [#tpu.dimension_semantics<core_parallel>, #tpu.dimension_semantics<subcore_parallel>], iteration_bounds = array<i64: 2, 16>, scalar_prefetch = 0 : i64, scratch_operands = 25 : i64, tpu.core_type = #tpu.core_type<sc_vector_subcore>, window_params = [{transform_indices = #map}, {transform_indices = #map}, {transform_indices = #map1}, {transform_indices = #map1}, {transform_indices = #map1}, {transform_indices = #map1}, {transform_indices = #map}, {transform_indices = #map}, {transform_indices = #map}]} {
    %mul3A = arith.constant 632 : i32
    %mul3A_0 = arith.muli %arg1, %mul3A : i32
    "tpu.region"() ({
      %run_scoped3A = tpu.sem_alloc : memref<!tpu.dma_semaphore, #tpu.memory_space<semaphore_mem>>
      %dma_start3A = arith.constant 0 : i32
      %dma_start3A_21 = tpu.memref_slice %arg11[%mul3A_0, %dma_start3A] : memref<10112x128xf32, #tpu.memory_space<vmem_shared>> -> memref<632x128xf32, #tpu.memory_space<vmem_shared>>
      tpu.enqueue_dma source(%arg8 : memref<632x128xf32, #tpu.memory_space<hbm>>) target(%dma_start3A_21 : memref<632x128xf32, #tpu.memory_space<vmem_shared>>) target_semaphore(%run_scoped3A : memref<!tpu.dma_semaphore, #tpu.memory_space<semaphore_mem>>)
      %dma_wait3A = arith.constant 0 : i32
      %dma_wait3A_22 = tpu.memref_slice %arg11[%mul3A_0, %dma_wait3A] : memref<10112x128xf32, #tpu.memory_space<vmem_shared>> -> memref<632x128xf32, #tpu.memory_space<vmem_shared>>
      tpu.wait_dma2 semaphore(%run_scoped3A : memref<!tpu.dma_semaphore, #tpu.memory_space<semaphore_mem>>) src(%arg8 : memref<632x128xf32, #tpu.memory_space<hbm>>) dst(%dma_wait3A_22 : memref<632x128xf32, #tpu.memory_space<vmem_shared>>)
      tpu.yield
    }) : () -> ()
    %barrier3A = arith.constant 0 : index
    tpu.barrier barrier_id(%barrier3A)
    %mul3A_1 = arith.constant 20160 : i32
    %mul3A_2 = arith.muli %arg1, %mul3A_1 : i32
    %eq3A = arith.constant 0 : i32
    %eq3A_3 = arith.cmpi eq, %arg0, %eq3A : i32
    %convert_element_type3A = arith.extui %eq3A_3 : i1 to i32
    %cond3A = arith.constant 0 : i32
    %cond3A_4 = arith.cmpi ne, %convert_element_type3A, %cond3A : i32
    scf.if %cond3A_4 {
      %add3A = arith.constant 0 : i32
      %add3A_21 = arith.addi %mul3A_2, %add3A : i32
      %dma_start3A = tpu.memref_slice %arg4[%add3A_21] : memref<322560xi32, #tpu.memory_space<hbm>> -> memref<96xi32, #tpu.memory_space<hbm>>
      %dma_start3A_22 = tpu.memref_slice %arg4[%add3A_21] : memref<322560xi32, #tpu.memory_space<hbm>> -> memref<96xi32, #tpu.memory_space<hbm>>
      tpu.enqueue_dma source(%dma_start3A_22 : memref<96xi32, #tpu.memory_space<hbm>>) target(%arg12 : memref<96xi32, #tpu.memory_space<vmem>>) target_semaphore(%arg24 : memref<!tpu.dma_semaphore, #tpu.memory_space<semaphore_mem>>)
      %dma_start3A_23 = tpu.memref_slice %arg5[%add3A_21] : memref<322560xi32, #tpu.memory_space<hbm>> -> memref<96xi32, #tpu.memory_space<hbm>>
      %dma_start3A_24 = tpu.memref_slice %arg5[%add3A_21] : memref<322560xi32, #tpu.memory_space<hbm>> -> memref<96xi32, #tpu.memory_space<hbm>>
      tpu.enqueue_dma source(%dma_start3A_24 : memref<96xi32, #tpu.memory_space<hbm>>) target(%arg16 : memref<96xi32, #tpu.memory_space<vmem>>) target_semaphore(%arg24 : memref<!tpu.dma_semaphore, #tpu.memory_space<semaphore_mem>>)
      %dma_wait3A = tpu.memref_slice %arg4[%mul3A_2] : memref<322560xi32, #tpu.memory_space<hbm>> -> memref<96xi32, #tpu.memory_space<hbm>>
      %dma_wait3A_25 = tpu.memref_slice %arg4[%mul3A_2] : memref<322560xi32, #tpu.memory_space<hbm>> -> memref<96xi32, #tpu.memory_space<hbm>>
      tpu.wait_dma2 semaphore(%arg24 : memref<!tpu.dma_semaphore, #tpu.memory_space<semaphore_mem>>) src(%dma_wait3A_25 : memref<96xi32, #tpu.memory_space<hbm>>) dst(%arg12 : memref<96xi32, #tpu.memory_space<vmem>>)
      %dma_wait3A_26 = tpu.memref_slice %arg5[%mul3A_2] : memref<322560xi32, #tpu.memory_space<hbm>> -> memref<96xi32, #tpu.memory_space<hbm>>
      %dma_wait3A_27 = tpu.memref_slice %arg5[%mul3A_2] : memref<322560xi32, #tpu.memory_space<hbm>> -> memref<96xi32, #tpu.memory_space<hbm>>
      tpu.wait_dma2 semaphore(%arg24 : memref<!tpu.dma_semaphore, #tpu.memory_space<semaphore_mem>>) src(%dma_wait3A_27 : memref<96xi32, #tpu.memory_space<hbm>>) dst(%arg16 : memref<96xi32, #tpu.memory_space<vmem>>)
      %dma_start3A_28 = arith.constant 0 : i32
      %dma_start3A_29 = arith.constant 0 : i32
      %dma_start3A_30 = tpu.memref_slice %arg2[%dma_start3A_28, %dma_start3A_29] : memref<10112x128xf32, #tpu.memory_space<hbm>> -> memref<10112x128xf32, #tpu.memory_space<hbm>>
      tpu.enqueue_indirect_dma source(%dma_start3A_30 : memref<10112x128xf32, #tpu.memory_space<hbm>>) target(%arg20 : memref<96x128xf32, #tpu.memory_space<vmem>>) offsets(%arg12 : memref<96xi32, #tpu.memory_space<vmem>>) semaphore(%arg28 : memref<!tpu.dma_semaphore, #tpu.memory_space<semaphore_mem>>)
      %add3A_31 = arith.constant 96 : i32
      %add3A_32 = arith.addi %mul3A_2, %add3A_31 : i32
      %dma_start3A_33 = tpu.memref_slice %arg4[%add3A_32] : memref<322560xi32, #tpu.memory_space<hbm>> -> memref<96xi32, #tpu.memory_space<hbm>>
      %dma_start3A_34 = tpu.memref_slice %arg4[%add3A_32] : memref<322560xi32, #tpu.memory_space<hbm>> -> memref<96xi32, #tpu.memory_space<hbm>>
      tpu.enqueue_dma source(%dma_start3A_34 : memref<96xi32, #tpu.memory_space<hbm>>) target(%arg13 : memref<96xi32, #tpu.memory_space<vmem>>) target_semaphore(%arg25 : memref<!tpu.dma_semaphore, #tpu.memory_space<semaphore_mem>>)
      %dma_start3A_35 = tpu.memref_slice %arg5[%add3A_32] : memref<322560xi32, #tpu.memory_space<hbm>> -> memref<96xi32, #tpu.memory_space<hbm>>
      %dma_start3A_36 = tpu.memref_slice %arg5[%add3A_32] : memref<322560xi32, #tpu.memory_space<hbm>> -> memref<96xi32, #tpu.memory_space<hbm>>
      tpu.enqueue_dma source(%dma_start3A_36 : memref<96xi32, #tpu.memory_space<hbm>>) target(%arg17 : memref<96xi32, #tpu.memory_space<vmem>>) target_semaphore(%arg25 : memref<!tpu.dma_semaphore, #tpu.memory_space<semaphore_mem>>)
      %dma_wait3A_37 = tpu.memref_slice %arg4[%mul3A_2] : memref<322560xi32, #tpu.memory_space<hbm>> -> memref<96xi32, #tpu.memory_space<hbm>>
      %dma_wait3A_38 = tpu.memref_slice %arg4[%mul3A_2] : memref<322560xi32, #tpu.memory_space<hbm>> -> memref<96xi32, #tpu.memory_space<hbm>>
      tpu.wait_dma2 semaphore(%arg25 : memref<!tpu.dma_semaphore, #tpu.memory_space<semaphore_mem>>) src(%dma_wait3A_38 : memref<96xi32, #tpu.memory_space<hbm>>) dst(%arg13 : memref<96xi32, #tpu.memory_space<vmem>>)
      %dma_wait3A_39 = tpu.memref_slice %arg5[%mul3A_2] : memref<322560xi32, #tpu.memory_space<hbm>> -> memref<96xi32, #tpu.memory_space<hbm>>
      %dma_wait3A_40 = tpu.memref_slice %arg5[%mul3A_2] : memref<322560xi32, #tpu.memory_space<hbm>> -> memref<96xi32, #tpu.memory_space<hbm>>
      tpu.wait_dma2 semaphore(%arg25 : memref<!tpu.dma_semaphore, #tpu.memory_space<semaphore_mem>>) src(%dma_wait3A_40 : memref<96xi32, #tpu.memory_space<hbm>>) dst(%arg17 : memref<96xi32, #tpu.memory_space<vmem>>)
      %dma_start3A_41 = arith.constant 0 : i32
      %dma_start3A_42 = arith.constant 0 : i32
      %dma_start3A_43 = tpu.memref_slice %arg2[%dma_start3A_41, %dma_start3A_42] : memref<10112x128xf32, #tpu.memory_space<hbm>> -> memref<10112x128xf32, #tpu.memory_space<hbm>>
      tpu.enqueue_indirect_dma source(%dma_start3A_43 : memref<10112x128xf32, #tpu.memory_space<hbm>>) target(%arg21 : memref<96x128xf32, #tpu.memory_space<vmem>>) offsets(%arg13 : memref<96xi32, #tpu.memory_space<vmem>>) semaphore(%arg29 : memref<!tpu.dma_semaphore, #tpu.memory_space<semaphore_mem>>)
      %add3A_44 = arith.constant 192 : i32
      %add3A_45 = arith.addi %mul3A_2, %add3A_44 : i32
      %dma_start3A_46 = tpu.memref_slice %arg4[%add3A_45] : memref<322560xi32, #tpu.memory_space<hbm>> -> memref<96xi32, #tpu.memory_space<hbm>>
      %dma_start3A_47 = tpu.memref_slice %arg4[%add3A_45] : memref<322560xi32, #tpu.memory_space<hbm>> -> memref<96xi32, #tpu.memory_space<hbm>>
      tpu.enqueue_dma source(%dma_start3A_47 : memref<96xi32, #tpu.memory_space<hbm>>) target(%arg14 : memref<96xi32, #tpu.memory_space<vmem>>) target_semaphore(%arg26 : memref<!tpu.dma_semaphore, #tpu.memory_space<semaphore_mem>>)
      %dma_start3A_48 = tpu.memref_slice %arg5[%add3A_45] : memref<322560xi32, #tpu.memory_space<hbm>> -> memref<96xi32, #tpu.memory_space<hbm>>
      %dma_start3A_49 = tpu.memref_slice %arg5[%add3A_45] : memref<322560xi32, #tpu.memory_space<hbm>> -> memref<96xi32, #tpu.memory_space<hbm>>
      tpu.enqueue_dma source(%dma_start3A_49 : memref<96xi32, #tpu.memory_space<hbm>>) target(%arg18 : memref<96xi32, #tpu.memory_space<vmem>>) target_semaphore(%arg26 : memref<!tpu.dma_semaphore, #tpu.memory_space<semaphore_mem>>)
      %dma_wait3A_50 = tpu.memref_slice %arg4[%mul3A_2] : memref<322560xi32, #tpu.memory_space<hbm>> -> memref<96xi32, #tpu.memory_space<hbm>>
      %dma_wait3A_51 = tpu.memref_slice %arg4[%mul3A_2] : memref<322560xi32, #tpu.memory_space<hbm>> -> memref<96xi32, #tpu.memory_space<hbm>>
      tpu.wait_dma2 semaphore(%arg26 : memref<!tpu.dma_semaphore, #tpu.memory_space<semaphore_mem>>) src(%dma_wait3A_51 : memref<96xi32, #tpu.memory_space<hbm>>) dst(%arg14 : memref<96xi32, #tpu.memory_space<vmem>>)
      %dma_wait3A_52 = tpu.memref_slice %arg5[%mul3A_2] : memref<322560xi32, #tpu.memory_space<hbm>> -> memref<96xi32, #tpu.memory_space<hbm>>
      %dma_wait3A_53 = tpu.memref_slice %arg5[%mul3A_2] : memref<322560xi32, #tpu.memory_space<hbm>> -> memref<96xi32, #tpu.memory_space<hbm>>
      tpu.wait_dma2 semaphore(%arg26 : memref<!tpu.dma_semaphore, #tpu.memory_space<semaphore_mem>>) src(%dma_wait3A_53 : memref<96xi32, #tpu.memory_space<hbm>>) dst(%arg18 : memref<96xi32, #tpu.memory_space<vmem>>)
      %dma_start3A_54 = arith.constant 0 : i32
      %dma_start3A_55 = arith.constant 0 : i32
      %dma_start3A_56 = tpu.memref_slice %arg2[%dma_start3A_54, %dma_start3A_55] : memref<10112x128xf32, #tpu.memory_space<hbm>> -> memref<10112x128xf32, #tpu.memory_space<hbm>>
      tpu.enqueue_indirect_dma source(%dma_start3A_56 : memref<10112x128xf32, #tpu.memory_space<hbm>>) target(%arg22 : memref<96x128xf32, #tpu.memory_space<vmem>>) offsets(%arg14 : memref<96xi32, #tpu.memory_space<vmem>>) semaphore(%arg30 : memref<!tpu.dma_semaphore, #tpu.memory_space<semaphore_mem>>)
      %dma_wait3A_57 = arith.constant 0 : i32
      %dma_wait3A_58 = arith.constant 0 : i32
      %dma_wait3A_59 = tpu.memref_slice %arg2[%dma_wait3A_57, %dma_wait3A_58] : memref<10112x128xf32, #tpu.memory_space<hbm>> -> memref<10112x128xf32, #tpu.memory_space<hbm>>
      tpu.wait_indirect_dma semaphore(%arg28 : memref<!tpu.dma_semaphore, #tpu.memory_space<semaphore_mem>>) src(%dma_wait3A_59 : memref<10112x128xf32, #tpu.memory_space<hbm>>) dst(%arg20 : memref<96x128xf32, #tpu.memory_space<vmem>>)
      %dma_start3A_60 = arith.constant 0 : i32
      %dma_start3A_61 = arith.constant 0 : i32
      %dma_start3A_62 = tpu.memref_slice %arg11[%dma_start3A_60, %dma_start3A_61] : memref<10112x128xf32, #tpu.memory_space<vmem_shared>> -> memref<10112x128xf32, #tpu.memory_space<vmem_shared>>
      tpu.enqueue_indirect_dma source(%arg20 : memref<96x128xf32, #tpu.memory_space<vmem>>) target(%dma_start3A_62 : memref<10112x128xf32, #tpu.memory_space<vmem_shared>>) offsets(%arg16 : memref<96xi32, #tpu.memory_space<vmem>>) semaphore(%arg32 : memref<!tpu.dma_semaphore, #tpu.memory_space<semaphore_mem>>) {add = true}
      %add3A_63 = arith.constant 288 : i32
      %add3A_64 = arith.addi %mul3A_2, %add3A_63 : i32
      %dma_start3A_65 = tpu.memref_slice %arg4[%add3A_64] : memref<322560xi32, #tpu.memory_space<hbm>> -> memref<96xi32, #tpu.memory_space<hbm>>
      %dma_start3A_66 = tpu.memref_slice %arg4[%add3A_64] : memref<322560xi32, #tpu.memory_space<hbm>> -> memref<96xi32, #tpu.memory_space<hbm>>
      tpu.enqueue_dma source(%dma_start3A_66 : memref<96xi32, #tpu.memory_space<hbm>>) target(%arg15 : memref<96xi32, #tpu.memory_space<vmem>>) target_semaphore(%arg27 : memref<!tpu.dma_semaphore, #tpu.memory_space<semaphore_mem>>)
      %dma_start3A_67 = tpu.memref_slice %arg5[%add3A_64] : memref<322560xi32, #tpu.memory_space<hbm>> -> memref<96xi32, #tpu.memory_space<hbm>>
      %dma_start3A_68 = tpu.memref_slice %arg5[%add3A_64] : memref<322560xi32, #tpu.memory_space<hbm>> -> memref<96xi32, #tpu.memory_space<hbm>>
      tpu.enqueue_dma source(%dma_start3A_68 : memref<96xi32, #tpu.memory_space<hbm>>) target(%arg19 : memref<96xi32, #tpu.memory_space<vmem>>) target_semaphore(%arg27 : memref<!tpu.dma_semaphore, #tpu.memory_space<semaphore_mem>>)
      %scan3A = arith.constant 0 : i32
      %scan3A_69 = arith.constant 0 : i32
      %scan3A_70 = arith.constant 51 : i32
      %scan3A_71 = arith.addi %scan3A_69, %scan3A_70 : i32
      %scan3A_72 = arith.constant 1 : i32
      %scan3A_73 = scf.for %scan3A_156 = %scan3A_69 to %scan3A_71 step %scan3A_72 iter_args(%scan3A_157 = %scan3A) -> (i32)  : i32 {
        %mul3A_158 = arith.constant 4 : i32
        %mul3A_159 = arith.muli %mul3A_158, %scan3A_156 : i32
        %add3A_160 = arith.constant 3 : i32
        %add3A_161 = arith.addi %add3A_160, %mul3A_159 : i32
        %dma_wait3A_162 = tpu.memref_slice %arg4[%mul3A_2] : memref<322560xi32, #tpu.memory_space<hbm>> -> memref<96xi32, #tpu.memory_space<hbm>>
        %dma_wait3A_163 = tpu.memref_slice %arg4[%mul3A_2] : memref<322560xi32, #tpu.memory_space<hbm>> -> memref<96xi32, #tpu.memory_space<hbm>>
        tpu.wait_dma2 semaphore(%arg27 : memref<!tpu.dma_semaphore, #tpu.memory_space<semaphore_mem>>) src(%dma_wait3A_163 : memref<96xi32, #tpu.memory_space<hbm>>) dst(%arg15 : memref<96xi32, #tpu.memory_space<vmem>>)
        %dma_wait3A_164 = tpu.memref_slice %arg5[%mul3A_2] : memref<322560xi32, #tpu.memory_space<hbm>> -> memref<96xi32, #tpu.memory_space<hbm>>
        %dma_wait3A_165 = tpu.memref_slice %arg5[%mul3A_2] : memref<322560xi32, #tpu.memory_space<hbm>> -> memref<96xi32, #tpu.memory_space<hbm>>
        tpu.wait_dma2 semaphore(%arg27 : memref<!tpu.dma_semaphore, #tpu.memory_space<semaphore_mem>>) src(%dma_wait3A_165 : memref<96xi32, #tpu.memory_space<hbm>>) dst(%arg19 : memref<96xi32, #tpu.memory_space<vmem>>)
        %dma_start3A_166 = arith.constant 0 : i32
        %dma_start3A_167 = arith.constant 0 : i32
        %dma_start3A_168 = tpu.memref_slice %arg2[%dma_start3A_166, %dma_start3A_167] : memref<10112x128xf32, #tpu.memory_space<hbm>> -> memref<10112x128xf32, #tpu.memory_space<hbm>>
        tpu.enqueue_indirect_dma source(%dma_start3A_168 : memref<10112x128xf32, #tpu.memory_space<hbm>>) target(%arg23 : memref<96x128xf32, #tpu.memory_space<vmem>>) offsets(%arg15 : memref<96xi32, #tpu.memory_space<vmem>>) semaphore(%arg31 : memref<!tpu.dma_semaphore, #tpu.memory_space<semaphore_mem>>)
        %dma_wait3A_169 = arith.constant 0 : i32
        %dma_wait3A_170 = arith.constant 0 : i32
        %dma_wait3A_171 = tpu.memref_slice %arg2[%dma_wait3A_169, %dma_wait3A_170] : memref<10112x128xf32, #tpu.memory_space<hbm>> -> memref<10112x128xf32, #tpu.memory_space<hbm>>
        tpu.wait_indirect_dma semaphore(%arg29 : memref<!tpu.dma_semaphore, #tpu.memory_space<semaphore_mem>>) src(%dma_wait3A_171 : memref<10112x128xf32, #tpu.memory_space<hbm>>) dst(%arg21 : memref<96x128xf32, #tpu.memory_space<vmem>>)
        %dma_start3A_172 = arith.constant 0 : i32
        %dma_start3A_173 = arith.constant 0 : i32
        %dma_start3A_174 = tpu.memref_slice %arg11[%dma_start3A_172, %dma_start3A_173] : memref<10112x128xf32, #tpu.memory_space<vmem_shared>> -> memref<10112x128xf32, #tpu.memory_space<vmem_shared>>
        tpu.enqueue_indirect_dma source(%arg21 : memref<96x128xf32, #tpu.memory_space<vmem>>) target(%dma_start3A_174 : memref<10112x128xf32, #tpu.memory_space<vmem_shared>>) offsets(%arg17 : memref<96xi32, #tpu.memory_space<vmem>>) semaphore(%arg33 : memref<!tpu.dma_semaphore, #tpu.memory_space<semaphore_mem>>) {add = true}
        %dma_wait3A_175 = arith.constant 0 : i32
        %dma_wait3A_176 = arith.constant 0 : i32
        %dma_wait3A_177 = tpu.memref_slice %arg11[%dma_wait3A_175, %dma_wait3A_176] : memref<10112x128xf32, #tpu.memory_space<vmem_shared>> -> memref<10112x128xf32, #tpu.memory_space<vmem_shared>>
        tpu.wait_indirect_dma semaphore(%arg32 : memref<!tpu.dma_semaphore, #tpu.memory_space<semaphore_mem>>) src(%arg20 : memref<96x128xf32, #tpu.memory_space<vmem>>) dst(%dma_wait3A_177 : memref<10112x128xf32, #tpu.memory_space<vmem_shared>>)
        %add3A_178 = arith.constant 1 : i32
        %add3A_179 = arith.addi %add3A_161, %add3A_178 : i32
        %mul3A_180 = arith.constant 96 : i32
        %mul3A_181 = arith.muli %add3A_179, %mul3A_180 : i32
        %add3A_182 = arith.addi %mul3A_2, %mul3A_181 : i32
        %dma_start3A_183 = tpu.memref_slice %arg4[%add3A_182] : memref<322560xi32, #tpu.memory_space<hbm>> -> memref<96xi32, #tpu.memory_space<hbm>>
        %dma_start3A_184 = tpu.memref_slice %arg4[%add3A_182] : memref<322560xi32, #tpu.memory_space<hbm>> -> memref<96xi32, #tpu.memory_space<hbm>>
        tpu.enqueue_dma source(%dma_start3A_184 : memref<96xi32, #tpu.memory_space<hbm>>) target(%arg12 : memref<96xi32, #tpu.memory_space<vmem>>) target_semaphore(%arg24 : memref<!tpu.dma_semaphore, #tpu.memory_space<semaphore_mem>>)
        %dma_start3A_185 = tpu.memref_slice %arg5[%add3A_182] : memref<322560xi32, #tpu.memory_space<hbm>> -> memref<96xi32, #tpu.memory_space<hbm>>
        %dma_start3A_186 = tpu.memref_slice %arg5[%add3A_182] : memref<322560xi32, #tpu.memory_space<hbm>> -> memref<96xi32, #tpu.memory_space<hbm>>
        tpu.enqueue_dma source(%dma_start3A_186 : memref<96xi32, #tpu.memory_space<hbm>>) target(%arg16 : memref<96xi32, #tpu.memory_space<vmem>>) target_semaphore(%arg24 : memref<!tpu.dma_semaphore, #tpu.memory_space<semaphore_mem>>)
        %add3A_187 = arith.constant 1 : i32
        %add3A_188 = arith.addi %add3A_161, %add3A_187 : i32
        %dma_wait3A_189 = tpu.memref_slice %arg4[%mul3A_2] : memref<322560xi32, #tpu.memory_space<hbm>> -> memref<96xi32, #tpu.memory_space<hbm>>
        %dma_wait3A_190 = tpu.memref_slice %arg4[%mul3A_2] : memref<322560xi32, #tpu.memory_space<hbm>> -> memref<96xi32, #tpu.memory_space<hbm>>
        tpu.wait_dma2 semaphore(%arg24 : memref<!tpu.dma_semaphore, #tpu.memory_space<semaphore_mem>>) src(%dma_wait3A_190 : memref<96xi32, #tpu.memory_space<hbm>>) dst(%arg12 : memref<96xi32, #tpu.memory_space<vmem>>)
        %dma_wait3A_191 = tpu.memref_slice %arg5[%mul3A_2] : memref<322560xi32, #tpu.memory_space<hbm>> -> memref<96xi32, #tpu.memory_space<hbm>>
        %dma_wait3A_192 = tpu.memref_slice %arg5[%mul3A_2] : memref<322560xi32, #tpu.memory_space<hbm>> -> memref<96xi32, #tpu.memory_space<hbm>>
        tpu.wait_dma2 semaphore(%arg24 : memref<!tpu.dma_semaphore, #tpu.memory_space<semaphore_mem>>) src(%dma_wait3A_192 : memref<96xi32, #tpu.memory_space<hbm>>) dst(%arg16 : memref<96xi32, #tpu.memory_space<vmem>>)
        %dma_start3A_193 = arith.constant 0 : i32
        %dma_start3A_194 = arith.constant 0 : i32
        %dma_start3A_195 = tpu.memref_slice %arg2[%dma_start3A_193, %dma_start3A_194] : memref<10112x128xf32, #tpu.memory_space<hbm>> -> memref<10112x128xf32, #tpu.memory_space<hbm>>
        tpu.enqueue_indirect_dma source(%dma_start3A_195 : memref<10112x128xf32, #tpu.memory_space<hbm>>) target(%arg20 : memref<96x128xf32, #tpu.memory_space<vmem>>) offsets(%arg12 : memref<96xi32, #tpu.memory_space<vmem>>) semaphore(%arg28 : memref<!tpu.dma_semaphore, #tpu.memory_space<semaphore_mem>>)
        %dma_wait3A_196 = arith.constant 0 : i32
        %dma_wait3A_197 = arith.constant 0 : i32
        %dma_wait3A_198 = tpu.memref_slice %arg2[%dma_wait3A_196, %dma_wait3A_197] : memref<10112x128xf32, #tpu.memory_space<hbm>> -> memref<10112x128xf32, #tpu.memory_space<hbm>>
        tpu.wait_indirect_dma semaphore(%arg30 : memref<!tpu.dma_semaphore, #tpu.memory_space<semaphore_mem>>) src(%dma_wait3A_198 : memref<10112x128xf32, #tpu.memory_space<hbm>>) dst(%arg22 : memref<96x128xf32, #tpu.memory_space<vmem>>)
        %dma_start3A_199 = arith.constant 0 : i32
        %dma_start3A_200 = arith.constant 0 : i32
        %dma_start3A_201 = tpu.memref_slice %arg11[%dma_start3A_199, %dma_start3A_200] : memref<10112x128xf32, #tpu.memory_space<vmem_shared>> -> memref<10112x128xf32, #tpu.memory_space<vmem_shared>>
        tpu.enqueue_indirect_dma source(%arg22 : memref<96x128xf32, #tpu.memory_space<vmem>>) target(%dma_start3A_201 : memref<10112x128xf32, #tpu.memory_space<vmem_shared>>) offsets(%arg18 : memref<96xi32, #tpu.memory_space<vmem>>) semaphore(%arg34 : memref<!tpu.dma_semaphore, #tpu.memory_space<semaphore_mem>>) {add = true}
        %dma_wait3A_202 = arith.constant 0 : i32
        %dma_wait3A_203 = arith.constant 0 : i32
        %dma_wait3A_204 = tpu.memref_slice %arg11[%dma_wait3A_202, %dma_wait3A_203] : memref<10112x128xf32, #tpu.memory_space<vmem_shared>> -> memref<10112x128xf32, #tpu.memory_space<vmem_shared>>
        tpu.wait_indirect_dma semaphore(%arg33 : memref<!tpu.dma_semaphore, #tpu.memory_space<semaphore_mem>>) src(%arg21 : memref<96x128xf32, #tpu.memory_space<vmem>>) dst(%dma_wait3A_204 : memref<10112x128xf32, #tpu.memory_space<vmem_shared>>)
        %add3A_205 = arith.constant 1 : i32
        %add3A_206 = arith.addi %add3A_188, %add3A_205 : i32
        %mul3A_207 = arith.constant 96 : i32
        %mul3A_208 = arith.muli %add3A_206, %mul3A_207 : i32
        %add3A_209 = arith.addi %mul3A_2, %mul3A_208 : i32
        %dma_start3A_210 = tpu.memref_slice %arg4[%add3A_209] : memref<322560xi32, #tpu.memory_space<hbm>> -> memref<96xi32, #tpu.memory_space<hbm>>
        %dma_start3A_211 = tpu.memref_slice %arg4[%add3A_209] : memref<322560xi32, #tpu.memory_space<hbm>> -> memref<96xi32, #tpu.memory_space<hbm>>
        tpu.enqueue_dma source(%dma_start3A_211 : memref<96xi32, #tpu.memory_space<hbm>>) target(%arg13 : memref<96xi32, #tpu.memory_space<vmem>>) target_semaphore(%arg25 : memref<!tpu.dma_semaphore, #tpu.memory_space<semaphore_mem>>)
        %dma_start3A_212 = tpu.memref_slice %arg5[%add3A_209] : memref<322560xi32, #tpu.memory_space<hbm>> -> memref<96xi32, #tpu.memory_space<hbm>>
        %dma_start3A_213 = tpu.memref_slice %arg5[%add3A_209] : memref<322560xi32, #tpu.memory_space<hbm>> -> memref<96xi32, #tpu.memory_space<hbm>>
        tpu.enqueue_dma source(%dma_start3A_213 : memref<96xi32, #tpu.memory_space<hbm>>) target(%arg17 : memref<96xi32, #tpu.memory_space<vmem>>) target_semaphore(%arg25 : memref<!tpu.dma_semaphore, #tpu.memory_space<semaphore_mem>>)
        %add3A_214 = arith.constant 2 : i32
        %add3A_215 = arith.addi %add3A_161, %add3A_214 : i32
        %dma_wait3A_216 = tpu.memref_slice %arg4[%mul3A_2] : memref<322560xi32, #tpu.memory_space<hbm>> -> memref<96xi32, #tpu.memory_space<hbm>>
        %dma_wait3A_217 = tpu.memref_slice %arg4[%mul3A_2] : memref<322560xi32, #tpu.memory_space<hbm>> -> memref<96xi32, #tpu.memory_space<hbm>>
        tpu.wait_dma2 semaphore(%arg25 : memref<!tpu.dma_semaphore, #tpu.memory_space<semaphore_mem>>) src(%dma_wait3A_217 : memref<96xi32, #tpu.memory_space<hbm>>) dst(%arg13 : memref<96xi32, #tpu.memory_space<vmem>>)
        %dma_wait3A_218 = tpu.memref_slice %arg5[%mul3A_2] : memref<322560xi32, #tpu.memory_space<hbm>> -> memref<96xi32, #tpu.memory_space<hbm>>
        %dma_wait3A_219 = tpu.memref_slice %arg5[%mul3A_2] : memref<322560xi32, #tpu.memory_space<hbm>> -> memref<96xi32, #tpu.memory_space<hbm>>
        tpu.wait_dma2 semaphore(%arg25 : memref<!tpu.dma_semaphore, #tpu.memory_space<semaphore_mem>>) src(%dma_wait3A_219 : memref<96xi32, #tpu.memory_space<hbm>>) dst(%arg17 : memref<96xi32, #tpu.memory_space<vmem>>)
        %dma_start3A_220 = arith.constant 0 : i32
        %dma_start3A_221 = arith.constant 0 : i32
        %dma_start3A_222 = tpu.memref_slice %arg2[%dma_start3A_220, %dma_start3A_221] : memref<10112x128xf32, #tpu.memory_space<hbm>> -> memref<10112x128xf32, #tpu.memory_space<hbm>>
        tpu.enqueue_indirect_dma source(%dma_start3A_222 : memref<10112x128xf32, #tpu.memory_space<hbm>>) target(%arg21 : memref<96x128xf32, #tpu.memory_space<vmem>>) offsets(%arg13 : memref<96xi32, #tpu.memory_space<vmem>>) semaphore(%arg29 : memref<!tpu.dma_semaphore, #tpu.memory_space<semaphore_mem>>)
        %dma_wait3A_223 = arith.constant 0 : i32
        %dma_wait3A_224 = arith.constant 0 : i32
        %dma_wait3A_225 = tpu.memref_slice %arg2[%dma_wait3A_223, %dma_wait3A_224] : memref<10112x128xf32, #tpu.memory_space<hbm>> -> memref<10112x128xf32, #tpu.memory_space<hbm>>
        tpu.wait_indirect_dma semaphore(%arg31 : memref<!tpu.dma_semaphore, #tpu.memory_space<semaphore_mem>>) src(%dma_wait3A_225 : memref<10112x128xf32, #tpu.memory_space<hbm>>) dst(%arg23 : memref<96x128xf32, #tpu.memory_space<vmem>>)
        %dma_start3A_226 = arith.constant 0 : i32
        %dma_start3A_227 = arith.constant 0 : i32
        %dma_start3A_228 = tpu.memref_slice %arg11[%dma_start3A_226, %dma_start3A_227] : memref<10112x128xf32, #tpu.memory_space<vmem_shared>> -> memref<10112x128xf32, #tpu.memory_space<vmem_shared>>
        tpu.enqueue_indirect_dma source(%arg23 : memref<96x128xf32, #tpu.memory_space<vmem>>) target(%dma_start3A_228 : memref<10112x128xf32, #tpu.memory_space<vmem_shared>>) offsets(%arg19 : memref<96xi32, #tpu.memory_space<vmem>>) semaphore(%arg35 : memref<!tpu.dma_semaphore, #tpu.memory_space<semaphore_mem>>) {add = true}
        %dma_wait3A_229 = arith.constant 0 : i32
        %dma_wait3A_230 = arith.constant 0 : i32
        %dma_wait3A_231 = tpu.memref_slice %arg11[%dma_wait3A_229, %dma_wait3A_230] : memref<10112x128xf32, #tpu.memory_space<vmem_shared>> -> memref<10112x128xf32, #tpu.memory_space<vmem_shared>>
        tpu.wait_indirect_dma semaphore(%arg34 : memref<!tpu.dma_semaphore, #tpu.memory_space<semaphore_mem>>) src(%arg22 : memref<96x128xf32, #tpu.memory_space<vmem>>) dst(%dma_wait3A_231 : memref<10112x128xf32, #tpu.memory_space<vmem_shared>>)
        %add3A_232 = arith.constant 1 : i32
        %add3A_233 = arith.addi %add3A_215, %add3A_232 : i32
        %mul3A_234 = arith.constant 96 : i32
        %mul3A_235 = arith.muli %add3A_233, %mul3A_234 : i32
        %add3A_236 = arith.addi %mul3A_2, %mul3A_235 : i32
        %dma_start3A_237 = tpu.memref_slice %arg4[%add3A_236] : memref<322560xi32, #tpu.memory_space<hbm>> -> memref<96xi32, #tpu.memory_space<hbm>>
        %dma_start3A_238 = tpu.memref_slice %arg4[%add3A_236] : memref<322560xi32, #tpu.memory_space<hbm>> -> memref<96xi32, #tpu.memory_space<hbm>>
        tpu.enqueue_dma source(%dma_start3A_238 : memref<96xi32, #tpu.memory_space<hbm>>) target(%arg14 : memref<96xi32, #tpu.memory_space<vmem>>) target_semaphore(%arg26 : memref<!tpu.dma_semaphore, #tpu.memory_space<semaphore_mem>>)
        %dma_start3A_239 = tpu.memref_slice %arg5[%add3A_236] : memref<322560xi32, #tpu.memory_space<hbm>> -> memref<96xi32, #tpu.memory_space<hbm>>
        %dma_start3A_240 = tpu.memref_slice %arg5[%add3A_236] : memref<322560xi32, #tpu.memory_space<hbm>> -> memref<96xi32, #tpu.memory_space<hbm>>
        tpu.enqueue_dma source(%dma_start3A_240 : memref<96xi32, #tpu.memory_space<hbm>>) target(%arg18 : memref<96xi32, #tpu.memory_space<vmem>>) target_semaphore(%arg26 : memref<!tpu.dma_semaphore, #tpu.memory_space<semaphore_mem>>)
        %add3A_241 = arith.constant 3 : i32
        %add3A_242 = arith.addi %add3A_161, %add3A_241 : i32
        %dma_wait3A_243 = tpu.memref_slice %arg4[%mul3A_2] : memref<322560xi32, #tpu.memory_space<hbm>> -> memref<96xi32, #tpu.memory_space<hbm>>
        %dma_wait3A_244 = tpu.memref_slice %arg4[%mul3A_2] : memref<322560xi32, #tpu.memory_space<hbm>> -> memref<96xi32, #tpu.memory_space<hbm>>
        tpu.wait_dma2 semaphore(%arg26 : memref<!tpu.dma_semaphore, #tpu.memory_space<semaphore_mem>>) src(%dma_wait3A_244 : memref<96xi32, #tpu.memory_space<hbm>>) dst(%arg14 : memref<96xi32, #tpu.memory_space<vmem>>)
        %dma_wait3A_245 = tpu.memref_slice %arg5[%mul3A_2] : memref<322560xi32, #tpu.memory_space<hbm>> -> memref<96xi32, #tpu.memory_space<hbm>>
        %dma_wait3A_246 = tpu.memref_slice %arg5[%mul3A_2] : memref<322560xi32, #tpu.memory_space<hbm>> -> memref<96xi32, #tpu.memory_space<hbm>>
        tpu.wait_dma2 semaphore(%arg26 : memref<!tpu.dma_semaphore, #tpu.memory_space<semaphore_mem>>) src(%dma_wait3A_246 : memref<96xi32, #tpu.memory_space<hbm>>) dst(%arg18 : memref<96xi32, #tpu.memory_space<vmem>>)
        %dma_start3A_247 = arith.constant 0 : i32
        %dma_start3A_248 = arith.constant 0 : i32
        %dma_start3A_249 = tpu.memref_slice %arg2[%dma_start3A_247, %dma_start3A_248] : memref<10112x128xf32, #tpu.memory_space<hbm>> -> memref<10112x128xf32, #tpu.memory_space<hbm>>
        tpu.enqueue_indirect_dma source(%dma_start3A_249 : memref<10112x128xf32, #tpu.memory_space<hbm>>) target(%arg22 : memref<96x128xf32, #tpu.memory_space<vmem>>) offsets(%arg14 : memref<96xi32, #tpu.memory_space<vmem>>) semaphore(%arg30 : memref<!tpu.dma_semaphore, #tpu.memory_space<semaphore_mem>>)
        %dma_wait3A_250 = arith.constant 0 : i32
        %dma_wait3A_251 = arith.constant 0 : i32
        %dma_wait3A_252 = tpu.memref_slice %arg2[%dma_wait3A_250, %dma_wait3A_251] : memref<10112x128xf32, #tpu.memory_space<hbm>> -> memref<10112x128xf32, #tpu.memory_space<hbm>>
        tpu.wait_indirect_dma semaphore(%arg28 : memref<!tpu.dma_semaphore, #tpu.memory_space<semaphore_mem>>) src(%dma_wait3A_252 : memref<10112x128xf32, #tpu.memory_space<hbm>>) dst(%arg20 : memref<96x128xf32, #tpu.memory_space<vmem>>)
        %dma_start3A_253 = arith.constant 0 : i32
        %dma_start3A_254 = arith.constant 0 : i32
        %dma_start3A_255 = tpu.memref_slice %arg11[%dma_start3A_253, %dma_start3A_254] : memref<10112x128xf32, #tpu.memory_space<vmem_shared>> -> memref<10112x128xf32, #tpu.memory_space<vmem_shared>>
        tpu.enqueue_indirect_dma source(%arg20 : memref<96x128xf32, #tpu.memory_space<vmem>>) target(%dma_start3A_255 : memref<10112x128xf32, #tpu.memory_space<vmem_shared>>) offsets(%arg16 : memref<96xi32, #tpu.memory_space<vmem>>) semaphore(%arg32 : memref<!tpu.dma_semaphore, #tpu.memory_space<semaphore_mem>>) {add = true}
        %dma_wait3A_256 = arith.constant 0 : i32
        %dma_wait3A_257 = arith.constant 0 : i32
        %dma_wait3A_258 = tpu.memref_slice %arg11[%dma_wait3A_256, %dma_wait3A_257] : memref<10112x128xf32, #tpu.memory_space<vmem_shared>> -> memref<10112x128xf32, #tpu.memory_space<vmem_shared>>
        tpu.wait_indirect_dma semaphore(%arg35 : memref<!tpu.dma_semaphore, #tpu.memory_space<semaphore_mem>>) src(%arg23 : memref<96x128xf32, #tpu.memory_space<vmem>>) dst(%dma_wait3A_258 : memref<10112x128xf32, #tpu.memory_space<vmem_shared>>)
        %add3A_259 = arith.constant 1 : i32
        %add3A_260 = arith.addi %add3A_242, %add3A_259 : i32
        %mul3A_261 = arith.constant 96 : i32
        %mul3A_262 = arith.muli %add3A_260, %mul3A_261 : i32
        %add3A_263 = arith.addi %mul3A_2, %mul3A_262 : i32
        %dma_start3A_264 = tpu.memref_slice %arg4[%add3A_263] : memref<322560xi32, #tpu.memory_space<hbm>> -> memref<96xi32, #tpu.memory_space<hbm>>
        %dma_start3A_265 = tpu.memref_slice %arg4[%add3A_263] : memref<322560xi32, #tpu.memory_space<hbm>> -> memref<96xi32, #tpu.memory_space<hbm>>
        tpu.enqueue_dma source(%dma_start3A_265 : memref<96xi32, #tpu.memory_space<hbm>>) target(%arg15 : memref<96xi32, #tpu.memory_space<vmem>>) target_semaphore(%arg27 : memref<!tpu.dma_semaphore, #tpu.memory_space<semaphore_mem>>)
        %dma_start3A_266 = tpu.memref_slice %arg5[%add3A_263] : memref<322560xi32, #tpu.memory_space<hbm>> -> memref<96xi32, #tpu.memory_space<hbm>>
        %dma_start3A_267 = tpu.memref_slice %arg5[%add3A_263] : memref<322560xi32, #tpu.memory_space<hbm>> -> memref<96xi32, #tpu.memory_space<hbm>>
        tpu.enqueue_dma source(%dma_start3A_267 : memref<96xi32, #tpu.memory_space<hbm>>) target(%arg19 : memref<96xi32, #tpu.memory_space<vmem>>) target_semaphore(%arg27 : memref<!tpu.dma_semaphore, #tpu.memory_space<semaphore_mem>>)
        %scan3A_268 = arith.constant 0 : i32
        scf.yield %scan3A_268 : i32
      }
      %scan3A_74 = arith.constant 51 : i32
      %dma_wait3A_75 = tpu.memref_slice %arg4[%mul3A_2] : memref<322560xi32, #tpu.memory_space<hbm>> -> memref<96xi32, #tpu.memory_space<hbm>>
      %dma_wait3A_76 = tpu.memref_slice %arg4[%mul3A_2] : memref<322560xi32, #tpu.memory_space<hbm>> -> memref<96xi32, #tpu.memory_space<hbm>>
      tpu.wait_dma2 semaphore(%arg27 : memref<!tpu.dma_semaphore, #tpu.memory_space<semaphore_mem>>) src(%dma_wait3A_76 : memref<96xi32, #tpu.memory_space<hbm>>) dst(%arg15 : memref<96xi32, #tpu.memory_space<vmem>>)
      %dma_wait3A_77 = tpu.memref_slice %arg5[%mul3A_2] : memref<322560xi32, #tpu.memory_space<hbm>> -> memref<96xi32, #tpu.memory_space<hbm>>
      %dma_wait3A_78 = tpu.memref_slice %arg5[%mul3A_2] : memref<322560xi32, #tpu.memory_space<hbm>> -> memref<96xi32, #tpu.memory_space<hbm>>
      tpu.wait_dma2 semaphore(%arg27 : memref<!tpu.dma_semaphore, #tpu.memory_space<semaphore_mem>>) src(%dma_wait3A_78 : memref<96xi32, #tpu.memory_space<hbm>>) dst(%arg19 : memref<96xi32, #tpu.memory_space<vmem>>)
      %dma_start3A_79 = arith.constant 0 : i32
      %dma_start3A_80 = arith.constant 0 : i32
      %dma_start3A_81 = tpu.memref_slice %arg2[%dma_start3A_79, %dma_start3A_80] : memref<10112x128xf32, #tpu.memory_space<hbm>> -> memref<10112x128xf32, #tpu.memory_space<hbm>>
      tpu.enqueue_indirect_dma source(%dma_start3A_81 : memref<10112x128xf32, #tpu.memory_space<hbm>>) target(%arg23 : memref<96x128xf32, #tpu.memory_space<vmem>>) offsets(%arg15 : memref<96xi32, #tpu.memory_space<vmem>>) semaphore(%arg31 : memref<!tpu.dma_semaphore, #tpu.memory_space<semaphore_mem>>)
      %dma_wait3A_82 = arith.constant 0 : i32
      %dma_wait3A_83 = arith.constant 0 : i32
      %dma_wait3A_84 = tpu.memref_slice %arg2[%dma_wait3A_82, %dma_wait3A_83] : memref<10112x128xf32, #tpu.memory_space<hbm>> -> memref<10112x128xf32, #tpu.memory_space<hbm>>
      tpu.wait_indirect_dma semaphore(%arg29 : memref<!tpu.dma_semaphore, #tpu.memory_space<semaphore_mem>>) src(%dma_wait3A_84 : memref<10112x128xf32, #tpu.memory_space<hbm>>) dst(%arg21 : memref<96x128xf32, #tpu.memory_space<vmem>>)
      %dma_start3A_85 = arith.constant 0 : i32
      %dma_start3A_86 = arith.constant 0 : i32
      %dma_start3A_87 = tpu.memref_slice %arg11[%dma_start3A_85, %dma_start3A_86] : memref<10112x128xf32, #tpu.memory_space<vmem_shared>> -> memref<10112x128xf32, #tpu.memory_space<vmem_shared>>
      tpu.enqueue_indirect_dma source(%arg21 : memref<96x128xf32, #tpu.memory_space<vmem>>) target(%dma_start3A_87 : memref<10112x128xf32, #tpu.memory_space<vmem_shared>>) offsets(%arg17 : memref<96xi32, #tpu.memory_space<vmem>>) semaphore(%arg33 : memref<!tpu.dma_semaphore, #tpu.memory_space<semaphore_mem>>) {add = true}
      %dma_wait3A_88 = arith.constant 0 : i32
      %dma_wait3A_89 = arith.constant 0 : i32
      %dma_wait3A_90 = tpu.memref_slice %arg11[%dma_wait3A_88, %dma_wait3A_89] : memref<10112x128xf32, #tpu.memory_space<vmem_shared>> -> memref<10112x128xf32, #tpu.memory_space<vmem_shared>>
      tpu.wait_indirect_dma semaphore(%arg32 : memref<!tpu.dma_semaphore, #tpu.memory_space<semaphore_mem>>) src(%arg20 : memref<96x128xf32, #tpu.memory_space<vmem>>) dst(%dma_wait3A_90 : memref<10112x128xf32, #tpu.memory_space<vmem_shared>>)
      %add3A_91 = arith.constant 19968 : i32
      %add3A_92 = arith.addi %mul3A_2, %add3A_91 : i32
      %dma_start3A_93 = tpu.memref_slice %arg4[%add3A_92] : memref<322560xi32, #tpu.memory_space<hbm>> -> memref<96xi32, #tpu.memory_space<hbm>>
      %dma_start3A_94 = tpu.memref_slice %arg4[%add3A_92] : memref<322560xi32, #tpu.memory_space<hbm>> -> memref<96xi32, #tpu.memory_space<hbm>>
      tpu.enqueue_dma source(%dma_start3A_94 : memref<96xi32, #tpu.memory_space<hbm>>) target(%arg12 : memref<96xi32, #tpu.memory_space<vmem>>) target_semaphore(%arg24 : memref<!tpu.dma_semaphore, #tpu.memory_space<semaphore_mem>>)
      %dma_start3A_95 = tpu.memref_slice %arg5[%add3A_92] : memref<322560xi32, #tpu.memory_space<hbm>> -> memref<96xi32, #tpu.memory_space<hbm>>
      %dma_start3A_96 = tpu.memref_slice %arg5[%add3A_92] : memref<322560xi32, #tpu.memory_space<hbm>> -> memref<96xi32, #tpu.memory_space<hbm>>
      tpu.enqueue_dma source(%dma_start3A_96 : memref<96xi32, #tpu.memory_space<hbm>>) target(%arg16 : memref<96xi32, #tpu.memory_space<vmem>>) target_semaphore(%arg24 : memref<!tpu.dma_semaphore, #tpu.memory_space<semaphore_mem>>)
      %dma_wait3A_97 = tpu.memref_slice %arg4[%mul3A_2] : memref<322560xi32, #tpu.memory_space<hbm>> -> memref<96xi32, #tpu.memory_space<hbm>>
      %dma_wait3A_98 = tpu.memref_slice %arg4[%mul3A_2] : memref<322560xi32, #tpu.memory_space<hbm>> -> memref<96xi32, #tpu.memory_space<hbm>>
      tpu.wait_dma2 semaphore(%arg24 : memref<!tpu.dma_semaphore, #tpu.memory_space<semaphore_mem>>) src(%dma_wait3A_98 : memref<96xi32, #tpu.memory_space<hbm>>) dst(%arg12 : memref<96xi32, #tpu.memory_space<vmem>>)
      %dma_wait3A_99 = tpu.memref_slice %arg5[%mul3A_2] : memref<322560xi32, #tpu.memory_space<hbm>> -> memref<96xi32, #tpu.memory_space<hbm>>
      %dma_wait3A_100 = tpu.memref_slice %arg5[%mul3A_2] : memref<322560xi32, #tpu.memory_space<hbm>> -> memref<96xi32, #tpu.memory_space<hbm>>
      tpu.wait_dma2 semaphore(%arg24 : memref<!tpu.dma_semaphore, #tpu.memory_space<semaphore_mem>>) src(%dma_wait3A_100 : memref<96xi32, #tpu.memory_space<hbm>>) dst(%arg16 : memref<96xi32, #tpu.memory_space<vmem>>)
      %dma_start3A_101 = arith.constant 0 : i32
      %dma_start3A_102 = arith.constant 0 : i32
      %dma_start3A_103 = tpu.memref_slice %arg2[%dma_start3A_101, %dma_start3A_102] : memref<10112x128xf32, #tpu.memory_space<hbm>> -> memref<10112x128xf32, #tpu.memory_space<hbm>>
      tpu.enqueue_indirect_dma source(%dma_start3A_103 : memref<10112x128xf32, #tpu.memory_space<hbm>>) target(%arg20 : memref<96x128xf32, #tpu.memory_space<vmem>>) offsets(%arg12 : memref<96xi32, #tpu.memory_space<vmem>>) semaphore(%arg28 : memref<!tpu.dma_semaphore, #tpu.memory_space<semaphore_mem>>)
      %dma_wait3A_104 = arith.constant 0 : i32
      %dma_wait3A_105 = arith.constant 0 : i32
      %dma_wait3A_106 = tpu.memref_slice %arg2[%dma_wait3A_104, %dma_wait3A_105] : memref<10112x128xf32, #tpu.memory_space<hbm>> -> memref<10112x128xf32, #tpu.memory_space<hbm>>
      tpu.wait_indirect_dma semaphore(%arg30 : memref<!tpu.dma_semaphore, #tpu.memory_space<semaphore_mem>>) src(%dma_wait3A_106 : memref<10112x128xf32, #tpu.memory_space<hbm>>) dst(%arg22 : memref<96x128xf32, #tpu.memory_space<vmem>>)
      %dma_start3A_107 = arith.constant 0 : i32
      %dma_start3A_108 = arith.constant 0 : i32
      %dma_start3A_109 = tpu.memref_slice %arg11[%dma_start3A_107, %dma_start3A_108] : memref<10112x128xf32, #tpu.memory_space<vmem_shared>> -> memref<10112x128xf32, #tpu.memory_space<vmem_shared>>
      tpu.enqueue_indirect_dma source(%arg22 : memref<96x128xf32, #tpu.memory_space<vmem>>) target(%dma_start3A_109 : memref<10112x128xf32, #tpu.memory_space<vmem_shared>>) offsets(%arg18 : memref<96xi32, #tpu.memory_space<vmem>>) semaphore(%arg34 : memref<!tpu.dma_semaphore, #tpu.memory_space<semaphore_mem>>) {add = true}
      %dma_wait3A_110 = arith.constant 0 : i32
      %dma_wait3A_111 = arith.constant 0 : i32
      %dma_wait3A_112 = tpu.memref_slice %arg11[%dma_wait3A_110, %dma_wait3A_111] : memref<10112x128xf32, #tpu.memory_space<vmem_shared>> -> memref<10112x128xf32, #tpu.memory_space<vmem_shared>>
      tpu.wait_indirect_dma semaphore(%arg33 : memref<!tpu.dma_semaphore, #tpu.memory_space<semaphore_mem>>) src(%arg21 : memref<96x128xf32, #tpu.memory_space<vmem>>) dst(%dma_wait3A_112 : memref<10112x128xf32, #tpu.memory_space<vmem_shared>>)
      %add3A_113 = arith.constant 20064 : i32
      %add3A_114 = arith.addi %mul3A_2, %add3A_113 : i32
      %dma_start3A_115 = tpu.memref_slice %arg4[%add3A_114] : memref<322560xi32, #tpu.memory_space<hbm>> -> memref<96xi32, #tpu.memory_space<hbm>>
      %dma_start3A_116 = tpu.memref_slice %arg4[%add3A_114] : memref<322560xi32, #tpu.memory_space<hbm>> -> memref<96xi32, #tpu.memory_space<hbm>>
      tpu.enqueue_dma source(%dma_start3A_116 : memref<96xi32, #tpu.memory_space<hbm>>) target(%arg13 : memref<96xi32, #tpu.memory_space<vmem>>) target_semaphore(%arg25 : memref<!tpu.dma_semaphore, #tpu.memory_space<semaphore_mem>>)
      %dma_start3A_117 = tpu.memref_slice %arg5[%add3A_114] : memref<322560xi32, #tpu.memory_space<hbm>> -> memref<96xi32, #tpu.memory_space<hbm>>
      %dma_start3A_118 = tpu.memref_slice %arg5[%add3A_114] : memref<322560xi32, #tpu.memory_space<hbm>> -> memref<96xi32, #tpu.memory_space<hbm>>
      tpu.enqueue_dma source(%dma_start3A_118 : memref<96xi32, #tpu.memory_space<hbm>>) target(%arg17 : memref<96xi32, #tpu.memory_space<vmem>>) target_semaphore(%arg25 : memref<!tpu.dma_semaphore, #tpu.memory_space<semaphore_mem>>)
      %dma_wait3A_119 = tpu.memref_slice %arg4[%mul3A_2] : memref<322560xi32, #tpu.memory_space<hbm>> -> memref<96xi32, #tpu.memory_space<hbm>>
      %dma_wait3A_120 = tpu.memref_slice %arg4[%mul3A_2] : memref<322560xi32, #tpu.memory_space<hbm>> -> memref<96xi32, #tpu.memory_space<hbm>>
      tpu.wait_dma2 semaphore(%arg25 : memref<!tpu.dma_semaphore, #tpu.memory_space<semaphore_mem>>) src(%dma_wait3A_120 : memref<96xi32, #tpu.memory_space<hbm>>) dst(%arg13 : memref<96xi32, #tpu.memory_space<vmem>>)
      %dma_wait3A_121 = tpu.memref_slice %arg5[%mul3A_2] : memref<322560xi32, #tpu.memory_space<hbm>> -> memref<96xi32, #tpu.memory_space<hbm>>
      %dma_wait3A_122 = tpu.memref_slice %arg5[%mul3A_2] : memref<322560xi32, #tpu.memory_space<hbm>> -> memref<96xi32, #tpu.memory_space<hbm>>
      tpu.wait_dma2 semaphore(%arg25 : memref<!tpu.dma_semaphore, #tpu.memory_space<semaphore_mem>>) src(%dma_wait3A_122 : memref<96xi32, #tpu.memory_space<hbm>>) dst(%arg17 : memref<96xi32, #tpu.memory_space<vmem>>)
      %dma_start3A_123 = arith.constant 0 : i32
      %dma_start3A_124 = arith.constant 0 : i32
      %dma_start3A_125 = tpu.memref_slice %arg2[%dma_start3A_123, %dma_start3A_124] : memref<10112x128xf32, #tpu.memory_space<hbm>> -> memref<10112x128xf32, #tpu.memory_space<hbm>>
      tpu.enqueue_indirect_dma source(%dma_start3A_125 : memref<10112x128xf32, #tpu.memory_space<hbm>>) target(%arg21 : memref<96x128xf32, #tpu.memory_space<vmem>>) offsets(%arg13 : memref<96xi32, #tpu.memory_space<vmem>>) semaphore(%arg29 : memref<!tpu.dma_semaphore, #tpu.memory_space<semaphore_mem>>)
      %dma_wait3A_126 = arith.constant 0 : i32
      %dma_wait3A_127 = arith.constant 0 : i32
      %dma_wait3A_128 = tpu.memref_slice %arg2[%dma_wait3A_126, %dma_wait3A_127] : memref<10112x128xf32, #tpu.memory_space<hbm>> -> memref<10112x128xf32, #tpu.memory_space<hbm>>
      tpu.wait_indirect_dma semaphore(%arg31 : memref<!tpu.dma_semaphore, #tpu.memory_space<semaphore_mem>>) src(%dma_wait3A_128 : memref<10112x128xf32, #tpu.memory_space<hbm>>) dst(%arg23 : memref<96x128xf32, #tpu.memory_space<vmem>>)
      %dma_start3A_129 = arith.constant 0 : i32
      %dma_start3A_130 = arith.constant 0 : i32
      %dma_start3A_131 = tpu.memref_slice %arg11[%dma_start3A_129, %dma_start3A_130] : memref<10112x128xf32, #tpu.memory_space<vmem_shared>> -> memref<10112x128xf32, #tpu.memory_space<vmem_shared>>
      tpu.enqueue_indirect_dma source(%arg23 : memref<96x128xf32, #tpu.memory_space<vmem>>) target(%dma_start3A_131 : memref<10112x128xf32, #tpu.memory_space<vmem_shared>>) offsets(%arg19 : memref<96xi32, #tpu.memory_space<vmem>>) semaphore(%arg35 : memref<!tpu.dma_semaphore, #tpu.memory_space<semaphore_mem>>) {add = true}
      %dma_wait3A_132 = arith.constant 0 : i32
      %dma_wait3A_133 = arith.constant 0 : i32
      %dma_wait3A_134 = tpu.memref_slice %arg11[%dma_wait3A_132, %dma_wait3A_133] : memref<10112x128xf32, #tpu.memory_space<vmem_shared>> -> memref<10112x128xf32, #tpu.memory_space<vmem_shared>>
      tpu.wait_indirect_dma semaphore(%arg34 : memref<!tpu.dma_semaphore, #tpu.memory_space<semaphore_mem>>) src(%arg22 : memref<96x128xf32, #tpu.memory_space<vmem>>) dst(%dma_wait3A_134 : memref<10112x128xf32, #tpu.memory_space<vmem_shared>>)
      %dma_wait3A_135 = arith.constant 0 : i32
      %dma_wait3A_136 = arith.constant 0 : i32
      %dma_wait3A_137 = tpu.memref_slice %arg2[%dma_wait3A_135, %dma_wait3A_136] : memref<10112x128xf32, #tpu.memory_space<hbm>> -> memref<10112x128xf32, #tpu.memory_space<hbm>>
      tpu.wait_indirect_dma semaphore(%arg28 : memref<!tpu.dma_semaphore, #tpu.memory_space<semaphore_mem>>) src(%dma_wait3A_137 : memref<10112x128xf32, #tpu.memory_space<hbm>>) dst(%arg20 : memref<96x128xf32, #tpu.memory_space<vmem>>)
      %dma_start3A_138 = arith.constant 0 : i32
      %dma_start3A_139 = arith.constant 0 : i32
      %dma_start3A_140 = tpu.memref_slice %arg11[%dma_start3A_138, %dma_start3A_139] : memref<10112x128xf32, #tpu.memory_space<vmem_shared>> -> memref<10112x128xf32, #tpu.memory_space<vmem_shared>>
      tpu.enqueue_indirect_dma source(%arg20 : memref<96x128xf32, #tpu.memory_space<vmem>>) target(%dma_start3A_140 : memref<10112x128xf32, #tpu.memory_space<vmem_shared>>) offsets(%arg16 : memref<96xi32, #tpu.memory_space<vmem>>) semaphore(%arg32 : memref<!tpu.dma_semaphore, #tpu.memory_space<semaphore_mem>>) {add = true}
      %dma_wait3A_141 = arith.constant 0 : i32
      %dma_wait3A_142 = arith.constant 0 : i32
      %dma_wait3A_143 = tpu.memref_slice %arg2[%dma_wait3A_141, %dma_wait3A_142] : memref<10112x128xf32, #tpu.memory_space<hbm>> -> memref<10112x128xf32, #tpu.memory_space<hbm>>
      tpu.wait_indirect_dma semaphore(%arg29 : memref<!tpu.dma_semaphore, #tpu.memory_space<semaphore_mem>>) src(%dma_wait3A_143 : memref<10112x128xf32, #tpu.memory_space<hbm>>) dst(%arg21 : memref<96x128xf32, #tpu.memory_space<vmem>>)
      %dma_start3A_144 = arith.constant 0 : i32
      %dma_start3A_145 = arith.constant 0 : i32
      %dma_start3A_146 = tpu.memref_slice %arg11[%dma_start3A_144, %dma_start3A_145] : memref<10112x128xf32, #tpu.memory_space<vmem_shared>> -> memref<10112x128xf32, #tpu.memory_space<vmem_shared>>
      tpu.enqueue_indirect_dma source(%arg21 : memref<96x128xf32, #tpu.memory_space<vmem>>) target(%dma_start3A_146 : memref<10112x128xf32, #tpu.memory_space<vmem_shared>>) offsets(%arg17 : memref<96xi32, #tpu.memory_space<vmem>>) semaphore(%arg33 : memref<!tpu.dma_semaphore, #tpu.memory_space<semaphore_mem>>) {add = true}
      %dma_wait3A_147 = arith.constant 0 : i32
      %dma_wait3A_148 = arith.constant 0 : i32
      %dma_wait3A_149 = tpu.memref_slice %arg11[%dma_wait3A_147, %dma_wait3A_148] : memref<10112x128xf32, #tpu.memory_space<vmem_shared>> -> memref<10112x128xf32, #tpu.memory_space<vmem_shared>>
      tpu.wait_indirect_dma semaphore(%arg35 : memref<!tpu.dma_semaphore, #tpu.memory_space<semaphore_mem>>) src(%arg23 : memref<96x128xf32, #tpu.memory_space<vmem>>) dst(%dma_wait3A_149 : memref<10112x128xf32, #tpu.memory_space<vmem_shared>>)
      %dma_wait3A_150 = arith.constant 0 : i32
      %dma_wait3A_151 = arith.constant 0 : i32
      %dma_wait3A_152 = tpu.memref_slice %arg11[%dma_wait3A_150, %dma_wait3A_151] : memref<10112x128xf32, #tpu.memory_space<vmem_shared>> -> memref<10112x128xf32, #tpu.memory_space<vmem_shared>>
      tpu.wait_indirect_dma semaphore(%arg32 : memref<!tpu.dma_semaphore, #tpu.memory_space<semaphore_mem>>) src(%arg20 : memref<96x128xf32, #tpu.memory_space<vmem>>) dst(%dma_wait3A_152 : memref<10112x128xf32, #tpu.memory_space<vmem_shared>>)
      %dma_wait3A_153 = arith.constant 0 : i32
      %dma_wait3A_154 = arith.constant 0 : i32
      %dma_wait3A_155 = tpu.memref_slice %arg11[%dma_wait3A_153, %dma_wait3A_154] : memref<10112x128xf32, #tpu.memory_space<vmem_shared>> -> memref<10112x128xf32, #tpu.memory_space<vmem_shared>>
      tpu.wait_indirect_dma semaphore(%arg33 : memref<!tpu.dma_semaphore, #tpu.memory_space<semaphore_mem>>) src(%arg21 : memref<96x128xf32, #tpu.memory_space<vmem>>) dst(%dma_wait3A_155 : memref<10112x128xf32, #tpu.memory_space<vmem_shared>>)
    } else {
    }
    %eq3A_5 = arith.constant 1 : i32
    %eq3A_6 = arith.cmpi eq, %arg0, %eq3A_5 : i32
    %convert_element_type3A_7 = arith.extui %eq3A_6 : i1 to i32
    %cond3A_8 = arith.constant 0 : i32
    %cond3A_9 = arith.cmpi ne, %convert_element_type3A_7, %cond3A_8 : i32
    scf.if %cond3A_9 {
      %add3A = arith.constant 0 : i32
      %add3A_21 = arith.addi %mul3A_2, %add3A : i32
      %dma_start3A = tpu.memref_slice %arg6[%add3A_21] : memref<322560xi32, #tpu.memory_space<hbm>> -> memref<96xi32, #tpu.memory_space<hbm>>
      %dma_start3A_22 = tpu.memref_slice %arg6[%add3A_21] : memref<322560xi32, #tpu.memory_space<hbm>> -> memref<96xi32, #tpu.memory_space<hbm>>
      tpu.enqueue_dma source(%dma_start3A_22 : memref<96xi32, #tpu.memory_space<hbm>>) target(%arg12 : memref<96xi32, #tpu.memory_space<vmem>>) target_semaphore(%arg24 : memref<!tpu.dma_semaphore, #tpu.memory_space<semaphore_mem>>)
      %dma_start3A_23 = tpu.memref_slice %arg7[%add3A_21] : memref<322560xi32, #tpu.memory_space<hbm>> -> memref<96xi32, #tpu.memory_space<hbm>>
      %dma_start3A_24 = tpu.memref_slice %arg7[%add3A_21] : memref<322560xi32, #tpu.memory_space<hbm>> -> memref<96xi32, #tpu.memory_space<hbm>>
      tpu.enqueue_dma source(%dma_start3A_24 : memref<96xi32, #tpu.memory_space<hbm>>) target(%arg16 : memref<96xi32, #tpu.memory_space<vmem>>) target_semaphore(%arg24 : memref<!tpu.dma_semaphore, #tpu.memory_space<semaphore_mem>>)
      %dma_wait3A = tpu.memref_slice %arg6[%mul3A_2] : memref<322560xi32, #tpu.memory_space<hbm>> -> memref<96xi32, #tpu.memory_space<hbm>>
      %dma_wait3A_25 = tpu.memref_slice %arg6[%mul3A_2] : memref<322560xi32, #tpu.memory_space<hbm>> -> memref<96xi32, #tpu.memory_space<hbm>>
      tpu.wait_dma2 semaphore(%arg24 : memref<!tpu.dma_semaphore, #tpu.memory_space<semaphore_mem>>) src(%dma_wait3A_25 : memref<96xi32, #tpu.memory_space<hbm>>) dst(%arg12 : memref<96xi32, #tpu.memory_space<vmem>>)
      %dma_wait3A_26 = tpu.memref_slice %arg7[%mul3A_2] : memref<322560xi32, #tpu.memory_space<hbm>> -> memref<96xi32, #tpu.memory_space<hbm>>
      %dma_wait3A_27 = tpu.memref_slice %arg7[%mul3A_2] : memref<322560xi32, #tpu.memory_space<hbm>> -> memref<96xi32, #tpu.memory_space<hbm>>
      tpu.wait_dma2 semaphore(%arg24 : memref<!tpu.dma_semaphore, #tpu.memory_space<semaphore_mem>>) src(%dma_wait3A_27 : memref<96xi32, #tpu.memory_space<hbm>>) dst(%arg16 : memref<96xi32, #tpu.memory_space<vmem>>)
      %dma_start3A_28 = arith.constant 0 : i32
      %dma_start3A_29 = arith.constant 0 : i32
      %dma_start3A_30 = tpu.memref_slice %arg3[%dma_start3A_28, %dma_start3A_29] : memref<10112x128xf32, #tpu.memory_space<hbm>> -> memref<10112x128xf32, #tpu.memory_space<hbm>>
      tpu.enqueue_indirect_dma source(%dma_start3A_30 : memref<10112x128xf32, #tpu.memory_space<hbm>>) target(%arg20 : memref<96x128xf32, #tpu.memory_space<vmem>>) offsets(%arg12 : memref<96xi32, #tpu.memory_space<vmem>>) semaphore(%arg28 : memref<!tpu.dma_semaphore, #tpu.memory_space<semaphore_mem>>)
      %add3A_31 = arith.constant 96 : i32
      %add3A_32 = arith.addi %mul3A_2, %add3A_31 : i32
      %dma_start3A_33 = tpu.memref_slice %arg6[%add3A_32] : memref<322560xi32, #tpu.memory_space<hbm>> -> memref<96xi32, #tpu.memory_space<hbm>>
      %dma_start3A_34 = tpu.memref_slice %arg6[%add3A_32] : memref<322560xi32, #tpu.memory_space<hbm>> -> memref<96xi32, #tpu.memory_space<hbm>>
      tpu.enqueue_dma source(%dma_start3A_34 : memref<96xi32, #tpu.memory_space<hbm>>) target(%arg13 : memref<96xi32, #tpu.memory_space<vmem>>) target_semaphore(%arg25 : memref<!tpu.dma_semaphore, #tpu.memory_space<semaphore_mem>>)
      %dma_start3A_35 = tpu.memref_slice %arg7[%add3A_32] : memref<322560xi32, #tpu.memory_space<hbm>> -> memref<96xi32, #tpu.memory_space<hbm>>
      %dma_start3A_36 = tpu.memref_slice %arg7[%add3A_32] : memref<322560xi32, #tpu.memory_space<hbm>> -> memref<96xi32, #tpu.memory_space<hbm>>
      tpu.enqueue_dma source(%dma_start3A_36 : memref<96xi32, #tpu.memory_space<hbm>>) target(%arg17 : memref<96xi32, #tpu.memory_space<vmem>>) target_semaphore(%arg25 : memref<!tpu.dma_semaphore, #tpu.memory_space<semaphore_mem>>)
      %dma_wait3A_37 = tpu.memref_slice %arg6[%mul3A_2] : memref<322560xi32, #tpu.memory_space<hbm>> -> memref<96xi32, #tpu.memory_space<hbm>>
      %dma_wait3A_38 = tpu.memref_slice %arg6[%mul3A_2] : memref<322560xi32, #tpu.memory_space<hbm>> -> memref<96xi32, #tpu.memory_space<hbm>>
      tpu.wait_dma2 semaphore(%arg25 : memref<!tpu.dma_semaphore, #tpu.memory_space<semaphore_mem>>) src(%dma_wait3A_38 : memref<96xi32, #tpu.memory_space<hbm>>) dst(%arg13 : memref<96xi32, #tpu.memory_space<vmem>>)
      %dma_wait3A_39 = tpu.memref_slice %arg7[%mul3A_2] : memref<322560xi32, #tpu.memory_space<hbm>> -> memref<96xi32, #tpu.memory_space<hbm>>
      %dma_wait3A_40 = tpu.memref_slice %arg7[%mul3A_2] : memref<322560xi32, #tpu.memory_space<hbm>> -> memref<96xi32, #tpu.memory_space<hbm>>
      tpu.wait_dma2 semaphore(%arg25 : memref<!tpu.dma_semaphore, #tpu.memory_space<semaphore_mem>>) src(%dma_wait3A_40 : memref<96xi32, #tpu.memory_space<hbm>>) dst(%arg17 : memref<96xi32, #tpu.memory_space<vmem>>)
      %dma_start3A_41 = arith.constant 0 : i32
      %dma_start3A_42 = arith.constant 0 : i32
      %dma_start3A_43 = tpu.memref_slice %arg3[%dma_start3A_41, %dma_start3A_42] : memref<10112x128xf32, #tpu.memory_space<hbm>> -> memref<10112x128xf32, #tpu.memory_space<hbm>>
      tpu.enqueue_indirect_dma source(%dma_start3A_43 : memref<10112x128xf32, #tpu.memory_space<hbm>>) target(%arg21 : memref<96x128xf32, #tpu.memory_space<vmem>>) offsets(%arg13 : memref<96xi32, #tpu.memory_space<vmem>>) semaphore(%arg29 : memref<!tpu.dma_semaphore, #tpu.memory_space<semaphore_mem>>)
      %add3A_44 = arith.constant 192 : i32
      %add3A_45 = arith.addi %mul3A_2, %add3A_44 : i32
      %dma_start3A_46 = tpu.memref_slice %arg6[%add3A_45] : memref<322560xi32, #tpu.memory_space<hbm>> -> memref<96xi32, #tpu.memory_space<hbm>>
      %dma_start3A_47 = tpu.memref_slice %arg6[%add3A_45] : memref<322560xi32, #tpu.memory_space<hbm>> -> memref<96xi32, #tpu.memory_space<hbm>>
      tpu.enqueue_dma source(%dma_start3A_47 : memref<96xi32, #tpu.memory_space<hbm>>) target(%arg14 : memref<96xi32, #tpu.memory_space<vmem>>) target_semaphore(%arg26 : memref<!tpu.dma_semaphore, #tpu.memory_space<semaphore_mem>>)
      %dma_start3A_48 = tpu.memref_slice %arg7[%add3A_45] : memref<322560xi32, #tpu.memory_space<hbm>> -> memref<96xi32, #tpu.memory_space<hbm>>
      %dma_start3A_49 = tpu.memref_slice %arg7[%add3A_45] : memref<322560xi32, #tpu.memory_space<hbm>> -> memref<96xi32, #tpu.memory_space<hbm>>
      tpu.enqueue_dma source(%dma_start3A_49 : memref<96xi32, #tpu.memory_space<hbm>>) target(%arg18 : memref<96xi32, #tpu.memory_space<vmem>>) target_semaphore(%arg26 : memref<!tpu.dma_semaphore, #tpu.memory_space<semaphore_mem>>)
      %dma_wait3A_50 = tpu.memref_slice %arg6[%mul3A_2] : memref<322560xi32, #tpu.memory_space<hbm>> -> memref<96xi32, #tpu.memory_space<hbm>>
      %dma_wait3A_51 = tpu.memref_slice %arg6[%mul3A_2] : memref<322560xi32, #tpu.memory_space<hbm>> -> memref<96xi32, #tpu.memory_space<hbm>>
      tpu.wait_dma2 semaphore(%arg26 : memref<!tpu.dma_semaphore, #tpu.memory_space<semaphore_mem>>) src(%dma_wait3A_51 : memref<96xi32, #tpu.memory_space<hbm>>) dst(%arg14 : memref<96xi32, #tpu.memory_space<vmem>>)
      %dma_wait3A_52 = tpu.memref_slice %arg7[%mul3A_2] : memref<322560xi32, #tpu.memory_space<hbm>> -> memref<96xi32, #tpu.memory_space<hbm>>
      %dma_wait3A_53 = tpu.memref_slice %arg7[%mul3A_2] : memref<322560xi32, #tpu.memory_space<hbm>> -> memref<96xi32, #tpu.memory_space<hbm>>
      tpu.wait_dma2 semaphore(%arg26 : memref<!tpu.dma_semaphore, #tpu.memory_space<semaphore_mem>>) src(%dma_wait3A_53 : memref<96xi32, #tpu.memory_space<hbm>>) dst(%arg18 : memref<96xi32, #tpu.memory_space<vmem>>)
      %dma_start3A_54 = arith.constant 0 : i32
      %dma_start3A_55 = arith.constant 0 : i32
      %dma_start3A_56 = tpu.memref_slice %arg3[%dma_start3A_54, %dma_start3A_55] : memref<10112x128xf32, #tpu.memory_space<hbm>> -> memref<10112x128xf32, #tpu.memory_space<hbm>>
      tpu.enqueue_indirect_dma source(%dma_start3A_56 : memref<10112x128xf32, #tpu.memory_space<hbm>>) target(%arg22 : memref<96x128xf32, #tpu.memory_space<vmem>>) offsets(%arg14 : memref<96xi32, #tpu.memory_space<vmem>>) semaphore(%arg30 : memref<!tpu.dma_semaphore, #tpu.memory_space<semaphore_mem>>)
      %dma_wait3A_57 = arith.constant 0 : i32
      %dma_wait3A_58 = arith.constant 0 : i32
      %dma_wait3A_59 = tpu.memref_slice %arg3[%dma_wait3A_57, %dma_wait3A_58] : memref<10112x128xf32, #tpu.memory_space<hbm>> -> memref<10112x128xf32, #tpu.memory_space<hbm>>
      tpu.wait_indirect_dma semaphore(%arg28 : memref<!tpu.dma_semaphore, #tpu.memory_space<semaphore_mem>>) src(%dma_wait3A_59 : memref<10112x128xf32, #tpu.memory_space<hbm>>) dst(%arg20 : memref<96x128xf32, #tpu.memory_space<vmem>>)
      %dma_start3A_60 = arith.constant 0 : i32
      %dma_start3A_61 = arith.constant 0 : i32
      %dma_start3A_62 = tpu.memref_slice %arg11[%dma_start3A_60, %dma_start3A_61] : memref<10112x128xf32, #tpu.memory_space<vmem_shared>> -> memref<10112x128xf32, #tpu.memory_space<vmem_shared>>
      tpu.enqueue_indirect_dma source(%arg20 : memref<96x128xf32, #tpu.memory_space<vmem>>) target(%dma_start3A_62 : memref<10112x128xf32, #tpu.memory_space<vmem_shared>>) offsets(%arg16 : memref<96xi32, #tpu.memory_space<vmem>>) semaphore(%arg32 : memref<!tpu.dma_semaphore, #tpu.memory_space<semaphore_mem>>) {add = true}
      %add3A_63 = arith.constant 288 : i32
      %add3A_64 = arith.addi %mul3A_2, %add3A_63 : i32
      %dma_start3A_65 = tpu.memref_slice %arg6[%add3A_64] : memref<322560xi32, #tpu.memory_space<hbm>> -> memref<96xi32, #tpu.memory_space<hbm>>
      %dma_start3A_66 = tpu.memref_slice %arg6[%add3A_64] : memref<322560xi32, #tpu.memory_space<hbm>> -> memref<96xi32, #tpu.memory_space<hbm>>
      tpu.enqueue_dma source(%dma_start3A_66 : memref<96xi32, #tpu.memory_space<hbm>>) target(%arg15 : memref<96xi32, #tpu.memory_space<vmem>>) target_semaphore(%arg27 : memref<!tpu.dma_semaphore, #tpu.memory_space<semaphore_mem>>)
      %dma_start3A_67 = tpu.memref_slice %arg7[%add3A_64] : memref<322560xi32, #tpu.memory_space<hbm>> -> memref<96xi32, #tpu.memory_space<hbm>>
      %dma_start3A_68 = tpu.memref_slice %arg7[%add3A_64] : memref<322560xi32, #tpu.memory_space<hbm>> -> memref<96xi32, #tpu.memory_space<hbm>>
      tpu.enqueue_dma source(%dma_start3A_68 : memref<96xi32, #tpu.memory_space<hbm>>) target(%arg19 : memref<96xi32, #tpu.memory_space<vmem>>) target_semaphore(%arg27 : memref<!tpu.dma_semaphore, #tpu.memory_space<semaphore_mem>>)
      %scan3A = arith.constant 0 : i32
      %scan3A_69 = arith.constant 0 : i32
      %scan3A_70 = arith.constant 51 : i32
      %scan3A_71 = arith.addi %scan3A_69, %scan3A_70 : i32
      %scan3A_72 = arith.constant 1 : i32
      %scan3A_73 = scf.for %scan3A_156 = %scan3A_69 to %scan3A_71 step %scan3A_72 iter_args(%scan3A_157 = %scan3A) -> (i32)  : i32 {
        %mul3A_158 = arith.constant 4 : i32
        %mul3A_159 = arith.muli %mul3A_158, %scan3A_156 : i32
        %add3A_160 = arith.constant 3 : i32
        %add3A_161 = arith.addi %add3A_160, %mul3A_159 : i32
        %dma_wait3A_162 = tpu.memref_slice %arg6[%mul3A_2] : memref<322560xi32, #tpu.memory_space<hbm>> -> memref<96xi32, #tpu.memory_space<hbm>>
        %dma_wait3A_163 = tpu.memref_slice %arg6[%mul3A_2] : memref<322560xi32, #tpu.memory_space<hbm>> -> memref<96xi32, #tpu.memory_space<hbm>>
        tpu.wait_dma2 semaphore(%arg27 : memref<!tpu.dma_semaphore, #tpu.memory_space<semaphore_mem>>) src(%dma_wait3A_163 : memref<96xi32, #tpu.memory_space<hbm>>) dst(%arg15 : memref<96xi32, #tpu.memory_space<vmem>>)
        %dma_wait3A_164 = tpu.memref_slice %arg7[%mul3A_2] : memref<322560xi32, #tpu.memory_space<hbm>> -> memref<96xi32, #tpu.memory_space<hbm>>
        %dma_wait3A_165 = tpu.memref_slice %arg7[%mul3A_2] : memref<322560xi32, #tpu.memory_space<hbm>> -> memref<96xi32, #tpu.memory_space<hbm>>
        tpu.wait_dma2 semaphore(%arg27 : memref<!tpu.dma_semaphore, #tpu.memory_space<semaphore_mem>>) src(%dma_wait3A_165 : memref<96xi32, #tpu.memory_space<hbm>>) dst(%arg19 : memref<96xi32, #tpu.memory_space<vmem>>)
        %dma_start3A_166 = arith.constant 0 : i32
        %dma_start3A_167 = arith.constant 0 : i32
        %dma_start3A_168 = tpu.memref_slice %arg3[%dma_start3A_166, %dma_start3A_167] : memref<10112x128xf32, #tpu.memory_space<hbm>> -> memref<10112x128xf32, #tpu.memory_space<hbm>>
        tpu.enqueue_indirect_dma source(%dma_start3A_168 : memref<10112x128xf32, #tpu.memory_space<hbm>>) target(%arg23 : memref<96x128xf32, #tpu.memory_space<vmem>>) offsets(%arg15 : memref<96xi32, #tpu.memory_space<vmem>>) semaphore(%arg31 : memref<!tpu.dma_semaphore, #tpu.memory_space<semaphore_mem>>)
        %dma_wait3A_169 = arith.constant 0 : i32
        %dma_wait3A_170 = arith.constant 0 : i32
        %dma_wait3A_171 = tpu.memref_slice %arg3[%dma_wait3A_169, %dma_wait3A_170] : memref<10112x128xf32, #tpu.memory_space<hbm>> -> memref<10112x128xf32, #tpu.memory_space<hbm>>
        tpu.wait_indirect_dma semaphore(%arg29 : memref<!tpu.dma_semaphore, #tpu.memory_space<semaphore_mem>>) src(%dma_wait3A_171 : memref<10112x128xf32, #tpu.memory_space<hbm>>) dst(%arg21 : memref<96x128xf32, #tpu.memory_space<vmem>>)
        %dma_start3A_172 = arith.constant 0 : i32
        %dma_start3A_173 = arith.constant 0 : i32
        %dma_start3A_174 = tpu.memref_slice %arg11[%dma_start3A_172, %dma_start3A_173] : memref<10112x128xf32, #tpu.memory_space<vmem_shared>> -> memref<10112x128xf32, #tpu.memory_space<vmem_shared>>
        tpu.enqueue_indirect_dma source(%arg21 : memref<96x128xf32, #tpu.memory_space<vmem>>) target(%dma_start3A_174 : memref<10112x128xf32, #tpu.memory_space<vmem_shared>>) offsets(%arg17 : memref<96xi32, #tpu.memory_space<vmem>>) semaphore(%arg33 : memref<!tpu.dma_semaphore, #tpu.memory_space<semaphore_mem>>) {add = true}
        %dma_wait3A_175 = arith.constant 0 : i32
        %dma_wait3A_176 = arith.constant 0 : i32
        %dma_wait3A_177 = tpu.memref_slice %arg11[%dma_wait3A_175, %dma_wait3A_176] : memref<10112x128xf32, #tpu.memory_space<vmem_shared>> -> memref<10112x128xf32, #tpu.memory_space<vmem_shared>>
        tpu.wait_indirect_dma semaphore(%arg32 : memref<!tpu.dma_semaphore, #tpu.memory_space<semaphore_mem>>) src(%arg20 : memref<96x128xf32, #tpu.memory_space<vmem>>) dst(%dma_wait3A_177 : memref<10112x128xf32, #tpu.memory_space<vmem_shared>>)
        %add3A_178 = arith.constant 1 : i32
        %add3A_179 = arith.addi %add3A_161, %add3A_178 : i32
        %mul3A_180 = arith.constant 96 : i32
        %mul3A_181 = arith.muli %add3A_179, %mul3A_180 : i32
        %add3A_182 = arith.addi %mul3A_2, %mul3A_181 : i32
        %dma_start3A_183 = tpu.memref_slice %arg6[%add3A_182] : memref<322560xi32, #tpu.memory_space<hbm>> -> memref<96xi32, #tpu.memory_space<hbm>>
        %dma_start3A_184 = tpu.memref_slice %arg6[%add3A_182] : memref<322560xi32, #tpu.memory_space<hbm>> -> memref<96xi32, #tpu.memory_space<hbm>>
        tpu.enqueue_dma source(%dma_start3A_184 : memref<96xi32, #tpu.memory_space<hbm>>) target(%arg12 : memref<96xi32, #tpu.memory_space<vmem>>) target_semaphore(%arg24 : memref<!tpu.dma_semaphore, #tpu.memory_space<semaphore_mem>>)
        %dma_start3A_185 = tpu.memref_slice %arg7[%add3A_182] : memref<322560xi32, #tpu.memory_space<hbm>> -> memref<96xi32, #tpu.memory_space<hbm>>
        %dma_start3A_186 = tpu.memref_slice %arg7[%add3A_182] : memref<322560xi32, #tpu.memory_space<hbm>> -> memref<96xi32, #tpu.memory_space<hbm>>
        tpu.enqueue_dma source(%dma_start3A_186 : memref<96xi32, #tpu.memory_space<hbm>>) target(%arg16 : memref<96xi32, #tpu.memory_space<vmem>>) target_semaphore(%arg24 : memref<!tpu.dma_semaphore, #tpu.memory_space<semaphore_mem>>)
        %add3A_187 = arith.constant 1 : i32
        %add3A_188 = arith.addi %add3A_161, %add3A_187 : i32
        %dma_wait3A_189 = tpu.memref_slice %arg6[%mul3A_2] : memref<322560xi32, #tpu.memory_space<hbm>> -> memref<96xi32, #tpu.memory_space<hbm>>
        %dma_wait3A_190 = tpu.memref_slice %arg6[%mul3A_2] : memref<322560xi32, #tpu.memory_space<hbm>> -> memref<96xi32, #tpu.memory_space<hbm>>
        tpu.wait_dma2 semaphore(%arg24 : memref<!tpu.dma_semaphore, #tpu.memory_space<semaphore_mem>>) src(%dma_wait3A_190 : memref<96xi32, #tpu.memory_space<hbm>>) dst(%arg12 : memref<96xi32, #tpu.memory_space<vmem>>)
        %dma_wait3A_191 = tpu.memref_slice %arg7[%mul3A_2] : memref<322560xi32, #tpu.memory_space<hbm>> -> memref<96xi32, #tpu.memory_space<hbm>>
        %dma_wait3A_192 = tpu.memref_slice %arg7[%mul3A_2] : memref<322560xi32, #tpu.memory_space<hbm>> -> memref<96xi32, #tpu.memory_space<hbm>>
        tpu.wait_dma2 semaphore(%arg24 : memref<!tpu.dma_semaphore, #tpu.memory_space<semaphore_mem>>) src(%dma_wait3A_192 : memref<96xi32, #tpu.memory_space<hbm>>) dst(%arg16 : memref<96xi32, #tpu.memory_space<vmem>>)
        %dma_start3A_193 = arith.constant 0 : i32
        %dma_start3A_194 = arith.constant 0 : i32
        %dma_start3A_195 = tpu.memref_slice %arg3[%dma_start3A_193, %dma_start3A_194] : memref<10112x128xf32, #tpu.memory_space<hbm>> -> memref<10112x128xf32, #tpu.memory_space<hbm>>
        tpu.enqueue_indirect_dma source(%dma_start3A_195 : memref<10112x128xf32, #tpu.memory_space<hbm>>) target(%arg20 : memref<96x128xf32, #tpu.memory_space<vmem>>) offsets(%arg12 : memref<96xi32, #tpu.memory_space<vmem>>) semaphore(%arg28 : memref<!tpu.dma_semaphore, #tpu.memory_space<semaphore_mem>>)
        %dma_wait3A_196 = arith.constant 0 : i32
        %dma_wait3A_197 = arith.constant 0 : i32
        %dma_wait3A_198 = tpu.memref_slice %arg3[%dma_wait3A_196, %dma_wait3A_197] : memref<10112x128xf32, #tpu.memory_space<hbm>> -> memref<10112x128xf32, #tpu.memory_space<hbm>>
        tpu.wait_indirect_dma semaphore(%arg30 : memref<!tpu.dma_semaphore, #tpu.memory_space<semaphore_mem>>) src(%dma_wait3A_198 : memref<10112x128xf32, #tpu.memory_space<hbm>>) dst(%arg22 : memref<96x128xf32, #tpu.memory_space<vmem>>)
        %dma_start3A_199 = arith.constant 0 : i32
        %dma_start3A_200 = arith.constant 0 : i32
        %dma_start3A_201 = tpu.memref_slice %arg11[%dma_start3A_199, %dma_start3A_200] : memref<10112x128xf32, #tpu.memory_space<vmem_shared>> -> memref<10112x128xf32, #tpu.memory_space<vmem_shared>>
        tpu.enqueue_indirect_dma source(%arg22 : memref<96x128xf32, #tpu.memory_space<vmem>>) target(%dma_start3A_201 : memref<10112x128xf32, #tpu.memory_space<vmem_shared>>) offsets(%arg18 : memref<96xi32, #tpu.memory_space<vmem>>) semaphore(%arg34 : memref<!tpu.dma_semaphore, #tpu.memory_space<semaphore_mem>>) {add = true}
        %dma_wait3A_202 = arith.constant 0 : i32
        %dma_wait3A_203 = arith.constant 0 : i32
        %dma_wait3A_204 = tpu.memref_slice %arg11[%dma_wait3A_202, %dma_wait3A_203] : memref<10112x128xf32, #tpu.memory_space<vmem_shared>> -> memref<10112x128xf32, #tpu.memory_space<vmem_shared>>
        tpu.wait_indirect_dma semaphore(%arg33 : memref<!tpu.dma_semaphore, #tpu.memory_space<semaphore_mem>>) src(%arg21 : memref<96x128xf32, #tpu.memory_space<vmem>>) dst(%dma_wait3A_204 : memref<10112x128xf32, #tpu.memory_space<vmem_shared>>)
        %add3A_205 = arith.constant 1 : i32
        %add3A_206 = arith.addi %add3A_188, %add3A_205 : i32
        %mul3A_207 = arith.constant 96 : i32
        %mul3A_208 = arith.muli %add3A_206, %mul3A_207 : i32
        %add3A_209 = arith.addi %mul3A_2, %mul3A_208 : i32
        %dma_start3A_210 = tpu.memref_slice %arg6[%add3A_209] : memref<322560xi32, #tpu.memory_space<hbm>> -> memref<96xi32, #tpu.memory_space<hbm>>
        %dma_start3A_211 = tpu.memref_slice %arg6[%add3A_209] : memref<322560xi32, #tpu.memory_space<hbm>> -> memref<96xi32, #tpu.memory_space<hbm>>
        tpu.enqueue_dma source(%dma_start3A_211 : memref<96xi32, #tpu.memory_space<hbm>>) target(%arg13 : memref<96xi32, #tpu.memory_space<vmem>>) target_semaphore(%arg25 : memref<!tpu.dma_semaphore, #tpu.memory_space<semaphore_mem>>)
        %dma_start3A_212 = tpu.memref_slice %arg7[%add3A_209] : memref<322560xi32, #tpu.memory_space<hbm>> -> memref<96xi32, #tpu.memory_space<hbm>>
        %dma_start3A_213 = tpu.memref_slice %arg7[%add3A_209] : memref<322560xi32, #tpu.memory_space<hbm>> -> memref<96xi32, #tpu.memory_space<hbm>>
        tpu.enqueue_dma source(%dma_start3A_213 : memref<96xi32, #tpu.memory_space<hbm>>) target(%arg17 : memref<96xi32, #tpu.memory_space<vmem>>) target_semaphore(%arg25 : memref<!tpu.dma_semaphore, #tpu.memory_space<semaphore_mem>>)
        %add3A_214 = arith.constant 2 : i32
        %add3A_215 = arith.addi %add3A_161, %add3A_214 : i32
        %dma_wait3A_216 = tpu.memref_slice %arg6[%mul3A_2] : memref<322560xi32, #tpu.memory_space<hbm>> -> memref<96xi32, #tpu.memory_space<hbm>>
        %dma_wait3A_217 = tpu.memref_slice %arg6[%mul3A_2] : memref<322560xi32, #tpu.memory_space<hbm>> -> memref<96xi32, #tpu.memory_space<hbm>>
        tpu.wait_dma2 semaphore(%arg25 : memref<!tpu.dma_semaphore, #tpu.memory_space<semaphore_mem>>) src(%dma_wait3A_217 : memref<96xi32, #tpu.memory_space<hbm>>) dst(%arg13 : memref<96xi32, #tpu.memory_space<vmem>>)
        %dma_wait3A_218 = tpu.memref_slice %arg7[%mul3A_2] : memref<322560xi32, #tpu.memory_space<hbm>> -> memref<96xi32, #tpu.memory_space<hbm>>
        %dma_wait3A_219 = tpu.memref_slice %arg7[%mul3A_2] : memref<322560xi32, #tpu.memory_space<hbm>> -> memref<96xi32, #tpu.memory_space<hbm>>
        tpu.wait_dma2 semaphore(%arg25 : memref<!tpu.dma_semaphore, #tpu.memory_space<semaphore_mem>>) src(%dma_wait3A_219 : memref<96xi32, #tpu.memory_space<hbm>>) dst(%arg17 : memref<96xi32, #tpu.memory_space<vmem>>)
        %dma_start3A_220 = arith.constant 0 : i32
        %dma_start3A_221 = arith.constant 0 : i32
        %dma_start3A_222 = tpu.memref_slice %arg3[%dma_start3A_220, %dma_start3A_221] : memref<10112x128xf32, #tpu.memory_space<hbm>> -> memref<10112x128xf32, #tpu.memory_space<hbm>>
        tpu.enqueue_indirect_dma source(%dma_start3A_222 : memref<10112x128xf32, #tpu.memory_space<hbm>>) target(%arg21 : memref<96x128xf32, #tpu.memory_space<vmem>>) offsets(%arg13 : memref<96xi32, #tpu.memory_space<vmem>>) semaphore(%arg29 : memref<!tpu.dma_semaphore, #tpu.memory_space<semaphore_mem>>)
        %dma_wait3A_223 = arith.constant 0 : i32
        %dma_wait3A_224 = arith.constant 0 : i32
        %dma_wait3A_225 = tpu.memref_slice %arg3[%dma_wait3A_223, %dma_wait3A_224] : memref<10112x128xf32, #tpu.memory_space<hbm>> -> memref<10112x128xf32, #tpu.memory_space<hbm>>
        tpu.wait_indirect_dma semaphore(%arg31 : memref<!tpu.dma_semaphore, #tpu.memory_space<semaphore_mem>>) src(%dma_wait3A_225 : memref<10112x128xf32, #tpu.memory_space<hbm>>) dst(%arg23 : memref<96x128xf32, #tpu.memory_space<vmem>>)
        %dma_start3A_226 = arith.constant 0 : i32
        %dma_start3A_227 = arith.constant 0 : i32
        %dma_start3A_228 = tpu.memref_slice %arg11[%dma_start3A_226, %dma_start3A_227] : memref<10112x128xf32, #tpu.memory_space<vmem_shared>> -> memref<10112x128xf32, #tpu.memory_space<vmem_shared>>
        tpu.enqueue_indirect_dma source(%arg23 : memref<96x128xf32, #tpu.memory_space<vmem>>) target(%dma_start3A_228 : memref<10112x128xf32, #tpu.memory_space<vmem_shared>>) offsets(%arg19 : memref<96xi32, #tpu.memory_space<vmem>>) semaphore(%arg35 : memref<!tpu.dma_semaphore, #tpu.memory_space<semaphore_mem>>) {add = true}
        %dma_wait3A_229 = arith.constant 0 : i32
        %dma_wait3A_230 = arith.constant 0 : i32
        %dma_wait3A_231 = tpu.memref_slice %arg11[%dma_wait3A_229, %dma_wait3A_230] : memref<10112x128xf32, #tpu.memory_space<vmem_shared>> -> memref<10112x128xf32, #tpu.memory_space<vmem_shared>>
        tpu.wait_indirect_dma semaphore(%arg34 : memref<!tpu.dma_semaphore, #tpu.memory_space<semaphore_mem>>) src(%arg22 : memref<96x128xf32, #tpu.memory_space<vmem>>) dst(%dma_wait3A_231 : memref<10112x128xf32, #tpu.memory_space<vmem_shared>>)
        %add3A_232 = arith.constant 1 : i32
        %add3A_233 = arith.addi %add3A_215, %add3A_232 : i32
        %mul3A_234 = arith.constant 96 : i32
        %mul3A_235 = arith.muli %add3A_233, %mul3A_234 : i32
        %add3A_236 = arith.addi %mul3A_2, %mul3A_235 : i32
        %dma_start3A_237 = tpu.memref_slice %arg6[%add3A_236] : memref<322560xi32, #tpu.memory_space<hbm>> -> memref<96xi32, #tpu.memory_space<hbm>>
        %dma_start3A_238 = tpu.memref_slice %arg6[%add3A_236] : memref<322560xi32, #tpu.memory_space<hbm>> -> memref<96xi32, #tpu.memory_space<hbm>>
        tpu.enqueue_dma source(%dma_start3A_238 : memref<96xi32, #tpu.memory_space<hbm>>) target(%arg14 : memref<96xi32, #tpu.memory_space<vmem>>) target_semaphore(%arg26 : memref<!tpu.dma_semaphore, #tpu.memory_space<semaphore_mem>>)
        %dma_start3A_239 = tpu.memref_slice %arg7[%add3A_236] : memref<322560xi32, #tpu.memory_space<hbm>> -> memref<96xi32, #tpu.memory_space<hbm>>
        %dma_start3A_240 = tpu.memref_slice %arg7[%add3A_236] : memref<322560xi32, #tpu.memory_space<hbm>> -> memref<96xi32, #tpu.memory_space<hbm>>
        tpu.enqueue_dma source(%dma_start3A_240 : memref<96xi32, #tpu.memory_space<hbm>>) target(%arg18 : memref<96xi32, #tpu.memory_space<vmem>>) target_semaphore(%arg26 : memref<!tpu.dma_semaphore, #tpu.memory_space<semaphore_mem>>)
        %add3A_241 = arith.constant 3 : i32
        %add3A_242 = arith.addi %add3A_161, %add3A_241 : i32
        %dma_wait3A_243 = tpu.memref_slice %arg6[%mul3A_2] : memref<322560xi32, #tpu.memory_space<hbm>> -> memref<96xi32, #tpu.memory_space<hbm>>
        %dma_wait3A_244 = tpu.memref_slice %arg6[%mul3A_2] : memref<322560xi32, #tpu.memory_space<hbm>> -> memref<96xi32, #tpu.memory_space<hbm>>
        tpu.wait_dma2 semaphore(%arg26 : memref<!tpu.dma_semaphore, #tpu.memory_space<semaphore_mem>>) src(%dma_wait3A_244 : memref<96xi32, #tpu.memory_space<hbm>>) dst(%arg14 : memref<96xi32, #tpu.memory_space<vmem>>)
        %dma_wait3A_245 = tpu.memref_slice %arg7[%mul3A_2] : memref<322560xi32, #tpu.memory_space<hbm>> -> memref<96xi32, #tpu.memory_space<hbm>>
        %dma_wait3A_246 = tpu.memref_slice %arg7[%mul3A_2] : memref<322560xi32, #tpu.memory_space<hbm>> -> memref<96xi32, #tpu.memory_space<hbm>>
        tpu.wait_dma2 semaphore(%arg26 : memref<!tpu.dma_semaphore, #tpu.memory_space<semaphore_mem>>) src(%dma_wait3A_246 : memref<96xi32, #tpu.memory_space<hbm>>) dst(%arg18 : memref<96xi32, #tpu.memory_space<vmem>>)
        %dma_start3A_247 = arith.constant 0 : i32
        %dma_start3A_248 = arith.constant 0 : i32
        %dma_start3A_249 = tpu.memref_slice %arg3[%dma_start3A_247, %dma_start3A_248] : memref<10112x128xf32, #tpu.memory_space<hbm>> -> memref<10112x128xf32, #tpu.memory_space<hbm>>
        tpu.enqueue_indirect_dma source(%dma_start3A_249 : memref<10112x128xf32, #tpu.memory_space<hbm>>) target(%arg22 : memref<96x128xf32, #tpu.memory_space<vmem>>) offsets(%arg14 : memref<96xi32, #tpu.memory_space<vmem>>) semaphore(%arg30 : memref<!tpu.dma_semaphore, #tpu.memory_space<semaphore_mem>>)
        %dma_wait3A_250 = arith.constant 0 : i32
        %dma_wait3A_251 = arith.constant 0 : i32
        %dma_wait3A_252 = tpu.memref_slice %arg3[%dma_wait3A_250, %dma_wait3A_251] : memref<10112x128xf32, #tpu.memory_space<hbm>> -> memref<10112x128xf32, #tpu.memory_space<hbm>>
        tpu.wait_indirect_dma semaphore(%arg28 : memref<!tpu.dma_semaphore, #tpu.memory_space<semaphore_mem>>) src(%dma_wait3A_252 : memref<10112x128xf32, #tpu.memory_space<hbm>>) dst(%arg20 : memref<96x128xf32, #tpu.memory_space<vmem>>)
        %dma_start3A_253 = arith.constant 0 : i32
        %dma_start3A_254 = arith.constant 0 : i32
        %dma_start3A_255 = tpu.memref_slice %arg11[%dma_start3A_253, %dma_start3A_254] : memref<10112x128xf32, #tpu.memory_space<vmem_shared>> -> memref<10112x128xf32, #tpu.memory_space<vmem_shared>>
        tpu.enqueue_indirect_dma source(%arg20 : memref<96x128xf32, #tpu.memory_space<vmem>>) target(%dma_start3A_255 : memref<10112x128xf32, #tpu.memory_space<vmem_shared>>) offsets(%arg16 : memref<96xi32, #tpu.memory_space<vmem>>) semaphore(%arg32 : memref<!tpu.dma_semaphore, #tpu.memory_space<semaphore_mem>>) {add = true}
        %dma_wait3A_256 = arith.constant 0 : i32
        %dma_wait3A_257 = arith.constant 0 : i32
        %dma_wait3A_258 = tpu.memref_slice %arg11[%dma_wait3A_256, %dma_wait3A_257] : memref<10112x128xf32, #tpu.memory_space<vmem_shared>> -> memref<10112x128xf32, #tpu.memory_space<vmem_shared>>
        tpu.wait_indirect_dma semaphore(%arg35 : memref<!tpu.dma_semaphore, #tpu.memory_space<semaphore_mem>>) src(%arg23 : memref<96x128xf32, #tpu.memory_space<vmem>>) dst(%dma_wait3A_258 : memref<10112x128xf32, #tpu.memory_space<vmem_shared>>)
        %add3A_259 = arith.constant 1 : i32
        %add3A_260 = arith.addi %add3A_242, %add3A_259 : i32
        %mul3A_261 = arith.constant 96 : i32
        %mul3A_262 = arith.muli %add3A_260, %mul3A_261 : i32
        %add3A_263 = arith.addi %mul3A_2, %mul3A_262 : i32
        %dma_start3A_264 = tpu.memref_slice %arg6[%add3A_263] : memref<322560xi32, #tpu.memory_space<hbm>> -> memref<96xi32, #tpu.memory_space<hbm>>
        %dma_start3A_265 = tpu.memref_slice %arg6[%add3A_263] : memref<322560xi32, #tpu.memory_space<hbm>> -> memref<96xi32, #tpu.memory_space<hbm>>
        tpu.enqueue_dma source(%dma_start3A_265 : memref<96xi32, #tpu.memory_space<hbm>>) target(%arg15 : memref<96xi32, #tpu.memory_space<vmem>>) target_semaphore(%arg27 : memref<!tpu.dma_semaphore, #tpu.memory_space<semaphore_mem>>)
        %dma_start3A_266 = tpu.memref_slice %arg7[%add3A_263] : memref<322560xi32, #tpu.memory_space<hbm>> -> memref<96xi32, #tpu.memory_space<hbm>>
        %dma_start3A_267 = tpu.memref_slice %arg7[%add3A_263] : memref<322560xi32, #tpu.memory_space<hbm>> -> memref<96xi32, #tpu.memory_space<hbm>>
        tpu.enqueue_dma source(%dma_start3A_267 : memref<96xi32, #tpu.memory_space<hbm>>) target(%arg19 : memref<96xi32, #tpu.memory_space<vmem>>) target_semaphore(%arg27 : memref<!tpu.dma_semaphore, #tpu.memory_space<semaphore_mem>>)
        %scan3A_268 = arith.constant 0 : i32
        scf.yield %scan3A_268 : i32
      }
      %scan3A_74 = arith.constant 51 : i32
      %dma_wait3A_75 = tpu.memref_slice %arg6[%mul3A_2] : memref<322560xi32, #tpu.memory_space<hbm>> -> memref<96xi32, #tpu.memory_space<hbm>>
      %dma_wait3A_76 = tpu.memref_slice %arg6[%mul3A_2] : memref<322560xi32, #tpu.memory_space<hbm>> -> memref<96xi32, #tpu.memory_space<hbm>>
      tpu.wait_dma2 semaphore(%arg27 : memref<!tpu.dma_semaphore, #tpu.memory_space<semaphore_mem>>) src(%dma_wait3A_76 : memref<96xi32, #tpu.memory_space<hbm>>) dst(%arg15 : memref<96xi32, #tpu.memory_space<vmem>>)
      %dma_wait3A_77 = tpu.memref_slice %arg7[%mul3A_2] : memref<322560xi32, #tpu.memory_space<hbm>> -> memref<96xi32, #tpu.memory_space<hbm>>
      %dma_wait3A_78 = tpu.memref_slice %arg7[%mul3A_2] : memref<322560xi32, #tpu.memory_space<hbm>> -> memref<96xi32, #tpu.memory_space<hbm>>
      tpu.wait_dma2 semaphore(%arg27 : memref<!tpu.dma_semaphore, #tpu.memory_space<semaphore_mem>>) src(%dma_wait3A_78 : memref<96xi32, #tpu.memory_space<hbm>>) dst(%arg19 : memref<96xi32, #tpu.memory_space<vmem>>)
      %dma_start3A_79 = arith.constant 0 : i32
      %dma_start3A_80 = arith.constant 0 : i32
      %dma_start3A_81 = tpu.memref_slice %arg3[%dma_start3A_79, %dma_start3A_80] : memref<10112x128xf32, #tpu.memory_space<hbm>> -> memref<10112x128xf32, #tpu.memory_space<hbm>>
      tpu.enqueue_indirect_dma source(%dma_start3A_81 : memref<10112x128xf32, #tpu.memory_space<hbm>>) target(%arg23 : memref<96x128xf32, #tpu.memory_space<vmem>>) offsets(%arg15 : memref<96xi32, #tpu.memory_space<vmem>>) semaphore(%arg31 : memref<!tpu.dma_semaphore, #tpu.memory_space<semaphore_mem>>)
      %dma_wait3A_82 = arith.constant 0 : i32
      %dma_wait3A_83 = arith.constant 0 : i32
      %dma_wait3A_84 = tpu.memref_slice %arg3[%dma_wait3A_82, %dma_wait3A_83] : memref<10112x128xf32, #tpu.memory_space<hbm>> -> memref<10112x128xf32, #tpu.memory_space<hbm>>
      tpu.wait_indirect_dma semaphore(%arg29 : memref<!tpu.dma_semaphore, #tpu.memory_space<semaphore_mem>>) src(%dma_wait3A_84 : memref<10112x128xf32, #tpu.memory_space<hbm>>) dst(%arg21 : memref<96x128xf32, #tpu.memory_space<vmem>>)
      %dma_start3A_85 = arith.constant 0 : i32
      %dma_start3A_86 = arith.constant 0 : i32
      %dma_start3A_87 = tpu.memref_slice %arg11[%dma_start3A_85, %dma_start3A_86] : memref<10112x128xf32, #tpu.memory_space<vmem_shared>> -> memref<10112x128xf32, #tpu.memory_space<vmem_shared>>
      tpu.enqueue_indirect_dma source(%arg21 : memref<96x128xf32, #tpu.memory_space<vmem>>) target(%dma_start3A_87 : memref<10112x128xf32, #tpu.memory_space<vmem_shared>>) offsets(%arg17 : memref<96xi32, #tpu.memory_space<vmem>>) semaphore(%arg33 : memref<!tpu.dma_semaphore, #tpu.memory_space<semaphore_mem>>) {add = true}
      %dma_wait3A_88 = arith.constant 0 : i32
      %dma_wait3A_89 = arith.constant 0 : i32
      %dma_wait3A_90 = tpu.memref_slice %arg11[%dma_wait3A_88, %dma_wait3A_89] : memref<10112x128xf32, #tpu.memory_space<vmem_shared>> -> memref<10112x128xf32, #tpu.memory_space<vmem_shared>>
      tpu.wait_indirect_dma semaphore(%arg32 : memref<!tpu.dma_semaphore, #tpu.memory_space<semaphore_mem>>) src(%arg20 : memref<96x128xf32, #tpu.memory_space<vmem>>) dst(%dma_wait3A_90 : memref<10112x128xf32, #tpu.memory_space<vmem_shared>>)
      %add3A_91 = arith.constant 19968 : i32
      %add3A_92 = arith.addi %mul3A_2, %add3A_91 : i32
      %dma_start3A_93 = tpu.memref_slice %arg6[%add3A_92] : memref<322560xi32, #tpu.memory_space<hbm>> -> memref<96xi32, #tpu.memory_space<hbm>>
      %dma_start3A_94 = tpu.memref_slice %arg6[%add3A_92] : memref<322560xi32, #tpu.memory_space<hbm>> -> memref<96xi32, #tpu.memory_space<hbm>>
      tpu.enqueue_dma source(%dma_start3A_94 : memref<96xi32, #tpu.memory_space<hbm>>) target(%arg12 : memref<96xi32, #tpu.memory_space<vmem>>) target_semaphore(%arg24 : memref<!tpu.dma_semaphore, #tpu.memory_space<semaphore_mem>>)
      %dma_start3A_95 = tpu.memref_slice %arg7[%add3A_92] : memref<322560xi32, #tpu.memory_space<hbm>> -> memref<96xi32, #tpu.memory_space<hbm>>
      %dma_start3A_96 = tpu.memref_slice %arg7[%add3A_92] : memref<322560xi32, #tpu.memory_space<hbm>> -> memref<96xi32, #tpu.memory_space<hbm>>
      tpu.enqueue_dma source(%dma_start3A_96 : memref<96xi32, #tpu.memory_space<hbm>>) target(%arg16 : memref<96xi32, #tpu.memory_space<vmem>>) target_semaphore(%arg24 : memref<!tpu.dma_semaphore, #tpu.memory_space<semaphore_mem>>)
      %dma_wait3A_97 = tpu.memref_slice %arg6[%mul3A_2] : memref<322560xi32, #tpu.memory_space<hbm>> -> memref<96xi32, #tpu.memory_space<hbm>>
      %dma_wait3A_98 = tpu.memref_slice %arg6[%mul3A_2] : memref<322560xi32, #tpu.memory_space<hbm>> -> memref<96xi32, #tpu.memory_space<hbm>>
      tpu.wait_dma2 semaphore(%arg24 : memref<!tpu.dma_semaphore, #tpu.memory_space<semaphore_mem>>) src(%dma_wait3A_98 : memref<96xi32, #tpu.memory_space<hbm>>) dst(%arg12 : memref<96xi32, #tpu.memory_space<vmem>>)
      %dma_wait3A_99 = tpu.memref_slice %arg7[%mul3A_2] : memref<322560xi32, #tpu.memory_space<hbm>> -> memref<96xi32, #tpu.memory_space<hbm>>
      %dma_wait3A_100 = tpu.memref_slice %arg7[%mul3A_2] : memref<322560xi32, #tpu.memory_space<hbm>> -> memref<96xi32, #tpu.memory_space<hbm>>
      tpu.wait_dma2 semaphore(%arg24 : memref<!tpu.dma_semaphore, #tpu.memory_space<semaphore_mem>>) src(%dma_wait3A_100 : memref<96xi32, #tpu.memory_space<hbm>>) dst(%arg16 : memref<96xi32, #tpu.memory_space<vmem>>)
      %dma_start3A_101 = arith.constant 0 : i32
      %dma_start3A_102 = arith.constant 0 : i32
      %dma_start3A_103 = tpu.memref_slice %arg3[%dma_start3A_101, %dma_start3A_102] : memref<10112x128xf32, #tpu.memory_space<hbm>> -> memref<10112x128xf32, #tpu.memory_space<hbm>>
      tpu.enqueue_indirect_dma source(%dma_start3A_103 : memref<10112x128xf32, #tpu.memory_space<hbm>>) target(%arg20 : memref<96x128xf32, #tpu.memory_space<vmem>>) offsets(%arg12 : memref<96xi32, #tpu.memory_space<vmem>>) semaphore(%arg28 : memref<!tpu.dma_semaphore, #tpu.memory_space<semaphore_mem>>)
      %dma_wait3A_104 = arith.constant 0 : i32
      %dma_wait3A_105 = arith.constant 0 : i32
      %dma_wait3A_106 = tpu.memref_slice %arg3[%dma_wait3A_104, %dma_wait3A_105] : memref<10112x128xf32, #tpu.memory_space<hbm>> -> memref<10112x128xf32, #tpu.memory_space<hbm>>
      tpu.wait_indirect_dma semaphore(%arg30 : memref<!tpu.dma_semaphore, #tpu.memory_space<semaphore_mem>>) src(%dma_wait3A_106 : memref<10112x128xf32, #tpu.memory_space<hbm>>) dst(%arg22 : memref<96x128xf32, #tpu.memory_space<vmem>>)
      %dma_start3A_107 = arith.constant 0 : i32
      %dma_start3A_108 = arith.constant 0 : i32
      %dma_start3A_109 = tpu.memref_slice %arg11[%dma_start3A_107, %dma_start3A_108] : memref<10112x128xf32, #tpu.memory_space<vmem_shared>> -> memref<10112x128xf32, #tpu.memory_space<vmem_shared>>
      tpu.enqueue_indirect_dma source(%arg22 : memref<96x128xf32, #tpu.memory_space<vmem>>) target(%dma_start3A_109 : memref<10112x128xf32, #tpu.memory_space<vmem_shared>>) offsets(%arg18 : memref<96xi32, #tpu.memory_space<vmem>>) semaphore(%arg34 : memref<!tpu.dma_semaphore, #tpu.memory_space<semaphore_mem>>) {add = true}
      %dma_wait3A_110 = arith.constant 0 : i32
      %dma_wait3A_111 = arith.constant 0 : i32
      %dma_wait3A_112 = tpu.memref_slice %arg11[%dma_wait3A_110, %dma_wait3A_111] : memref<10112x128xf32, #tpu.memory_space<vmem_shared>> -> memref<10112x128xf32, #tpu.memory_space<vmem_shared>>
      tpu.wait_indirect_dma semaphore(%arg33 : memref<!tpu.dma_semaphore, #tpu.memory_space<semaphore_mem>>) src(%arg21 : memref<96x128xf32, #tpu.memory_space<vmem>>) dst(%dma_wait3A_112 : memref<10112x128xf32, #tpu.memory_space<vmem_shared>>)
      %add3A_113 = arith.constant 20064 : i32
      %add3A_114 = arith.addi %mul3A_2, %add3A_113 : i32
      %dma_start3A_115 = tpu.memref_slice %arg6[%add3A_114] : memref<322560xi32, #tpu.memory_space<hbm>> -> memref<96xi32, #tpu.memory_space<hbm>>
      %dma_start3A_116 = tpu.memref_slice %arg6[%add3A_114] : memref<322560xi32, #tpu.memory_space<hbm>> -> memref<96xi32, #tpu.memory_space<hbm>>
      tpu.enqueue_dma source(%dma_start3A_116 : memref<96xi32, #tpu.memory_space<hbm>>) target(%arg13 : memref<96xi32, #tpu.memory_space<vmem>>) target_semaphore(%arg25 : memref<!tpu.dma_semaphore, #tpu.memory_space<semaphore_mem>>)
      %dma_start3A_117 = tpu.memref_slice %arg7[%add3A_114] : memref<322560xi32, #tpu.memory_space<hbm>> -> memref<96xi32, #tpu.memory_space<hbm>>
      %dma_start3A_118 = tpu.memref_slice %arg7[%add3A_114] : memref<322560xi32, #tpu.memory_space<hbm>> -> memref<96xi32, #tpu.memory_space<hbm>>
      tpu.enqueue_dma source(%dma_start3A_118 : memref<96xi32, #tpu.memory_space<hbm>>) target(%arg17 : memref<96xi32, #tpu.memory_space<vmem>>) target_semaphore(%arg25 : memref<!tpu.dma_semaphore, #tpu.memory_space<semaphore_mem>>)
      %dma_wait3A_119 = tpu.memref_slice %arg6[%mul3A_2] : memref<322560xi32, #tpu.memory_space<hbm>> -> memref<96xi32, #tpu.memory_space<hbm>>
      %dma_wait3A_120 = tpu.memref_slice %arg6[%mul3A_2] : memref<322560xi32, #tpu.memory_space<hbm>> -> memref<96xi32, #tpu.memory_space<hbm>>
      tpu.wait_dma2 semaphore(%arg25 : memref<!tpu.dma_semaphore, #tpu.memory_space<semaphore_mem>>) src(%dma_wait3A_120 : memref<96xi32, #tpu.memory_space<hbm>>) dst(%arg13 : memref<96xi32, #tpu.memory_space<vmem>>)
      %dma_wait3A_121 = tpu.memref_slice %arg7[%mul3A_2] : memref<322560xi32, #tpu.memory_space<hbm>> -> memref<96xi32, #tpu.memory_space<hbm>>
      %dma_wait3A_122 = tpu.memref_slice %arg7[%mul3A_2] : memref<322560xi32, #tpu.memory_space<hbm>> -> memref<96xi32, #tpu.memory_space<hbm>>
      tpu.wait_dma2 semaphore(%arg25 : memref<!tpu.dma_semaphore, #tpu.memory_space<semaphore_mem>>) src(%dma_wait3A_122 : memref<96xi32, #tpu.memory_space<hbm>>) dst(%arg17 : memref<96xi32, #tpu.memory_space<vmem>>)
      %dma_start3A_123 = arith.constant 0 : i32
      %dma_start3A_124 = arith.constant 0 : i32
      %dma_start3A_125 = tpu.memref_slice %arg3[%dma_start3A_123, %dma_start3A_124] : memref<10112x128xf32, #tpu.memory_space<hbm>> -> memref<10112x128xf32, #tpu.memory_space<hbm>>
      tpu.enqueue_indirect_dma source(%dma_start3A_125 : memref<10112x128xf32, #tpu.memory_space<hbm>>) target(%arg21 : memref<96x128xf32, #tpu.memory_space<vmem>>) offsets(%arg13 : memref<96xi32, #tpu.memory_space<vmem>>) semaphore(%arg29 : memref<!tpu.dma_semaphore, #tpu.memory_space<semaphore_mem>>)
      %dma_wait3A_126 = arith.constant 0 : i32
      %dma_wait3A_127 = arith.constant 0 : i32
      %dma_wait3A_128 = tpu.memref_slice %arg3[%dma_wait3A_126, %dma_wait3A_127] : memref<10112x128xf32, #tpu.memory_space<hbm>> -> memref<10112x128xf32, #tpu.memory_space<hbm>>
      tpu.wait_indirect_dma semaphore(%arg31 : memref<!tpu.dma_semaphore, #tpu.memory_space<semaphore_mem>>) src(%dma_wait3A_128 : memref<10112x128xf32, #tpu.memory_space<hbm>>) dst(%arg23 : memref<96x128xf32, #tpu.memory_space<vmem>>)
      %dma_start3A_129 = arith.constant 0 : i32
      %dma_start3A_130 = arith.constant 0 : i32
      %dma_start3A_131 = tpu.memref_slice %arg11[%dma_start3A_129, %dma_start3A_130] : memref<10112x128xf32, #tpu.memory_space<vmem_shared>> -> memref<10112x128xf32, #tpu.memory_space<vmem_shared>>
      tpu.enqueue_indirect_dma source(%arg23 : memref<96x128xf32, #tpu.memory_space<vmem>>) target(%dma_start3A_131 : memref<10112x128xf32, #tpu.memory_space<vmem_shared>>) offsets(%arg19 : memref<96xi32, #tpu.memory_space<vmem>>) semaphore(%arg35 : memref<!tpu.dma_semaphore, #tpu.memory_space<semaphore_mem>>) {add = true}
      %dma_wait3A_132 = arith.constant 0 : i32
      %dma_wait3A_133 = arith.constant 0 : i32
      %dma_wait3A_134 = tpu.memref_slice %arg11[%dma_wait3A_132, %dma_wait3A_133] : memref<10112x128xf32, #tpu.memory_space<vmem_shared>> -> memref<10112x128xf32, #tpu.memory_space<vmem_shared>>
      tpu.wait_indirect_dma semaphore(%arg34 : memref<!tpu.dma_semaphore, #tpu.memory_space<semaphore_mem>>) src(%arg22 : memref<96x128xf32, #tpu.memory_space<vmem>>) dst(%dma_wait3A_134 : memref<10112x128xf32, #tpu.memory_space<vmem_shared>>)
      %dma_wait3A_135 = arith.constant 0 : i32
      %dma_wait3A_136 = arith.constant 0 : i32
      %dma_wait3A_137 = tpu.memref_slice %arg3[%dma_wait3A_135, %dma_wait3A_136] : memref<10112x128xf32, #tpu.memory_space<hbm>> -> memref<10112x128xf32, #tpu.memory_space<hbm>>
      tpu.wait_indirect_dma semaphore(%arg28 : memref<!tpu.dma_semaphore, #tpu.memory_space<semaphore_mem>>) src(%dma_wait3A_137 : memref<10112x128xf32, #tpu.memory_space<hbm>>) dst(%arg20 : memref<96x128xf32, #tpu.memory_space<vmem>>)
      %dma_start3A_138 = arith.constant 0 : i32
      %dma_start3A_139 = arith.constant 0 : i32
      %dma_start3A_140 = tpu.memref_slice %arg11[%dma_start3A_138, %dma_start3A_139] : memref<10112x128xf32, #tpu.memory_space<vmem_shared>> -> memref<10112x128xf32, #tpu.memory_space<vmem_shared>>
      tpu.enqueue_indirect_dma source(%arg20 : memref<96x128xf32, #tpu.memory_space<vmem>>) target(%dma_start3A_140 : memref<10112x128xf32, #tpu.memory_space<vmem_shared>>) offsets(%arg16 : memref<96xi32, #tpu.memory_space<vmem>>) semaphore(%arg32 : memref<!tpu.dma_semaphore, #tpu.memory_space<semaphore_mem>>) {add = true}
      %dma_wait3A_141 = arith.constant 0 : i32
      %dma_wait3A_142 = arith.constant 0 : i32
      %dma_wait3A_143 = tpu.memref_slice %arg3[%dma_wait3A_141, %dma_wait3A_142] : memref<10112x128xf32, #tpu.memory_space<hbm>> -> memref<10112x128xf32, #tpu.memory_space<hbm>>
      tpu.wait_indirect_dma semaphore(%arg29 : memref<!tpu.dma_semaphore, #tpu.memory_space<semaphore_mem>>) src(%dma_wait3A_143 : memref<10112x128xf32, #tpu.memory_space<hbm>>) dst(%arg21 : memref<96x128xf32, #tpu.memory_space<vmem>>)
      %dma_start3A_144 = arith.constant 0 : i32
      %dma_start3A_145 = arith.constant 0 : i32
      %dma_start3A_146 = tpu.memref_slice %arg11[%dma_start3A_144, %dma_start3A_145] : memref<10112x128xf32, #tpu.memory_space<vmem_shared>> -> memref<10112x128xf32, #tpu.memory_space<vmem_shared>>
      tpu.enqueue_indirect_dma source(%arg21 : memref<96x128xf32, #tpu.memory_space<vmem>>) target(%dma_start3A_146 : memref<10112x128xf32, #tpu.memory_space<vmem_shared>>) offsets(%arg17 : memref<96xi32, #tpu.memory_space<vmem>>) semaphore(%arg33 : memref<!tpu.dma_semaphore, #tpu.memory_space<semaphore_mem>>) {add = true}
      %dma_wait3A_147 = arith.constant 0 : i32
      %dma_wait3A_148 = arith.constant 0 : i32
      %dma_wait3A_149 = tpu.memref_slice %arg11[%dma_wait3A_147, %dma_wait3A_148] : memref<10112x128xf32, #tpu.memory_space<vmem_shared>> -> memref<10112x128xf32, #tpu.memory_space<vmem_shared>>
      tpu.wait_indirect_dma semaphore(%arg35 : memref<!tpu.dma_semaphore, #tpu.memory_space<semaphore_mem>>) src(%arg23 : memref<96x128xf32, #tpu.memory_space<vmem>>) dst(%dma_wait3A_149 : memref<10112x128xf32, #tpu.memory_space<vmem_shared>>)
      %dma_wait3A_150 = arith.constant 0 : i32
      %dma_wait3A_151 = arith.constant 0 : i32
      %dma_wait3A_152 = tpu.memref_slice %arg11[%dma_wait3A_150, %dma_wait3A_151] : memref<10112x128xf32, #tpu.memory_space<vmem_shared>> -> memref<10112x128xf32, #tpu.memory_space<vmem_shared>>
      tpu.wait_indirect_dma semaphore(%arg32 : memref<!tpu.dma_semaphore, #tpu.memory_space<semaphore_mem>>) src(%arg20 : memref<96x128xf32, #tpu.memory_space<vmem>>) dst(%dma_wait3A_152 : memref<10112x128xf32, #tpu.memory_space<vmem_shared>>)
      %dma_wait3A_153 = arith.constant 0 : i32
      %dma_wait3A_154 = arith.constant 0 : i32
      %dma_wait3A_155 = tpu.memref_slice %arg11[%dma_wait3A_153, %dma_wait3A_154] : memref<10112x128xf32, #tpu.memory_space<vmem_shared>> -> memref<10112x128xf32, #tpu.memory_space<vmem_shared>>
      tpu.wait_indirect_dma semaphore(%arg33 : memref<!tpu.dma_semaphore, #tpu.memory_space<semaphore_mem>>) src(%arg21 : memref<96x128xf32, #tpu.memory_space<vmem>>) dst(%dma_wait3A_155 : memref<10112x128xf32, #tpu.memory_space<vmem_shared>>)
    } else {
    }
    %barrier3A_10 = arith.constant 0 : index
    tpu.barrier barrier_id(%barrier3A_10)
    %eq3A_11 = arith.constant 0 : i32
    %eq3A_12 = arith.cmpi eq, %arg0, %eq3A_11 : i32
    %convert_element_type3A_13 = arith.extui %eq3A_12 : i1 to i32
    %cond3A_14 = arith.constant 0 : i32
    %cond3A_15 = arith.cmpi ne, %convert_element_type3A_13, %cond3A_14 : i32
    scf.if %cond3A_15 {
      "tpu.region"() ({
        %run_scoped3A = tpu.sem_alloc : memref<!tpu.dma_semaphore, #tpu.memory_space<semaphore_mem>>
        %dma_start3A = arith.constant 0 : i32
        %dma_start3A_21 = tpu.memref_slice %arg9[%mul3A_0, %dma_start3A] : memref<10112x128xf32, #tpu.memory_space<hbm>> -> memref<632x128xf32, #tpu.memory_space<hbm>>
        %dma_start3A_22 = arith.constant 0 : i32
        %dma_start3A_23 = tpu.memref_slice %arg11[%mul3A_0, %dma_start3A_22] : memref<10112x128xf32, #tpu.memory_space<vmem_shared>> -> memref<632x128xf32, #tpu.memory_space<vmem_shared>>
        tpu.enqueue_dma source(%dma_start3A_23 : memref<632x128xf32, #tpu.memory_space<vmem_shared>>) target(%dma_start3A_21 : memref<632x128xf32, #tpu.memory_space<hbm>>) target_semaphore(%run_scoped3A : memref<!tpu.dma_semaphore, #tpu.memory_space<semaphore_mem>>)
        %dma_wait3A = arith.constant 0 : i32
        %dma_wait3A_24 = tpu.memref_slice %arg9[%mul3A_0, %dma_wait3A] : memref<10112x128xf32, #tpu.memory_space<hbm>> -> memref<632x128xf32, #tpu.memory_space<hbm>>
        %dma_wait3A_25 = arith.constant 0 : i32
        %dma_wait3A_26 = tpu.memref_slice %arg11[%mul3A_0, %dma_wait3A_25] : memref<10112x128xf32, #tpu.memory_space<vmem_shared>> -> memref<632x128xf32, #tpu.memory_space<vmem_shared>>
        tpu.wait_dma2 semaphore(%run_scoped3A : memref<!tpu.dma_semaphore, #tpu.memory_space<semaphore_mem>>) src(%dma_wait3A_26 : memref<632x128xf32, #tpu.memory_space<vmem_shared>>) dst(%dma_wait3A_24 : memref<632x128xf32, #tpu.memory_space<hbm>>)
        tpu.yield
      }) : () -> ()
    } else {
    }
    %eq3A_16 = arith.constant 1 : i32
    %eq3A_17 = arith.cmpi eq, %arg0, %eq3A_16 : i32
    %convert_element_type3A_18 = arith.extui %eq3A_17 : i1 to i32
    %cond3A_19 = arith.constant 0 : i32
    %cond3A_20 = arith.cmpi ne, %convert_element_type3A_18, %cond3A_19 : i32
    scf.if %cond3A_20 {
      "tpu.region"() ({
        %run_scoped3A = tpu.sem_alloc : memref<!tpu.dma_semaphore, #tpu.memory_space<semaphore_mem>>
        %dma_start3A = arith.constant 0 : i32
        %dma_start3A_21 = tpu.memref_slice %arg10[%mul3A_0, %dma_start3A] : memref<10112x128xf32, #tpu.memory_space<hbm>> -> memref<632x128xf32, #tpu.memory_space<hbm>>
        %dma_start3A_22 = arith.constant 0 : i32
        %dma_start3A_23 = tpu.memref_slice %arg11[%mul3A_0, %dma_start3A_22] : memref<10112x128xf32, #tpu.memory_space<vmem_shared>> -> memref<632x128xf32, #tpu.memory_space<vmem_shared>>
        tpu.enqueue_dma source(%dma_start3A_23 : memref<632x128xf32, #tpu.memory_space<vmem_shared>>) target(%dma_start3A_21 : memref<632x128xf32, #tpu.memory_space<hbm>>) target_semaphore(%run_scoped3A : memref<!tpu.dma_semaphore, #tpu.memory_space<semaphore_mem>>)
        %dma_wait3A = arith.constant 0 : i32
        %dma_wait3A_24 = tpu.memref_slice %arg10[%mul3A_0, %dma_wait3A] : memref<10112x128xf32, #tpu.memory_space<hbm>> -> memref<632x128xf32, #tpu.memory_space<hbm>>
        %dma_wait3A_25 = arith.constant 0 : i32
        %dma_wait3A_26 = tpu.memref_slice %arg11[%mul3A_0, %dma_wait3A_25] : memref<10112x128xf32, #tpu.memory_space<vmem_shared>> -> memref<632x128xf32, #tpu.memory_space<vmem_shared>>
        tpu.wait_dma2 semaphore(%run_scoped3A : memref<!tpu.dma_semaphore, #tpu.memory_space<semaphore_mem>>) src(%dma_wait3A_26 : memref<632x128xf32, #tpu.memory_space<vmem_shared>>) dst(%dma_wait3A_24 : memref<632x128xf32, #tpu.memory_space<hbm>>)
        tpu.yield
      }) : () -> ()
    } else {
    }
    return
  }
}

module attributes {stable_mosaic.version = 14 : i64} {
  func.func @_tc_scale_body(%arg0: i32, %arg1: memref<256x128xf32, #tpu.memory_space<vmem>>, %arg2: memref<256x128xf32, #tpu.memory_space<vmem>>, %arg3: memref<32x256xf32, #tpu.memory_space<vmem>>, %arg4: memref<32x256xf32, #tpu.memory_space<vmem>>, %arg5: memref<256x128xf32, #tpu.memory_space<vmem>>, %arg6: memref<256x128xf32, #tpu.memory_space<vmem>>) attributes {dimension_semantics = [#tpu.dimension_semantics<arbitrary>], iteration_bounds = array<i64: 40>, scalar_prefetch = 0 : i64, scratch_operands = 0 : i64, tpu.core_type = #tpu.core_type<tc>, window_params = [{transform_indices = @transform_0, window_bounds = array<i64: 256, 128>}, {transform_indices = @transform_1, window_bounds = array<i64: 256, 128>}, {transform_indices = @transform_2, window_bounds = array<i64: 32, 256>}, {transform_indices = @transform_3, window_bounds = array<i64: 32, 256>}, {transform_indices = @transform_4, window_bounds = array<i64: 256, 128>}, {transform_indices = @transform_5, window_bounds = array<i64: 256, 128>}]} {
    %mul3A = arith.constant 256 : i32
    %mul3A_0 = arith.muli %arg0, %mul3A : i32
    %iota3A = tpu.iota {dimensions = array<i32: 0>} : vector<256x1xi32>
    %add3A = vector.broadcast %mul3A_0 : i32 to vector<256x1xi32>
    %add3A_1 = arith.addi %add3A, %iota3A : vector<256x1xi32>
    %lt3A = arith.constant 10000 : i32
    %lt3A_2 = vector.broadcast %lt3A : i32 to vector<256x1xi32>
    %lt3A_3 = arith.cmpi slt, %add3A_1, %lt3A_2 : vector<256x1xi32>
    %get3A = arith.constant 0 : index
    %get3A_4 = arith.constant 0 : index
    %get3A_5 = vector.load %arg1[%get3A, %get3A_4] : memref<256x128xf32, #tpu.memory_space<vmem>>, vector<256x128xf32>
    %get3A_6 = arith.constant 0 : index
    %get3A_7 = arith.constant 0 : index
    %get3A_8 = vector.load %arg3[%get3A_6, %get3A_7] : memref<32x256xf32, #tpu.memory_space<vmem>>, vector<32x256xf32>
    %reduce_sum3A = arith.constant dense<0.000000e+00> : vector<256xf32>
    %reduce_sum3A_9 = vector.multi_reduction <add>, %get3A_8, %reduce_sum3A [0] : vector<32x256xf32> to vector<256xf32>
    %max3A = arith.constant 1.000000e+00 : f32
    %max3A_10 = vector.broadcast %max3A : f32 to vector<256xf32>
    %max3A_11 = arith.maximumf %reduce_sum3A_9, %max3A_10 : vector<256xf32>
    %rsqrt3A = math.rsqrt %max3A_11 : vector<256xf32>
    %broadcast_in_dim3A = vector.shape_cast %rsqrt3A : vector<256xf32> to vector<256x1xf32>
    %mul3A_12 = vector.broadcast %broadcast_in_dim3A : vector<256x1xf32> to vector<256x128xf32>
    %mul3A_13 = arith.mulf %get3A_5, %mul3A_12 : vector<256x128xf32>
    %jit3A = arith.constant 0.000000e+00 : f32
    %broadcast_in_dim3A_14 = vector.shape_cast %lt3A_3 : vector<256x1xi1> to vector<256x1xi1>
    %broadcast_in_dim3A_15 = vector.broadcast %broadcast_in_dim3A_14 : vector<256x1xi1> to vector<256x128xi1>
    %broadcast_in_dim3A_16 = vector.broadcast %jit3A : f32 to vector<256x128xf32>
    %select_n3A = arith.select %broadcast_in_dim3A_15, %mul3A_13, %broadcast_in_dim3A_16 : vector<256x128xi1>, vector<256x128xf32>
    %swap3A = arith.constant 0 : index
    %swap3A_17 = arith.constant 0 : index
    %swap3A_18 = vector.load %arg5[%swap3A, %swap3A_17] : memref<256x128xf32, #tpu.memory_space<vmem>>, vector<256x128xf32>
    tpu.vector_store %arg5[%swap3A, %swap3A_17], %select_n3A {strides = array<i32>} : memref<256x128xf32, #tpu.memory_space<vmem>>, vector<256x128xf32>,
    %get3A_19 = arith.constant 0 : index
    %get3A_20 = arith.constant 0 : index
    %get3A_21 = vector.load %arg2[%get3A_19, %get3A_20] : memref<256x128xf32, #tpu.memory_space<vmem>>, vector<256x128xf32>
    %get3A_22 = arith.constant 0 : index
    %get3A_23 = arith.constant 0 : index
    %get3A_24 = vector.load %arg4[%get3A_22, %get3A_23] : memref<32x256xf32, #tpu.memory_space<vmem>>, vector<32x256xf32>
    %reduce_sum3A_25 = arith.constant dense<0.000000e+00> : vector<256xf32>
    %reduce_sum3A_26 = vector.multi_reduction <add>, %get3A_24, %reduce_sum3A_25 [0] : vector<32x256xf32> to vector<256xf32>
    %max3A_27 = arith.constant 1.000000e+00 : f32
    %max3A_28 = vector.broadcast %max3A_27 : f32 to vector<256xf32>
    %max3A_29 = arith.maximumf %reduce_sum3A_26, %max3A_28 : vector<256xf32>
    %rsqrt3A_30 = math.rsqrt %max3A_29 : vector<256xf32>
    %broadcast_in_dim3A_31 = vector.shape_cast %rsqrt3A_30 : vector<256xf32> to vector<256x1xf32>
    %mul3A_32 = vector.broadcast %broadcast_in_dim3A_31 : vector<256x1xf32> to vector<256x128xf32>
    %mul3A_33 = arith.mulf %get3A_21, %mul3A_32 : vector<256x128xf32>
    %jit3A_34 = arith.constant 0.000000e+00 : f32
    %broadcast_in_dim3A_35 = vector.shape_cast %lt3A_3 : vector<256x1xi1> to vector<256x1xi1>
    %broadcast_in_dim3A_36 = vector.broadcast %broadcast_in_dim3A_35 : vector<256x1xi1> to vector<256x128xi1>
    %broadcast_in_dim3A_37 = vector.broadcast %jit3A_34 : f32 to vector<256x128xf32>
    %select_n3A_38 = arith.select %broadcast_in_dim3A_36, %mul3A_33, %broadcast_in_dim3A_37 : vector<256x128xi1>, vector<256x128xf32>
    %swap3A_39 = arith.constant 0 : index
    %swap3A_40 = arith.constant 0 : index
    %swap3A_41 = vector.load %arg6[%swap3A_39, %swap3A_40] : memref<256x128xf32, #tpu.memory_space<vmem>>, vector<256x128xf32>
    tpu.vector_store %arg6[%swap3A_39, %swap3A_40], %select_n3A_38 {strides = array<i32>} : memref<256x128xf32, #tpu.memory_space<vmem>>, vector<256x128xf32>,
    return
  }
  func.func @transform_0(%arg0: i32) -> (i32, i32) {
    %c0_i32 = arith.constant 0 : i32
    %c0_i32_0 = arith.constant 0 : i32
    return %arg0, %c0_i32 : i32, i32
  }
  func.func @transform_1(%arg0: i32) -> (i32, i32) {
    %c0_i32 = arith.constant 0 : i32
    %c0_i32_0 = arith.constant 0 : i32
    return %arg0, %c0_i32 : i32, i32
  }
  func.func @transform_2(%arg0: i32) -> (i32, i32) {
    %c0_i32 = arith.constant 0 : i32
    %c0_i32_0 = arith.constant 0 : i32
    return %c0_i32, %arg0 : i32, i32
  }
  func.func @transform_3(%arg0: i32) -> (i32, i32) {
    %c1_i32 = arith.constant 1 : i32
    %c0_i32 = arith.constant 0 : i32
    return %c1_i32, %arg0 : i32, i32
  }
  func.func @transform_4(%arg0: i32) -> (i32, i32) {
    %c0_i32 = arith.constant 0 : i32
    %c0_i32_0 = arith.constant 0 : i32
    return %arg0, %c0_i32 : i32, i32
  }
  func.func @transform_5(%arg0: i32) -> (i32, i32) {
    %c0_i32 = arith.constant 0 : i32
    %c0_i32_0 = arith.constant 0 : i32
    return %arg0, %c0_i32 : i32, i32
  }
}

module attributes {stable_mosaic.version = 14 : i64} {
  func.func @_tc_mid_body(%arg0: i32, %arg1: memref<256x128xf32, #tpu.memory_space<vmem>>, %arg2: memref<256x128xf32, #tpu.memory_space<vmem>>, %arg3: memref<128x256xf32, #tpu.memory_space<vmem>>, %arg4: memref<128x256xf32, #tpu.memory_space<vmem>>, %arg5: memref<256x128xf32, #tpu.memory_space<vmem>>, %arg6: memref<256x128xf32, #tpu.memory_space<vmem>>, %arg7: memref<32x256xf32, #tpu.memory_space<vmem>>, %arg8: memref<32x256xf32, #tpu.memory_space<vmem>>, %arg9: memref<256x128xf32, #tpu.memory_space<vmem>>, %arg10: memref<256x128xf32, #tpu.memory_space<vmem>>) attributes {dimension_semantics = [#tpu.dimension_semantics<arbitrary>], iteration_bounds = array<i64: 40>, scalar_prefetch = 0 : i64, scratch_operands = 0 : i64, tpu.core_type = #tpu.core_type<tc>, window_params = [{transform_indices = @transform_0, window_bounds = array<i64: 256, 128>}, {transform_indices = @transform_1, window_bounds = array<i64: 256, 128>}, {pipeline_mode = #tpu.pipeline_mode<synchronous>, transform_indices = @transform_2, window_bounds = array<i64: 128, 256>}, {pipeline_mode = #tpu.pipeline_mode<synchronous>, transform_indices = @transform_3, window_bounds = array<i64: 128, 256>}, {pipeline_mode = #tpu.pipeline_mode<synchronous>, transform_indices = @transform_4, window_bounds = array<i64: 256, 128>}, {pipeline_mode = #tpu.pipeline_mode<synchronous>, transform_indices = @transform_5, window_bounds = array<i64: 256, 128>}, {transform_indices = @transform_6, window_bounds = array<i64: 32, 256>}, {transform_indices = @transform_7, window_bounds = array<i64: 32, 256>}, {transform_indices = @transform_8, window_bounds = array<i64: 256, 128>}, {transform_indices = @transform_9, window_bounds = array<i64: 256, 128>}]} {
    %get3A = arith.constant 0 : index
    %get3A_0 = arith.constant 0 : index
    %get3A_1 = vector.load %arg7[%get3A, %get3A_0] : memref<32x256xf32, #tpu.memory_space<vmem>>, vector<32x256xf32>
    %reduce_sum3A = arith.constant dense<0.000000e+00> : vector<256xf32>
    %reduce_sum3A_2 = vector.multi_reduction <add>, %get3A_1, %reduce_sum3A [0] : vector<32x256xf32> to vector<256xf32>
    %max3A = arith.constant 1.000000e+00 : f32
    %max3A_3 = vector.broadcast %max3A : f32 to vector<256xf32>
    %max3A_4 = arith.maximumf %reduce_sum3A_2, %max3A_3 : vector<256xf32>
    %rsqrt3A = math.rsqrt %max3A_4 : vector<256xf32>
    %get3A_5 = arith.constant 0 : index
    %get3A_6 = arith.constant 0 : index
    %get3A_7 = vector.load %arg1[%get3A_5, %get3A_6] : memref<256x128xf32, #tpu.memory_space<vmem>>, vector<256x128xf32>
    %get3A_8 = arith.constant 0 : index
    %get3A_9 = arith.constant 0 : index
    %get3A_10 = vector.load %arg3[%get3A_8, %get3A_9] : memref<128x256xf32, #tpu.memory_space<vmem>>, vector<128x256xf32>
    %dot_general3A = arith.constant dense<0.000000e+00> : vector<256x256xf32>
    %dot_general3A_11 = tpu.matmul %get3A_7, %get3A_10, %dot_general3A {dimension_numbers = #tpu.dot_dimension_numbers<[1], [0], [0], [1], [0, 0, 1, 1], [], []>, transpose_lhs_hint = false} : vector<256x128xf32>, vector<128x256xf32>, vector<256x256xf32> -> vector<256x256xf32>
    %broadcast_in_dim3A = vector.shape_cast %rsqrt3A : vector<256xf32> to vector<256x1xf32>
    %mul3A = vector.broadcast %broadcast_in_dim3A : vector<256x1xf32> to vector<256x256xf32>
    %mul3A_12 = arith.mulf %dot_general3A_11, %mul3A : vector<256x256xf32>
    %max3A_13 = arith.constant 0.000000e+00 : f32
    %max3A_14 = vector.broadcast %max3A_13 : f32 to vector<256x256xf32>
    %max3A_15 = arith.maximumf %mul3A_12, %max3A_14 : vector<256x256xf32>
    %get3A_16 = arith.constant 0 : index
    %get3A_17 = arith.constant 0 : index
    %get3A_18 = vector.load %arg5[%get3A_16, %get3A_17] : memref<256x128xf32, #tpu.memory_space<vmem>>, vector<256x128xf32>
    %dot_general3A_19 = arith.constant dense<0.000000e+00> : vector<256x128xf32>
    %dot_general3A_20 = tpu.matmul %max3A_15, %get3A_18, %dot_general3A_19 {dimension_numbers = #tpu.dot_dimension_numbers<[1], [0], [0], [1], [0, 0, 1, 1], [], []>, transpose_lhs_hint = false} : vector<256x256xf32>, vector<256x128xf32>, vector<256x128xf32> -> vector<256x128xf32>
    %broadcast_in_dim3A_21 = vector.shape_cast %rsqrt3A : vector<256xf32> to vector<256x1xf32>
    %mul3A_22 = vector.broadcast %broadcast_in_dim3A_21 : vector<256x1xf32> to vector<256x128xf32>
    %mul3A_23 = arith.mulf %dot_general3A_20, %mul3A_22 : vector<256x128xf32>
    %swap3A = arith.constant 0 : index
    %swap3A_24 = arith.constant 0 : index
    %swap3A_25 = vector.load %arg9[%swap3A, %swap3A_24] : memref<256x128xf32, #tpu.memory_space<vmem>>, vector<256x128xf32>
    tpu.vector_store %arg9[%swap3A, %swap3A_24], %mul3A_23 {strides = array<i32>} : memref<256x128xf32, #tpu.memory_space<vmem>>, vector<256x128xf32>,
    %get3A_26 = arith.constant 0 : index
    %get3A_27 = arith.constant 0 : index
    %get3A_28 = vector.load %arg8[%get3A_26, %get3A_27] : memref<32x256xf32, #tpu.memory_space<vmem>>, vector<32x256xf32>
    %reduce_sum3A_29 = arith.constant dense<0.000000e+00> : vector<256xf32>
    %reduce_sum3A_30 = vector.multi_reduction <add>, %get3A_28, %reduce_sum3A_29 [0] : vector<32x256xf32> to vector<256xf32>
    %max3A_31 = arith.constant 1.000000e+00 : f32
    %max3A_32 = vector.broadcast %max3A_31 : f32 to vector<256xf32>
    %max3A_33 = arith.maximumf %reduce_sum3A_30, %max3A_32 : vector<256xf32>
    %rsqrt3A_34 = math.rsqrt %max3A_33 : vector<256xf32>
    %get3A_35 = arith.constant 0 : index
    %get3A_36 = arith.constant 0 : index
    %get3A_37 = vector.load %arg2[%get3A_35, %get3A_36] : memref<256x128xf32, #tpu.memory_space<vmem>>, vector<256x128xf32>
    %get3A_38 = arith.constant 0 : index
    %get3A_39 = arith.constant 0 : index
    %get3A_40 = vector.load %arg4[%get3A_38, %get3A_39] : memref<128x256xf32, #tpu.memory_space<vmem>>, vector<128x256xf32>
    %dot_general3A_41 = arith.constant dense<0.000000e+00> : vector<256x256xf32>
    %dot_general3A_42 = tpu.matmul %get3A_37, %get3A_40, %dot_general3A_41 {dimension_numbers = #tpu.dot_dimension_numbers<[1], [0], [0], [1], [0, 0, 1, 1], [], []>, transpose_lhs_hint = false} : vector<256x128xf32>, vector<128x256xf32>, vector<256x256xf32> -> vector<256x256xf32>
    %broadcast_in_dim3A_43 = vector.shape_cast %rsqrt3A_34 : vector<256xf32> to vector<256x1xf32>
    %mul3A_44 = vector.broadcast %broadcast_in_dim3A_43 : vector<256x1xf32> to vector<256x256xf32>
    %mul3A_45 = arith.mulf %dot_general3A_42, %mul3A_44 : vector<256x256xf32>
    %max3A_46 = arith.constant 0.000000e+00 : f32
    %max3A_47 = vector.broadcast %max3A_46 : f32 to vector<256x256xf32>
    %max3A_48 = arith.maximumf %mul3A_45, %max3A_47 : vector<256x256xf32>
    %get3A_49 = arith.constant 0 : index
    %get3A_50 = arith.constant 0 : index
    %get3A_51 = vector.load %arg6[%get3A_49, %get3A_50] : memref<256x128xf32, #tpu.memory_space<vmem>>, vector<256x128xf32>
    %dot_general3A_52 = arith.constant dense<0.000000e+00> : vector<256x128xf32>
    %dot_general3A_53 = tpu.matmul %max3A_48, %get3A_51, %dot_general3A_52 {dimension_numbers = #tpu.dot_dimension_numbers<[1], [0], [0], [1], [0, 0, 1, 1], [], []>, transpose_lhs_hint = false} : vector<256x256xf32>, vector<256x128xf32>, vector<256x128xf32> -> vector<256x128xf32>
    %broadcast_in_dim3A_54 = vector.shape_cast %rsqrt3A_34 : vector<256xf32> to vector<256x1xf32>
    %mul3A_55 = vector.broadcast %broadcast_in_dim3A_54 : vector<256x1xf32> to vector<256x128xf32>
    %mul3A_56 = arith.mulf %dot_general3A_53, %mul3A_55 : vector<256x128xf32>
    %swap3A_57 = arith.constant 0 : index
    %swap3A_58 = arith.constant 0 : index
    %swap3A_59 = vector.load %arg10[%swap3A_57, %swap3A_58] : memref<256x128xf32, #tpu.memory_space<vmem>>, vector<256x128xf32>
    tpu.vector_store %arg10[%swap3A_57, %swap3A_58], %mul3A_56 {strides = array<i32>} : memref<256x128xf32, #tpu.memory_space<vmem>>, vector<256x128xf32>,
    return
  }
  func.func @transform_0(%arg0: i32) -> (i32, i32) {
    %c0_i32 = arith.constant 0 : i32
    %c0_i32_0 = arith.constant 0 : i32
    return %arg0, %c0_i32 : i32, i32
  }
  func.func @transform_1(%arg0: i32) -> (i32, i32) {
    %c0_i32 = arith.constant 0 : i32
    %c0_i32_0 = arith.constant 0 : i32
    return %arg0, %c0_i32 : i32, i32
  }
  func.func @transform_2(%arg0: i32) -> (i32, i32) {
    %c0_i32 = arith.constant 0 : i32
    %c0_i32_0 = arith.constant 0 : i32
    %c0_i32_1 = arith.constant 0 : i32
    return %c0_i32, %c0_i32_0 : i32, i32
  }
  func.func @transform_3(%arg0: i32) -> (i32, i32) {
    %c0_i32 = arith.constant 0 : i32
    %c0_i32_0 = arith.constant 0 : i32
    %c0_i32_1 = arith.constant 0 : i32
    return %c0_i32, %c0_i32_0 : i32, i32
  }
  func.func @transform_4(%arg0: i32) -> (i32, i32) {
    %c0_i32 = arith.constant 0 : i32
    %c0_i32_0 = arith.constant 0 : i32
    %c0_i32_1 = arith.constant 0 : i32
    return %c0_i32, %c0_i32_0 : i32, i32
  }
  func.func @transform_5(%arg0: i32) -> (i32, i32) {
    %c0_i32 = arith.constant 0 : i32
    %c0_i32_0 = arith.constant 0 : i32
    %c0_i32_1 = arith.constant 0 : i32
    return %c0_i32, %c0_i32_0 : i32, i32
  }
  func.func @transform_6(%arg0: i32) -> (i32, i32) {
    %c0_i32 = arith.constant 0 : i32
    %c0_i32_0 = arith.constant 0 : i32
    return %c0_i32, %arg0 : i32, i32
  }
  func.func @transform_7(%arg0: i32) -> (i32, i32) {
    %c1_i32 = arith.constant 1 : i32
    %c0_i32 = arith.constant 0 : i32
    return %c1_i32, %arg0 : i32, i32
  }
  func.func @transform_8(%arg0: i32) -> (i32, i32) {
    %c0_i32 = arith.constant 0 : i32
    %c0_i32_0 = arith.constant 0 : i32
    return %arg0, %c0_i32 : i32, i32
  }
  func.func @transform_9(%arg0: i32) -> (i32, i32) {
    %c0_i32 = arith.constant 0 : i32
    %c0_i32_0 = arith.constant 0 : i32
    return %arg0, %c0_i32 : i32, i32
  }
}

module attributes {stable_mosaic.version = 14 : i64} {
  func.func @_tc_out_body(%arg0: i32, %arg1: memref<256x128xf32, #tpu.memory_space<vmem>>, %arg2: memref<256x128xf32, #tpu.memory_space<vmem>>, %arg3: memref<32x256xf32, #tpu.memory_space<vmem>>, %arg4: memref<32x256xf32, #tpu.memory_space<vmem>>, %arg5: memref<256x64xf32, #tpu.memory_space<vmem>>, %arg6: memref<256x64xf32, #tpu.memory_space<vmem>>, %arg7: memref<256x64xf32, #tpu.memory_space<vmem>>, %arg8: memref<256x64xf32, #tpu.memory_space<vmem>>, %arg9: memref<256x64xf32, #tpu.memory_space<vmem>>, %arg10: memref<256x64xf32, #tpu.memory_space<vmem>>, %arg11: memref<256x64xf32, #tpu.memory_space<vmem>>, %arg12: memref<256x64xf32, #tpu.memory_space<vmem>>) attributes {dimension_semantics = [#tpu.dimension_semantics<arbitrary>], iteration_bounds = array<i64: 40>, scalar_prefetch = 0 : i64, scratch_operands = 0 : i64, tpu.core_type = #tpu.core_type<tc>, window_params = [{transform_indices = @transform_0, window_bounds = array<i64: 256, 128>}, {transform_indices = @transform_1, window_bounds = array<i64: 256, 128>}, {transform_indices = @transform_2, window_bounds = array<i64: 32, 256>}, {transform_indices = @transform_3, window_bounds = array<i64: 32, 256>}, {transform_indices = @transform_4, window_bounds = array<i64: 256, 64>}, {transform_indices = @transform_5, window_bounds = array<i64: 256, 64>}, {transform_indices = @transform_6, window_bounds = array<i64: 256, 64>}, {transform_indices = @transform_7, window_bounds = array<i64: 256, 64>}, {transform_indices = @transform_8, window_bounds = array<i64: 256, 64>}, {transform_indices = @transform_9, window_bounds = array<i64: 256, 64>}, {transform_indices = @transform_10, window_bounds = array<i64: 256, 64>}, {transform_indices = @transform_11, window_bounds = array<i64: 256, 64>}]} {
    %get3A = arith.constant 0 : index
    %get3A_0 = arith.constant 0 : index
    %get3A_1 = vector.load %arg1[%get3A, %get3A_0] : memref<256x128xf32, #tpu.memory_space<vmem>>, vector<256x128xf32>
    %get3A_2 = arith.constant 0 : index
    %get3A_3 = arith.constant 0 : index
    %get3A_4 = vector.load %arg3[%get3A_2, %get3A_3] : memref<32x256xf32, #tpu.memory_space<vmem>>, vector<32x256xf32>
    %reduce_sum3A = arith.constant dense<0.000000e+00> : vector<256xf32>
    %reduce_sum3A_5 = vector.multi_reduction <add>, %get3A_4, %reduce_sum3A [0] : vector<32x256xf32> to vector<256xf32>
    %max3A = arith.constant 1.000000e+00 : f32
    %max3A_6 = vector.broadcast %max3A : f32 to vector<256xf32>
    %max3A_7 = arith.maximumf %reduce_sum3A_5, %max3A_6 : vector<256xf32>
    %rsqrt3A = math.rsqrt %max3A_7 : vector<256xf32>
    %broadcast_in_dim3A = vector.shape_cast %rsqrt3A : vector<256xf32> to vector<256x1xf32>
    %mul3A = vector.broadcast %broadcast_in_dim3A : vector<256x1xf32> to vector<256x128xf32>
    %mul3A_8 = arith.mulf %get3A_1, %mul3A : vector<256x128xf32>
    %slice3A = vector.extract_strided_slice %mul3A_8 {offsets = [0, 0], sizes = [256, 64], strides = [1, 1]} : vector<256x128xf32> to vector<256x64xf32>
    %slice3A_9 = vector.extract_strided_slice %mul3A_8 {offsets = [0, 64], sizes = [256, 64], strides = [1, 1]} : vector<256x128xf32> to vector<256x64xf32>
    %exp3A = math.exp %slice3A_9 : vector<256x64xf32>
    %swap3A = arith.constant 0 : index
    %swap3A_10 = arith.constant 0 : index
    %swap3A_11 = vector.load %arg7[%swap3A, %swap3A_10] : memref<256x64xf32, #tpu.memory_space<vmem>>, vector<256x64xf32>
    tpu.vector_store %arg7[%swap3A, %swap3A_10], %slice3A {strides = array<i32>} : memref<256x64xf32, #tpu.memory_space<vmem>>, vector<256x64xf32>,
    %swap3A_12 = arith.constant 0 : index
    %swap3A_13 = arith.constant 0 : index
    %swap3A_14 = vector.load %arg8[%swap3A_12, %swap3A_13] : memref<256x64xf32, #tpu.memory_space<vmem>>, vector<256x64xf32>
    tpu.vector_store %arg8[%swap3A_12, %swap3A_13], %exp3A {strides = array<i32>} : memref<256x64xf32, #tpu.memory_space<vmem>>, vector<256x64xf32>,
    %get3A_15 = arith.constant 0 : index
    %get3A_16 = arith.constant 0 : index
    %get3A_17 = vector.load %arg5[%get3A_15, %get3A_16] : memref<256x64xf32, #tpu.memory_space<vmem>>, vector<256x64xf32>
    %mul3A_18 = arith.mulf %get3A_17, %exp3A : vector<256x64xf32>
    %add3A = arith.addf %slice3A, %mul3A_18 : vector<256x64xf32>
    %swap3A_19 = arith.constant 0 : index
    %swap3A_20 = arith.constant 0 : index
    %swap3A_21 = vector.load %arg9[%swap3A_19, %swap3A_20] : memref<256x64xf32, #tpu.memory_space<vmem>>, vector<256x64xf32>
    tpu.vector_store %arg9[%swap3A_19, %swap3A_20], %add3A {strides = array<i32>} : memref<256x64xf32, #tpu.memory_space<vmem>>, vector<256x64xf32>,
    %get3A_22 = arith.constant 0 : index
    %get3A_23 = arith.constant 0 : index
    %get3A_24 = vector.load %arg2[%get3A_22, %get3A_23] : memref<256x128xf32, #tpu.memory_space<vmem>>, vector<256x128xf32>
    %get3A_25 = arith.constant 0 : index
    %get3A_26 = arith.constant 0 : index
    %get3A_27 = vector.load %arg4[%get3A_25, %get3A_26] : memref<32x256xf32, #tpu.memory_space<vmem>>, vector<32x256xf32>
    %reduce_sum3A_28 = arith.constant dense<0.000000e+00> : vector<256xf32>
    %reduce_sum3A_29 = vector.multi_reduction <add>, %get3A_27, %reduce_sum3A_28 [0] : vector<32x256xf32> to vector<256xf32>
    %max3A_30 = arith.constant 1.000000e+00 : f32
    %max3A_31 = vector.broadcast %max3A_30 : f32 to vector<256xf32>
    %max3A_32 = arith.maximumf %reduce_sum3A_29, %max3A_31 : vector<256xf32>
    %rsqrt3A_33 = math.rsqrt %max3A_32 : vector<256xf32>
    %broadcast_in_dim3A_34 = vector.shape_cast %rsqrt3A_33 : vector<256xf32> to vector<256x1xf32>
    %mul3A_35 = vector.broadcast %broadcast_in_dim3A_34 : vector<256x1xf32> to vector<256x128xf32>
    %mul3A_36 = arith.mulf %get3A_24, %mul3A_35 : vector<256x128xf32>
    %slice3A_37 = vector.extract_strided_slice %mul3A_36 {offsets = [0, 0], sizes = [256, 64], strides = [1, 1]} : vector<256x128xf32> to vector<256x64xf32>
    %slice3A_38 = vector.extract_strided_slice %mul3A_36 {offsets = [0, 64], sizes = [256, 64], strides = [1, 1]} : vector<256x128xf32> to vector<256x64xf32>
    %exp3A_39 = math.exp %slice3A_38 : vector<256x64xf32>
    %swap3A_40 = arith.constant 0 : index
    %swap3A_41 = arith.constant 0 : index
    %swap3A_42 = vector.load %arg10[%swap3A_40, %swap3A_41] : memref<256x64xf32, #tpu.memory_space<vmem>>, vector<256x64xf32>
    tpu.vector_store %arg10[%swap3A_40, %swap3A_41], %slice3A_37 {strides = array<i32>} : memref<256x64xf32, #tpu.memory_space<vmem>>, vector<256x64xf32>,
    %swap3A_43 = arith.constant 0 : index
    %swap3A_44 = arith.constant 0 : index
    %swap3A_45 = vector.load %arg11[%swap3A_43, %swap3A_44] : memref<256x64xf32, #tpu.memory_space<vmem>>, vector<256x64xf32>
    tpu.vector_store %arg11[%swap3A_43, %swap3A_44], %exp3A_39 {strides = array<i32>} : memref<256x64xf32, #tpu.memory_space<vmem>>, vector<256x64xf32>,
    %get3A_46 = arith.constant 0 : index
    %get3A_47 = arith.constant 0 : index
    %get3A_48 = vector.load %arg6[%get3A_46, %get3A_47] : memref<256x64xf32, #tpu.memory_space<vmem>>, vector<256x64xf32>
    %mul3A_49 = arith.mulf %get3A_48, %exp3A_39 : vector<256x64xf32>
    %add3A_50 = arith.addf %slice3A_37, %mul3A_49 : vector<256x64xf32>
    %swap3A_51 = arith.constant 0 : index
    %swap3A_52 = arith.constant 0 : index
    %swap3A_53 = vector.load %arg12[%swap3A_51, %swap3A_52] : memref<256x64xf32, #tpu.memory_space<vmem>>, vector<256x64xf32>
    tpu.vector_store %arg12[%swap3A_51, %swap3A_52], %add3A_50 {strides = array<i32>} : memref<256x64xf32, #tpu.memory_space<vmem>>, vector<256x64xf32>,
    return
  }
  func.func @transform_0(%arg0: i32) -> (i32, i32) {
    %c0_i32 = arith.constant 0 : i32
    %c0_i32_0 = arith.constant 0 : i32
    return %arg0, %c0_i32 : i32, i32
  }
  func.func @transform_1(%arg0: i32) -> (i32, i32) {
    %c0_i32 = arith.constant 0 : i32
    %c0_i32_0 = arith.constant 0 : i32
    return %arg0, %c0_i32 : i32, i32
  }
  func.func @transform_2(%arg0: i32) -> (i32, i32) {
    %c0_i32 = arith.constant 0 : i32
    %c0_i32_0 = arith.constant 0 : i32
    return %c0_i32, %arg0 : i32, i32
  }
  func.func @transform_3(%arg0: i32) -> (i32, i32) {
    %c1_i32 = arith.constant 1 : i32
    %c0_i32 = arith.constant 0 : i32
    return %c1_i32, %arg0 : i32, i32
  }
  func.func @transform_4(%arg0: i32) -> (i32, i32) {
    %c0_i32 = arith.constant 0 : i32
    %c0_i32_0 = arith.constant 0 : i32
    return %arg0, %c0_i32 : i32, i32
  }
  func.func @transform_5(%arg0: i32) -> (i32, i32) {
    %c0_i32 = arith.constant 0 : i32
    %c0_i32_0 = arith.constant 0 : i32
    return %arg0, %c0_i32 : i32, i32
  }
  func.func @transform_6(%arg0: i32) -> (i32, i32) {
    %c0_i32 = arith.constant 0 : i32
    %c0_i32_0 = arith.constant 0 : i32
    return %arg0, %c0_i32 : i32, i32
  }
  func.func @transform_7(%arg0: i32) -> (i32, i32) {
    %c0_i32 = arith.constant 0 : i32
    %c0_i32_0 = arith.constant 0 : i32
    return %arg0, %c0_i32 : i32, i32
  }
  func.func @transform_8(%arg0: i32) -> (i32, i32) {
    %c0_i32 = arith.constant 0 : i32
    %c0_i32_0 = arith.constant 0 : i32
    return %arg0, %c0_i32 : i32, i32
  }
  func.func @transform_9(%arg0: i32) -> (i32, i32) {
    %c0_i32 = arith.constant 0 : i32
    %c0_i32_0 = arith.constant 0 : i32
    return %arg0, %c0_i32 : i32, i32
  }
  func.func @transform_10(%arg0: i32) -> (i32, i32) {
    %c0_i32 = arith.constant 0 : i32
    %c0_i32_0 = arith.constant 0 : i32
    return %arg0, %c0_i32 : i32, i32
  }
  func.func @transform_11(%arg0: i32) -> (i32, i32) {
    %c0_i32 = arith.constant 0 : i32
    %c0_i32_0 = arith.constant 0 : i32
    return %arg0, %c0_i32 : i32, i32
  }
}

</mosaic_0001>

<sc_bundles>
// kernel: kernel.11.cloned.1.call-start
scs
__scs_entry_jumppad:
0x0: {  	(pc) =	sbr.rel $0x88, $3  }
0x1: {  	(tag) =	ssettag $0x0;
	lr =	simm.s32 $0x1  }
0x2: {  	[smem:$0x3F95] =	sst lr;
	_ =	strace $0xD0000000  }
0x3: {  	_ = 	snop  }
0x4: {  	_ = 	snop  }
0x5: {  	_ = 	snop  }
0x6: {  	_ = 	snop  }
0x7: {  	_ = 	snop  }
__scs_overlays_trampoline_lowered:
0x8: {  	[smem:$0x3FA4] =	sst s0  }
0x9: {  	[smem:$0x3FA5] =	sst s1  }
0xa: {  	[smem:$0x3FA6] =	sst s2  }
0xb: {  	[smem:$0x3FA7] =	sst s3  }
0xc: {  	[smem:$0x3FA8] =	sst s4  }
0xd: {  	[smem:$0x3FA9] =	sst s5  }
0xe: {  	[smem:$0x3FAA] =	sst s6  }
0xf: {  	[smem:$0x3FAB] =	sst s7  }
0x10: {  	[smem:$0x3FAC] =	sst s8  }
0x11: {  	[smem:$0x3FAD] =	sst s9;
	s0 =	simm.s32 @!p0 $0x0  }
0x12: {  	s1 =	sld [smem:$0x3F93];
	s0 =	simm.s32 @p0 $0x1  }
0x13: {  	[smem:$0x3FAE] =	sst s0;
	s0 =	simm.s32 @!p1 $0x0  }
0x14: {  	s2 =	sld [smem:$0x3F92];
	s0 =	simm.s32 @p1 $0x1  }
0x15: {  	[smem:$0x3FAF] =	sst s0;
	s0 =	simm.s32 @!p2 $0x0  }
0x16: {  	s3 =	sld [smem:$0x3FDB];
	s0 =	simm.s32 @p2 $0x1  }
0x17: {  	s4 =	simm.s32 $0x1BF5;
	[smem:$0x3FB1] =	sst s0  }
0x18: {  	s0 =	sld [smem:$0x3F94];
	_ =	swait.ge [sflag:s4], $0x0  }
0x19: {  	s7 =	sld [smem:$0x3F95]  }
0x1a: {  	s8 =	sadd.s32 $0xFFFFE003, lr  }
0x1b: {  	s9 =	sadd.s32 $0xFFFFFEF7, lr;
	s5 =	simm.s32 $0xFFFFFFFF;
	p2 =	slt.u32 s8, $0xFFFFF086  }
0x1c: {  	p1 =	slt.u32 s9, $0xF7A;
	s5 =	simm.s32 @!p2 $0x0  }
0x1d: {  	s5 =	simm.s32 @p1 $0x1;
	p0 =	seq.s32 s7, s2  }
0x1e: {  	s7 =	smul.u32 @!p0 $0xF7A, s2;
	p2 =	seq.s32 @!p0 s5, $0x0  }
0x1f: {  	s9 =	smul.u32 $0xF7A, s1;
	s8 =	simm.s32 @!p0 $0x1BF5;
	p2 =	por !p2, p0  }
0x20: {  	[sflag:s8] =	ssyncset.s32 @!p0 $0xFFFFF086;
	s6 =	sadd.s32 @!p0 s3, s7;
	s7 =	simm.s32 @!p0 $0x108  }
0x21: {  	s3 =	sadd.s32 s3, s9;
	s6 =	sadd.s32 @!p0 $0x88, s6;
	s7 =	simm.s32 @p2 $0x1082  }
0x22: {  	[simem:s7], [sflag:s8] =	dma.local @!p0 [hbm:s6], $0xF7A  }
0x23: {  	s9 =	sor.u32 $0xD0000000, s2;
	s6 =	simm.s32 $0x108;
	_ =	swait.ge @!p0 [sflag:s8], $0x0  }
0x24: {  	s3 =	sadd.s32 $0x88, s3;
	s6 =	simm.s32 @!p1 $0x1082;
	[sflag:s4] =	ssyncset.s32 $0xFFFFF086  }
0x25: {  	[simem:s6], [sflag:s4] =	dma.local [hbm:s3], $0xF7A  }
0x26: {  	[smem:$0x3F95] =	sst s1;
	(tag) =	ssettag s2;
	_ =	strace s9  }
0x27: {  	s1 =	sld [smem:$0x3FA5]  }
0x28: {  	s2 =	sld [smem:$0x3FA6]  }
0x29: {  	s4 =	sld [smem:$0x3FA8]  }
0x2a: {  	p0 =	seq.s32 s5, $0x0;
	s5 =	sld [smem:$0x3FA9]  }
0x2b: {  	s6 =	sld [smem:$0x3FAA]  }
0x2c: {  	s7 =	sld [smem:$0x3FAB]  }
0x2d: {  	s3 =	simm.s32 $0x108;
	s8 =	sld [smem:$0x3FAC]  }
0x2e: {  	s3 =	simm.s32 @!p0 $0x1082;
	s9 =	sld [smem:$0x3FAD]  }
0x2f: {  	lr =	sadd.s32 s0, s3;
	s0 =	sld [smem:$0x3FA4]  }
0x30: {  	s3 =	sld [smem:$0x3FA7]  }
0x31: {  	[smem:$0x3FB0] =	sst s10  }
0x32: {  	s10 =	sld [smem:$0x3FAE];
	_ =	sdelay $0x3  }
0x33: {  	p0 =	seq.s32 s10, $0x1;
	s10 =	sld [smem:$0x3FB0];
	_ =	sdelay $0x3  }
0x34: {  	[smem:$0x3FB0] =	sst s10  }
0x35: {  	s10 =	sld [smem:$0x3FAF];
	_ =	sdelay $0x3  }
0x36: {  	p1 =	seq.s32 s10, $0x1;
	s10 =	sld [smem:$0x3FB0];
	_ =	sdelay $0x3  }
0x37: {  	[smem:$0x3FB0] =	sst s10  }
0x38: {  	s10 =	sld [smem:$0x3FB1]  }
0x39: {  	_ = 	snop;
	(pc) =	sbr.ind lr, $3  }
0x3a: {  	_ = 	snop  }
0x3b: {  	_ = 	snop  }
0x3c: {  	p2 =	seq.s32 s10, $0x1;
	s10 =	sld [smem:$0x3FB0]  }
0x3d: {  	_ =	shalt  }
0x3e: {  	_ =	shalt  }
0x3f: {  	_ =	shalt  }
0x40: {  	_ =	shalt  }
0x41: {  	_ =	shalt  }
0x42: {  	_ =	shalt  }
0x43: {  	_ =	shalt  }
0x44: {  	_ =	shalt  }
0x45: {  	_ =	shalt  }
0x46: {  	_ =	shalt  }
0x47: {  	_ =	shalt  }
0x48: {  	_ =	shalt  }
0x49: {  	_ =	shalt  }
0x4a: {  	_ =	shalt  }
0x4b: {  	_ =	shalt  }
0x4c: {  	_ =	shalt  }
0x4d: {  	_ =	shalt  }
0x4e: {  	_ =	shalt  }
0x4f: {  	_ =	shalt  }
0x50: {  	_ =	shalt  }
0x51: {  	_ =	shalt  }
0x52: {  	_ =	shalt  }
0x53: {  	_ =	shalt  }
0x54: {  	_ =	shalt  }
0x55: {  	_ =	shalt  }
0x56: {  	_ =	shalt  }
0x57: {  	_ =	shalt  }
0x58: {  	_ =	shalt  }
0x59: {  	_ =	shalt  }
0x5a: {  	_ =	shalt  }
0x5b: {  	_ =	shalt  }
0x5c: {  	_ =	shalt  }
0x5d: {  	_ =	shalt  }
0x5e: {  	_ =	shalt  }
0x5f: {  	_ =	shalt  }
0x60: {  	_ =	shalt  }
0x61: {  	_ =	shalt  }
0x62: {  	_ =	shalt  }
0x63: {  	_ =	shalt  }
0x64: {  	_ =	shalt  }
0x65: {  	_ =	shalt  }
0x66: {  	_ =	shalt  }
0x67: {  	_ =	shalt  }
0x68: {  	_ =	shalt  }
0x69: {  	_ =	shalt  }
0x6a: {  	_ =	shalt  }
0x6b: {  	_ =	shalt  }
0x6c: {  	_ =	shalt  }
0x6d: {  	_ =	shalt  }
0x6e: {  	_ =	shalt  }
0x6f: {  	_ =	shalt  }
0x70: {  	_ =	shalt  }
0x71: {  	_ =	shalt  }
0x72: {  	_ =	shalt  }
0x73: {  	_ =	shalt  }
0x74: {  	_ =	shalt  }
0x75: {  	_ =	shalt  }
0x76: {  	_ =	shalt  }
0x77: {  	_ =	shalt  }
0x78: {  	_ =	shalt  }
0x79: {  	_ =	shalt  }
0x7a: {  	_ =	shalt  }
0x7b: {  	_ =	shalt  }
0x7c: {  	_ =	shalt  }
0x7d: {  	_ =	shalt  }
0x7e: {  	_ =	shalt  }
0x7f: {  	_ =	shalt  }
0x80: {  	_ =	shalt  }
0x81: {  	_ =	shalt  }
0x82: {  	_ =	shalt  }
0x83: {  	_ =	shalt  }
0x84: {  	_ =	shalt  }
0x85: {  	_ =	shalt  }
0x86: {  	_ =	shalt  }
0x87: {  	_ =	shalt  }
.Lfunc_end0:
.L_simem_size_0:
called_computation.1_lowered:
.L_overlay_start_0:
0x88: {  	s2 =	sld [smem:$0x3FD9]  }
0x89: {  	s3 =	sld [smem:$0x3FFE];
	_ =	sdelay $0x1  }
0x8a: {  	s1 =	srdreg.scid  }
0x8b: {  	s0 =	sand.u32 $0x1, s1  }
0x8c: {  	s14 =	sshll.u32 s0, $0xA;
	s2 =	sadd.s32 s3, s2  }
0x8d: {  	s2 =	sadd.s32 s2, s14  }
0x8e: {  	[smem:$0x3FBC] =	sst s2  }
0x8f: {  	_ = 	snop  }
0x90: {  	s2 =	sld [smem:$0x3FD0];
	_ =	sdelay $0x2  }
0x91: {  	s15 =	simm.s32 $0xA;
	s4 =	simm.s32 $0x10  }
0x92: {  	[smem:s4], [sflag:s15] =	dma.local [hbm:s2], $0x1  }
0x93: {  	_ =	swait.eq [sflag:s15], $0x1  }
0x94: {  	s16 =	sld [smem:$0x11]  }
0x95: {  	s17 =	sld [smem:$0x12]  }
0x96: {  	s5 =	sld [smem:$0x13];
	[sflag:s15] =	ssyncset.done $0x0  }
0x97: {  	s6 =	sld [smem:$0x14];
	[sflag:s15] =	ssyncadd.s32 $0xFFFFFFFF  }
0x98: {  	s18 =	sld [smem:$0x15];
	(tm) =	ssettm $0x1  }
0x99: {  	s7 =	sld [smem:$0x3FFB];
	_ =	sdelay $0x3  }
0x9a: {  	_ =	strace s7  }
0x9b: {  	s7 =	sld [smem:$0x3FFC];
	_ =	sdelay $0x3  }
0x9c: {  	_ =	strace s7  }
0x9d: {  	s7 =	sld [smem:$0x3FFD];
	_ =	sdelay $0x3  }
0x9e: {  	_ =	strace s7  }
0x9f: {  	_ =	strace $0x8FFFFFFF  }
0xa0: {  	s19 =	sld [smem:$0x3FDB];
	_ =	sdelay $0x1  }
0xa1: {  	s8 =	simm.s32 $_scs_section_size  }
0xa2: {  	s9 =	simm.s32 $_size__tile_overlayer_lowered;
	s10 =	simm.s32 $_tile_overlayer_lowered  }
0xa3: {  	s22 =	simm.s32 $0x1BFF;
	s21 =	sshll.u32 s10, $0x1;
	s7 =	sadd.s32 s8, s19  }
0xa4: {  	s11 =	simm.s32 $0x0;
	s20 =	sshll.u32 s9, $0x1;
	s9 =	sadd.s32 s21, s7  }
0xa5: {  	[timem:s11], [sflag:s22] =	dma.local [hbm:s9], s20  }
0xa6: {  	_ =	swait.ge [sflag:s22], s20  }
0xa7: {  	s8 =	ssub.s32 $0x0, s20;
	[sflag:s22] =	ssyncset.done $0x0  }
0xa8: {  	[sflag:s22] =	ssyncadd.s32 s8;
	_ =	sdelay $0x1  }
0xa9: {  	s23 =	simm.s32 $0x1B8B  }
0xaa: {  	_ =	swait.ge [sflag:s23], $0x1  }
0xab: {  	[sflag:s23] =	ssyncset.done $0x0  }
0xac: {  	s25 =	simm.s32 $0x1B8E;
	s24 =	sld [smem:$0x3FFE];
	[sflag:s23] =	ssyncadd.s32 $0xFFFFFFFF  }
0xad: {  	s26 =	simm.s32 $execute0_lowered;
	[smem:$0x3FD2] =	sst s25  }
0xae: {  	s9 =	sshll.u32 s26, $0x1;
	_ =	strace $0x80000049;
	[dreg:$0x1] =	wrdreg $0xFFFFFFFF  }
0xaf: {  	s28 =	simm.s32 $_size_execute0_lowered;
	s7 =	sadd.s32 s7, s9;
	[dreg:$0x0] =	wrdreg $0x0  }
0xb0: {  	s9 =	sshll.u32 s28, $0x1;
	[dreg:$0x2] =	wrdreg s7  }
0xb1: {  	[dreg:$0x3] =	wrdreg s9  }
0xb2: {  	[dreg:$0x4] =	wrdreg $0xC0  }
0xb3: {  	_ =	task [dreg:s11], $0x5FFFF  }
0xb4: {  	[dreg:$0x1] =	wrdreg $0xFFFFFFFF  }
0xb5: {  	[dreg:$0x0] =	wrdreg $0x60  }
0xb6: {  	[dreg:$0x2] =	wrdreg s24  }
0xb7: {  	[dreg:$0x3] =	wrdreg s17  }
0xb8: {  	[dreg:$0x4] =	wrdreg s16  }
0xb9: {  	[dreg:$0x5] =	wrdreg s6  }
0xba: {  	[dreg:$0x6] =	wrdreg s5  }
0xbb: {  	[dreg:$0x7] =	wrdreg s18  }
0xbc: {  	[dreg:$0x8] =	wrdreg $0x0  }
0xbd: {  	[dreg:$0x9] =	wrdreg $0x9  }
0xbe: {  	_ =	task.clear_ibuf [dreg:s11], $0xAFFFF;
	_ =	strace $0x90000049  }
0xbf: {  	s29 =	simm.s32 $0x9;
	_ =	strace $0x8000004B  }
0xc0: {  	_ =	swait.ge [sflag:s29], $0x1  }
0xc1: {  	[sflag:s29] =	ssyncadd.s32 $0xFFFFFFFF  }
0xc2: {  	_ =	strace $0x9000004B  }
0xc3: {  	_ =	sfence  }
0xc4: {  	s30 =	sld [smem:$0x0];
	_ =	sdelay $0x2  }
0xc5: {  	s31 =	sshll.u32 s1, $0xD;
	s1 =	sshrl.u32 s1, $0x2  }
0xc6: {  	s3 =	sand.u32 $0x4000, s31;
	s1 =	sadd.s32 s1, s30  }
0xc7: {  	s0 =	sor.u32 s3, s0;
	s1 =	sshll.u32 s1, $0x11  }
0xc8: {  	s0 =	sor.u32 s1, s0  }
0xc9: {  	s0 =	sadd.s32 $0x8F2B, s0  }
0xca: {  	[sflag:s0] =	ssyncadd.remote.s32 $0x1  }
0xcb: {  	_ =	sfence.sel $0xFFFF  }
0xcc: {  	[dreg:$0x0] =	wrdreg $0xFFFFFFFF;
	(pc) =	sbr.abs _section_cstart, $3  }
0xcd: {  	[dreg:$0x1] =	wrdreg $0xFFFFFFFF  }
0xce: {  	_ =	task.clear_ibuf [dreg:s11], $0x2FFFF;
	_ =	strace $0x9FFFFFFF  }
0xcf: {  	(tm) =	ssettm $0x7FFFFFFF  }
tec
execute0_lowered:
.L_overlay_start_1:
0x0: {  	(tag) =	ssettag $0x1  }
0x1: {  	s0 =	rddreg [dreg:$0x0]  }
0x2: {  	s12 =	rddreg [dreg:$0x1]  }
0x3: {  	s13 =	rddreg [dreg:$0x2]  }
0x4: {  	s14 =	rddreg [dreg:$0x3]  }
0x5: {  	s15 =	rddreg [dreg:$0x4]  }
0x6: {  	s6 =	rddreg [dreg:$0x6]  }
0x7: {  	s8 =	simm.s32 $0x0;
	s1 =	srdreg.scid;
	s16 =	stileid.u32  }
0x8: {  	[smem:$0x7FF] =	sst s8;
	s9 =	sadd.s32 $0x2C400, s0;
	s10 =	sadd.s32 $0x4C00, s0  }
0x9: {  	s3 =	sadd.s32 $0x53C00, s0;
	s0 =	sadd.s32 $0x7B400, s0;
	s25 =	sshll.u32 s16, $0x6  }
0xa: {  	s26 =	smul.u32 $0x9D8, s16;
	_ =	strace $0x8000004A;
	[dreg:$0xc] =	wrdreg s3  }
0xb: {  	s29 =	simm.s32 $0x13F80;
	[dreg:$0xd] =	wrdreg s0;
	s19 =	sor.u32 $0x1C0D, s25  }
0xc: {  	s2 =	smul.u32 $0x4F000, s16;
	s20 =	sadd.s32 s26, s15;
	[dreg:$0xf] =	wrdreg s19  }
0xd: {  	s5 =	smul.u32 $0x4EC0, s16;
	s21 =	sadd.s32 s26, s14;
	[dreg:$0x8] =	wrdreg s20  }
0xe: {  	s2 =	sshrl.u32 s2, $0x2;
	s22 =	sadd.s32 s26, s13;
	[dreg:$0x9] =	wrdreg s21  }
0xf: {  	s3 =	sshrl.u32 s5, $0x3;
	s2 =	sadd.s32 s2, s6;
	[dreg:$0xa] =	wrdreg s22  }
0x10: {  	s1 =	sand.u32 $0x1, s1;
	s11 =	sadd.s32 s14, s3;
	[dreg:$0xe] =	wrdreg s2  }
0x11: {  	s24 =	ssub.s32 $0x2, s1;
	s5 =	sadd.s32 s15, s3;
	[dreg:$0x10] =	wrdreg s11  }
0x12: {  	s4 =	sshrl.u32 s24, $0x1;
	s23 =	sadd.s32 $0x9C0, s3;
	[dreg:$0x11] =	wrdreg s5  }
0x13: {  	s0 =	ssub.s32 s24, s4;
	s4 =	sadd.s32 s26, s12;
	[dreg:$0x13] =	wrdreg s23  }
0x14: {  	s30 =	simm.s32 $0x4;
	s24 =	sadd.s32 $0x9CC, s3;
	[dreg:$0xb] =	wrdreg s4  }
0x15: {  	s31 =	simm.s32 $0x1D000;
	s25 =	sadd.s32 s12, s3;
	[dreg:$0x14] =	wrdreg s24  }
0x16: {  	s17 =	sadd.s32 $0xC, s3;
	s26 =	sadd.s32 s13, s3;
	[dreg:$0x15] =	wrdreg s25  }
0x17: {  	s7 =	sadd.s32 $0x18, s3;
	s18 =	sadd.s32 s14, s17;
	[dreg:$0x16] =	wrdreg s26  }
0x18: {  	s11 =	sadd.s32 $0x24, s3;
	s3 =	sadd.s32 s15, s17;
	[dreg:$0x12] =	wrdreg s18  }
0x19: {  	s28 =	simm.s32 $0x0;
	s4 =	sadd.s32 s12, s17;
	[dreg:$0x17] =	wrdreg s3  }
0x1a: {  	p0 =	sne.s32 s1, $0x0;
	s5 =	sadd.s32 s13, s17;
	[dreg:$0x18] =	wrdreg s4  }
0x1b: {  	s1 =	simm.s32 $0xA;
	s17 =	sadd.s32 s14, s7;
	[dreg:$0x19] =	wrdreg s5  }
0x1c: {  	s20 =	sadd.s32 s12, s7;
	s21 =	sadd.s32 s13, s7;
	[dreg:$0x1a] =	wrdreg s17  }
0x1d: {  	s0 =	smax.u32 s0, $0x1;
	s26 =	smul.u32 $0x2780, s16;
	[dreg:$0x1c] =	wrdreg s20  }
0x1e: {  	s2 =	simm.s32 $0x8;
	s18 =	sadd.s32 s15, s7;
	[dreg:$0x1d] =	wrdreg s21  }
0x1f: {  	s22 =	sadd.s32 s14, s11;
	s23 =	sadd.s32 s15, s11;
	s24 =	sadd.s32 s12, s11  }
0x20: {  	s25 =	sadd.s32 s13, s11;
	[smem:$0x7FC] =	sst s0;
	s4 =	simm.s32 $0xD  }
0x21: {  	s12 =	simm.s32 $0x13C00;
	s11 =	simm.s32 $0x1;
	[dreg:$0x1b] =	wrdreg s18  }
0x22: {  	s15 =	simm.s32 $0x60;
	s5 =	simm.s32 $0x13C80;
	[dreg:$0x1e] =	wrdreg s22  }
0x23: {  	s17 =	simm.s32 $0x13E80;
	s20 =	simm.s32 $0x2;
	[dreg:$0x1f] =	wrdreg s23  }
.Ltmp0:
0x24: {  	s21 =	simm.s32 $0x17000;
	[smem:$0x7FA] =	sst s24;
	(pc) =	sbr.rel .LBB2_1-.Ltmp0, $4  }
0x25: {  	s0 =	simm.s32 $0x6;
	s7 =	simm.s32 $0x9;
	[smem:$0x7FB] =	sst s25  }
0x26: {  	s13 =	simm.s32 $0x7;
	s14 =	simm.s32 $0xB;
	[smem:$0x7FD] =	sst s26  }
0x27: {  	s22 =	simm.s32 $0x13D00;
	s23 =	simm.s32 $0x13F00;
	s24 =	simm.s32 $0x3  }
0x28: {  	s25 =	simm.s32 $0x1A000;
	s26 =	simm.s32 $0x5;
	s18 =	simm.s32 $0xC  }
.LBB2_7:
0x29: {  	[tilespmem:s29], [sflag:$0x4] =	stream.linear.gather [hbm4b:s4+s8], $0x60, $0x38;
	v63 =	vld [tilespmem:$0x0]  }
0x2a: {  	s3 =	rddreg [dreg:$0x3]  }
0x2b: {  	s19 =	rddreg [dreg:$0x4]  }
0x2c: {  	s22 =	rddreg [dreg:$0xd]  }
0x2d: {  	s4 =	smov.u32 s10;
	s28 =	sld [smem:$0x7F8]  }
.LBB2_8:
0x2e: {  	_ =	swait.ge [sflag:s30], $0x60  }
0x2f: {  	[sflag:s30] =	ssyncset.done $0x0  }
0x30: {  	[sflag:s30] =	ssyncadd.s32 $0xFFFFFFA0  }
0x31: {  	_ =	swait.ge [sflag:s30], $0x60  }
0x32: {  	[sflag:s30] =	ssyncset.done $0x0  }
0x33: {  	[sflag:s30] =	ssyncadd.s32 $0xFFFFFFA0  }
0x34: {  	[tilespmem:s31], [sflag:$0x8] =	stream.indirect.gather [hbm4b:s4+s15], $0x80, s5, s15, $0xb8;
	v63 =	vld [tilespmem:$0x0]  }
0x35: {  	_ =	swait.ge [sflag:s0], $0x3000  }
0x36: {  	[sflag:s0] =	ssyncset.done $0x0  }
0x37: {  	s21 =	simm.s32 $0x17000;
	[sflag:s0] =	ssyncadd.s32 $0xFFFFD000  }
0x38: {  	[spmem:s6] =	stream.indirect.scatter.add.f32 [tilespmem:s21], [sflag:$0xA], $0x80, s17, s15, $0xb8;
	v63 =	vld [tilespmem:$0x0]  }
0x39: {  	_ =	swait.ge [sflag:s7], $0x3000  }
0x3a: {  	[sflag:s7] =	ssyncset.done $0x0;
	s12 =	rddreg [dreg:$0x13]  }
0x3b: {  	s16 =	simm.s32 $0x13C00;
	s23 =	sadd.s32 s3, s12;
	[sflag:s7] =	ssyncadd.s32 $0xFFFFD000  }
0x3c: {  	[tilespmem:s16], [sflag:$0x1] =	stream.linear.gather [hbm4b:s23+s8], $0x60, $0x38;
	v63 =	vld [tilespmem:$0x0]  }
0x3d: {  	s25 =	sadd.s32 s19, s12;
	s16 =	simm.s32 $0x13E00  }
0x3e: {  	[tilespmem:s16], [sflag:$0x1] =	stream.linear.gather [hbm4b:s25+s8], $0x60, $0x38;
	v63 =	vld [tilespmem:$0x0]  }
0x3f: {  	_ =	swait.ge [sflag:s11], $0x60  }
0x40: {  	[sflag:s11] =	ssyncset.done $0x0  }
0x41: {  	[sflag:s11] =	ssyncadd.s32 $0xFFFFFFA0  }
0x42: {  	_ =	swait.ge [sflag:s11], $0x60  }
0x43: {  	[sflag:s11] =	ssyncset.done $0x0  }
0x44: {  	s17 =	simm.s32 $0x14000;
	s12 =	simm.s32 $0x13C00;
	[sflag:s11] =	ssyncadd.s32 $0xFFFFFFA0  }
0x45: {  	[tilespmem:s17], [sflag:$0x5] =	stream.indirect.gather [hbm4b:s4+s15], $0x80, s12, s15, $0xb8;
	v63 =	vld [tilespmem:$0x0]  }
0x46: {  	_ =	swait.ge [sflag:s13], $0x3000  }
0x47: {  	[sflag:s13] =	ssyncset.done $0x0  }
0x48: {  	s23 =	simm.s32 $0x13F00;
	s25 =	simm.s32 $0x1A000;
	[sflag:s13] =	ssyncadd.s32 $0xFFFFD000  }
0x49: {  	[spmem:s6] =	stream.indirect.scatter.add.f32 [tilespmem:s25], [sflag:$0xB], $0x80, s23, s15, $0xb8;
	v63 =	vld [tilespmem:$0x0]  }
0x4a: {  	_ =	swait.ge [sflag:s1], $0x3000  }
0x4b: {  	[sflag:s1] =	ssyncset.done $0x0;
	s5 =	rddreg [dreg:$0x14]  }
0x4c: {  	s21 =	simm.s32 $0x13C80;
	s3 =	sadd.s32 s3, s5;
	[sflag:s1] =	ssyncadd.s32 $0xFFFFD000  }
0x4d: {  	[tilespmem:s21], [sflag:$0x2] =	stream.linear.gather [hbm4b:s3+s8], $0x60, $0x38;
	v63 =	vld [tilespmem:$0x0]  }
0x4e: {  	s3 =	sadd.s32 s19, s5;
	s19 =	simm.s32 $0x13E80  }
0x4f: {  	[tilespmem:s19], [sflag:$0x2] =	stream.linear.gather [hbm4b:s3+s8], $0x60, $0x38;
	v63 =	vld [tilespmem:$0x0]  }
0x50: {  	_ =	swait.ge [sflag:s20], $0x60  }
0x51: {  	[sflag:s20] =	ssyncset.done $0x0  }
0x52: {  	[sflag:s20] =	ssyncadd.s32 $0xFFFFFFA0  }
0x53: {  	_ =	swait.ge [sflag:s20], $0x60  }
0x54: {  	[sflag:s20] =	ssyncset.done $0x0  }
0x55: {  	s21 =	simm.s32 $0x17000;
	s5 =	simm.s32 $0x13C80;
	[sflag:s20] =	ssyncadd.s32 $0xFFFFFFA0  }
0x56: {  	[tilespmem:s21], [sflag:$0x6] =	stream.indirect.gather [hbm4b:s4+s15], $0x80, s5, s15, $0xb8;
	v63 =	vld [tilespmem:$0x0]  }
0x57: {  	_ =	swait.ge [sflag:s2], $0x3000  }
0x58: {  	[sflag:s2] =	ssyncset.done $0x0  }
0x59: {  	[sflag:s2] =	ssyncadd.s32 $0xFFFFD000  }
0x5a: {  	[spmem:s6] =	stream.indirect.scatter.add.f32 [tilespmem:s31], [sflag:$0xC], $0x80, s29, s15, $0xb8;
	v63 =	vld [tilespmem:$0x0]  }
0x5b: {  	_ =	swait.ge [sflag:s14], $0x3000  }
0x5c: {  	[sflag:s14] =	ssyncset.done $0x0  }
0x5d: {  	[sflag:s14] =	ssyncadd.s32 $0xFFFFD000  }
0x5e: {  	_ =	swait.ge [sflag:s26], $0x3000  }
0x5f: {  	[sflag:s26] =	ssyncset.done $0x0  }
0x60: {  	[sflag:s26] =	ssyncadd.s32 $0xFFFFD000  }
0x61: {  	[spmem:s6] =	stream.indirect.scatter.add.f32 [tilespmem:s17], [sflag:$0x9], $0x80, s16, s15, $0xb8;
	v63 =	vld [tilespmem:$0x0]  }
0x62: {  	_ =	swait.ge [sflag:s0], $0x3000  }
0x63: {  	[sflag:s0] =	ssyncset.done $0x0  }
0x64: {  	s17 =	simm.s32 $0x13E80;
	[sflag:s0] =	ssyncadd.s32 $0xFFFFD000  }
0x65: {  	[spmem:s6] =	stream.indirect.scatter.add.f32 [tilespmem:s21], [sflag:$0xA], $0x80, s17, s15, $0xb8;
	v63 =	vld [tilespmem:$0x0]  }
0x66: {  	_ =	swait.ge [sflag:s18], $0x3000  }
0x67: {  	[sflag:s18] =	ssyncset.done $0x0  }
0x68: {  	[sflag:s18] =	ssyncadd.s32 $0xFFFFD000  }
0x69: {  	_ =	swait.ge [sflag:s7], $0x3000  }
0x6a: {  	[sflag:s7] =	ssyncset.done $0x0  }
0x6b: {  	[sflag:s7] =	ssyncadd.s32 $0xFFFFD000  }
0x6c: {  	_ =	swait.ge [sflag:s1], $0x3000  }
0x6d: {  	[sflag:s1] =	ssyncset.done $0x0  }
0x6e: {  	[sflag:s1] =	ssyncadd.s32 $0xFFFFD000  }
0x6f: {  	s4 =	sld [smem:$0x7FD];
	[bflag:$0x0] =	sbarrier.arrive $0xFFFF  }
0x70: {  	s16 =	sld [smem:$0x7F9];
	_ =	sdelay $0x1  }
0x71: {  	s3 =	sadd.s32 s22, s4;
	s19 =	rddreg [dreg:$0xf];
	s4 =	simm.s32 $0xD  }
0x72: {  	[hbm:s3], [sflag:s19] =	dma.local [spmem:s16], $0x2780  }
0x73: {  	_ =	swait.ge [sflag:s4], $0x2780  }
0x74: {  	s22 =	sld [smem:$0x7FC];
	_ =	sdelay $0x1  }
0x75: {  	s28 =	sadd.s32 $0x1, s28  }
0x76: {  	p1 =	sne.s32 s28, s22  }
.Ltmp1:
0x77: {  	_ = 	snop;
	(pc) =	sbr.rel @!p1 .LBB2_9-.Ltmp1, $3  }
0x78: {  	_ =	sdelay $0x1  }
0x79: {  	[sflag:s4] =	ssyncset.done $0x0  }
0x7a: {  	[sflag:s4] =	ssyncadd.s32 $0xFFFFD880;
	s22 =	simm.s32 $0x13D00  }
.LBB2_1:
0x7b: {  	[smem:$0x7F8] =	sst s28  }
0x7c: {  	s3 =	rddreg [dreg:$0xe]  }
0x7d: {  	s28 =	rddreg [dreg:$0x5];
	s16 =	sshrl.u32 s3, $0x3  }
0x7e: {  	[smem:$0x7F9] =	sst s16  }
0x7f: {  	[spmem:s16], [sflag:s19] =	dma.local [hbm:s28], $0x2780  }
.Ltmp2:
0x80: {  	_ =	swait.ge [sflag:s4], $0x2780;
	(pc) =	sbr.rel @p0 .LBB2_5-.Ltmp2, $4  }
0x81: {  	[sflag:s4] =	ssyncset.done $0x0  }
0x82: {  	[sflag:s4] =	ssyncadd.s32 $0xFFFFD880  }
0x83: {  	[bflag:$0x0] =	sbarrier.arrive $0xFFFF  }
0x84: {  	s3 =	simm.s32 $0x0  }
0x85: {  	s4 =	rddreg [dreg:$0x15]  }
0x86: {  	[tilespmem:s12], [sflag:$0x1] =	stream.linear.gather [hbm4b:s4+s3], $0x60, $0x38;
	v63 =	vld [tilespmem:$0x0]  }
0x87: {  	s5 =	rddreg [dreg:$0x16];
	s16 =	simm.s32 $0x13E00  }
0x88: {  	[tilespmem:s16], [sflag:$0x1] =	stream.linear.gather [hbm4b:s5+s3], $0x60, $0x38;
	v63 =	vld [tilespmem:$0x0]  }
0x89: {  	_ =	swait.ge [sflag:s11], $0x60  }
0x8a: {  	[sflag:s11] =	ssyncset.done $0x0  }
0x8b: {  	[sflag:s11] =	ssyncadd.s32 $0xFFFFFFA0  }
0x8c: {  	_ =	swait.ge [sflag:s11], $0x60  }
0x8d: {  	[sflag:s11] =	ssyncset.done $0x0  }
0x8e: {  	s5 =	simm.s32 $0x14000;
	[sflag:s11] =	ssyncadd.s32 $0xFFFFFFA0  }
0x8f: {  	[tilespmem:s5], [sflag:$0x5] =	stream.indirect.gather [hbm4b:s9+s15], $0x80, s12, s15, $0xb8;
	v63 =	vld [tilespmem:$0x0]  }
0x90: {  	s21 =	simm.s32 $0x13C80;
	s19 =	rddreg [dreg:$0x18]  }
0x91: {  	[tilespmem:s21], [sflag:$0x2] =	stream.linear.gather [hbm4b:s19+s3], $0x60, $0x38;
	v63 =	vld [tilespmem:$0x0]  }
0x92: {  	s19 =	rddreg [dreg:$0x19]  }
0x93: {  	[tilespmem:s17], [sflag:$0x2] =	stream.linear.gather [hbm4b:s19+s3], $0x60, $0x38;
	v63 =	vld [tilespmem:$0x0]  }
0x94: {  	_ =	swait.ge [sflag:s20], $0x60  }
0x95: {  	[sflag:s20] =	ssyncset.done $0x0  }
0x96: {  	[sflag:s20] =	ssyncadd.s32 $0xFFFFFFA0  }
0x97: {  	_ =	swait.ge [sflag:s20], $0x60  }
0x98: {  	[sflag:s20] =	ssyncset.done $0x0  }
0x99: {  	s22 =	simm.s32 $0x17000;
	[sflag:s20] =	ssyncadd.s32 $0xFFFFFFA0  }
0x9a: {  	[tilespmem:s22], [sflag:$0x6] =	stream.indirect.gather [hbm4b:s9+s15], $0x80, s21, s15, $0xb8;
	v63 =	vld [tilespmem:$0x0]  }
0x9b: {  	s23 =	simm.s32 $0x13D00;
	s19 =	rddreg [dreg:$0x1c]  }
0x9c: {  	[tilespmem:s23], [sflag:$0x3] =	stream.linear.gather [hbm4b:s19+s3], $0x60, $0x38;
	v63 =	vld [tilespmem:$0x0]  }
0x9d: {  	s25 =	simm.s32 $0x13F00;
	s19 =	rddreg [dreg:$0x1d]  }
0x9e: {  	[tilespmem:s25], [sflag:$0x3] =	stream.linear.gather [hbm4b:s19+s3], $0x60, $0x38;
	v63 =	vld [tilespmem:$0x0]  }
0x9f: {  	_ =	swait.ge [sflag:s24], $0x60  }
0xa0: {  	[sflag:s24] =	ssyncset.done $0x0  }
0xa1: {  	[sflag:s24] =	ssyncadd.s32 $0xFFFFFFA0  }
0xa2: {  	_ =	swait.ge [sflag:s24], $0x60  }
0xa3: {  	[sflag:s24] =	ssyncset.done $0x0  }
0xa4: {  	s28 =	simm.s32 $0x1A000;
	[sflag:s24] =	ssyncadd.s32 $0xFFFFFFA0  }
0xa5: {  	[tilespmem:s28], [sflag:$0x7] =	stream.indirect.gather [hbm4b:s9+s15], $0x80, s23, s15, $0xb8;
	v63 =	vld [tilespmem:$0x0]  }
0xa6: {  	_ =	swait.ge [sflag:s26], $0x3000  }
0xa7: {  	[sflag:s26] =	ssyncset.done $0x0  }
0xa8: {  	s4 =	sld [smem:$0x7FA];
	[sflag:s26] =	ssyncadd.s32 $0xFFFFD000  }
0xa9: {  	[spmem:s6] =	stream.indirect.scatter.add.f32 [tilespmem:s5], [sflag:$0x9], $0x80, s16, s15, $0xb8;
	v63 =	vld [tilespmem:$0x0]  }
0xaa: {  	s19 =	simm.s32 $0x13D80  }
0xab: {  	[tilespmem:s19], [sflag:$0x4] =	stream.linear.gather [hbm4b:s4+s3], $0x60, $0x38;
	v63 =	vld [tilespmem:$0x0]  }
0xac: {  	s4 =	sld [smem:$0x7FB];
	_ =	sdelay $0x2  }
0xad: {  	[tilespmem:s29], [sflag:$0x4] =	stream.linear.gather [hbm4b:s4+s3], $0x60, $0x38;
	v63 =	vld [tilespmem:$0x0]  }
0xae: {  	_ =	swait.ge [sflag:s30], $0x60  }
0xaf: {  	[sflag:s30] =	ssyncset.done $0x0  }
0xb0: {  	[sflag:s30] =	ssyncadd.s32 $0xFFFFFFA0  }
0xb1: {  	_ =	swait.ge [sflag:s30], $0x60  }
0xb2: {  	[sflag:s30] =	ssyncset.done $0x0  }
0xb3: {  	[sflag:s30] =	ssyncadd.s32 $0xFFFFFFA0  }
0xb4: {  	[tilespmem:s31], [sflag:$0x8] =	stream.indirect.gather [hbm4b:s9+s15], $0x80, s19, s15, $0xb8;
	v63 =	vld [tilespmem:$0x0]  }
0xb5: {  	_ =	swait.ge [sflag:s0], $0x3000  }
0xb6: {  	[sflag:s0] =	ssyncset.done $0x0  }
0xb7: {  	[sflag:s0] =	ssyncadd.s32 $0xFFFFD000  }
0xb8: {  	[spmem:s6] =	stream.indirect.scatter.add.f32 [tilespmem:s22], [sflag:$0xA], $0x80, s17, s15, $0xb8;
	v63 =	vld [tilespmem:$0x0]  }
0xb9: {  	_ =	swait.ge [sflag:s7], $0x3000  }
0xba: {  	s19 =	rddreg [dreg:$0xb]  }
0xbb: {  	s4 =	rddreg [dreg:$0xa];
	[sflag:s7] =	ssyncset.done $0x0;
	s3 =	sadd.s32 $0x0, s19  }
0xbc: {  	[sflag:s7] =	ssyncadd.s32 $0xFFFFD000;
	s4 =	sadd.s32 $0x0, s4;
	s19 =	sadd.s32 $0x30, s3  }
0xbd: {  	[tilespmem:s12], [sflag:$0x1] =	stream.linear.gather [hbm4b:s19+s8], $0x60, $0x38;
	v63 =	vld [tilespmem:$0x0]  }
0xbe: {  	s19 =	sadd.s32 $0x30, s4  }
0xbf: {  	[tilespmem:s16], [sflag:$0x1] =	stream.linear.gather [hbm4b:s19+s8], $0x60, $0x38;
	v63 =	vld [tilespmem:$0x0]  }
0xc0: {  	_ =	swait.ge [sflag:s11], $0x60  }
0xc1: {  	[sflag:s11] =	ssyncset.done $0x0  }
0xc2: {  	[sflag:s11] =	ssyncadd.s32 $0xFFFFFFA0  }
0xc3: {  	_ =	swait.ge [sflag:s11], $0x60  }
0xc4: {  	[sflag:s11] =	ssyncset.done $0x0  }
0xc5: {  	[sflag:s11] =	ssyncadd.s32 $0xFFFFFFA0  }
0xc6: {  	[tilespmem:s5], [sflag:$0x5] =	stream.indirect.gather [hbm4b:s9+s15], $0x80, s12, s15, $0xb8;
	v63 =	vld [tilespmem:$0x0]  }
0xc7: {  	_ =	swait.ge [sflag:s13], $0x3000  }
0xc8: {  	[sflag:s13] =	ssyncset.done $0x0  }
0xc9: {  	[sflag:s13] =	ssyncadd.s32 $0xFFFFD000  }
0xca: {  	[spmem:s6] =	stream.indirect.scatter.add.f32 [tilespmem:s28], [sflag:$0xB], $0x80, s25, s15, $0xb8;
	v63 =	vld [tilespmem:$0x0]  }
0xcb: {  	_ =	swait.ge [sflag:s1], $0x3000  }
0xcc: {  	[sflag:s1] =	ssyncset.done $0x0  }
0xcd: {  	s12 =	sadd.s32 $0x3C, s3;
	[sflag:s1] =	ssyncadd.s32 $0xFFFFD000  }
0xce: {  	[tilespmem:s21], [sflag:$0x2] =	stream.linear.gather [hbm4b:s12+s8], $0x60, $0x38;
	v63 =	vld [tilespmem:$0x0]  }
0xcf: {  	s12 =	sadd.s32 $0x3C, s4  }
0xd0: {  	[tilespmem:s17], [sflag:$0x2] =	stream.linear.gather [hbm4b:s12+s8], $0x60, $0x38;
	v63 =	vld [tilespmem:$0x0]  }
0xd1: {  	_ =	swait.ge [sflag:s20], $0x60  }
0xd2: {  	[sflag:s20] =	ssyncset.done $0x0  }
0xd3: {  	[sflag:s20] =	ssyncadd.s32 $0xFFFFFFA0  }
0xd4: {  	_ =	swait.ge [sflag:s20], $0x60  }
0xd5: {  	[sflag:s20] =	ssyncset.done $0x0  }
0xd6: {  	[sflag:s20] =	ssyncadd.s32 $0xFFFFFFA0  }
0xd7: {  	[tilespmem:s22], [sflag:$0x6] =	stream.indirect.gather [hbm4b:s9+s15], $0x80, s21, s15, $0xb8;
	v63 =	vld [tilespmem:$0x0]  }
0xd8: {  	_ =	swait.ge [sflag:s2], $0x3000  }
0xd9: {  	[sflag:s2] =	ssyncset.done $0x0  }
0xda: {  	[sflag:s2] =	ssyncadd.s32 $0xFFFFD000  }
0xdb: {  	[spmem:s6] =	stream.indirect.scatter.add.f32 [tilespmem:s31], [sflag:$0xC], $0x80, s29, s15, $0xb8;
	v63 =	vld [tilespmem:$0x0]  }
0xdc: {  	_ =	swait.ge [sflag:s14], $0x3000  }
0xdd: {  	[sflag:s14] =	ssyncset.done $0x0  }
0xde: {  	s12 =	sadd.s32 $0x48, s3;
	[sflag:s14] =	ssyncadd.s32 $0xFFFFD000  }
0xdf: {  	[tilespmem:s23], [sflag:$0x3] =	stream.linear.gather [hbm4b:s12+s8], $0x60, $0x38;
	v63 =	vld [tilespmem:$0x0]  }
0xe0: {  	s12 =	sadd.s32 $0x48, s4  }
0xe1: {  	[tilespmem:s25], [sflag:$0x3] =	stream.linear.gather [hbm4b:s12+s8], $0x60, $0x38;
	v63 =	vld [tilespmem:$0x0]  }
0xe2: {  	_ =	swait.ge [sflag:s24], $0x60  }
0xe3: {  	[sflag:s24] =	ssyncset.done $0x0  }
0xe4: {  	[sflag:s24] =	ssyncadd.s32 $0xFFFFFFA0  }
0xe5: {  	_ =	swait.ge [sflag:s24], $0x60  }
0xe6: {  	[sflag:s24] =	ssyncset.done $0x0  }
0xe7: {  	[sflag:s24] =	ssyncadd.s32 $0xFFFFFFA0  }
0xe8: {  	[tilespmem:s28], [sflag:$0x7] =	stream.indirect.gather [hbm4b:s9+s15], $0x80, s23, s15, $0xb8;
	v63 =	vld [tilespmem:$0x0]  }
0xe9: {  	_ =	swait.ge [sflag:s26], $0x3000  }
0xea: {  	[sflag:s26] =	ssyncset.done $0x0  }
0xeb: {  	s5 =	simm.s32 $0x14000;
	[sflag:s26] =	ssyncadd.s32 $0xFFFFD000  }
0xec: {  	[spmem:s6] =	stream.indirect.scatter.add.f32 [tilespmem:s5], [sflag:$0x9], $0x80, s16, s15, $0xb8;
	v63 =	vld [tilespmem:$0x0]  }
0xed: {  	_ =	swait.ge [sflag:s18], $0x3000  }
0xee: {  	[sflag:s18] =	ssyncset.done $0x0  }
0xef: {  	s3 =	sadd.s32 $0x54, s3;
	s5 =	simm.s32 $0x13D80;
	[sflag:s18] =	ssyncadd.s32 $0xFFFFD000  }
0xf0: {  	[tilespmem:s5], [sflag:$0x4] =	stream.linear.gather [hbm4b:s3+s8], $0x60, $0x38;
	v63 =	vld [tilespmem:$0x0]  }
0xf1: {  	s4 =	sadd.s32 $0x54, s4;
	s3 =	simm.s32 $0x30  }
.LBB2_3:
0xf2: {  	[tilespmem:s29], [sflag:$0x4] =	stream.linear.gather [hbm4b:s4+s8], $0x60, $0x38;
	v63 =	vld [tilespmem:$0x0]  }
0xf3: {  	_ =	swait.ge [sflag:s30], $0x60  }
0xf4: {  	[sflag:s30] =	ssyncset.done $0x0  }
0xf5: {  	[sflag:s30] =	ssyncadd.s32 $0xFFFFFFA0  }
0xf6: {  	_ =	swait.ge [sflag:s30], $0x60  }
0xf7: {  	[sflag:s30] =	ssyncset.done $0x0  }
0xf8: {  	[sflag:s30] =	ssyncadd.s32 $0xFFFFFFA0  }
0xf9: {  	[tilespmem:s31], [sflag:$0x8] =	stream.indirect.gather [hbm4b:s9+s15], $0x80, s5, s15, $0xb8;
	v63 =	vld [tilespmem:$0x0]  }
0xfa: {  	_ =	swait.ge [sflag:s0], $0x3000  }
0xfb: {  	[sflag:s0] =	ssyncset.done $0x0  }
0xfc: {  	[sflag:s0] =	ssyncadd.s32 $0xFFFFD000  }
0xfd: {  	[spmem:s6] =	stream.indirect.scatter.add.f32 [tilespmem:s22], [sflag:$0xA], $0x80, s17, s15, $0xb8;
	v63 =	vld [tilespmem:$0x0]  }
0xfe: {  	_ =	swait.ge [sflag:s7], $0x3000  }
0xff: {  	s19 =	smov.u32 s3;
	s16 =	simm.s32 $0x13C00;
	s17 =	rddreg [dreg:$0xb]  }
0x100: {  	s5 =	rddreg [dreg:$0xa];
	[sflag:s7] =	ssyncset.done $0x0;
	s4 =	sadd.s32 s19, s17  }
0x101: {  	[sflag:s7] =	ssyncadd.s32 $0xFFFFD000;
	s19 =	sadd.s32 s19, s5;
	s12 =	sadd.s32 $0x30, s4  }
0x102: {  	[tilespmem:s16], [sflag:$0x1] =	stream.linear.gather [hbm4b:s12+s8], $0x60, $0x38;
	v63 =	vld [tilespmem:$0x0]  }
0x103: {  	s5 =	sadd.s32 $0x30, s19;
	s16 =	simm.s32 $0x13E00  }
0x104: {  	[tilespmem:s16], [sflag:$0x1] =	stream.linear.gather [hbm4b:s5+s8], $0x60, $0x38;
	v63 =	vld [tilespmem:$0x0]  }
0x105: {  	_ =	swait.ge [sflag:s11], $0x60  }
0x106: {  	[sflag:s11] =	ssyncset.done $0x0  }
0x107: {  	[sflag:s11] =	ssyncadd.s32 $0xFFFFFFA0  }
0x108: {  	_ =	swait.ge [sflag:s11], $0x60  }
0x109: {  	[sflag:s11] =	ssyncset.done $0x0  }
0x10a: {  	s17 =	simm.s32 $0x14000;
	s12 =	simm.s32 $0x13C00;
	[sflag:s11] =	ssyncadd.s32 $0xFFFFFFA0  }
0x10b: {  	[tilespmem:s17], [sflag:$0x5] =	stream.indirect.gather [hbm4b:s9+s15], $0x80, s12, s15, $0xb8;
	v63 =	vld [tilespmem:$0x0]  }
0x10c: {  	_ =	swait.ge [sflag:s13], $0x3000  }
0x10d: {  	[sflag:s13] =	ssyncset.done $0x0  }
0x10e: {  	[sflag:s13] =	ssyncadd.s32 $0xFFFFD000  }
0x10f: {  	[spmem:s6] =	stream.indirect.scatter.add.f32 [tilespmem:s28], [sflag:$0xB], $0x80, s25, s15, $0xb8;
	v63 =	vld [tilespmem:$0x0]  }
0x110: {  	_ =	swait.ge [sflag:s1], $0x3000  }
0x111: {  	[sflag:s1] =	ssyncset.done $0x0  }
0x112: {  	s5 =	sadd.s32 $0x3C, s4;
	[sflag:s1] =	ssyncadd.s32 $0xFFFFD000  }
0x113: {  	[tilespmem:s21], [sflag:$0x2] =	stream.linear.gather [hbm4b:s5+s8], $0x60, $0x38;
	v63 =	vld [tilespmem:$0x0]  }
0x114: {  	s17 =	simm.s32 $0x13E80;
	s5 =	sadd.s32 $0x3C, s19  }
0x115: {  	[tilespmem:s17], [sflag:$0x2] =	stream.linear.gather [hbm4b:s5+s8], $0x60, $0x38;
	v63 =	vld [tilespmem:$0x0]  }
0x116: {  	_ =	swait.ge [sflag:s20], $0x60  }
0x117: {  	[sflag:s20] =	ssyncset.done $0x0  }
0x118: {  	[sflag:s20] =	ssyncadd.s32 $0xFFFFFFA0  }
0x119: {  	_ =	swait.ge [sflag:s20], $0x60  }
0x11a: {  	[sflag:s20] =	ssyncset.done $0x0  }
0x11b: {  	[sflag:s20] =	ssyncadd.s32 $0xFFFFFFA0  }
0x11c: {  	[tilespmem:s22], [sflag:$0x6] =	stream.indirect.gather [hbm4b:s9+s15], $0x80, s21, s15, $0xb8;
	v63 =	vld [tilespmem:$0x0]  }
0x11d: {  	_ =	swait.ge [sflag:s2], $0x3000  }
0x11e: {  	[sflag:s2] =	ssyncset.done $0x0  }
0x11f: {  	[sflag:s2] =	ssyncadd.s32 $0xFFFFD000  }
0x120: {  	[spmem:s6] =	stream.indirect.scatter.add.f32 [tilespmem:s31], [sflag:$0xC], $0x80, s29, s15, $0xb8;
	v63 =	vld [tilespmem:$0x0]  }
0x121: {  	_ =	swait.ge [sflag:s14], $0x3000  }
0x122: {  	[sflag:s14] =	ssyncset.done $0x0  }
0x123: {  	s5 =	sadd.s32 $0x48, s4;
	[sflag:s14] =	ssyncadd.s32 $0xFFFFD000  }
0x124: {  	[tilespmem:s23], [sflag:$0x3] =	stream.linear.gather [hbm4b:s5+s8], $0x60, $0x38;
	v63 =	vld [tilespmem:$0x0]  }
0x125: {  	s5 =	sadd.s32 $0x48, s19  }
0x126: {  	[tilespmem:s25], [sflag:$0x3] =	stream.linear.gather [hbm4b:s5+s8], $0x60, $0x38;
	v63 =	vld [tilespmem:$0x0]  }
0x127: {  	_ =	swait.ge [sflag:s24], $0x60  }
0x128: {  	[sflag:s24] =	ssyncset.done $0x0  }
0x129: {  	[sflag:s24] =	ssyncadd.s32 $0xFFFFFFA0  }
0x12a: {  	_ =	swait.ge [sflag:s24], $0x60  }
0x12b: {  	[sflag:s24] =	ssyncset.done $0x0  }
0x12c: {  	[sflag:s24] =	ssyncadd.s32 $0xFFFFFFA0  }
0x12d: {  	[tilespmem:s28], [sflag:$0x7] =	stream.indirect.gather [hbm4b:s9+s15], $0x80, s23, s15, $0xb8;
	v63 =	vld [tilespmem:$0x0]  }
0x12e: {  	_ =	swait.ge [sflag:s26], $0x3000  }
0x12f: {  	[sflag:s26] =	ssyncset.done $0x0  }
0x130: {  	p1 =	seq.s32 s3, $0x960;
	s12 =	simm.s32 $0x14000;
	[sflag:s26] =	ssyncadd.s32 $0xFFFFD000  }
0x131: {  	[spmem:s6] =	stream.indirect.scatter.add.f32 [tilespmem:s12], [sflag:$0x9], $0x80, s16, s15, $0xb8;
	v63 =	vld [tilespmem:$0x0]  }
.Ltmp3:
0x132: {  	_ =	swait.ge [sflag:s18], $0x3000;
	(pc) =	sbr.rel @!p1 .LBB2_3-.Ltmp3, $4  }
0x133: {  	[sflag:s18] =	ssyncset.done $0x0  }
0x134: {  	s4 =	sadd.s32 $0x54, s4;
	s5 =	simm.s32 $0x13D80;
	[sflag:s18] =	ssyncadd.s32 $0xFFFFD000  }
0x135: {  	[tilespmem:s5], [sflag:$0x4] =	stream.linear.gather [hbm4b:s4+s8], $0x60, $0x38;
	v63 =	vld [tilespmem:$0x0]  }
0x136: {  	s3 =	sadd.s32 $0x30, s3;
	s4 =	sadd.s32 $0x54, s19  }
0x137: {  	[tilespmem:s29], [sflag:$0x4] =	stream.linear.gather [hbm4b:s4+s8], $0x60, $0x38;
	v63 =	vld [tilespmem:$0x0]  }
.Ltmp4:
0x138: {  	_ = 	snop;
	(pc) =	sbr.rel .LBB2_8-.Ltmp4, $4  }
0x139: {  	s3 =	rddreg [dreg:$0x1]  }
0x13a: {  	s19 =	rddreg [dreg:$0x2]  }
0x13b: {  	s22 =	rddreg [dreg:$0xc]  }
0x13c: {  	s4 =	smov.u32 s9;
	s28 =	sld [smem:$0x7F8]  }
.LBB2_5:
0x13d: {  	s4 =	rddreg [dreg:$0x10]  }
0x13e: {  	[tilespmem:s12], [sflag:$0x1] =	stream.linear.gather [hbm4b:s4+s3], $0x60, $0x38;
	v63 =	vld [tilespmem:$0x0]  }
0x13f: {  	s19 =	rddreg [dreg:$0x11];
	s16 =	simm.s32 $0x13E00  }
0x140: {  	[tilespmem:s16], [sflag:$0x1] =	stream.linear.gather [hbm4b:s19+s3], $0x60, $0x38;
	v63 =	vld [tilespmem:$0x0]  }
0x141: {  	_ =	swait.ge [sflag:s11], $0x60  }
0x142: {  	[sflag:s11] =	ssyncset.done $0x0  }
0x143: {  	[sflag:s11] =	ssyncadd.s32 $0xFFFFFFA0  }
0x144: {  	_ =	swait.ge [sflag:s11], $0x60  }
0x145: {  	[sflag:s11] =	ssyncset.done $0x0  }
0x146: {  	s17 =	simm.s32 $0x14000;
	[sflag:s11] =	ssyncadd.s32 $0xFFFFFFA0  }
0x147: {  	[tilespmem:s17], [sflag:$0x5] =	stream.indirect.gather [hbm4b:s10+s15], $0x80, s12, s15, $0xb8;
	v63 =	vld [tilespmem:$0x0]  }
0x148: {  	s4 =	rddreg [dreg:$0x12]  }
0x149: {  	[tilespmem:s5], [sflag:$0x2] =	stream.linear.gather [hbm4b:s4+s3], $0x60, $0x38;
	v63 =	vld [tilespmem:$0x0]  }
0x14a: {  	s19 =	simm.s32 $0x13E80;
	s4 =	rddreg [dreg:$0x17]  }
0x14b: {  	[tilespmem:s19], [sflag:$0x2] =	stream.linear.gather [hbm4b:s4+s3], $0x60, $0x38;
	v63 =	vld [tilespmem:$0x0]  }
0x14c: {  	_ =	swait.ge [sflag:s20], $0x60  }
0x14d: {  	[sflag:s20] =	ssyncset.done $0x0  }
0x14e: {  	[sflag:s20] =	ssyncadd.s32 $0xFFFFFFA0  }
0x14f: {  	_ =	swait.ge [sflag:s20], $0x60  }
0x150: {  	[sflag:s20] =	ssyncset.done $0x0  }
0x151: {  	[sflag:s20] =	ssyncadd.s32 $0xFFFFFFA0  }
0x152: {  	[tilespmem:s21], [sflag:$0x6] =	stream.indirect.gather [hbm4b:s10+s15], $0x80, s5, s15, $0xb8;
	v63 =	vld [tilespmem:$0x0]  }
0x153: {  	s5 =	rddreg [dreg:$0x1a]  }
0x154: {  	[tilespmem:s22], [sflag:$0x3] =	stream.linear.gather [hbm4b:s5+s3], $0x60, $0x38;
	v63 =	vld [tilespmem:$0x0]  }
0x155: {  	s5 =	rddreg [dreg:$0x1b]  }
0x156: {  	[tilespmem:s23], [sflag:$0x3] =	stream.linear.gather [hbm4b:s5+s3], $0x60, $0x38;
	v63 =	vld [tilespmem:$0x0]  }
0x157: {  	_ =	swait.ge [sflag:s24], $0x60  }
0x158: {  	[sflag:s24] =	ssyncset.done $0x0  }
0x159: {  	[sflag:s24] =	ssyncadd.s32 $0xFFFFFFA0  }
0x15a: {  	_ =	swait.ge [sflag:s24], $0x60  }
0x15b: {  	[sflag:s24] =	ssyncset.done $0x0  }
0x15c: {  	[sflag:s24] =	ssyncadd.s32 $0xFFFFFFA0  }
0x15d: {  	[tilespmem:s25], [sflag:$0x7] =	stream.indirect.gather [hbm4b:s10+s15], $0x80, s22, s15, $0xb8;
	v63 =	vld [tilespmem:$0x0]  }
0x15e: {  	_ =	swait.ge [sflag:s26], $0x3000  }
0x15f: {  	[sflag:s26] =	ssyncset.done $0x0  }
0x160: {  	[sflag:s26] =	ssyncadd.s32 $0xFFFFD000  }
0x161: {  	[spmem:s6] =	stream.indirect.scatter.add.f32 [tilespmem:s17], [sflag:$0x9], $0x80, s16, s15, $0xb8;
	v63 =	vld [tilespmem:$0x0]  }
0x162: {  	s23 =	simm.s32 $0x13D80;
	s22 =	rddreg [dreg:$0x1e]  }
0x163: {  	[tilespmem:s23], [sflag:$0x4] =	stream.linear.gather [hbm4b:s22+s3], $0x60, $0x38;
	v63 =	vld [tilespmem:$0x0]  }
0x164: {  	s25 =	rddreg [dreg:$0x1f]  }
0x165: {  	[tilespmem:s29], [sflag:$0x4] =	stream.linear.gather [hbm4b:s25+s3], $0x60, $0x38;
	v63 =	vld [tilespmem:$0x0]  }
0x166: {  	_ =	swait.ge [sflag:s30], $0x60  }
0x167: {  	[sflag:s30] =	ssyncset.done $0x0  }
0x168: {  	[sflag:s30] =	ssyncadd.s32 $0xFFFFFFA0  }
0x169: {  	_ =	swait.ge [sflag:s30], $0x60  }
0x16a: {  	[sflag:s30] =	ssyncset.done $0x0  }
0x16b: {  	[sflag:s30] =	ssyncadd.s32 $0xFFFFFFA0  }
0x16c: {  	[tilespmem:s31], [sflag:$0x8] =	stream.indirect.gather [hbm4b:s10+s15], $0x80, s23, s15, $0xb8;
	v63 =	vld [tilespmem:$0x0]  }
0x16d: {  	_ =	swait.ge [sflag:s0], $0x3000  }
0x16e: {  	[sflag:s0] =	ssyncset.done $0x0  }
0x16f: {  	[sflag:s0] =	ssyncadd.s32 $0xFFFFD000  }
0x170: {  	[spmem:s6] =	stream.indirect.scatter.add.f32 [tilespmem:s21], [sflag:$0xA], $0x80, s19, s15, $0xb8;
	v63 =	vld [tilespmem:$0x0]  }
0x171: {  	_ =	swait.ge [sflag:s7], $0x3000  }
0x172: {  	s4 =	rddreg [dreg:$0x9]  }
0x173: {  	s5 =	rddreg [dreg:$0x8];
	[sflag:s7] =	ssyncset.done $0x0;
	s3 =	sadd.s32 $0x0, s4  }
0x174: {  	[sflag:s7] =	ssyncadd.s32 $0xFFFFD000;
	s4 =	sadd.s32 $0x0, s5;
	s25 =	sadd.s32 $0x30, s3  }
0x175: {  	[tilespmem:s12], [sflag:$0x1] =	stream.linear.gather [hbm4b:s25+s8], $0x60, $0x38;
	v63 =	vld [tilespmem:$0x0]  }
0x176: {  	s25 =	sadd.s32 $0x30, s4  }
0x177: {  	[tilespmem:s16], [sflag:$0x1] =	stream.linear.gather [hbm4b:s25+s8], $0x60, $0x38;
	v63 =	vld [tilespmem:$0x0]  }
0x178: {  	_ =	swait.ge [sflag:s11], $0x60  }
0x179: {  	[sflag:s11] =	ssyncset.done $0x0  }
0x17a: {  	[sflag:s11] =	ssyncadd.s32 $0xFFFFFFA0  }
0x17b: {  	_ =	swait.ge [sflag:s11], $0x60  }
0x17c: {  	[sflag:s11] =	ssyncset.done $0x0  }
0x17d: {  	[sflag:s11] =	ssyncadd.s32 $0xFFFFFFA0  }
0x17e: {  	[tilespmem:s17], [sflag:$0x5] =	stream.indirect.gather [hbm4b:s10+s15], $0x80, s12, s15, $0xb8;
	v63 =	vld [tilespmem:$0x0]  }
0x17f: {  	_ =	swait.ge [sflag:s13], $0x3000  }
0x180: {  	[sflag:s13] =	ssyncset.done $0x0  }
0x181: {  	s28 =	simm.s32 $0x1A000;
	s22 =	simm.s32 $0x13F00;
	[sflag:s13] =	ssyncadd.s32 $0xFFFFD000  }
0x182: {  	[spmem:s6] =	stream.indirect.scatter.add.f32 [tilespmem:s28], [sflag:$0xB], $0x80, s22, s15, $0xb8;
	v63 =	vld [tilespmem:$0x0]  }
0x183: {  	_ =	swait.ge [sflag:s1], $0x3000  }
0x184: {  	[sflag:s1] =	ssyncset.done $0x0  }
0x185: {  	s21 =	simm.s32 $0x13C80;
	s25 =	sadd.s32 $0x3C, s3;
	[sflag:s1] =	ssyncadd.s32 $0xFFFFD000  }
0x186: {  	[tilespmem:s21], [sflag:$0x2] =	stream.linear.gather [hbm4b:s25+s8], $0x60, $0x38;
	v63 =	vld [tilespmem:$0x0]  }
0x187: {  	s17 =	simm.s32 $0x13E80;
	s25 =	sadd.s32 $0x3C, s4  }
0x188: {  	[tilespmem:s17], [sflag:$0x2] =	stream.linear.gather [hbm4b:s25+s8], $0x60, $0x38;
	v63 =	vld [tilespmem:$0x0]  }
0x189: {  	_ =	swait.ge [sflag:s20], $0x60  }
0x18a: {  	[sflag:s20] =	ssyncset.done $0x0  }
0x18b: {  	[sflag:s20] =	ssyncadd.s32 $0xFFFFFFA0  }
0x18c: {  	_ =	swait.ge [sflag:s20], $0x60  }
0x18d: {  	[sflag:s20] =	ssyncset.done $0x0  }
0x18e: {  	s19 =	simm.s32 $0x17000;
	[sflag:s20] =	ssyncadd.s32 $0xFFFFFFA0  }
0x18f: {  	[tilespmem:s19], [sflag:$0x6] =	stream.indirect.gather [hbm4b:s10+s15], $0x80, s21, s15, $0xb8;
	v63 =	vld [tilespmem:$0x0]  }
0x190: {  	_ =	swait.ge [sflag:s2], $0x3000  }
0x191: {  	[sflag:s2] =	ssyncset.done $0x0  }
0x192: {  	[sflag:s2] =	ssyncadd.s32 $0xFFFFD000  }
0x193: {  	[spmem:s6] =	stream.indirect.scatter.add.f32 [tilespmem:s31], [sflag:$0xC], $0x80, s29, s15, $0xb8;
	v63 =	vld [tilespmem:$0x0]  }
0x194: {  	_ =	swait.ge [sflag:s14], $0x3000  }
0x195: {  	[sflag:s14] =	ssyncset.done $0x0  }
0x196: {  	s23 =	simm.s32 $0x13D00;
	s19 =	sadd.s32 $0x48, s3;
	[sflag:s14] =	ssyncadd.s32 $0xFFFFD000  }
0x197: {  	[tilespmem:s23], [sflag:$0x3] =	stream.linear.gather [hbm4b:s19+s8], $0x60, $0x38;
	v63 =	vld [tilespmem:$0x0]  }
0x198: {  	s25 =	sadd.s32 $0x48, s4  }
0x199: {  	[tilespmem:s22], [sflag:$0x3] =	stream.linear.gather [hbm4b:s25+s8], $0x60, $0x38;
	v63 =	vld [tilespmem:$0x0]  }
0x19a: {  	_ =	swait.ge [sflag:s24], $0x60  }
0x19b: {  	[sflag:s24] =	ssyncset.done $0x0  }
0x19c: {  	[sflag:s24] =	ssyncadd.s32 $0xFFFFFFA0  }
0x19d: {  	_ =	swait.ge [sflag:s24], $0x60  }
0x19e: {  	[sflag:s24] =	ssyncset.done $0x0  }
0x19f: {  	[sflag:s24] =	ssyncadd.s32 $0xFFFFFFA0  }
0x1a0: {  	[tilespmem:s28], [sflag:$0x7] =	stream.indirect.gather [hbm4b:s10+s15], $0x80, s23, s15, $0xb8;
	v63 =	vld [tilespmem:$0x0]  }
0x1a1: {  	_ =	swait.ge [sflag:s26], $0x3000  }
0x1a2: {  	[sflag:s26] =	ssyncset.done $0x0  }
0x1a3: {  	s12 =	simm.s32 $0x14000;
	[sflag:s26] =	ssyncadd.s32 $0xFFFFD000  }
0x1a4: {  	[spmem:s6] =	stream.indirect.scatter.add.f32 [tilespmem:s12], [sflag:$0x9], $0x80, s16, s15, $0xb8;
	v63 =	vld [tilespmem:$0x0]  }
0x1a5: {  	_ =	swait.ge [sflag:s18], $0x3000  }
0x1a6: {  	[sflag:s18] =	ssyncset.done $0x0  }
0x1a7: {  	s5 =	simm.s32 $0x13D80;
	s3 =	sadd.s32 $0x54, s3;
	[sflag:s18] =	ssyncadd.s32 $0xFFFFD000  }
0x1a8: {  	[tilespmem:s5], [sflag:$0x4] =	stream.linear.gather [hbm4b:s3+s8], $0x60, $0x38;
	v63 =	vld [tilespmem:$0x0]  }
0x1a9: {  	s4 =	sadd.s32 $0x54, s4;
	s3 =	simm.s32 $0x30  }
.LBB2_6:
0x1aa: {  	[tilespmem:s29], [sflag:$0x4] =	stream.linear.gather [hbm4b:s4+s8], $0x60, $0x38;
	v63 =	vld [tilespmem:$0x0]  }
0x1ab: {  	_ =	swait.ge [sflag:s30], $0x60  }
0x1ac: {  	[sflag:s30] =	ssyncset.done $0x0  }
0x1ad: {  	[sflag:s30] =	ssyncadd.s32 $0xFFFFFFA0  }
0x1ae: {  	_ =	swait.ge [sflag:s30], $0x60  }
0x1af: {  	[sflag:s30] =	ssyncset.done $0x0  }
0x1b0: {  	[sflag:s30] =	ssyncadd.s32 $0xFFFFFFA0  }
0x1b1: {  	[tilespmem:s31], [sflag:$0x8] =	stream.indirect.gather [hbm4b:s10+s15], $0x80, s5, s15, $0xb8;
	v63 =	vld [tilespmem:$0x0]  }
0x1b2: {  	_ =	swait.ge [sflag:s0], $0x3000  }
0x1b3: {  	[sflag:s0] =	ssyncset.done $0x0  }
0x1b4: {  	s25 =	simm.s32 $0x17000;
	[sflag:s0] =	ssyncadd.s32 $0xFFFFD000  }
0x1b5: {  	[spmem:s6] =	stream.indirect.scatter.add.f32 [tilespmem:s25], [sflag:$0xA], $0x80, s17, s15, $0xb8;
	v63 =	vld [tilespmem:$0x0]  }
0x1b6: {  	_ =	swait.ge [sflag:s7], $0x3000  }
0x1b7: {  	s4 =	smov.u32 s3;
	s19 =	rddreg [dreg:$0x9];
	[sflag:s7] =	ssyncset.done $0x0  }
0x1b8: {  	s12 =	rddreg [dreg:$0x8];
	s19 =	sadd.s32 s4, s19;
	[sflag:s7] =	ssyncadd.s32 $0xFFFFD000  }
0x1b9: {  	s4 =	sadd.s32 s4, s12;
	s12 =	simm.s32 $0x13C00;
	s5 =	sadd.s32 $0x30, s19  }
0x1ba: {  	[tilespmem:s12], [sflag:$0x1] =	stream.linear.gather [hbm4b:s5+s8], $0x60, $0x38;
	v63 =	vld [tilespmem:$0x0]  }
0x1bb: {  	s22 =	simm.s32 $0x13E00;
	s5 =	sadd.s32 $0x30, s4  }
0x1bc: {  	[tilespmem:s22], [sflag:$0x1] =	stream.linear.gather [hbm4b:s5+s8], $0x60, $0x38;
	v63 =	vld [tilespmem:$0x0]  }
0x1bd: {  	_ =	swait.ge [sflag:s11], $0x60  }
0x1be: {  	[sflag:s11] =	ssyncset.done $0x0  }
0x1bf: {  	[sflag:s11] =	ssyncadd.s32 $0xFFFFFFA0  }
0x1c0: {  	_ =	swait.ge [sflag:s11], $0x60  }
0x1c1: {  	[sflag:s11] =	ssyncset.done $0x0  }
0x1c2: {  	s17 =	simm.s32 $0x14000;
	[sflag:s11] =	ssyncadd.s32 $0xFFFFFFA0  }
0x1c3: {  	[tilespmem:s17], [sflag:$0x5] =	stream.indirect.gather [hbm4b:s10+s15], $0x80, s12, s15, $0xb8;
	v63 =	vld [tilespmem:$0x0]  }
0x1c4: {  	_ =	swait.ge [sflag:s13], $0x3000  }
0x1c5: {  	[sflag:s13] =	ssyncset.done $0x0  }
0x1c6: {  	s22 =	simm.s32 $0x13F00;
	[sflag:s13] =	ssyncadd.s32 $0xFFFFD000  }
0x1c7: {  	[spmem:s6] =	stream.indirect.scatter.add.f32 [tilespmem:s28], [sflag:$0xB], $0x80, s22, s15, $0xb8;
	v63 =	vld [tilespmem:$0x0]  }
0x1c8: {  	_ =	swait.ge [sflag:s1], $0x3000  }
0x1c9: {  	[sflag:s1] =	ssyncset.done $0x0  }
0x1ca: {  	s5 =	sadd.s32 $0x3C, s19;
	[sflag:s1] =	ssyncadd.s32 $0xFFFFD000  }
0x1cb: {  	[tilespmem:s21], [sflag:$0x2] =	stream.linear.gather [hbm4b:s5+s8], $0x60, $0x38;
	v63 =	vld [tilespmem:$0x0]  }
0x1cc: {  	s17 =	simm.s32 $0x13E80;
	s5 =	sadd.s32 $0x3C, s4  }
0x1cd: {  	[tilespmem:s17], [sflag:$0x2] =	stream.linear.gather [hbm4b:s5+s8], $0x60, $0x38;
	v63 =	vld [tilespmem:$0x0]  }
0x1ce: {  	_ =	swait.ge [sflag:s20], $0x60  }
0x1cf: {  	[sflag:s20] =	ssyncset.done $0x0  }
0x1d0: {  	[sflag:s20] =	ssyncadd.s32 $0xFFFFFFA0  }
0x1d1: {  	_ =	swait.ge [sflag:s20], $0x60  }
0x1d2: {  	[sflag:s20] =	ssyncset.done $0x0  }
0x1d3: {  	[sflag:s20] =	ssyncadd.s32 $0xFFFFFFA0  }
0x1d4: {  	[tilespmem:s25], [sflag:$0x6] =	stream.indirect.gather [hbm4b:s10+s15], $0x80, s21, s15, $0xb8;
	v63 =	vld [tilespmem:$0x0]  }
0x1d5: {  	_ =	swait.ge [sflag:s2], $0x3000  }
0x1d6: {  	[sflag:s2] =	ssyncset.done $0x0  }
0x1d7: {  	s16 =	simm.s32 $0x1D000;
	s31 =	simm.s32 $0x13F80;
	[sflag:s2] =	ssyncadd.s32 $0xFFFFD000  }
0x1d8: {  	[spmem:s6] =	stream.indirect.scatter.add.f32 [tilespmem:s16], [sflag:$0xC], $0x80, s31, s15, $0xb8;
	v63 =	vld [tilespmem:$0x0]  }
0x1d9: {  	_ =	swait.ge [sflag:s14], $0x3000  }
0x1da: {  	[sflag:s14] =	ssyncset.done $0x0  }
0x1db: {  	s25 =	sadd.s32 $0x48, s19;
	[sflag:s14] =	ssyncadd.s32 $0xFFFFD000  }
0x1dc: {  	[tilespmem:s23], [sflag:$0x3] =	stream.linear.gather [hbm4b:s25+s8], $0x60, $0x38;
	v63 =	vld [tilespmem:$0x0]  }
0x1dd: {  	s25 =	sadd.s32 $0x48, s4  }
0x1de: {  	[tilespmem:s22], [sflag:$0x3] =	stream.linear.gather [hbm4b:s25+s8], $0x60, $0x38;
	v63 =	vld [tilespmem:$0x0]  }
0x1df: {  	_ =	swait.ge [sflag:s24], $0x60  }
0x1e0: {  	[sflag:s24] =	ssyncset.done $0x0  }
0x1e1: {  	[sflag:s24] =	ssyncadd.s32 $0xFFFFFFA0  }
0x1e2: {  	_ =	swait.ge [sflag:s24], $0x60  }
0x1e3: {  	[sflag:s24] =	ssyncset.done $0x0  }
0x1e4: {  	[sflag:s24] =	ssyncadd.s32 $0xFFFFFFA0  }
0x1e5: {  	[tilespmem:s28], [sflag:$0x7] =	stream.indirect.gather [hbm4b:s10+s15], $0x80, s23, s15, $0xb8;
	v63 =	vld [tilespmem:$0x0]  }
0x1e6: {  	_ =	swait.ge [sflag:s26], $0x3000  }
0x1e7: {  	p1 =	sne.s32 s3, $0x960;
	[sflag:s26] =	ssyncset.done $0x0  }
0x1e8: {  	s12 =	simm.s32 $0x14000;
	s16 =	simm.s32 $0x13E00;
	[sflag:s26] =	ssyncadd.s32 $0xFFFFD000  }
0x1e9: {  	[spmem:s6] =	stream.indirect.scatter.add.f32 [tilespmem:s12], [sflag:$0x9], $0x80, s16, s15, $0xb8;
	v63 =	vld [tilespmem:$0x0]  }
.Ltmp5:
0x1ea: {  	_ =	swait.ge [sflag:s18], $0x3000;
	(pc) =	sbr.rel @p1 .LBB2_6-.Ltmp5, $4  }
0x1eb: {  	s3 =	sadd.s32 $0x30, s3;
	s29 =	simm.s32 $0x13D80;
	[sflag:s18] =	ssyncset.done $0x0  }
0x1ec: {  	s5 =	simm.s32 $0x13D80;
	s25 =	sadd.s32 $0x54, s19;
	[sflag:s18] =	ssyncadd.s32 $0xFFFFD000  }
0x1ed: {  	[tilespmem:s29], [sflag:$0x4] =	stream.linear.gather [hbm4b:s25+s8], $0x60, $0x38;
	v63 =	vld [tilespmem:$0x0]  }
0x1ee: {  	s31 =	simm.s32 $0x1D000;
	s4 =	sadd.s32 $0x54, s4;
	s29 =	simm.s32 $0x13F80  }
.Ltmp6:
0x1ef: {  	_ = 	snop;
	(pc) =	sbr.rel .LBB2_7-.Ltmp6, $1  }
0x1f0: {  	_ =	sdelay $0x3  }
.LBB2_9:
0x1f1: {  	_ =	sfence.sel $0x180000  }
0x1f2: {  	[bflag:$0x0] =	sbarrier.arrive $0xFFFF  }
0x1f3: {  	_ =	strace $0x9000004A  }
0x1f4: {  	s0 =	stileid.u32;
	[bflag:$0x2] =	sbarrier.arrive $0xFFFF  }
0x1f5: {  	p0 =	sne.s32 s0, $0x0;
	s0 =	rddreg [dreg:$0x7]  }
0x1f6: {  	s0 =	sadd.s32 @!p0 $0x100000, s0  }
0x1f7: {  	[sflag:s0] =	ssyncadd.tile.s32 @!p0 $0x1;
	_ =	shalt  }
.Lfunc_end2:
_tile_overlayer_lowered:
.L_overlay_start_2:
0x1f8: {  	(tag) =	ssettag $0x2  }
0x1f9: {  	s0 =	rddreg [dreg:$0x0];
	s2 =	stileid.u32  }
0x1fa: {  	s1 =	rddreg [dreg:$0x1];
	p0 =	sne.s32 s2, $0x0  }
0x1fb: {  	s3 =	rddreg [dreg:$0x2];
	[bflag:$0x3] =	sbarrier.arrive $0xFFFF;
	s2 =	simm.s32 @!p0 $0x1C0D  }
0x1fc: {  	[timem:s3], [sflag:s2] =	dma.local @!p0 [hbm:s0], s1  }
0x1fd: {  	s0 =	simm.s32 @!p0 $0xD  }
0x1fe: {  	_ =	swait.ge @!p0 [sflag:s0], s1  }
0x1ff: {  	s1 =	ssub.s32 @!p0 $0x0, s1;
	[sflag:s0] =	ssyncset.done @!p0 $0x0  }
0x200: {  	[sflag:s0] =	ssyncadd.s32 @!p0 s1  }
0x201: {  	[bflag:$0x3] =	sbarrier.arrive $0xFFFF  }
0x202: {  	_ =	shalt  }

// kernel: kernel.14.cloned.1.call-start
scs
__scs_entry_jumppad:
0x0: {  	(pc) =	sbr.rel $0x88, $3  }
0x1: {  	(tag) =	ssettag $0x0;
	lr =	simm.s32 $0x1  }
0x2: {  	[smem:$0x3F95] =	sst lr;
	_ =	strace $0xD0000000  }
0x3: {  	_ = 	snop  }
0x4: {  	_ = 	snop  }
0x5: {  	_ = 	snop  }
0x6: {  	_ = 	snop  }
0x7: {  	_ = 	snop  }
__scs_overlays_trampoline_lowered:
0x8: {  	[smem:$0x3FA4] =	sst s0  }
0x9: {  	[smem:$0x3FA5] =	sst s1  }
0xa: {  	[smem:$0x3FA6] =	sst s2  }
0xb: {  	[smem:$0x3FA7] =	sst s3  }
0xc: {  	[smem:$0x3FA8] =	sst s4  }
0xd: {  	[smem:$0x3FA9] =	sst s5  }
0xe: {  	[smem:$0x3FAA] =	sst s6  }
0xf: {  	[smem:$0x3FAB] =	sst s7  }
0x10: {  	[smem:$0x3FAC] =	sst s8  }
0x11: {  	[smem:$0x3FAD] =	sst s9;
	s0 =	simm.s32 @!p0 $0x0  }
0x12: {  	s1 =	sld [smem:$0x3F93];
	s0 =	simm.s32 @p0 $0x1  }
0x13: {  	[smem:$0x3FAE] =	sst s0;
	s0 =	simm.s32 @!p1 $0x0  }
0x14: {  	s2 =	sld [smem:$0x3F92];
	s0 =	simm.s32 @p1 $0x1  }
0x15: {  	[smem:$0x3FAF] =	sst s0;
	s0 =	simm.s32 @!p2 $0x0  }
0x16: {  	s3 =	sld [smem:$0x3FDB];
	s0 =	simm.s32 @p2 $0x1  }
0x17: {  	s4 =	simm.s32 $0x1BF5;
	[smem:$0x3FB1] =	sst s0  }
0x18: {  	s0 =	sld [smem:$0x3F94];
	_ =	swait.ge [sflag:s4], $0x0  }
0x19: {  	s7 =	sld [smem:$0x3F95]  }
0x1a: {  	s8 =	sadd.s32 $0xFFFFE003, lr  }
0x1b: {  	s9 =	sadd.s32 $0xFFFFFEF7, lr;
	s5 =	simm.s32 $0xFFFFFFFF;
	p2 =	slt.u32 s8, $0xFFFFF086  }
0x1c: {  	p1 =	slt.u32 s9, $0xF7A;
	s5 =	simm.s32 @!p2 $0x0  }
0x1d: {  	s5 =	simm.s32 @p1 $0x1;
	p0 =	seq.s32 s7, s2  }
0x1e: {  	s7 =	smul.u32 @!p0 $0xF7A, s2;
	p2 =	seq.s32 @!p0 s5, $0x0  }
0x1f: {  	s9 =	smul.u32 $0xF7A, s1;
	s8 =	simm.s32 @!p0 $0x1BF5;
	p2 =	por !p2, p0  }
0x20: {  	[sflag:s8] =	ssyncset.s32 @!p0 $0xFFFFF086;
	s6 =	sadd.s32 @!p0 s3, s7;
	s7 =	simm.s32 @!p0 $0x108  }
0x21: {  	s3 =	sadd.s32 s3, s9;
	s6 =	sadd.s32 @!p0 $0x88, s6;
	s7 =	simm.s32 @p2 $0x1082  }
0x22: {  	[simem:s7], [sflag:s8] =	dma.local @!p0 [hbm:s6], $0xF7A  }
0x23: {  	s9 =	sor.u32 $0xD0000000, s2;
	s6 =	simm.s32 $0x108;
	_ =	swait.ge @!p0 [sflag:s8], $0x0  }
0x24: {  	s3 =	sadd.s32 $0x88, s3;
	s6 =	simm.s32 @!p1 $0x1082;
	[sflag:s4] =	ssyncset.s32 $0xFFFFF086  }
0x25: {  	[simem:s6], [sflag:s4] =	dma.local [hbm:s3], $0xF7A  }
0x26: {  	[smem:$0x3F95] =	sst s1;
	(tag) =	ssettag s2;
	_ =	strace s9  }
0x27: {  	s1 =	sld [smem:$0x3FA5]  }
0x28: {  	s2 =	sld [smem:$0x3FA6]  }
0x29: {  	s4 =	sld [smem:$0x3FA8]  }
0x2a: {  	p0 =	seq.s32 s5, $0x0;
	s5 =	sld [smem:$0x3FA9]  }
0x2b: {  	s6 =	sld [smem:$0x3FAA]  }
0x2c: {  	s7 =	sld [smem:$0x3FAB]  }
0x2d: {  	s3 =	simm.s32 $0x108;
	s8 =	sld [smem:$0x3FAC]  }
0x2e: {  	s3 =	simm.s32 @!p0 $0x1082;
	s9 =	sld [smem:$0x3FAD]  }
0x2f: {  	lr =	sadd.s32 s0, s3;
	s0 =	sld [smem:$0x3FA4]  }
0x30: {  	s3 =	sld [smem:$0x3FA7]  }
0x31: {  	[smem:$0x3FB0] =	sst s10  }
0x32: {  	s10 =	sld [smem:$0x3FAE];
	_ =	sdelay $0x3  }
0x33: {  	p0 =	seq.s32 s10, $0x1;
	s10 =	sld [smem:$0x3FB0];
	_ =	sdelay $0x3  }
0x34: {  	[smem:$0x3FB0] =	sst s10  }
0x35: {  	s10 =	sld [smem:$0x3FAF];
	_ =	sdelay $0x3  }
0x36: {  	p1 =	seq.s32 s10, $0x1;
	s10 =	sld [smem:$0x3FB0];
	_ =	sdelay $0x3  }
0x37: {  	[smem:$0x3FB0] =	sst s10  }
0x38: {  	s10 =	sld [smem:$0x3FB1]  }
0x39: {  	_ = 	snop;
	(pc) =	sbr.ind lr, $3  }
0x3a: {  	_ = 	snop  }
0x3b: {  	_ = 	snop  }
0x3c: {  	p2 =	seq.s32 s10, $0x1;
	s10 =	sld [smem:$0x3FB0]  }
0x3d: {  	_ =	shalt  }
0x3e: {  	_ =	shalt  }
0x3f: {  	_ =	shalt  }
0x40: {  	_ =	shalt  }
0x41: {  	_ =	shalt  }
0x42: {  	_ =	shalt  }
0x43: {  	_ =	shalt  }
0x44: {  	_ =	shalt  }
0x45: {  	_ =	shalt  }
0x46: {  	_ =	shalt  }
0x47: {  	_ =	shalt  }
0x48: {  	_ =	shalt  }
0x49: {  	_ =	shalt  }
0x4a: {  	_ =	shalt  }
0x4b: {  	_ =	shalt  }
0x4c: {  	_ =	shalt  }
0x4d: {  	_ =	shalt  }
0x4e: {  	_ =	shalt  }
0x4f: {  	_ =	shalt  }
0x50: {  	_ =	shalt  }
0x51: {  	_ =	shalt  }
0x52: {  	_ =	shalt  }
0x53: {  	_ =	shalt  }
0x54: {  	_ =	shalt  }
0x55: {  	_ =	shalt  }
0x56: {  	_ =	shalt  }
0x57: {  	_ =	shalt  }
0x58: {  	_ =	shalt  }
0x59: {  	_ =	shalt  }
0x5a: {  	_ =	shalt  }
0x5b: {  	_ =	shalt  }
0x5c: {  	_ =	shalt  }
0x5d: {  	_ =	shalt  }
0x5e: {  	_ =	shalt  }
0x5f: {  	_ =	shalt  }
0x60: {  	_ =	shalt  }
0x61: {  	_ =	shalt  }
0x62: {  	_ =	shalt  }
0x63: {  	_ =	shalt  }
0x64: {  	_ =	shalt  }
0x65: {  	_ =	shalt  }
0x66: {  	_ =	shalt  }
0x67: {  	_ =	shalt  }
0x68: {  	_ =	shalt  }
0x69: {  	_ =	shalt  }
0x6a: {  	_ =	shalt  }
0x6b: {  	_ =	shalt  }
0x6c: {  	_ =	shalt  }
0x6d: {  	_ =	shalt  }
0x6e: {  	_ =	shalt  }
0x6f: {  	_ =	shalt  }
0x70: {  	_ =	shalt  }
0x71: {  	_ =	shalt  }
0x72: {  	_ =	shalt  }
0x73: {  	_ =	shalt  }
0x74: {  	_ =	shalt  }
0x75: {  	_ =	shalt  }
0x76: {  	_ =	shalt  }
0x77: {  	_ =	shalt  }
0x78: {  	_ =	shalt  }
0x79: {  	_ =	shalt  }
0x7a: {  	_ =	shalt  }
0x7b: {  	_ =	shalt  }
0x7c: {  	_ =	shalt  }
0x7d: {  	_ =	shalt  }
0x7e: {  	_ =	shalt  }
0x7f: {  	_ =	shalt  }
0x80: {  	_ =	shalt  }
0x81: {  	_ =	shalt  }
0x82: {  	_ =	shalt  }
0x83: {  	_ =	shalt  }
0x84: {  	_ =	shalt  }
0x85: {  	_ =	shalt  }
0x86: {  	_ =	shalt  }
0x87: {  	_ =	shalt  }
.Lfunc_end0:
.L_simem_size_0:
called_computation.2_lowered:
.L_overlay_start_0:
0x88: {  	s2 =	sld [smem:$0x3FD9]  }
0x89: {  	s3 =	sld [smem:$0x3FFE];
	_ =	sdelay $0x1  }
0x8a: {  	s1 =	srdreg.scid  }
0x8b: {  	s0 =	sand.u32 $0x1, s1  }
0x8c: {  	s14 =	sshll.u32 s0, $0xA;
	s2 =	sadd.s32 s3, s2  }
0x8d: {  	s2 =	sadd.s32 s2, s14  }
0x8e: {  	[smem:$0x3FBC] =	sst s2  }
0x8f: {  	_ = 	snop  }
0x90: {  	s2 =	sld [smem:$0x3FD0];
	_ =	sdelay $0x2  }
0x91: {  	s15 =	simm.s32 $0xA;
	s4 =	simm.s32 $0x10  }
0x92: {  	[smem:s4], [sflag:s15] =	dma.local [hbm:s2], $0x1  }
0x93: {  	_ =	swait.eq [sflag:s15], $0x1  }
0x94: {  	s16 =	sld [smem:$0x11]  }
0x95: {  	s17 =	sld [smem:$0x12]  }
0x96: {  	s5 =	sld [smem:$0x13];
	[sflag:s15] =	ssyncset.done $0x0  }
0x97: {  	s6 =	sld [smem:$0x14];
	[sflag:s15] =	ssyncadd.s32 $0xFFFFFFFF  }
0x98: {  	s18 =	sld [smem:$0x15];
	(tm) =	ssettm $0x1  }
0x99: {  	s7 =	sld [smem:$0x3FFB];
	_ =	sdelay $0x3  }
0x9a: {  	_ =	strace s7  }
0x9b: {  	s7 =	sld [smem:$0x3FFC];
	_ =	sdelay $0x3  }
0x9c: {  	_ =	strace s7  }
0x9d: {  	s7 =	sld [smem:$0x3FFD];
	_ =	sdelay $0x3  }
0x9e: {  	_ =	strace s7  }
0x9f: {  	_ =	strace $0x8FFFFFFF  }
0xa0: {  	s19 =	sld [smem:$0x3FDB];
	_ =	sdelay $0x1  }
0xa1: {  	s8 =	simm.s32 $_scs_section_size  }
0xa2: {  	s9 =	simm.s32 $_size__tile_overlayer_lowered;
	s10 =	simm.s32 $_tile_overlayer_lowered  }
0xa3: {  	s22 =	simm.s32 $0x1BFF;
	s21 =	sshll.u32 s10, $0x1;
	s7 =	sadd.s32 s8, s19  }
0xa4: {  	s11 =	simm.s32 $0x0;
	s20 =	sshll.u32 s9, $0x1;
	s9 =	sadd.s32 s21, s7  }
0xa5: {  	[timem:s11], [sflag:s22] =	dma.local [hbm:s9], s20  }
0xa6: {  	_ =	swait.ge [sflag:s22], s20  }
0xa7: {  	s8 =	ssub.s32 $0x0, s20;
	[sflag:s22] =	ssyncset.done $0x0  }
0xa8: {  	[sflag:s22] =	ssyncadd.s32 s8;
	_ =	sdelay $0x1  }
0xa9: {  	s23 =	simm.s32 $0x1B8B  }
0xaa: {  	_ =	swait.ge [sflag:s23], $0x1  }
0xab: {  	[sflag:s23] =	ssyncset.done $0x0  }
0xac: {  	s25 =	simm.s32 $0x1B8E;
	s24 =	sld [smem:$0x3FFE];
	[sflag:s23] =	ssyncadd.s32 $0xFFFFFFFF  }
0xad: {  	s26 =	simm.s32 $execute0_lowered;
	[smem:$0x3FD2] =	sst s25  }
0xae: {  	s9 =	sshll.u32 s26, $0x1;
	_ =	strace $0x8000004C;
	[dreg:$0x1] =	wrdreg $0xFFFFFFFF  }
0xaf: {  	s28 =	simm.s32 $_size_execute0_lowered;
	s7 =	sadd.s32 s7, s9;
	[dreg:$0x0] =	wrdreg $0x0  }
0xb0: {  	s9 =	sshll.u32 s28, $0x1;
	[dreg:$0x2] =	wrdreg s7  }
0xb1: {  	[dreg:$0x3] =	wrdreg s9  }
0xb2: {  	[dreg:$0x4] =	wrdreg $0xC0  }
0xb3: {  	_ =	task [dreg:s11], $0x5FFFF  }
0xb4: {  	[dreg:$0x1] =	wrdreg $0xFFFFFFFF  }
0xb5: {  	[dreg:$0x0] =	wrdreg $0x60  }
0xb6: {  	[dreg:$0x2] =	wrdreg s24  }
0xb7: {  	[dreg:$0x3] =	wrdreg s17  }
0xb8: {  	[dreg:$0x4] =	wrdreg s16  }
0xb9: {  	[dreg:$0x5] =	wrdreg s6  }
0xba: {  	[dreg:$0x6] =	wrdreg s5  }
0xbb: {  	[dreg:$0x7] =	wrdreg s18  }
0xbc: {  	[dreg:$0x8] =	wrdreg $0x0  }
0xbd: {  	[dreg:$0x9] =	wrdreg $0x9  }
0xbe: {  	_ =	task.clear_ibuf [dreg:s11], $0xAFFFF;
	_ =	strace $0x9000004C  }
0xbf: {  	s29 =	simm.s32 $0x9;
	_ =	strace $0x8000004E  }
0xc0: {  	_ =	swait.ge [sflag:s29], $0x1  }
0xc1: {  	[sflag:s29] =	ssyncadd.s32 $0xFFFFFFFF  }
0xc2: {  	_ =	strace $0x9000004E  }
0xc3: {  	_ =	sfence  }
0xc4: {  	s30 =	sld [smem:$0x0];
	_ =	sdelay $0x2  }
0xc5: {  	s31 =	sshll.u32 s1, $0xD;
	s1 =	sshrl.u32 s1, $0x2  }
0xc6: {  	s3 =	sand.u32 $0x4000, s31;
	s1 =	sadd.s32 s1, s30  }
0xc7: {  	s0 =	sor.u32 s3, s0;
	s1 =	sshll.u32 s1, $0x11  }
0xc8: {  	s0 =	sor.u32 s1, s0  }
0xc9: {  	s0 =	sadd.s32 $0x8F2B, s0  }
0xca: {  	[sflag:s0] =	ssyncadd.remote.s32 $0x1  }
0xcb: {  	_ =	sfence.sel $0xFFFF  }
0xcc: {  	[dreg:$0x0] =	wrdreg $0xFFFFFFFF;
	(pc) =	sbr.abs _section_cstart, $3  }
0xcd: {  	[dreg:$0x1] =	wrdreg $0xFFFFFFFF  }
0xce: {  	_ =	task.clear_ibuf [dreg:s11], $0x2FFFF;
	_ =	strace $0x9FFFFFFF  }
0xcf: {  	(tm) =	ssettm $0x7FFFFFFF  }
tec
execute0_lowered:
.L_overlay_start_1:
0x0: {  	(tag) =	ssettag $0x1  }
0x1: {  	s0 =	rddreg [dreg:$0x0]  }
0x2: {  	s12 =	rddreg [dreg:$0x1]  }
0x3: {  	s13 =	rddreg [dreg:$0x2]  }
0x4: {  	s14 =	rddreg [dreg:$0x3]  }
0x5: {  	s15 =	rddreg [dreg:$0x4]  }
0x6: {  	s6 =	rddreg [dreg:$0x6]  }
0x7: {  	s8 =	simm.s32 $0x0;
	s1 =	srdreg.scid;
	s16 =	stileid.u32  }
0x8: {  	[smem:$0x7FF] =	sst s8;
	s9 =	sadd.s32 $0x4C00, s0;
	s10 =	sadd.s32 $0x2C400, s0  }
0x9: {  	s3 =	sadd.s32 $0x53C00, s0;
	s0 =	sadd.s32 $0x7B400, s0;
	s25 =	sshll.u32 s16, $0x6  }
0xa: {  	s26 =	smul.u32 $0x9D8, s16;
	_ =	strace $0x8000004D;
	[dreg:$0xc] =	wrdreg s3  }
0xb: {  	s29 =	simm.s32 $0x13F80;
	[dreg:$0xd] =	wrdreg s0;
	s19 =	sor.u32 $0x1C0D, s25  }
0xc: {  	s2 =	smul.u32 $0x4F000, s16;
	s20 =	sadd.s32 s26, s15;
	[dreg:$0xf] =	wrdreg s19  }
0xd: {  	s5 =	smul.u32 $0x4EC0, s16;
	s21 =	sadd.s32 s26, s14;
	[dreg:$0x8] =	wrdreg s20  }
0xe: {  	s2 =	sshrl.u32 s2, $0x2;
	s22 =	sadd.s32 s26, s13;
	[dreg:$0x9] =	wrdreg s21  }
0xf: {  	s3 =	sshrl.u32 s5, $0x3;
	s2 =	sadd.s32 s2, s6;
	[dreg:$0xa] =	wrdreg s22  }
0x10: {  	s1 =	sand.u32 $0x1, s1;
	s11 =	sadd.s32 s14, s3;
	[dreg:$0xe] =	wrdreg s2  }
0x11: {  	s24 =	ssub.s32 $0x2, s1;
	s5 =	sadd.s32 s15, s3;
	[dreg:$0x10] =	wrdreg s11  }
0x12: {  	s4 =	sshrl.u32 s24, $0x1;
	s23 =	sadd.s32 $0x9C0, s3;
	[dreg:$0x11] =	wrdreg s5  }
0x13: {  	s0 =	ssub.s32 s24, s4;
	s4 =	sadd.s32 s26, s12;
	[dreg:$0x13] =	wrdreg s23  }
0x14: {  	s30 =	simm.s32 $0x4;
	s24 =	sadd.s32 $0x9CC, s3;
	[dreg:$0xb] =	wrdreg s4  }
0x15: {  	s31 =	simm.s32 $0x1D000;
	s25 =	sadd.s32 s12, s3;
	[dreg:$0x14] =	wrdreg s24  }
0x16: {  	s17 =	sadd.s32 $0xC, s3;
	s26 =	sadd.s32 s13, s3;
	[dreg:$0x15] =	wrdreg s25  }
0x17: {  	s7 =	sadd.s32 $0x18, s3;
	s18 =	sadd.s32 s14, s17;
	[dreg:$0x16] =	wrdreg s26  }
0x18: {  	s11 =	sadd.s32 $0x24, s3;
	s3 =	sadd.s32 s15, s17;
	[dreg:$0x12] =	wrdreg s18  }
0x19: {  	s28 =	simm.s32 $0x0;
	s4 =	sadd.s32 s12, s17;
	[dreg:$0x17] =	wrdreg s3  }
0x1a: {  	p0 =	sne.s32 s1, $0x0;
	s5 =	sadd.s32 s13, s17;
	[dreg:$0x18] =	wrdreg s4  }
0x1b: {  	s1 =	simm.s32 $0xA;
	s17 =	sadd.s32 s14, s7;
	[dreg:$0x19] =	wrdreg s5  }
0x1c: {  	s20 =	sadd.s32 s12, s7;
	s21 =	sadd.s32 s13, s7;
	[dreg:$0x1a] =	wrdreg s17  }
0x1d: {  	s0 =	smax.u32 s0, $0x1;
	s26 =	smul.u32 $0x2780, s16;
	[dreg:$0x1c] =	wrdreg s20  }
0x1e: {  	s2 =	simm.s32 $0x8;
	s18 =	sadd.s32 s15, s7;
	[dreg:$0x1d] =	wrdreg s21  }
0x1f: {  	s22 =	sadd.s32 s14, s11;
	s23 =	sadd.s32 s15, s11;
	s24 =	sadd.s32 s12, s11  }
0x20: {  	s25 =	sadd.s32 s13, s11;
	[smem:$0x7FC] =	sst s0;
	s4 =	simm.s32 $0xD  }
0x21: {  	s12 =	simm.s32 $0x13C00;
	s11 =	simm.s32 $0x1;
	[dreg:$0x1b] =	wrdreg s18  }
0x22: {  	s15 =	simm.s32 $0x60;
	s5 =	simm.s32 $0x13C80;
	[dreg:$0x1e] =	wrdreg s22  }
0x23: {  	s17 =	simm.s32 $0x13E80;
	s20 =	simm.s32 $0x2;
	[dreg:$0x1f] =	wrdreg s23  }
.Ltmp0:
0x24: {  	s21 =	simm.s32 $0x17000;
	[smem:$0x7FA] =	sst s24;
	(pc) =	sbr.rel .LBB2_1-.Ltmp0, $4  }
0x25: {  	s0 =	simm.s32 $0x6;
	s7 =	simm.s32 $0x9;
	[smem:$0x7FB] =	sst s25  }
0x26: {  	s13 =	simm.s32 $0x7;
	s14 =	simm.s32 $0xB;
	[smem:$0x7FD] =	sst s26  }
0x27: {  	s22 =	simm.s32 $0x13D00;
	s23 =	simm.s32 $0x13F00;
	s24 =	simm.s32 $0x3  }
0x28: {  	s25 =	simm.s32 $0x1A000;
	s26 =	simm.s32 $0x5;
	s18 =	simm.s32 $0xC  }
.LBB2_7:
0x29: {  	[tilespmem:s29], [sflag:$0x4] =	stream.linear.gather [hbm4b:s4+s8], $0x60, $0x38;
	v63 =	vld [tilespmem:$0x0]  }
0x2a: {  	s3 =	rddreg [dreg:$0x3]  }
0x2b: {  	s19 =	rddreg [dreg:$0x4]  }
0x2c: {  	s22 =	rddreg [dreg:$0xd]  }
0x2d: {  	s4 =	smov.u32 s10;
	s28 =	sld [smem:$0x7F8]  }
.LBB2_8:
0x2e: {  	_ =	swait.ge [sflag:s30], $0x60  }
0x2f: {  	[sflag:s30] =	ssyncset.done $0x0  }
0x30: {  	[sflag:s30] =	ssyncadd.s32 $0xFFFFFFA0  }
0x31: {  	_ =	swait.ge [sflag:s30], $0x60  }
0x32: {  	[sflag:s30] =	ssyncset.done $0x0  }
0x33: {  	[sflag:s30] =	ssyncadd.s32 $0xFFFFFFA0  }
0x34: {  	[tilespmem:s31], [sflag:$0x8] =	stream.indirect.gather [hbm4b:s4+s15], $0x80, s5, s15, $0xb8;
	v63 =	vld [tilespmem:$0x0]  }
0x35: {  	_ =	swait.ge [sflag:s0], $0x3000  }
0x36: {  	[sflag:s0] =	ssyncset.done $0x0  }
0x37: {  	s21 =	simm.s32 $0x17000;
	[sflag:s0] =	ssyncadd.s32 $0xFFFFD000  }
0x38: {  	[spmem:s6] =	stream.indirect.scatter.add.f32 [tilespmem:s21], [sflag:$0xA], $0x80, s17, s15, $0xb8;
	v63 =	vld [tilespmem:$0x0]  }
0x39: {  	_ =	swait.ge [sflag:s7], $0x3000  }
0x3a: {  	[sflag:s7] =	ssyncset.done $0x0;
	s12 =	rddreg [dreg:$0x13]  }
0x3b: {  	s16 =	simm.s32 $0x13C00;
	s23 =	sadd.s32 s3, s12;
	[sflag:s7] =	ssyncadd.s32 $0xFFFFD000  }
0x3c: {  	[tilespmem:s16], [sflag:$0x1] =	stream.linear.gather [hbm4b:s23+s8], $0x60, $0x38;
	v63 =	vld [tilespmem:$0x0]  }
0x3d: {  	s25 =	sadd.s32 s19, s12;
	s16 =	simm.s32 $0x13E00  }
0x3e: {  	[tilespmem:s16], [sflag:$0x1] =	stream.linear.gather [hbm4b:s25+s8], $0x60, $0x38;
	v63 =	vld [tilespmem:$0x0]  }
0x3f: {  	_ =	swait.ge [sflag:s11], $0x60  }
0x40: {  	[sflag:s11] =	ssyncset.done $0x0  }
0x41: {  	[sflag:s11] =	ssyncadd.s32 $0xFFFFFFA0  }
0x42: {  	_ =	swait.ge [sflag:s11], $0x60  }
0x43: {  	[sflag:s11] =	ssyncset.done $0x0  }
0x44: {  	s17 =	simm.s32 $0x14000;
	s12 =	simm.s32 $0x13C00;
	[sflag:s11] =	ssyncadd.s32 $0xFFFFFFA0  }
0x45: {  	[tilespmem:s17], [sflag:$0x5] =	stream.indirect.gather [hbm4b:s4+s15], $0x80, s12, s15, $0xb8;
	v63 =	vld [tilespmem:$0x0]  }
0x46: {  	_ =	swait.ge [sflag:s13], $0x3000  }
0x47: {  	[sflag:s13] =	ssyncset.done $0x0  }
0x48: {  	s23 =	simm.s32 $0x13F00;
	s25 =	simm.s32 $0x1A000;
	[sflag:s13] =	ssyncadd.s32 $0xFFFFD000  }
0x49: {  	[spmem:s6] =	stream.indirect.scatter.add.f32 [tilespmem:s25], [sflag:$0xB], $0x80, s23, s15, $0xb8;
	v63 =	vld [tilespmem:$0x0]  }
0x4a: {  	_ =	swait.ge [sflag:s1], $0x3000  }
0x4b: {  	[sflag:s1] =	ssyncset.done $0x0;
	s5 =	rddreg [dreg:$0x14]  }
0x4c: {  	s21 =	simm.s32 $0x13C80;
	s3 =	sadd.s32 s3, s5;
	[sflag:s1] =	ssyncadd.s32 $0xFFFFD000  }
0x4d: {  	[tilespmem:s21], [sflag:$0x2] =	stream.linear.gather [hbm4b:s3+s8], $0x60, $0x38;
	v63 =	vld [tilespmem:$0x0]  }
0x4e: {  	s3 =	sadd.s32 s19, s5;
	s19 =	simm.s32 $0x13E80  }
0x4f: {  	[tilespmem:s19], [sflag:$0x2] =	stream.linear.gather [hbm4b:s3+s8], $0x60, $0x38;
	v63 =	vld [tilespmem:$0x0]  }
0x50: {  	_ =	swait.ge [sflag:s20], $0x60  }
0x51: {  	[sflag:s20] =	ssyncset.done $0x0  }
0x52: {  	[sflag:s20] =	ssyncadd.s32 $0xFFFFFFA0  }
0x53: {  	_ =	swait.ge [sflag:s20], $0x60  }
0x54: {  	[sflag:s20] =	ssyncset.done $0x0  }
0x55: {  	s21 =	simm.s32 $0x17000;
	s5 =	simm.s32 $0x13C80;
	[sflag:s20] =	ssyncadd.s32 $0xFFFFFFA0  }
0x56: {  	[tilespmem:s21], [sflag:$0x6] =	stream.indirect.gather [hbm4b:s4+s15], $0x80, s5, s15, $0xb8;
	v63 =	vld [tilespmem:$0x0]  }
0x57: {  	_ =	swait.ge [sflag:s2], $0x3000  }
0x58: {  	[sflag:s2] =	ssyncset.done $0x0  }
0x59: {  	[sflag:s2] =	ssyncadd.s32 $0xFFFFD000  }
0x5a: {  	[spmem:s6] =	stream.indirect.scatter.add.f32 [tilespmem:s31], [sflag:$0xC], $0x80, s29, s15, $0xb8;
	v63 =	vld [tilespmem:$0x0]  }
0x5b: {  	_ =	swait.ge [sflag:s14], $0x3000  }
0x5c: {  	[sflag:s14] =	ssyncset.done $0x0  }
0x5d: {  	[sflag:s14] =	ssyncadd.s32 $0xFFFFD000  }
0x5e: {  	_ =	swait.ge [sflag:s26], $0x3000  }
0x5f: {  	[sflag:s26] =	ssyncset.done $0x0  }
0x60: {  	[sflag:s26] =	ssyncadd.s32 $0xFFFFD000  }
0x61: {  	[spmem:s6] =	stream.indirect.scatter.add.f32 [tilespmem:s17], [sflag:$0x9], $0x80, s16, s15, $0xb8;
	v63 =	vld [tilespmem:$0x0]  }
0x62: {  	_ =	swait.ge [sflag:s0], $0x3000  }
0x63: {  	[sflag:s0] =	ssyncset.done $0x0  }
0x64: {  	s17 =	simm.s32 $0x13E80;
	[sflag:s0] =	ssyncadd.s32 $0xFFFFD000  }
0x65: {  	[spmem:s6] =	stream.indirect.scatter.add.f32 [tilespmem:s21], [sflag:$0xA], $0x80, s17, s15, $0xb8;
	v63 =	vld [tilespmem:$0x0]  }
0x66: {  	_ =	swait.ge [sflag:s18], $0x3000  }
0x67: {  	[sflag:s18] =	ssyncset.done $0x0  }
0x68: {  	[sflag:s18] =	ssyncadd.s32 $0xFFFFD000  }
0x69: {  	_ =	swait.ge [sflag:s7], $0x3000  }
0x6a: {  	[sflag:s7] =	ssyncset.done $0x0  }
0x6b: {  	[sflag:s7] =	ssyncadd.s32 $0xFFFFD000  }
0x6c: {  	_ =	swait.ge [sflag:s1], $0x3000  }
0x6d: {  	[sflag:s1] =	ssyncset.done $0x0  }
0x6e: {  	[sflag:s1] =	ssyncadd.s32 $0xFFFFD000  }
0x6f: {  	s4 =	sld [smem:$0x7FD];
	[bflag:$0x0] =	sbarrier.arrive $0xFFFF  }
0x70: {  	s16 =	sld [smem:$0x7F9];
	_ =	sdelay $0x1  }
0x71: {  	s3 =	sadd.s32 s22, s4;
	s19 =	rddreg [dreg:$0xf];
	s4 =	simm.s32 $0xD  }
0x72: {  	[hbm:s3], [sflag:s19] =	dma.local [spmem:s16], $0x2780  }
0x73: {  	_ =	swait.ge [sflag:s4], $0x2780  }
0x74: {  	s22 =	sld [smem:$0x7FC];
	_ =	sdelay $0x1  }
0x75: {  	s28 =	sadd.s32 $0x1, s28  }
0x76: {  	p1 =	sne.s32 s28, s22  }
.Ltmp1:
0x77: {  	_ = 	snop;
	(pc) =	sbr.rel @!p1 .LBB2_9-.Ltmp1, $3  }
0x78: {  	_ =	sdelay $0x1  }
0x79: {  	[sflag:s4] =	ssyncset.done $0x0  }
0x7a: {  	[sflag:s4] =	ssyncadd.s32 $0xFFFFD880;
	s22 =	simm.s32 $0x13D00  }
.LBB2_1:
0x7b: {  	[smem:$0x7F8] =	sst s28  }
0x7c: {  	s3 =	rddreg [dreg:$0xe]  }
0x7d: {  	s28 =	rddreg [dreg:$0x5];
	s16 =	sshrl.u32 s3, $0x3  }
0x7e: {  	[smem:$0x7F9] =	sst s16  }
0x7f: {  	[spmem:s16], [sflag:s19] =	dma.local [hbm:s28], $0x2780  }
.Ltmp2:
0x80: {  	_ =	swait.ge [sflag:s4], $0x2780;
	(pc) =	sbr.rel @p0 .LBB2_5-.Ltmp2, $4  }
0x81: {  	[sflag:s4] =	ssyncset.done $0x0  }
0x82: {  	[sflag:s4] =	ssyncadd.s32 $0xFFFFD880  }
0x83: {  	[bflag:$0x0] =	sbarrier.arrive $0xFFFF  }
0x84: {  	s3 =	simm.s32 $0x0  }
0x85: {  	s4 =	rddreg [dreg:$0x15]  }
0x86: {  	[tilespmem:s12], [sflag:$0x1] =	stream.linear.gather [hbm4b:s4+s3], $0x60, $0x38;
	v63 =	vld [tilespmem:$0x0]  }
0x87: {  	s5 =	rddreg [dreg:$0x16];
	s16 =	simm.s32 $0x13E00  }
0x88: {  	[tilespmem:s16], [sflag:$0x1] =	stream.linear.gather [hbm4b:s5+s3], $0x60, $0x38;
	v63 =	vld [tilespmem:$0x0]  }
0x89: {  	_ =	swait.ge [sflag:s11], $0x60  }
0x8a: {  	[sflag:s11] =	ssyncset.done $0x0  }
0x8b: {  	[sflag:s11] =	ssyncadd.s32 $0xFFFFFFA0  }
0x8c: {  	_ =	swait.ge [sflag:s11], $0x60  }
0x8d: {  	[sflag:s11] =	ssyncset.done $0x0  }
0x8e: {  	s5 =	simm.s32 $0x14000;
	[sflag:s11] =	ssyncadd.s32 $0xFFFFFFA0  }
0x8f: {  	[tilespmem:s5], [sflag:$0x5] =	stream.indirect.gather [hbm4b:s9+s15], $0x80, s12, s15, $0xb8;
	v63 =	vld [tilespmem:$0x0]  }
0x90: {  	s21 =	simm.s32 $0x13C80;
	s19 =	rddreg [dreg:$0x18]  }
0x91: {  	[tilespmem:s21], [sflag:$0x2] =	stream.linear.gather [hbm4b:s19+s3], $0x60, $0x38;
	v63 =	vld [tilespmem:$0x0]  }
0x92: {  	s19 =	rddreg [dreg:$0x19]  }
0x93: {  	[tilespmem:s17], [sflag:$0x2] =	stream.linear.gather [hbm4b:s19+s3], $0x60, $0x38;
	v63 =	vld [tilespmem:$0x0]  }
0x94: {  	_ =	swait.ge [sflag:s20], $0x60  }
0x95: {  	[sflag:s20] =	ssyncset.done $0x0  }
0x96: {  	[sflag:s20] =	ssyncadd.s32 $0xFFFFFFA0  }
0x97: {  	_ =	swait.ge [sflag:s20], $0x60  }
0x98: {  	[sflag:s20] =	ssyncset.done $0x0  }
0x99: {  	s22 =	simm.s32 $0x17000;
	[sflag:s20] =	ssyncadd.s32 $0xFFFFFFA0  }
0x9a: {  	[tilespmem:s22], [sflag:$0x6] =	stream.indirect.gather [hbm4b:s9+s15], $0x80, s21, s15, $0xb8;
	v63 =	vld [tilespmem:$0x0]  }
0x9b: {  	s23 =	simm.s32 $0x13D00;
	s19 =	rddreg [dreg:$0x1c]  }
0x9c: {  	[tilespmem:s23], [sflag:$0x3] =	stream.linear.gather [hbm4b:s19+s3], $0x60, $0x38;
	v63 =	vld [tilespmem:$0x0]  }
0x9d: {  	s25 =	simm.s32 $0x13F00;
	s19 =	rddreg [dreg:$0x1d]  }
0x9e: {  	[tilespmem:s25], [sflag:$0x3] =	stream.linear.gather [hbm4b:s19+s3], $0x60, $0x38;
	v63 =	vld [tilespmem:$0x0]  }
0x9f: {  	_ =	swait.ge [sflag:s24], $0x60  }
0xa0: {  	[sflag:s24] =	ssyncset.done $0x0  }
0xa1: {  	[sflag:s24] =	ssyncadd.s32 $0xFFFFFFA0  }
0xa2: {  	_ =	swait.ge [sflag:s24], $0x60  }
0xa3: {  	[sflag:s24] =	ssyncset.done $0x0  }
0xa4: {  	s28 =	simm.s32 $0x1A000;
	[sflag:s24] =	ssyncadd.s32 $0xFFFFFFA0  }
0xa5: {  	[tilespmem:s28], [sflag:$0x7] =	stream.indirect.gather [hbm4b:s9+s15], $0x80, s23, s15, $0xb8;
	v63 =	vld [tilespmem:$0x0]  }
0xa6: {  	_ =	swait.ge [sflag:s26], $0x3000  }
0xa7: {  	[sflag:s26] =	ssyncset.done $0x0  }
0xa8: {  	s4 =	sld [smem:$0x7FA];
	[sflag:s26] =	ssyncadd.s32 $0xFFFFD000  }
0xa9: {  	[spmem:s6] =	stream.indirect.scatter.add.f32 [tilespmem:s5], [sflag:$0x9], $0x80, s16, s15, $0xb8;
	v63 =	vld [tilespmem:$0x0]  }
0xaa: {  	s19 =	simm.s32 $0x13D80  }
0xab: {  	[tilespmem:s19], [sflag:$0x4] =	stream.linear.gather [hbm4b:s4+s3], $0x60, $0x38;
	v63 =	vld [tilespmem:$0x0]  }
0xac: {  	s4 =	sld [smem:$0x7FB];
	_ =	sdelay $0x2  }
0xad: {  	[tilespmem:s29], [sflag:$0x4] =	stream.linear.gather [hbm4b:s4+s3], $0x60, $0x38;
	v63 =	vld [tilespmem:$0x0]  }
0xae: {  	_ =	swait.ge [sflag:s30], $0x60  }
0xaf: {  	[sflag:s30] =	ssyncset.done $0x0  }
0xb0: {  	[sflag:s30] =	ssyncadd.s32 $0xFFFFFFA0  }
0xb1: {  	_ =	swait.ge [sflag:s30], $0x60  }
0xb2: {  	[sflag:s30] =	ssyncset.done $0x0  }
0xb3: {  	[sflag:s30] =	ssyncadd.s32 $0xFFFFFFA0  }
0xb4: {  	[tilespmem:s31], [sflag:$0x8] =	stream.indirect.gather [hbm4b:s9+s15], $0x80, s19, s15, $0xb8;
	v63 =	vld [tilespmem:$0x0]  }
0xb5: {  	_ =	swait.ge [sflag:s0], $0x3000  }
0xb6: {  	[sflag:s0] =	ssyncset.done $0x0  }
0xb7: {  	[sflag:s0] =	ssyncadd.s32 $0xFFFFD000  }
0xb8: {  	[spmem:s6] =	stream.indirect.scatter.add.f32 [tilespmem:s22], [sflag:$0xA], $0x80, s17, s15, $0xb8;
	v63 =	vld [tilespmem:$0x0]  }
0xb9: {  	_ =	swait.ge [sflag:s7], $0x3000  }
0xba: {  	s19 =	rddreg [dreg:$0xb]  }
0xbb: {  	s4 =	rddreg [dreg:$0xa];
	[sflag:s7] =	ssyncset.done $0x0;
	s3 =	sadd.s32 $0x0, s19  }
0xbc: {  	[sflag:s7] =	ssyncadd.s32 $0xFFFFD000;
	s4 =	sadd.s32 $0x0, s4;
	s19 =	sadd.s32 $0x30, s3  }
0xbd: {  	[tilespmem:s12], [sflag:$0x1] =	stream.linear.gather [hbm4b:s19+s8], $0x60, $0x38;
	v63 =	vld [tilespmem:$0x0]  }
0xbe: {  	s19 =	sadd.s32 $0x30, s4  }
0xbf: {  	[tilespmem:s16], [sflag:$0x1] =	stream.linear.gather [hbm4b:s19+s8], $0x60, $0x38;
	v63 =	vld [tilespmem:$0x0]  }
0xc0: {  	_ =	swait.ge [sflag:s11], $0x60  }
0xc1: {  	[sflag:s11] =	ssyncset.done $0x0  }
0xc2: {  	[sflag:s11] =	ssyncadd.s32 $0xFFFFFFA0  }
0xc3: {  	_ =	swait.ge [sflag:s11], $0x60  }
0xc4: {  	[sflag:s11] =	ssyncset.done $0x0  }
0xc5: {  	[sflag:s11] =	ssyncadd.s32 $0xFFFFFFA0  }
0xc6: {  	[tilespmem:s5], [sflag:$0x5] =	stream.indirect.gather [hbm4b:s9+s15], $0x80, s12, s15, $0xb8;
	v63 =	vld [tilespmem:$0x0]  }
0xc7: {  	_ =	swait.ge [sflag:s13], $0x3000  }
0xc8: {  	[sflag:s13] =	ssyncset.done $0x0  }
0xc9: {  	[sflag:s13] =	ssyncadd.s32 $0xFFFFD000  }
0xca: {  	[spmem:s6] =	stream.indirect.scatter.add.f32 [tilespmem:s28], [sflag:$0xB], $0x80, s25, s15, $0xb8;
	v63 =	vld [tilespmem:$0x0]  }
0xcb: {  	_ =	swait.ge [sflag:s1], $0x3000  }
0xcc: {  	[sflag:s1] =	ssyncset.done $0x0  }
0xcd: {  	s12 =	sadd.s32 $0x3C, s3;
	[sflag:s1] =	ssyncadd.s32 $0xFFFFD000  }
0xce: {  	[tilespmem:s21], [sflag:$0x2] =	stream.linear.gather [hbm4b:s12+s8], $0x60, $0x38;
	v63 =	vld [tilespmem:$0x0]  }
0xcf: {  	s12 =	sadd.s32 $0x3C, s4  }
0xd0: {  	[tilespmem:s17], [sflag:$0x2] =	stream.linear.gather [hbm4b:s12+s8], $0x60, $0x38;
	v63 =	vld [tilespmem:$0x0]  }
0xd1: {  	_ =	swait.ge [sflag:s20], $0x60  }
0xd2: {  	[sflag:s20] =	ssyncset.done $0x0  }
0xd3: {  	[sflag:s20] =	ssyncadd.s32 $0xFFFFFFA0  }
0xd4: {  	_ =	swait.ge [sflag:s20], $0x60  }
0xd5: {  	[sflag:s20] =	ssyncset.done $0x0  }
0xd6: {  	[sflag:s20] =	ssyncadd.s32 $0xFFFFFFA0  }
0xd7: {  	[tilespmem:s22], [sflag:$0x6] =	stream.indirect.gather [hbm4b:s9+s15], $0x80, s21, s15, $0xb8;
	v63 =	vld [tilespmem:$0x0]  }
0xd8: {  	_ =	swait.ge [sflag:s2], $0x3000  }
0xd9: {  	[sflag:s2] =	ssyncset.done $0x0  }
0xda: {  	[sflag:s2] =	ssyncadd.s32 $0xFFFFD000  }
0xdb: {  	[spmem:s6] =	stream.indirect.scatter.add.f32 [tilespmem:s31], [sflag:$0xC], $0x80, s29, s15, $0xb8;
	v63 =	vld [tilespmem:$0x0]  }
0xdc: {  	_ =	swait.ge [sflag:s14], $0x3000  }
0xdd: {  	[sflag:s14] =	ssyncset.done $0x0  }
0xde: {  	s12 =	sadd.s32 $0x48, s3;
	[sflag:s14] =	ssyncadd.s32 $0xFFFFD000  }
0xdf: {  	[tilespmem:s23], [sflag:$0x3] =	stream.linear.gather [hbm4b:s12+s8], $0x60, $0x38;
	v63 =	vld [tilespmem:$0x0]  }
0xe0: {  	s12 =	sadd.s32 $0x48, s4  }
0xe1: {  	[tilespmem:s25], [sflag:$0x3] =	stream.linear.gather [hbm4b:s12+s8], $0x60, $0x38;
	v63 =	vld [tilespmem:$0x0]  }
0xe2: {  	_ =	swait.ge [sflag:s24], $0x60  }
0xe3: {  	[sflag:s24] =	ssyncset.done $0x0  }
0xe4: {  	[sflag:s24] =	ssyncadd.s32 $0xFFFFFFA0  }
0xe5: {  	_ =	swait.ge [sflag:s24], $0x60  }
0xe6: {  	[sflag:s24] =	ssyncset.done $0x0  }
0xe7: {  	[sflag:s24] =	ssyncadd.s32 $0xFFFFFFA0  }
0xe8: {  	[tilespmem:s28], [sflag:$0x7] =	stream.indirect.gather [hbm4b:s9+s15], $0x80, s23, s15, $0xb8;
	v63 =	vld [tilespmem:$0x0]  }
0xe9: {  	_ =	swait.ge [sflag:s26], $0x3000  }
0xea: {  	[sflag:s26] =	ssyncset.done $0x0  }
0xeb: {  	s5 =	simm.s32 $0x14000;
	[sflag:s26] =	ssyncadd.s32 $0xFFFFD000  }
0xec: {  	[spmem:s6] =	stream.indirect.scatter.add.f32 [tilespmem:s5], [sflag:$0x9], $0x80, s16, s15, $0xb8;
	v63 =	vld [tilespmem:$0x0]  }
0xed: {  	_ =	swait.ge [sflag:s18], $0x3000  }
0xee: {  	[sflag:s18] =	ssyncset.done $0x0  }
0xef: {  	s3 =	sadd.s32 $0x54, s3;
	s5 =	simm.s32 $0x13D80;
	[sflag:s18] =	ssyncadd.s32 $0xFFFFD000  }
0xf0: {  	[tilespmem:s5], [sflag:$0x4] =	stream.linear.gather [hbm4b:s3+s8], $0x60, $0x38;
	v63 =	vld [tilespmem:$0x0]  }
0xf1: {  	s4 =	sadd.s32 $0x54, s4;
	s3 =	simm.s32 $0x30  }
.LBB2_3:
0xf2: {  	[tilespmem:s29], [sflag:$0x4] =	stream.linear.gather [hbm4b:s4+s8], $0x60, $0x38;
	v63 =	vld [tilespmem:$0x0]  }
0xf3: {  	_ =	swait.ge [sflag:s30], $0x60  }
0xf4: {  	[sflag:s30] =	ssyncset.done $0x0  }
0xf5: {  	[sflag:s30] =	ssyncadd.s32 $0xFFFFFFA0  }
0xf6: {  	_ =	swait.ge [sflag:s30], $0x60  }
0xf7: {  	[sflag:s30] =	ssyncset.done $0x0  }
0xf8: {  	[sflag:s30] =	ssyncadd.s32 $0xFFFFFFA0  }
0xf9: {  	[tilespmem:s31], [sflag:$0x8] =	stream.indirect.gather [hbm4b:s9+s15], $0x80, s5, s15, $0xb8;
	v63 =	vld [tilespmem:$0x0]  }
0xfa: {  	_ =	swait.ge [sflag:s0], $0x3000  }
0xfb: {  	[sflag:s0] =	ssyncset.done $0x0  }
0xfc: {  	[sflag:s0] =	ssyncadd.s32 $0xFFFFD000  }
0xfd: {  	[spmem:s6] =	stream.indirect.scatter.add.f32 [tilespmem:s22], [sflag:$0xA], $0x80, s17, s15, $0xb8;
	v63 =	vld [tilespmem:$0x0]  }
0xfe: {  	_ =	swait.ge [sflag:s7], $0x3000  }
0xff: {  	s19 =	smov.u32 s3;
	s16 =	simm.s32 $0x13C00;
	s17 =	rddreg [dreg:$0xb]  }
0x100: {  	s5 =	rddreg [dreg:$0xa];
	[sflag:s7] =	ssyncset.done $0x0;
	s4 =	sadd.s32 s19, s17  }
0x101: {  	[sflag:s7] =	ssyncadd.s32 $0xFFFFD000;
	s19 =	sadd.s32 s19, s5;
	s12 =	sadd.s32 $0x30, s4  }
0x102: {  	[tilespmem:s16], [sflag:$0x1] =	stream.linear.gather [hbm4b:s12+s8], $0x60, $0x38;
	v63 =	vld [tilespmem:$0x0]  }
0x103: {  	s5 =	sadd.s32 $0x30, s19;
	s16 =	simm.s32 $0x13E00  }
0x104: {  	[tilespmem:s16], [sflag:$0x1] =	stream.linear.gather [hbm4b:s5+s8], $0x60, $0x38;
	v63 =	vld [tilespmem:$0x0]  }
0x105: {  	_ =	swait.ge [sflag:s11], $0x60  }
0x106: {  	[sflag:s11] =	ssyncset.done $0x0  }
0x107: {  	[sflag:s11] =	ssyncadd.s32 $0xFFFFFFA0  }
0x108: {  	_ =	swait.ge [sflag:s11], $0x60  }
0x109: {  	[sflag:s11] =	ssyncset.done $0x0  }
0x10a: {  	s17 =	simm.s32 $0x14000;
	s12 =	simm.s32 $0x13C00;
	[sflag:s11] =	ssyncadd.s32 $0xFFFFFFA0  }
0x10b: {  	[tilespmem:s17], [sflag:$0x5] =	stream.indirect.gather [hbm4b:s9+s15], $0x80, s12, s15, $0xb8;
	v63 =	vld [tilespmem:$0x0]  }
0x10c: {  	_ =	swait.ge [sflag:s13], $0x3000  }
0x10d: {  	[sflag:s13] =	ssyncset.done $0x0  }
0x10e: {  	[sflag:s13] =	ssyncadd.s32 $0xFFFFD000  }
0x10f: {  	[spmem:s6] =	stream.indirect.scatter.add.f32 [tilespmem:s28], [sflag:$0xB], $0x80, s25, s15, $0xb8;
	v63 =	vld [tilespmem:$0x0]  }
0x110: {  	_ =	swait.ge [sflag:s1], $0x3000  }
0x111: {  	[sflag:s1] =	ssyncset.done $0x0  }
0x112: {  	s5 =	sadd.s32 $0x3C, s4;
	[sflag:s1] =	ssyncadd.s32 $0xFFFFD000  }
0x113: {  	[tilespmem:s21], [sflag:$0x2] =	stream.linear.gather [hbm4b:s5+s8], $0x60, $0x38;
	v63 =	vld [tilespmem:$0x0]  }
0x114: {  	s17 =	simm.s32 $0x13E80;
	s5 =	sadd.s32 $0x3C, s19  }
0x115: {  	[tilespmem:s17], [sflag:$0x2] =	stream.linear.gather [hbm4b:s5+s8], $0x60, $0x38;
	v63 =	vld [tilespmem:$0x0]  }
0x116: {  	_ =	swait.ge [sflag:s20], $0x60  }
0x117: {  	[sflag:s20] =	ssyncset.done $0x0  }
0x118: {  	[sflag:s20] =	ssyncadd.s32 $0xFFFFFFA0  }
0x119: {  	_ =	swait.ge [sflag:s20], $0x60  }
0x11a: {  	[sflag:s20] =	ssyncset.done $0x0  }
0x11b: {  	[sflag:s20] =	ssyncadd.s32 $0xFFFFFFA0  }
0x11c: {  	[tilespmem:s22], [sflag:$0x6] =	stream.indirect.gather [hbm4b:s9+s15], $0x80, s21, s15, $0xb8;
	v63 =	vld [tilespmem:$0x0]  }
0x11d: {  	_ =	swait.ge [sflag:s2], $0x3000  }
0x11e: {  	[sflag:s2] =	ssyncset.done $0x0  }
0x11f: {  	[sflag:s2] =	ssyncadd.s32 $0xFFFFD000  }
0x120: {  	[spmem:s6] =	stream.indirect.scatter.add.f32 [tilespmem:s31], [sflag:$0xC], $0x80, s29, s15, $0xb8;
	v63 =	vld [tilespmem:$0x0]  }
0x121: {  	_ =	swait.ge [sflag:s14], $0x3000  }
0x122: {  	[sflag:s14] =	ssyncset.done $0x0  }
0x123: {  	s5 =	sadd.s32 $0x48, s4;
	[sflag:s14] =	ssyncadd.s32 $0xFFFFD000  }
0x124: {  	[tilespmem:s23], [sflag:$0x3] =	stream.linear.gather [hbm4b:s5+s8], $0x60, $0x38;
	v63 =	vld [tilespmem:$0x0]  }
0x125: {  	s5 =	sadd.s32 $0x48, s19  }
0x126: {  	[tilespmem:s25], [sflag:$0x3] =	stream.linear.gather [hbm4b:s5+s8], $0x60, $0x38;
	v63 =	vld [tilespmem:$0x0]  }
0x127: {  	_ =	swait.ge [sflag:s24], $0x60  }
0x128: {  	[sflag:s24] =	ssyncset.done $0x0  }
0x129: {  	[sflag:s24] =	ssyncadd.s32 $0xFFFFFFA0  }
0x12a: {  	_ =	swait.ge [sflag:s24], $0x60  }
0x12b: {  	[sflag:s24] =	ssyncset.done $0x0  }
0x12c: {  	[sflag:s24] =	ssyncadd.s32 $0xFFFFFFA0  }
0x12d: {  	[tilespmem:s28], [sflag:$0x7] =	stream.indirect.gather [hbm4b:s9+s15], $0x80, s23, s15, $0xb8;
	v63 =	vld [tilespmem:$0x0]  }
0x12e: {  	_ =	swait.ge [sflag:s26], $0x3000  }
0x12f: {  	[sflag:s26] =	ssyncset.done $0x0  }
0x130: {  	p1 =	seq.s32 s3, $0x960;
	s12 =	simm.s32 $0x14000;
	[sflag:s26] =	ssyncadd.s32 $0xFFFFD000  }
0x131: {  	[spmem:s6] =	stream.indirect.scatter.add.f32 [tilespmem:s12], [sflag:$0x9], $0x80, s16, s15, $0xb8;
	v63 =	vld [tilespmem:$0x0]  }
.Ltmp3:
0x132: {  	_ =	swait.ge [sflag:s18], $0x3000;
	(pc) =	sbr.rel @!p1 .LBB2_3-.Ltmp3, $4  }
0x133: {  	[sflag:s18] =	ssyncset.done $0x0  }
0x134: {  	s4 =	sadd.s32 $0x54, s4;
	s5 =	simm.s32 $0x13D80;
	[sflag:s18] =	ssyncadd.s32 $0xFFFFD000  }
0x135: {  	[tilespmem:s5], [sflag:$0x4] =	stream.linear.gather [hbm4b:s4+s8], $0x60, $0x38;
	v63 =	vld [tilespmem:$0x0]  }
0x136: {  	s3 =	sadd.s32 $0x30, s3;
	s4 =	sadd.s32 $0x54, s19  }
0x137: {  	[tilespmem:s29], [sflag:$0x4] =	stream.linear.gather [hbm4b:s4+s8], $0x60, $0x38;
	v63 =	vld [tilespmem:$0x0]  }
.Ltmp4:
0x138: {  	_ = 	snop;
	(pc) =	sbr.rel .LBB2_8-.Ltmp4, $4  }
0x139: {  	s3 =	rddreg [dreg:$0x1]  }
0x13a: {  	s19 =	rddreg [dreg:$0x2]  }
0x13b: {  	s22 =	rddreg [dreg:$0xc]  }
0x13c: {  	s4 =	smov.u32 s9;
	s28 =	sld [smem:$0x7F8]  }
.LBB2_5:
0x13d: {  	s4 =	rddreg [dreg:$0x10]  }
0x13e: {  	[tilespmem:s12], [sflag:$0x1] =	stream.linear.gather [hbm4b:s4+s3], $0x60, $0x38;
	v63 =	vld [tilespmem:$0x0]  }
0x13f: {  	s19 =	rddreg [dreg:$0x11];
	s16 =	simm.s32 $0x13E00  }
0x140: {  	[tilespmem:s16], [sflag:$0x1] =	stream.linear.gather [hbm4b:s19+s3], $0x60, $0x38;
	v63 =	vld [tilespmem:$0x0]  }
0x141: {  	_ =	swait.ge [sflag:s11], $0x60  }
0x142: {  	[sflag:s11] =	ssyncset.done $0x0  }
0x143: {  	[sflag:s11] =	ssyncadd.s32 $0xFFFFFFA0  }
0x144: {  	_ =	swait.ge [sflag:s11], $0x60  }
0x145: {  	[sflag:s11] =	ssyncset.done $0x0  }
0x146: {  	s17 =	simm.s32 $0x14000;
	[sflag:s11] =	ssyncadd.s32 $0xFFFFFFA0  }
0x147: {  	[tilespmem:s17], [sflag:$0x5] =	stream.indirect.gather [hbm4b:s10+s15], $0x80, s12, s15, $0xb8;
	v63 =	vld [tilespmem:$0x0]  }
0x148: {  	s4 =	rddreg [dreg:$0x12]  }
0x149: {  	[tilespmem:s5], [sflag:$0x2] =	stream.linear.gather [hbm4b:s4+s3], $0x60, $0x38;
	v63 =	vld [tilespmem:$0x0]  }
0x14a: {  	s19 =	simm.s32 $0x13E80;
	s4 =	rddreg [dreg:$0x17]  }
0x14b: {  	[tilespmem:s19], [sflag:$0x2] =	stream.linear.gather [hbm4b:s4+s3], $0x60, $0x38;
	v63 =	vld [tilespmem:$0x0]  }
0x14c: {  	_ =	swait.ge [sflag:s20], $0x60  }
0x14d: {  	[sflag:s20] =	ssyncset.done $0x0  }
0x14e: {  	[sflag:s20] =	ssyncadd.s32 $0xFFFFFFA0  }
0x14f: {  	_ =	swait.ge [sflag:s20], $0x60  }
0x150: {  	[sflag:s20] =	ssyncset.done $0x0  }
0x151: {  	[sflag:s20] =	ssyncadd.s32 $0xFFFFFFA0  }
0x152: {  	[tilespmem:s21], [sflag:$0x6] =	stream.indirect.gather [hbm4b:s10+s15], $0x80, s5, s15, $0xb8;
	v63 =	vld [tilespmem:$0x0]  }
0x153: {  	s5 =	rddreg [dreg:$0x1a]  }
0x154: {  	[tilespmem:s22], [sflag:$0x3] =	stream.linear.gather [hbm4b:s5+s3], $0x60, $0x38;
	v63 =	vld [tilespmem:$0x0]  }
0x155: {  	s5 =	rddreg [dreg:$0x1b]  }
0x156: {  	[tilespmem:s23], [sflag:$0x3] =	stream.linear.gather [hbm4b:s5+s3], $0x60, $0x38;
	v63 =	vld [tilespmem:$0x0]  }
0x157: {  	_ =	swait.ge [sflag:s24], $0x60  }
0x158: {  	[sflag:s24] =	ssyncset.done $0x0  }
0x159: {  	[sflag:s24] =	ssyncadd.s32 $0xFFFFFFA0  }
0x15a: {  	_ =	swait.ge [sflag:s24], $0x60  }
0x15b: {  	[sflag:s24] =	ssyncset.done $0x0  }
0x15c: {  	[sflag:s24] =	ssyncadd.s32 $0xFFFFFFA0  }
0x15d: {  	[tilespmem:s25], [sflag:$0x7] =	stream.indirect.gather [hbm4b:s10+s15], $0x80, s22, s15, $0xb8;
	v63 =	vld [tilespmem:$0x0]  }
0x15e: {  	_ =	swait.ge [sflag:s26], $0x3000  }
0x15f: {  	[sflag:s26] =	ssyncset.done $0x0  }
0x160: {  	[sflag:s26] =	ssyncadd.s32 $0xFFFFD000  }
0x161: {  	[spmem:s6] =	stream.indirect.scatter.add.f32 [tilespmem:s17], [sflag:$0x9], $0x80, s16, s15, $0xb8;
	v63 =	vld [tilespmem:$0x0]  }
0x162: {  	s23 =	simm.s32 $0x13D80;
	s22 =	rddreg [dreg:$0x1e]  }
0x163: {  	[tilespmem:s23], [sflag:$0x4] =	stream.linear.gather [hbm4b:s22+s3], $0x60, $0x38;
	v63 =	vld [tilespmem:$0x0]  }
0x164: {  	s25 =	rddreg [dreg:$0x1f]  }
0x165: {  	[tilespmem:s29], [sflag:$0x4] =	stream.linear.gather [hbm4b:s25+s3], $0x60, $0x38;
	v63 =	vld [tilespmem:$0x0]  }
0x166: {  	_ =	swait.ge [sflag:s30], $0x60  }
0x167: {  	[sflag:s30] =	ssyncset.done $0x0  }
0x168: {  	[sflag:s30] =	ssyncadd.s32 $0xFFFFFFA0  }
0x169: {  	_ =	swait.ge [sflag:s30], $0x60  }
0x16a: {  	[sflag:s30] =	ssyncset.done $0x0  }
0x16b: {  	[sflag:s30] =	ssyncadd.s32 $0xFFFFFFA0  }
0x16c: {  	[tilespmem:s31], [sflag:$0x8] =	stream.indirect.gather [hbm4b:s10+s15], $0x80, s23, s15, $0xb8;
	v63 =	vld [tilespmem:$0x0]  }
0x16d: {  	_ =	swait.ge [sflag:s0], $0x3000  }
0x16e: {  	[sflag:s0] =	ssyncset.done $0x0  }
0x16f: {  	[sflag:s0] =	ssyncadd.s32 $0xFFFFD000  }
0x170: {  	[spmem:s6] =	stream.indirect.scatter.add.f32 [tilespmem:s21], [sflag:$0xA], $0x80, s19, s15, $0xb8;
	v63 =	vld [tilespmem:$0x0]  }
0x171: {  	_ =	swait.ge [sflag:s7], $0x3000  }
0x172: {  	s4 =	rddreg [dreg:$0x9]  }
0x173: {  	s5 =	rddreg [dreg:$0x8];
	[sflag:s7] =	ssyncset.done $0x0;
	s3 =	sadd.s32 $0x0, s4  }
0x174: {  	[sflag:s7] =	ssyncadd.s32 $0xFFFFD000;
	s4 =	sadd.s32 $0x0, s5;
	s25 =	sadd.s32 $0x30, s3  }
0x175: {  	[tilespmem:s12], [sflag:$0x1] =	stream.linear.gather [hbm4b:s25+s8], $0x60, $0x38;
	v63 =	vld [tilespmem:$0x0]  }
0x176: {  	s25 =	sadd.s32 $0x30, s4  }
0x177: {  	[tilespmem:s16], [sflag:$0x1] =	stream.linear.gather [hbm4b:s25+s8], $0x60, $0x38;
	v63 =	vld [tilespmem:$0x0]  }
0x178: {  	_ =	swait.ge [sflag:s11], $0x60  }
0x179: {  	[sflag:s11] =	ssyncset.done $0x0  }
0x17a: {  	[sflag:s11] =	ssyncadd.s32 $0xFFFFFFA0  }
0x17b: {  	_ =	swait.ge [sflag:s11], $0x60  }
0x17c: {  	[sflag:s11] =	ssyncset.done $0x0  }
0x17d: {  	[sflag:s11] =	ssyncadd.s32 $0xFFFFFFA0  }
0x17e: {  	[tilespmem:s17], [sflag:$0x5] =	stream.indirect.gather [hbm4b:s10+s15], $0x80, s12, s15, $0xb8;
	v63 =	vld [tilespmem:$0x0]  }
0x17f: {  	_ =	swait.ge [sflag:s13], $0x3000  }
0x180: {  	[sflag:s13] =	ssyncset.done $0x0  }
0x181: {  	s28 =	simm.s32 $0x1A000;
	s22 =	simm.s32 $0x13F00;
	[sflag:s13] =	ssyncadd.s32 $0xFFFFD000  }
0x182: {  	[spmem:s6] =	stream.indirect.scatter.add.f32 [tilespmem:s28], [sflag:$0xB], $0x80, s22, s15, $0xb8;
	v63 =	vld [tilespmem:$0x0]  }
0x183: {  	_ =	swait.ge [sflag:s1], $0x3000  }
0x184: {  	[sflag:s1] =	ssyncset.done $0x0  }
0x185: {  	s21 =	simm.s32 $0x13C80;
	s25 =	sadd.s32 $0x3C, s3;
	[sflag:s1] =	ssyncadd.s32 $0xFFFFD000  }
0x186: {  	[tilespmem:s21], [sflag:$0x2] =	stream.linear.gather [hbm4b:s25+s8], $0x60, $0x38;
	v63 =	vld [tilespmem:$0x0]  }
0x187: {  	s17 =	simm.s32 $0x13E80;
	s25 =	sadd.s32 $0x3C, s4  }
0x188: {  	[tilespmem:s17], [sflag:$0x2] =	stream.linear.gather [hbm4b:s25+s8], $0x60, $0x38;
	v63 =	vld [tilespmem:$0x0]  }
0x189: {  	_ =	swait.ge [sflag:s20], $0x60  }
0x18a: {  	[sflag:s20] =	ssyncset.done $0x0  }
0x18b: {  	[sflag:s20] =	ssyncadd.s32 $0xFFFFFFA0  }
0x18c: {  	_ =	swait.ge [sflag:s20], $0x60  }
0x18d: {  	[sflag:s20] =	ssyncset.done $0x0  }
0x18e: {  	s19 =	simm.s32 $0x17000;
	[sflag:s20] =	ssyncadd.s32 $0xFFFFFFA0  }
0x18f: {  	[tilespmem:s19], [sflag:$0x6] =	stream.indirect.gather [hbm4b:s10+s15], $0x80, s21, s15, $0xb8;
	v63 =	vld [tilespmem:$0x0]  }
0x190: {  	_ =	swait.ge [sflag:s2], $0x3000  }
0x191: {  	[sflag:s2] =	ssyncset.done $0x0  }
0x192: {  	[sflag:s2] =	ssyncadd.s32 $0xFFFFD000  }
0x193: {  	[spmem:s6] =	stream.indirect.scatter.add.f32 [tilespmem:s31], [sflag:$0xC], $0x80, s29, s15, $0xb8;
	v63 =	vld [tilespmem:$0x0]  }
0x194: {  	_ =	swait.ge [sflag:s14], $0x3000  }
0x195: {  	[sflag:s14] =	ssyncset.done $0x0  }
0x196: {  	s23 =	simm.s32 $0x13D00;
	s19 =	sadd.s32 $0x48, s3;
	[sflag:s14] =	ssyncadd.s32 $0xFFFFD000  }
0x197: {  	[tilespmem:s23], [sflag:$0x3] =	stream.linear.gather [hbm4b:s19+s8], $0x60, $0x38;
	v63 =	vld [tilespmem:$0x0]  }
0x198: {  	s25 =	sadd.s32 $0x48, s4  }
0x199: {  	[tilespmem:s22], [sflag:$0x3] =	stream.linear.gather [hbm4b:s25+s8], $0x60, $0x38;
	v63 =	vld [tilespmem:$0x0]  }
0x19a: {  	_ =	swait.ge [sflag:s24], $0x60  }
0x19b: {  	[sflag:s24] =	ssyncset.done $0x0  }
0x19c: {  	[sflag:s24] =	ssyncadd.s32 $0xFFFFFFA0  }
0x19d: {  	_ =	swait.ge [sflag:s24], $0x60  }
0x19e: {  	[sflag:s24] =	ssyncset.done $0x0  }
0x19f: {  	[sflag:s24] =	ssyncadd.s32 $0xFFFFFFA0  }
0x1a0: {  	[tilespmem:s28], [sflag:$0x7] =	stream.indirect.gather [hbm4b:s10+s15], $0x80, s23, s15, $0xb8;
	v63 =	vld [tilespmem:$0x0]  }
0x1a1: {  	_ =	swait.ge [sflag:s26], $0x3000  }
0x1a2: {  	[sflag:s26] =	ssyncset.done $0x0  }
0x1a3: {  	s12 =	simm.s32 $0x14000;
	[sflag:s26] =	ssyncadd.s32 $0xFFFFD000  }
0x1a4: {  	[spmem:s6] =	stream.indirect.scatter.add.f32 [tilespmem:s12], [sflag:$0x9], $0x80, s16, s15, $0xb8;
	v63 =	vld [tilespmem:$0x0]  }
0x1a5: {  	_ =	swait.ge [sflag:s18], $0x3000  }
0x1a6: {  	[sflag:s18] =	ssyncset.done $0x0  }
0x1a7: {  	s5 =	simm.s32 $0x13D80;
	s3 =	sadd.s32 $0x54, s3;
	[sflag:s18] =	ssyncadd.s32 $0xFFFFD000  }
0x1a8: {  	[tilespmem:s5], [sflag:$0x4] =	stream.linear.gather [hbm4b:s3+s8], $0x60, $0x38;
	v63 =	vld [tilespmem:$0x0]  }
0x1a9: {  	s4 =	sadd.s32 $0x54, s4;
	s3 =	simm.s32 $0x30  }
.LBB2_6:
0x1aa: {  	[tilespmem:s29], [sflag:$0x4] =	stream.linear.gather [hbm4b:s4+s8], $0x60, $0x38;
	v63 =	vld [tilespmem:$0x0]  }
0x1ab: {  	_ =	swait.ge [sflag:s30], $0x60  }
0x1ac: {  	[sflag:s30] =	ssyncset.done $0x0  }
0x1ad: {  	[sflag:s30] =	ssyncadd.s32 $0xFFFFFFA0  }
0x1ae: {  	_ =	swait.ge [sflag:s30], $0x60  }
0x1af: {  	[sflag:s30] =	ssyncset.done $0x0  }
0x1b0: {  	[sflag:s30] =	ssyncadd.s32 $0xFFFFFFA0  }
0x1b1: {  	[tilespmem:s31], [sflag:$0x8] =	stream.indirect.gather [hbm4b:s10+s15], $0x80, s5, s15, $0xb8;
	v63 =	vld [tilespmem:$0x0]  }
0x1b2: {  	_ =	swait.ge [sflag:s0], $0x3000  }
0x1b3: {  	[sflag:s0] =	ssyncset.done $0x0  }
0x1b4: {  	s25 =	simm.s32 $0x17000;
	[sflag:s0] =	ssyncadd.s32 $0xFFFFD000  }
0x1b5: {  	[spmem:s6] =	stream.indirect.scatter.add.f32 [tilespmem:s25], [sflag:$0xA], $0x80, s17, s15, $0xb8;
	v63 =	vld [tilespmem:$0x0]  }
0x1b6: {  	_ =	swait.ge [sflag:s7], $0x3000  }
0x1b7: {  	s4 =	smov.u32 s3;
	s19 =	rddreg [dreg:$0x9];
	[sflag:s7] =	ssyncset.done $0x0  }
0x1b8: {  	s12 =	rddreg [dreg:$0x8];
	s19 =	sadd.s32 s4, s19;
	[sflag:s7] =	ssyncadd.s32 $0xFFFFD000  }
0x1b9: {  	s4 =	sadd.s32 s4, s12;
	s12 =	simm.s32 $0x13C00;
	s5 =	sadd.s32 $0x30, s19  }
0x1ba: {  	[tilespmem:s12], [sflag:$0x1] =	stream.linear.gather [hbm4b:s5+s8], $0x60, $0x38;
	v63 =	vld [tilespmem:$0x0]  }
0x1bb: {  	s22 =	simm.s32 $0x13E00;
	s5 =	sadd.s32 $0x30, s4  }
0x1bc: {  	[tilespmem:s22], [sflag:$0x1] =	stream.linear.gather [hbm4b:s5+s8], $0x60, $0x38;
	v63 =	vld [tilespmem:$0x0]  }
0x1bd: {  	_ =	swait.ge [sflag:s11], $0x60  }
0x1be: {  	[sflag:s11] =	ssyncset.done $0x0  }
0x1bf: {  	[sflag:s11] =	ssyncadd.s32 $0xFFFFFFA0  }
0x1c0: {  	_ =	swait.ge [sflag:s11], $0x60  }
0x1c1: {  	[sflag:s11] =	ssyncset.done $0x0  }
0x1c2: {  	s17 =	simm.s32 $0x14000;
	[sflag:s11] =	ssyncadd.s32 $0xFFFFFFA0  }
0x1c3: {  	[tilespmem:s17], [sflag:$0x5] =	stream.indirect.gather [hbm4b:s10+s15], $0x80, s12, s15, $0xb8;
	v63 =	vld [tilespmem:$0x0]  }
0x1c4: {  	_ =	swait.ge [sflag:s13], $0x3000  }
0x1c5: {  	[sflag:s13] =	ssyncset.done $0x0  }
0x1c6: {  	s22 =	simm.s32 $0x13F00;
	[sflag:s13] =	ssyncadd.s32 $0xFFFFD000  }
0x1c7: {  	[spmem:s6] =	stream.indirect.scatter.add.f32 [tilespmem:s28], [sflag:$0xB], $0x80, s22, s15, $0xb8;
	v63 =	vld [tilespmem:$0x0]  }
0x1c8: {  	_ =	swait.ge [sflag:s1], $0x3000  }
0x1c9: {  	[sflag:s1] =	ssyncset.done $0x0  }
0x1ca: {  	s5 =	sadd.s32 $0x3C, s19;
	[sflag:s1] =	ssyncadd.s32 $0xFFFFD000  }
0x1cb: {  	[tilespmem:s21], [sflag:$0x2] =	stream.linear.gather [hbm4b:s5+s8], $0x60, $0x38;
	v63 =	vld [tilespmem:$0x0]  }
0x1cc: {  	s17 =	simm.s32 $0x13E80;
	s5 =	sadd.s32 $0x3C, s4  }
0x1cd: {  	[tilespmem:s17], [sflag:$0x2] =	stream.linear.gather [hbm4b:s5+s8], $0x60, $0x38;
	v63 =	vld [tilespmem:$0x0]  }
0x1ce: {  	_ =	swait.ge [sflag:s20], $0x60  }
0x1cf: {  	[sflag:s20] =	ssyncset.done $0x0  }
0x1d0: {  	[sflag:s20] =	ssyncadd.s32 $0xFFFFFFA0  }
0x1d1: {  	_ =	swait.ge [sflag:s20], $0x60  }
0x1d2: {  	[sflag:s20] =	ssyncset.done $0x0  }
0x1d3: {  	[sflag:s20] =	ssyncadd.s32 $0xFFFFFFA0  }
0x1d4: {  	[tilespmem:s25], [sflag:$0x6] =	stream.indirect.gather [hbm4b:s10+s15], $0x80, s21, s15, $0xb8;
	v63 =	vld [tilespmem:$0x0]  }
0x1d5: {  	_ =	swait.ge [sflag:s2], $0x3000  }
0x1d6: {  	[sflag:s2] =	ssyncset.done $0x0  }
0x1d7: {  	s16 =	simm.s32 $0x1D000;
	s31 =	simm.s32 $0x13F80;
	[sflag:s2] =	ssyncadd.s32 $0xFFFFD000  }
0x1d8: {  	[spmem:s6] =	stream.indirect.scatter.add.f32 [tilespmem:s16], [sflag:$0xC], $0x80, s31, s15, $0xb8;
	v63 =	vld [tilespmem:$0x0]  }
0x1d9: {  	_ =	swait.ge [sflag:s14], $0x3000  }
0x1da: {  	[sflag:s14] =	ssyncset.done $0x0  }
0x1db: {  	s25 =	sadd.s32 $0x48, s19;
	[sflag:s14] =	ssyncadd.s32 $0xFFFFD000  }
0x1dc: {  	[tilespmem:s23], [sflag:$0x3] =	stream.linear.gather [hbm4b:s25+s8], $0x60, $0x38;
	v63 =	vld [tilespmem:$0x0]  }
0x1dd: {  	s25 =	sadd.s32 $0x48, s4  }
0x1de: {  	[tilespmem:s22], [sflag:$0x3] =	stream.linear.gather [hbm4b:s25+s8], $0x60, $0x38;
	v63 =	vld [tilespmem:$0x0]  }
0x1df: {  	_ =	swait.ge [sflag:s24], $0x60  }
0x1e0: {  	[sflag:s24] =	ssyncset.done $0x0  }
0x1e1: {  	[sflag:s24] =	ssyncadd.s32 $0xFFFFFFA0  }
0x1e2: {  	_ =	swait.ge [sflag:s24], $0x60  }
0x1e3: {  	[sflag:s24] =	ssyncset.done $0x0  }
0x1e4: {  	[sflag:s24] =	ssyncadd.s32 $0xFFFFFFA0  }
0x1e5: {  	[tilespmem:s28], [sflag:$0x7] =	stream.indirect.gather [hbm4b:s10+s15], $0x80, s23, s15, $0xb8;
	v63 =	vld [tilespmem:$0x0]  }
0x1e6: {  	_ =	swait.ge [sflag:s26], $0x3000  }
0x1e7: {  	p1 =	sne.s32 s3, $0x960;
	[sflag:s26] =	ssyncset.done $0x0  }
0x1e8: {  	s12 =	simm.s32 $0x14000;
	s16 =	simm.s32 $0x13E00;
	[sflag:s26] =	ssyncadd.s32 $0xFFFFD000  }
0x1e9: {  	[spmem:s6] =	stream.indirect.scatter.add.f32 [tilespmem:s12], [sflag:$0x9], $0x80, s16, s15, $0xb8;
	v63 =	vld [tilespmem:$0x0]  }
.Ltmp5:
0x1ea: {  	_ =	swait.ge [sflag:s18], $0x3000;
	(pc) =	sbr.rel @p1 .LBB2_6-.Ltmp5, $4  }
0x1eb: {  	s3 =	sadd.s32 $0x30, s3;
	s29 =	simm.s32 $0x13D80;
	[sflag:s18] =	ssyncset.done $0x0  }
0x1ec: {  	s5 =	simm.s32 $0x13D80;
	s25 =	sadd.s32 $0x54, s19;
	[sflag:s18] =	ssyncadd.s32 $0xFFFFD000  }
0x1ed: {  	[tilespmem:s29], [sflag:$0x4] =	stream.linear.gather [hbm4b:s25+s8], $0x60, $0x38;
	v63 =	vld [tilespmem:$0x0]  }
0x1ee: {  	s31 =	simm.s32 $0x1D000;
	s4 =	sadd.s32 $0x54, s4;
	s29 =	simm.s32 $0x13F80  }
.Ltmp6:
0x1ef: {  	_ = 	snop;
	(pc) =	sbr.rel .LBB2_7-.Ltmp6, $1  }
0x1f0: {  	_ =	sdelay $0x3  }
.LBB2_9:
0x1f1: {  	_ =	sfence.sel $0x180000  }
0x1f2: {  	[bflag:$0x0] =	sbarrier.arrive $0xFFFF  }
0x1f3: {  	_ =	strace $0x9000004D  }
0x1f4: {  	s0 =	stileid.u32;
	[bflag:$0x2] =	sbarrier.arrive $0xFFFF  }
0x1f5: {  	p0 =	sne.s32 s0, $0x0;
	s0 =	rddreg [dreg:$0x7]  }
0x1f6: {  	s0 =	sadd.s32 @!p0 $0x100000, s0  }
0x1f7: {  	[sflag:s0] =	ssyncadd.tile.s32 @!p0 $0x1;
	_ =	shalt  }
.Lfunc_end2:
_tile_overlayer_lowered:
.L_overlay_start_2:
0x1f8: {  	(tag) =	ssettag $0x2  }
0x1f9: {  	s0 =	rddreg [dreg:$0x0];
	s2 =	stileid.u32  }
0x1fa: {  	s1 =	rddreg [dreg:$0x1];
	p0 =	sne.s32 s2, $0x0  }
0x1fb: {  	s3 =	rddreg [dreg:$0x2];
	[bflag:$0x3] =	sbarrier.arrive $0xFFFF;
	s2 =	simm.s32 @!p0 $0x1C0D  }
0x1fc: {  	[timem:s3], [sflag:s2] =	dma.local @!p0 [hbm:s0], s1  }
0x1fd: {  	s0 =	simm.s32 @!p0 $0xD  }
0x1fe: {  	_ =	swait.ge @!p0 [sflag:s0], s1  }
0x1ff: {  	s1 =	ssub.s32 @!p0 $0x0, s1;
	[sflag:s0] =	ssyncset.done @!p0 $0x0  }
0x200: {  	[sflag:s0] =	ssyncadd.s32 @!p0 s1  }
0x201: {  	[bflag:$0x3] =	sbarrier.arrive $0xFFFF  }
0x202: {  	_ =	shalt  }

// kernel: kernel.8.cloned.1.call-start
scs
__scs_entry_jumppad:
0x0: {  	(pc) =	sbr.rel $0x88, $3  }
0x1: {  	(tag) =	ssettag $0x0;
	lr =	simm.s32 $0x1  }
0x2: {  	[smem:$0x3F95] =	sst lr;
	_ =	strace $0xD0000000  }
0x3: {  	_ = 	snop  }
0x4: {  	_ = 	snop  }
0x5: {  	_ = 	snop  }
0x6: {  	_ = 	snop  }
0x7: {  	_ = 	snop  }
__scs_overlays_trampoline_lowered:
0x8: {  	[smem:$0x3FA4] =	sst s0  }
0x9: {  	[smem:$0x3FA5] =	sst s1  }
0xa: {  	[smem:$0x3FA6] =	sst s2  }
0xb: {  	[smem:$0x3FA7] =	sst s3  }
0xc: {  	[smem:$0x3FA8] =	sst s4  }
0xd: {  	[smem:$0x3FA9] =	sst s5  }
0xe: {  	[smem:$0x3FAA] =	sst s6  }
0xf: {  	[smem:$0x3FAB] =	sst s7  }
0x10: {  	[smem:$0x3FAC] =	sst s8  }
0x11: {  	[smem:$0x3FAD] =	sst s9;
	s0 =	simm.s32 @!p0 $0x0  }
0x12: {  	s1 =	sld [smem:$0x3F93];
	s0 =	simm.s32 @p0 $0x1  }
0x13: {  	[smem:$0x3FAE] =	sst s0;
	s0 =	simm.s32 @!p1 $0x0  }
0x14: {  	s2 =	sld [smem:$0x3F92];
	s0 =	simm.s32 @p1 $0x1  }
0x15: {  	[smem:$0x3FAF] =	sst s0;
	s0 =	simm.s32 @!p2 $0x0  }
0x16: {  	s3 =	sld [smem:$0x3FDB];
	s0 =	simm.s32 @p2 $0x1  }
0x17: {  	s4 =	simm.s32 $0x1BF5;
	[smem:$0x3FB1] =	sst s0  }
0x18: {  	s0 =	sld [smem:$0x3F94];
	_ =	swait.ge [sflag:s4], $0x0  }
0x19: {  	s7 =	sld [smem:$0x3F95]  }
0x1a: {  	s8 =	sadd.s32 $0xFFFFE003, lr  }
0x1b: {  	s9 =	sadd.s32 $0xFFFFFEF7, lr;
	s5 =	simm.s32 $0xFFFFFFFF;
	p2 =	slt.u32 s8, $0xFFFFF086  }
0x1c: {  	p1 =	slt.u32 s9, $0xF7A;
	s5 =	simm.s32 @!p2 $0x0  }
0x1d: {  	s5 =	simm.s32 @p1 $0x1;
	p0 =	seq.s32 s7, s2  }
0x1e: {  	s7 =	smul.u32 @!p0 $0xF7A, s2;
	p2 =	seq.s32 @!p0 s5, $0x0  }
0x1f: {  	s9 =	smul.u32 $0xF7A, s1;
	s8 =	simm.s32 @!p0 $0x1BF5;
	p2 =	por !p2, p0  }
0x20: {  	[sflag:s8] =	ssyncset.s32 @!p0 $0xFFFFF086;
	s6 =	sadd.s32 @!p0 s3, s7;
	s7 =	simm.s32 @!p0 $0x108  }
0x21: {  	s3 =	sadd.s32 s3, s9;
	s6 =	sadd.s32 @!p0 $0x88, s6;
	s7 =	simm.s32 @p2 $0x1082  }
0x22: {  	[simem:s7], [sflag:s8] =	dma.local @!p0 [hbm:s6], $0xF7A  }
0x23: {  	s9 =	sor.u32 $0xD0000000, s2;
	s6 =	simm.s32 $0x108;
	_ =	swait.ge @!p0 [sflag:s8], $0x0  }
0x24: {  	s3 =	sadd.s32 $0x88, s3;
	s6 =	simm.s32 @!p1 $0x1082;
	[sflag:s4] =	ssyncset.s32 $0xFFFFF086  }
0x25: {  	[simem:s6], [sflag:s4] =	dma.local [hbm:s3], $0xF7A  }
0x26: {  	[smem:$0x3F95] =	sst s1;
	(tag) =	ssettag s2;
	_ =	strace s9  }
0x27: {  	s1 =	sld [smem:$0x3FA5]  }
0x28: {  	s2 =	sld [smem:$0x3FA6]  }
0x29: {  	s4 =	sld [smem:$0x3FA8]  }
0x2a: {  	p0 =	seq.s32 s5, $0x0;
	s5 =	sld [smem:$0x3FA9]  }
0x2b: {  	s6 =	sld [smem:$0x3FAA]  }
0x2c: {  	s7 =	sld [smem:$0x3FAB]  }
0x2d: {  	s3 =	simm.s32 $0x108;
	s8 =	sld [smem:$0x3FAC]  }
0x2e: {  	s3 =	simm.s32 @!p0 $0x1082;
	s9 =	sld [smem:$0x3FAD]  }
0x2f: {  	lr =	sadd.s32 s0, s3;
	s0 =	sld [smem:$0x3FA4]  }
0x30: {  	s3 =	sld [smem:$0x3FA7]  }
0x31: {  	[smem:$0x3FB0] =	sst s10  }
0x32: {  	s10 =	sld [smem:$0x3FAE];
	_ =	sdelay $0x3  }
0x33: {  	p0 =	seq.s32 s10, $0x1;
	s10 =	sld [smem:$0x3FB0];
	_ =	sdelay $0x3  }
0x34: {  	[smem:$0x3FB0] =	sst s10  }
0x35: {  	s10 =	sld [smem:$0x3FAF];
	_ =	sdelay $0x3  }
0x36: {  	p1 =	seq.s32 s10, $0x1;
	s10 =	sld [smem:$0x3FB0];
	_ =	sdelay $0x3  }
0x37: {  	[smem:$0x3FB0] =	sst s10  }
0x38: {  	s10 =	sld [smem:$0x3FB1]  }
0x39: {  	_ = 	snop;
	(pc) =	sbr.ind lr, $3  }
0x3a: {  	_ = 	snop  }
0x3b: {  	_ = 	snop  }
0x3c: {  	p2 =	seq.s32 s10, $0x1;
	s10 =	sld [smem:$0x3FB0]  }
0x3d: {  	_ =	shalt  }
0x3e: {  	_ =	shalt  }
0x3f: {  	_ =	shalt  }
0x40: {  	_ =	shalt  }
0x41: {  	_ =	shalt  }
0x42: {  	_ =	shalt  }
0x43: {  	_ =	shalt  }
0x44: {  	_ =	shalt  }
0x45: {  	_ =	shalt  }
0x46: {  	_ =	shalt  }
0x47: {  	_ =	shalt  }
0x48: {  	_ =	shalt  }
0x49: {  	_ =	shalt  }
0x4a: {  	_ =	shalt  }
0x4b: {  	_ =	shalt  }
0x4c: {  	_ =	shalt  }
0x4d: {  	_ =	shalt  }
0x4e: {  	_ =	shalt  }
0x4f: {  	_ =	shalt  }
0x50: {  	_ =	shalt  }
0x51: {  	_ =	shalt  }
0x52: {  	_ =	shalt  }
0x53: {  	_ =	shalt  }
0x54: {  	_ =	shalt  }
0x55: {  	_ =	shalt  }
0x56: {  	_ =	shalt  }
0x57: {  	_ =	shalt  }
0x58: {  	_ =	shalt  }
0x59: {  	_ =	shalt  }
0x5a: {  	_ =	shalt  }
0x5b: {  	_ =	shalt  }
0x5c: {  	_ =	shalt  }
0x5d: {  	_ =	shalt  }
0x5e: {  	_ =	shalt  }
0x5f: {  	_ =	shalt  }
0x60: {  	_ =	shalt  }
0x61: {  	_ =	shalt  }
0x62: {  	_ =	shalt  }
0x63: {  	_ =	shalt  }
0x64: {  	_ =	shalt  }
0x65: {  	_ =	shalt  }
0x66: {  	_ =	shalt  }
0x67: {  	_ =	shalt  }
0x68: {  	_ =	shalt  }
0x69: {  	_ =	shalt  }
0x6a: {  	_ =	shalt  }
0x6b: {  	_ =	shalt  }
0x6c: {  	_ =	shalt  }
0x6d: {  	_ =	shalt  }
0x6e: {  	_ =	shalt  }
0x6f: {  	_ =	shalt  }
0x70: {  	_ =	shalt  }
0x71: {  	_ =	shalt  }
0x72: {  	_ =	shalt  }
0x73: {  	_ =	shalt  }
0x74: {  	_ =	shalt  }
0x75: {  	_ =	shalt  }
0x76: {  	_ =	shalt  }
0x77: {  	_ =	shalt  }
0x78: {  	_ =	shalt  }
0x79: {  	_ =	shalt  }
0x7a: {  	_ =	shalt  }
0x7b: {  	_ =	shalt  }
0x7c: {  	_ =	shalt  }
0x7d: {  	_ =	shalt  }
0x7e: {  	_ =	shalt  }
0x7f: {  	_ =	shalt  }
0x80: {  	_ =	shalt  }
0x81: {  	_ =	shalt  }
0x82: {  	_ =	shalt  }
0x83: {  	_ =	shalt  }
0x84: {  	_ =	shalt  }
0x85: {  	_ =	shalt  }
0x86: {  	_ =	shalt  }
0x87: {  	_ =	shalt  }
.Lfunc_end0:
.L_simem_size_0:
called_computation_lowered:
.L_overlay_start_0:
0x88: {  	s2 =	sld [smem:$0x3FD9]  }
0x89: {  	s3 =	sld [smem:$0x3FFE];
	_ =	sdelay $0x1  }
0x8a: {  	s1 =	srdreg.scid  }
0x8b: {  	s0 =	sand.u32 $0x1, s1  }
0x8c: {  	s15 =	sshll.u32 s0, $0xA;
	s2 =	sadd.s32 s3, s2  }
0x8d: {  	s2 =	sadd.s32 s2, s15  }
0x8e: {  	[smem:$0x3FBC] =	sst s2  }
0x8f: {  	_ = 	snop  }
0x90: {  	s2 =	sld [smem:$0x3FD0];
	_ =	sdelay $0x2  }
0x91: {  	s16 =	simm.s32 $0xA;
	s4 =	simm.s32 $0x10  }
0x92: {  	[smem:s4], [sflag:s16] =	dma.local [hbm:s2], $0x1  }
0x93: {  	_ =	swait.eq [sflag:s16], $0x1  }
0x94: {  	s17 =	sld [smem:$0x11];
	[sflag:s16] =	ssyncset.done $0x0  }
0x95: {  	s18 =	sld [smem:$0x13];
	[sflag:s16] =	ssyncadd.s32 $0xFFFFFFFF  }
0x96: {  	s19 =	sld [smem:$0x15];
	(tm) =	ssettm $0x1  }
0x97: {  	s5 =	sld [smem:$0x3FFB];
	_ =	sdelay $0x3  }
0x98: {  	_ =	strace s5  }
0x99: {  	s5 =	sld [smem:$0x3FFC];
	_ =	sdelay $0x3  }
0x9a: {  	_ =	strace s5  }
0x9b: {  	s5 =	sld [smem:$0x3FFD];
	_ =	sdelay $0x3  }
0x9c: {  	_ =	strace s5  }
0x9d: {  	_ =	strace $0x8FFFFFFF  }
0x9e: {  	s20 =	sld [smem:$0x3FDB];
	_ =	sdelay $0x1  }
0x9f: {  	s6 =	simm.s32 $_scs_section_size  }
0xa0: {  	s7 =	simm.s32 $_size__tile_overlayer_lowered;
	s8 =	simm.s32 $_tile_overlayer_lowered  }
0xa1: {  	s23 =	simm.s32 $0x1BFF;
	s22 =	sshll.u32 s8, $0x1;
	s5 =	sadd.s32 s6, s20  }
0xa2: {  	s9 =	simm.s32 $0x0;
	s21 =	sshll.u32 s7, $0x1;
	s7 =	sadd.s32 s22, s5  }
0xa3: {  	[timem:s9], [sflag:s23] =	dma.local [hbm:s7], s21  }
0xa4: {  	_ =	swait.ge [sflag:s23], s21  }
0xa5: {  	s6 =	ssub.s32 $0x0, s21;
	[sflag:s23] =	ssyncset.done $0x0  }
0xa6: {  	[sflag:s23] =	ssyncadd.s32 s6;
	_ =	sdelay $0x1  }
0xa7: {  	s24 =	simm.s32 $0x1B8B  }
0xa8: {  	_ =	swait.ge [sflag:s24], $0x1  }
0xa9: {  	[sflag:s24] =	ssyncset.done $0x0  }
0xaa: {  	s25 =	simm.s32 $0x1B8E;
	[sflag:s24] =	ssyncadd.s32 $0xFFFFFFFF  }
0xab: {  	s26 =	simm.s32 $execute0_lowered;
	[smem:$0x3FD2] =	sst s25  }
0xac: {  	s6 =	sshll.u32 s26, $0x1;
	_ =	strace $0x80000046;
	[dreg:$0x1] =	wrdreg $0xFFFFFFFF  }
0xad: {  	s28 =	simm.s32 $_size_execute0_lowered;
	s5 =	sadd.s32 s5, s6;
	[dreg:$0x0] =	wrdreg $0x0  }
0xae: {  	s6 =	sshll.u32 s28, $0x1;
	[dreg:$0x2] =	wrdreg s5  }
0xaf: {  	[dreg:$0x3] =	wrdreg s6  }
0xb0: {  	[dreg:$0x4] =	wrdreg $0xC0  }
0xb1: {  	_ =	task [dreg:s9], $0x5FFFF  }
0xb2: {  	[dreg:$0x1] =	wrdreg $0xFFFFFFFF  }
0xb3: {  	[dreg:$0x0] =	wrdreg $0x60  }
0xb4: {  	[dreg:$0x2] =	wrdreg s17  }
0xb5: {  	[dreg:$0x3] =	wrdreg s18  }
0xb6: {  	[dreg:$0x4] =	wrdreg s19  }
0xb7: {  	[dreg:$0x5] =	wrdreg $0x9  }
0xb8: {  	_ =	task.clear_ibuf [dreg:s9], $0x6FFFF;
	_ =	strace $0x90000046  }
0xb9: {  	s29 =	simm.s32 $0x9;
	_ =	strace $0x80000048  }
0xba: {  	_ =	swait.ge [sflag:s29], $0x1  }
0xbb: {  	[sflag:s29] =	ssyncadd.s32 $0xFFFFFFFF  }
0xbc: {  	_ =	strace $0x90000048  }
0xbd: {  	_ =	sfence  }
0xbe: {  	s30 =	sld [smem:$0x0];
	_ =	sdelay $0x2  }
0xbf: {  	s31 =	sshll.u32 s1, $0xD;
	s1 =	sshrl.u32 s1, $0x2  }
0xc0: {  	s3 =	sand.u32 $0x4000, s31;
	s1 =	sadd.s32 s1, s30  }
0xc1: {  	s0 =	sor.u32 s3, s0;
	s1 =	sshll.u32 s1, $0x11  }
0xc2: {  	s0 =	sor.u32 s1, s0  }
0xc3: {  	s0 =	sadd.s32 $0x8F2B, s0  }
0xc4: {  	[sflag:s0] =	ssyncadd.remote.s32 $0x1  }
0xc5: {  	_ =	sfence.sel $0xFFFF  }
0xc6: {  	[dreg:$0x0] =	wrdreg $0xFFFFFFFF;
	(pc) =	sbr.abs _section_cstart, $3  }
0xc7: {  	[dreg:$0x1] =	wrdreg $0xFFFFFFFF  }
0xc8: {  	_ =	task.clear_ibuf [dreg:s9], $0x2FFFF;
	_ =	strace $0x9FFFFFFF  }
0xc9: {  	(tm) =	ssettm $0x7FFFFFFF  }
tec
execute0_lowered:
.L_overlay_start_1:
0x0: {  	(tag) =	ssettag $0x1  }
0x1: {  	s0 =	rddreg [dreg:$0x0]  }
0x2: {  	s3 =	rddreg [dreg:$0x1]  }
0x3: {  	s1 =	srdreg.scid;
	s8 =	rddreg [dreg:$0x2]  }
0x4: {  	s2 =	stileid.u32;
	s4 =	simm.s32 $0x0;
	s14 =	simm.s32 $0x1  }
0x5: {  	s15 =	simm.s32 $0x2980;
	s16 =	simm.s32 $0x2;
	s17 =	simm.s32 $0x80  }
0x6: {  	s18 =	simm.s32 $0x400;
	s5 =	sand.u32 $0x1, s1;
	s1 =	rddreg [dreg:$0x3]  }
0x7: {  	s19 =	simm.s32 $0x3;
	s20 =	simm.s32 $0x0;
	[smem:$0x7FF] =	sst s4  }
0x8: {  	s11 =	sshll.u32 s2, $0x7;
	s13 =	smul.u32 $0x2760, s2;
	s6 =	sshll.u32 s5, $0x4  }
0x9: {  	_ =	strace $0x80000047;
	s9 =	ssub.s32 $0x2, s5;
	s12 =	smul.u32 $0x27600, s5  }
0xa: {  	s11 =	sand.u32 $0x380, s11;
	s6 =	sor.u32 s2, s6;
	s10 =	sshrl.u32 s9, $0x1  }
0xb: {  	s7 =	smul.u32 $0x2760, s6;
	s6 =	sshrl.u32 s6, $0x3;
	s9 =	ssub.s32 s9, s10  }
0xc: {  	s12 =	sadd.s32 s13, s12;
	s13 =	simm.s32 $0x2780;
	s6 =	smul.u32 $0x13C00, s6  }
0xd: {  	s30 =	sadd.s32 $0x1E0, s12;
	s9 =	smax.u32 s9, $0x1;
	s10 =	sadd.s32 $0x3C0, s12  }
0xe: {  	s7 =	sshrl.u32 s7, $0x3;
	s31 =	sshrl.u32 s30, $0x3;
	s6 =	sor.u32 s11, s6  }
0xf: {  	s5 =	sadd.s32 s0, s7;
	s7 =	sadd.s32 s3, s7;
	s11 =	sadd.s32 $0x4F000, s6  }
0x10: {  	s12 =	sadd.s32 s31, s3;
	s28 =	sshrl.u32 s6, $0x3;
	s29 =	sshrl.u32 s11, $0x3  }
0x11: {  	v0 =	vimm.f32 $0.0e+00;
	v1 =	vimm.f32 $1.000000000e+00;
	s6 =	sadd.s32 s8, s28;
	s11 =	sadd.s32 s31, s0;
	s8 =	sadd.s32 s8, s29  }
.LBB2_1:
0x12: {  	s21 =	simm.s32 $0x40;
	s22 =	simm.s32 $0x0  }
.LBB2_2:
0x13: {  	p0 =	sne.s32 s21, $0x9DC0;
	[tilespmem:s22+$0x0] =	vst v0;
	s22 =	smov.u32 s21;
	s21 =	sadd.s32 $0x40, s21  }
.Ltmp0:
0x14: {  	(pc) =	sbr.rel @p0 .LBB2_2-.Ltmp0, $2  }
0x15: {  	_ =	sdelay $0x2  }
0x16: {  	s22 =	sshra.s32 s22, $0x2  }
0x17: {  	[tilespmem:s22+$0x0] =	vst v0;
	s21 =	simm.s32 $0x0;
	s22 =	smov.u32 s10  }
0x18: {  	[tilespmem:s13], [sflag:$0x1] =	stream.linear.gather [hbm4b:s5+s21], $0x1E0, $0x38;
	[tilespmem:$0x2B80] =	vst v63  }
.LBB2_4:
0x19: {  	_ =	swait.ge [sflag:s14], $0x1E0  }
0x1a: {  	[sflag:s14] =	ssyncset.done $0x0  }
0x1b: {  	s23 =	sadd.s32 s21, s11;
	[sflag:s14] =	ssyncadd.s32 $0xFFFFFE20  }
0x1c: {  	[tilespmem:s15], [sflag:$0x2] =	stream.linear.gather [hbm4b:s23+s4], $0x1E0, $0x38;
	[tilespmem:$0x2B80] =	vst v63  }
0x1d: {  	v2 =	vld [tilespmem:$0x2780];
	_ =	sdelay $0x7  }
0x1e: {  	[tilespmem:v2+s4+$0x0] =	vst.idx.add.f32.msk $0xffff, v1  }
0x1f: {  	v2 =	vld [tilespmem:$0x2790];
	_ =	sdelay $0x7  }
0x20: {  	[tilespmem:v2+s4+$0x0] =	vst.idx.add.f32.msk $0xffff, v1  }
0x21: {  	v2 =	vld [tilespmem:$0x27A0];
	_ =	sdelay $0x7  }
0x22: {  	[tilespmem:v2+s4+$0x0] =	vst.idx.add.f32.msk $0xffff, v1  }
0x23: {  	v2 =	vld [tilespmem:$0x27B0];
	_ =	sdelay $0x7  }
0x24: {  	[tilespmem:v2+s4+$0x0] =	vst.idx.add.f32.msk $0xffff, v1  }
0x25: {  	v2 =	vld [tilespmem:$0x27C0];
	_ =	sdelay $0x7  }
0x26: {  	[tilespmem:v2+s4+$0x0] =	vst.idx.add.f32.msk $0xffff, v1  }
0x27: {  	v2 =	vld [tilespmem:$0x27D0];
	_ =	sdelay $0x7  }
0x28: {  	[tilespmem:v2+s4+$0x0] =	vst.idx.add.f32.msk $0xffff, v1  }
0x29: {  	v2 =	vld [tilespmem:$0x27E0];
	_ =	sdelay $0x7  }
0x2a: {  	[tilespmem:v2+s4+$0x0] =	vst.idx.add.f32.msk $0xffff, v1  }
0x2b: {  	v2 =	vld [tilespmem:$0x27F0];
	_ =	sdelay $0x7  }
0x2c: {  	[tilespmem:v2+s4+$0x0] =	vst.idx.add.f32.msk $0xffff, v1  }
0x2d: {  	v2 =	vld [tilespmem:$0x2800];
	_ =	sdelay $0x7  }
0x2e: {  	[tilespmem:v2+s4+$0x0] =	vst.idx.add.f32.msk $0xffff, v1  }
0x2f: {  	v2 =	vld [tilespmem:$0x2810];
	_ =	sdelay $0x7  }
0x30: {  	[tilespmem:v2+s4+$0x0] =	vst.idx.add.f32.msk $0xffff, v1  }
0x31: {  	v2 =	vld [tilespmem:$0x2820];
	_ =	sdelay $0x7  }
0x32: {  	[tilespmem:v2+s4+$0x0] =	vst.idx.add.f32.msk $0xffff, v1  }
0x33: {  	v2 =	vld [tilespmem:$0x2830];
	_ =	sdelay $0x7  }
0x34: {  	[tilespmem:v2+s4+$0x0] =	vst.idx.add.f32.msk $0xffff, v1  }
0x35: {  	v2 =	vld [tilespmem:$0x2840];
	_ =	sdelay $0x7  }
0x36: {  	[tilespmem:v2+s4+$0x0] =	vst.idx.add.f32.msk $0xffff, v1  }
0x37: {  	v2 =	vld [tilespmem:$0x2850];
	_ =	sdelay $0x7  }
0x38: {  	[tilespmem:v2+s4+$0x0] =	vst.idx.add.f32.msk $0xffff, v1  }
0x39: {  	v2 =	vld [tilespmem:$0x2860];
	_ =	sdelay $0x7  }
0x3a: {  	[tilespmem:v2+s4+$0x0] =	vst.idx.add.f32.msk $0xffff, v1  }
0x3b: {  	v2 =	vld [tilespmem:$0x2870];
	_ =	sdelay $0x7  }
0x3c: {  	[tilespmem:v2+s4+$0x0] =	vst.idx.add.f32.msk $0xffff, v1  }
0x3d: {  	v2 =	vld [tilespmem:$0x2880];
	_ =	sdelay $0x7  }
0x3e: {  	[tilespmem:v2+s4+$0x0] =	vst.idx.add.f32.msk $0xffff, v1  }
0x3f: {  	v2 =	vld [tilespmem:$0x2890];
	_ =	sdelay $0x7  }
0x40: {  	[tilespmem:v2+s4+$0x0] =	vst.idx.add.f32.msk $0xffff, v1  }
0x41: {  	v2 =	vld [tilespmem:$0x28A0];
	_ =	sdelay $0x7  }
0x42: {  	[tilespmem:v2+s4+$0x0] =	vst.idx.add.f32.msk $0xffff, v1  }
0x43: {  	v2 =	vld [tilespmem:$0x28B0];
	_ =	sdelay $0x7  }
0x44: {  	[tilespmem:v2+s4+$0x0] =	vst.idx.add.f32.msk $0xffff, v1  }
0x45: {  	v2 =	vld [tilespmem:$0x28C0];
	_ =	sdelay $0x7  }
0x46: {  	[tilespmem:v2+s4+$0x0] =	vst.idx.add.f32.msk $0xffff, v1  }
0x47: {  	v2 =	vld [tilespmem:$0x28D0];
	_ =	sdelay $0x7  }
0x48: {  	[tilespmem:v2+s4+$0x0] =	vst.idx.add.f32.msk $0xffff, v1  }
0x49: {  	v2 =	vld [tilespmem:$0x28E0];
	_ =	sdelay $0x7  }
0x4a: {  	[tilespmem:v2+s4+$0x0] =	vst.idx.add.f32.msk $0xffff, v1  }
0x4b: {  	v2 =	vld [tilespmem:$0x28F0];
	_ =	sdelay $0x7  }
0x4c: {  	[tilespmem:v2+s4+$0x0] =	vst.idx.add.f32.msk $0xffff, v1  }
0x4d: {  	v2 =	vld [tilespmem:$0x2900];
	_ =	sdelay $0x7  }
0x4e: {  	[tilespmem:v2+s4+$0x0] =	vst.idx.add.f32.msk $0xffff, v1  }
0x4f: {  	v2 =	vld [tilespmem:$0x2910];
	_ =	sdelay $0x7  }
0x50: {  	[tilespmem:v2+s4+$0x0] =	vst.idx.add.f32.msk $0xffff, v1  }
0x51: {  	v2 =	vld [tilespmem:$0x2920];
	_ =	sdelay $0x7  }
0x52: {  	[tilespmem:v2+s4+$0x0] =	vst.idx.add.f32.msk $0xffff, v1  }
0x53: {  	v2 =	vld [tilespmem:$0x2930];
	_ =	sdelay $0x7  }
0x54: {  	[tilespmem:v2+s4+$0x0] =	vst.idx.add.f32.msk $0xffff, v1  }
0x55: {  	v2 =	vld [tilespmem:$0x2940];
	_ =	sdelay $0x7  }
0x56: {  	[tilespmem:v2+s4+$0x0] =	vst.idx.add.f32.msk $0xffff, v1  }
0x57: {  	v2 =	vld [tilespmem:$0x2950];
	_ =	sdelay $0x7  }
0x58: {  	[tilespmem:v2+s4+$0x0] =	vst.idx.add.f32.msk $0xffff, v1  }
0x59: {  	_ =	swait.ge [sflag:s16], $0x1E0  }
0x5a: {  	s31 =	sshrl.u32 s22, $0x3;
	[sflag:s16] =	ssyncset.done $0x0  }
0x5b: {  	s23 =	sadd.s32 s0, s31;
	[sflag:s16] =	ssyncadd.s32 $0xFFFFFE20  }
0x5c: {  	[tilespmem:s13], [sflag:$0x1] =	stream.linear.gather [hbm4b:s23+s4], $0x1E0, $0x38;
	[tilespmem:$0x2B80] =	vst v63  }
0x5d: {  	v2 =	vld [tilespmem:$0x2980];
	_ =	sdelay $0x7  }
0x5e: {  	[tilespmem:v2+s4+$0x0] =	vst.idx.add.f32.msk $0xffff, v1  }
0x5f: {  	v2 =	vld [tilespmem:$0x2990];
	_ =	sdelay $0x7  }
0x60: {  	[tilespmem:v2+s4+$0x0] =	vst.idx.add.f32.msk $0xffff, v1  }
0x61: {  	v2 =	vld [tilespmem:$0x29A0];
	_ =	sdelay $0x7  }
0x62: {  	[tilespmem:v2+s4+$0x0] =	vst.idx.add.f32.msk $0xffff, v1  }
0x63: {  	v2 =	vld [tilespmem:$0x29B0];
	_ =	sdelay $0x7  }
0x64: {  	[tilespmem:v2+s4+$0x0] =	vst.idx.add.f32.msk $0xffff, v1  }
0x65: {  	v2 =	vld [tilespmem:$0x29C0];
	_ =	sdelay $0x7  }
0x66: {  	[tilespmem:v2+s4+$0x0] =	vst.idx.add.f32.msk $0xffff, v1  }
0x67: {  	v2 =	vld [tilespmem:$0x29D0];
	_ =	sdelay $0x7  }
0x68: {  	[tilespmem:v2+s4+$0x0] =	vst.idx.add.f32.msk $0xffff, v1  }
0x69: {  	v2 =	vld [tilespmem:$0x29E0];
	_ =	sdelay $0x7  }
0x6a: {  	[tilespmem:v2+s4+$0x0] =	vst.idx.add.f32.msk $0xffff, v1  }
0x6b: {  	v2 =	vld [tilespmem:$0x29F0];
	_ =	sdelay $0x7  }
0x6c: {  	[tilespmem:v2+s4+$0x0] =	vst.idx.add.f32.msk $0xffff, v1  }
0x6d: {  	v2 =	vld [tilespmem:$0x2A00];
	_ =	sdelay $0x7  }
0x6e: {  	[tilespmem:v2+s4+$0x0] =	vst.idx.add.f32.msk $0xffff, v1  }
0x6f: {  	v2 =	vld [tilespmem:$0x2A10];
	_ =	sdelay $0x7  }
0x70: {  	[tilespmem:v2+s4+$0x0] =	vst.idx.add.f32.msk $0xffff, v1  }
0x71: {  	v2 =	vld [tilespmem:$0x2A20];
	_ =	sdelay $0x7  }
0x72: {  	[tilespmem:v2+s4+$0x0] =	vst.idx.add.f32.msk $0xffff, v1  }
0x73: {  	v2 =	vld [tilespmem:$0x2A30];
	_ =	sdelay $0x7  }
0x74: {  	[tilespmem:v2+s4+$0x0] =	vst.idx.add.f32.msk $0xffff, v1  }
0x75: {  	v2 =	vld [tilespmem:$0x2A40];
	_ =	sdelay $0x7  }
0x76: {  	[tilespmem:v2+s4+$0x0] =	vst.idx.add.f32.msk $0xffff, v1  }
0x77: {  	v2 =	vld [tilespmem:$0x2A50];
	_ =	sdelay $0x7  }
0x78: {  	[tilespmem:v2+s4+$0x0] =	vst.idx.add.f32.msk $0xffff, v1  }
0x79: {  	v2 =	vld [tilespmem:$0x2A60];
	_ =	sdelay $0x7  }
0x7a: {  	[tilespmem:v2+s4+$0x0] =	vst.idx.add.f32.msk $0xffff, v1  }
0x7b: {  	v2 =	vld [tilespmem:$0x2A70];
	_ =	sdelay $0x7  }
0x7c: {  	[tilespmem:v2+s4+$0x0] =	vst.idx.add.f32.msk $0xffff, v1  }
0x7d: {  	v2 =	vld [tilespmem:$0x2A80];
	_ =	sdelay $0x7  }
0x7e: {  	[tilespmem:v2+s4+$0x0] =	vst.idx.add.f32.msk $0xffff, v1  }
0x7f: {  	v2 =	vld [tilespmem:$0x2A90];
	_ =	sdelay $0x7  }
0x80: {  	[tilespmem:v2+s4+$0x0] =	vst.idx.add.f32.msk $0xffff, v1  }
0x81: {  	v2 =	vld [tilespmem:$0x2AA0];
	_ =	sdelay $0x7  }
0x82: {  	[tilespmem:v2+s4+$0x0] =	vst.idx.add.f32.msk $0xffff, v1  }
0x83: {  	v2 =	vld [tilespmem:$0x2AB0];
	_ =	sdelay $0x7  }
0x84: {  	[tilespmem:v2+s4+$0x0] =	vst.idx.add.f32.msk $0xffff, v1  }
0x85: {  	v2 =	vld [tilespmem:$0x2AC0];
	_ =	sdelay $0x7  }
0x86: {  	[tilespmem:v2+s4+$0x0] =	vst.idx.add.f32.msk $0xffff, v1  }
0x87: {  	v2 =	vld [tilespmem:$0x2AD0];
	_ =	sdelay $0x7  }
0x88: {  	[tilespmem:v2+s4+$0x0] =	vst.idx.add.f32.msk $0xffff, v1  }
0x89: {  	v2 =	vld [tilespmem:$0x2AE0];
	_ =	sdelay $0x7  }
0x8a: {  	[tilespmem:v2+s4+$0x0] =	vst.idx.add.f32.msk $0xffff, v1  }
0x8b: {  	v2 =	vld [tilespmem:$0x2AF0];
	_ =	sdelay $0x7  }
0x8c: {  	[tilespmem:v2+s4+$0x0] =	vst.idx.add.f32.msk $0xffff, v1  }
0x8d: {  	v2 =	vld [tilespmem:$0x2B00];
	_ =	sdelay $0x7  }
0x8e: {  	[tilespmem:v2+s4+$0x0] =	vst.idx.add.f32.msk $0xffff, v1  }
0x8f: {  	v2 =	vld [tilespmem:$0x2B10];
	_ =	sdelay $0x7  }
0x90: {  	[tilespmem:v2+s4+$0x0] =	vst.idx.add.f32.msk $0xffff, v1  }
0x91: {  	v2 =	vld [tilespmem:$0x2B20];
	_ =	sdelay $0x7  }
0x92: {  	[tilespmem:v2+s4+$0x0] =	vst.idx.add.f32.msk $0xffff, v1  }
0x93: {  	v2 =	vld [tilespmem:$0x2B30];
	_ =	sdelay $0x7  }
0x94: {  	[tilespmem:v2+s4+$0x0] =	vst.idx.add.f32.msk $0xffff, v1  }
0x95: {  	v2 =	vld [tilespmem:$0x2B40];
	_ =	sdelay $0x7  }
0x96: {  	[tilespmem:v2+s4+$0x0] =	vst.idx.add.f32.msk $0xffff, v1  }
0x97: {  	v2 =	vld [tilespmem:$0x2B50];
	_ =	sdelay $0x2  }
0x98: {  	p0 =	sne.s32 s21, $0x438  }
.Ltmp1:
0x99: {  	_ = 	snop;
	(pc) =	sbr.rel @p0 .LBB2_4-.Ltmp1, $2  }
0x9a: {  	_ =	sdelay $0x2  }
0x9b: {  	s22 =	sadd.s32 $0x3C0, s22;
	s21 =	sadd.s32 $0x78, s21;
	[tilespmem:v2+s4+$0x0] =	vst.idx.add.f32.msk $0xffff, v1  }
0x9c: {  	_ =	swait.ge [sflag:s14], $0x1E0  }
0x9d: {  	[sflag:s14] =	ssyncset.done $0x0  }
0x9e: {  	[sflag:s14] =	ssyncadd.s32 $0xFFFFFE20  }
0x9f: {  	v2 =	vld [tilespmem:$0x2780];
	_ =	sdelay $0x6  }
0xa0: {  	s21 =	simm.s32 $0x0  }
0xa1: {  	[tilespmem:v2+s21+$0x0] =	vst.idx.add.f32.msk $0xffff, v1  }
0xa2: {  	v2 =	vld [tilespmem:$0x2790];
	_ =	sdelay $0x7  }
0xa3: {  	[tilespmem:v2+s21+$0x0] =	vst.idx.add.f32.msk $0xffff, v1  }
0xa4: {  	v2 =	vld [tilespmem:$0x27A0];
	_ =	sdelay $0x7  }
0xa5: {  	[tilespmem:v2+s21+$0x0] =	vst.idx.add.f32.msk $0xffff, v1  }
0xa6: {  	v2 =	vld [tilespmem:$0x27B0];
	_ =	sdelay $0x7  }
0xa7: {  	[tilespmem:v2+s21+$0x0] =	vst.idx.add.f32.msk $0xffff, v1  }
0xa8: {  	v2 =	vld [tilespmem:$0x27C0];
	_ =	sdelay $0x7  }
0xa9: {  	[tilespmem:v2+s21+$0x0] =	vst.idx.add.f32.msk $0xffff, v1  }
0xaa: {  	v2 =	vld [tilespmem:$0x27D0];
	_ =	sdelay $0x7  }
0xab: {  	[tilespmem:v2+s21+$0x0] =	vst.idx.add.f32.msk $0xffff, v1  }
0xac: {  	v2 =	vld [tilespmem:$0x27E0];
	_ =	sdelay $0x7  }
0xad: {  	[tilespmem:v2+s21+$0x0] =	vst.idx.add.f32.msk $0xffff, v1  }
0xae: {  	v2 =	vld [tilespmem:$0x27F0];
	_ =	sdelay $0x7  }
0xaf: {  	[tilespmem:v2+s21+$0x0] =	vst.idx.add.f32.msk $0xffff, v1  }
0xb0: {  	v2 =	vld [tilespmem:$0x2800];
	_ =	sdelay $0x7  }
0xb1: {  	[tilespmem:v2+s21+$0x0] =	vst.idx.add.f32.msk $0xffff, v1  }
0xb2: {  	v2 =	vld [tilespmem:$0x2810];
	_ =	sdelay $0x7  }
0xb3: {  	[tilespmem:v2+s21+$0x0] =	vst.idx.add.f32.msk $0xffff, v1  }
0xb4: {  	v2 =	vld [tilespmem:$0x2820];
	_ =	sdelay $0x7  }
0xb5: {  	[tilespmem:v2+s21+$0x0] =	vst.idx.add.f32.msk $0xffff, v1  }
0xb6: {  	v2 =	vld [tilespmem:$0x2830];
	_ =	sdelay $0x7  }
0xb7: {  	[tilespmem:v2+s21+$0x0] =	vst.idx.add.f32.msk $0xffff, v1  }
0xb8: {  	v2 =	vld [tilespmem:$0x2840];
	_ =	sdelay $0x7  }
0xb9: {  	[tilespmem:v2+s21+$0x0] =	vst.idx.add.f32.msk $0xffff, v1  }
0xba: {  	v2 =	vld [tilespmem:$0x2850];
	_ =	sdelay $0x7  }
0xbb: {  	[tilespmem:v2+s21+$0x0] =	vst.idx.add.f32.msk $0xffff, v1  }
0xbc: {  	v2 =	vld [tilespmem:$0x2860];
	_ =	sdelay $0x7  }
0xbd: {  	[tilespmem:v2+s21+$0x0] =	vst.idx.add.f32.msk $0xffff, v1  }
0xbe: {  	v2 =	vld [tilespmem:$0x2870];
	_ =	sdelay $0x7  }
0xbf: {  	[tilespmem:v2+s21+$0x0] =	vst.idx.add.f32.msk $0xffff, v1  }
0xc0: {  	v2 =	vld [tilespmem:$0x2880];
	_ =	sdelay $0x7  }
0xc1: {  	[tilespmem:v2+s21+$0x0] =	vst.idx.add.f32.msk $0xffff, v1  }
0xc2: {  	v2 =	vld [tilespmem:$0x2890];
	_ =	sdelay $0x7  }
0xc3: {  	[tilespmem:v2+s21+$0x0] =	vst.idx.add.f32.msk $0xffff, v1  }
0xc4: {  	v2 =	vld [tilespmem:$0x28A0];
	_ =	sdelay $0x7  }
0xc5: {  	[tilespmem:v2+s21+$0x0] =	vst.idx.add.f32.msk $0xffff, v1  }
0xc6: {  	v2 =	vld [tilespmem:$0x28B0];
	_ =	sdelay $0x7  }
0xc7: {  	[tilespmem:v2+s21+$0x0] =	vst.idx.add.f32.msk $0xffff, v1  }
0xc8: {  	v2 =	vld [tilespmem:$0x28C0];
	_ =	sdelay $0x7  }
0xc9: {  	[tilespmem:v2+s21+$0x0] =	vst.idx.add.f32.msk $0xffff, v1  }
0xca: {  	v2 =	vld [tilespmem:$0x28D0];
	_ =	sdelay $0x7  }
0xcb: {  	[tilespmem:v2+s21+$0x0] =	vst.idx.add.f32.msk $0xffff, v1  }
0xcc: {  	v2 =	vld [tilespmem:$0x28E0];
	_ =	sdelay $0x7  }
0xcd: {  	[tilespmem:v2+s21+$0x0] =	vst.idx.add.f32.msk $0xffff, v1  }
0xce: {  	v2 =	vld [tilespmem:$0x28F0];
	_ =	sdelay $0x7  }
0xcf: {  	[tilespmem:v2+s21+$0x0] =	vst.idx.add.f32.msk $0xffff, v1  }
0xd0: {  	v2 =	vld [tilespmem:$0x2900];
	_ =	sdelay $0x7  }
0xd1: {  	[tilespmem:v2+s21+$0x0] =	vst.idx.add.f32.msk $0xffff, v1  }
0xd2: {  	v2 =	vld [tilespmem:$0x2910];
	_ =	sdelay $0x7  }
0xd3: {  	[tilespmem:v2+s21+$0x0] =	vst.idx.add.f32.msk $0xffff, v1  }
0xd4: {  	v2 =	vld [tilespmem:$0x2920];
	_ =	sdelay $0x7  }
0xd5: {  	[tilespmem:v2+s21+$0x0] =	vst.idx.add.f32.msk $0xffff, v1  }
0xd6: {  	v2 =	vld [tilespmem:$0x2930];
	_ =	sdelay $0x7  }
0xd7: {  	[tilespmem:v2+s21+$0x0] =	vst.idx.add.f32.msk $0xffff, v1  }
0xd8: {  	v2 =	vld [tilespmem:$0x2940];
	_ =	sdelay $0x7  }
0xd9: {  	[tilespmem:v2+s21+$0x0] =	vst.idx.add.f32.msk $0xffff, v1  }
0xda: {  	v2 =	vld [tilespmem:$0x2950];
	_ =	sdelay $0x7  }
0xdb: {  	[tilespmem:v2+s21+$0x0] =	vst.idx.add.f32.msk $0xffff, v1  }
0xdc: {  	[hbm4b:s6+s17] =	stream.strided.scatter [tilespmem:s21], [sflag:$0x3], $0x2780, s18, s17, $0x38;
	[tilespmem:$0x2B80] =	vst v63  }
0xdd: {  	_ =	swait.ge [sflag:s19], $0x2780  }
0xde: {  	[sflag:s19] =	ssyncset.done $0x0  }
0xdf: {  	s22 =	simm.s32 $0x0;
	s21 =	simm.s32 $0x40;
	[sflag:s19] =	ssyncadd.s32 $0xFFFFD880  }
.LBB2_6:
0xe0: {  	p0 =	sne.s32 s21, $0x9DC0;
	[tilespmem:s22+$0x0] =	vst v0;
	s22 =	smov.u32 s21;
	s21 =	sadd.s32 $0x40, s21  }
.Ltmp2:
0xe1: {  	(pc) =	sbr.rel @p0 .LBB2_6-.Ltmp2, $2  }
0xe2: {  	_ =	sdelay $0x2  }
0xe3: {  	s22 =	sshra.s32 s22, $0x2  }
0xe4: {  	[tilespmem:s22+$0x0] =	vst v0;
	s21 =	simm.s32 $0x0;
	s22 =	smov.u32 s10  }
0xe5: {  	[tilespmem:s13], [sflag:$0x1] =	stream.linear.gather [hbm4b:s7+s21], $0x1E0, $0x38;
	[tilespmem:$0x2B80] =	vst v63  }
.LBB2_8:
0xe6: {  	_ =	swait.ge [sflag:s14], $0x1E0  }
0xe7: {  	[sflag:s14] =	ssyncset.done $0x0  }
0xe8: {  	s23 =	sadd.s32 s21, s12;
	[sflag:s14] =	ssyncadd.s32 $0xFFFFFE20  }
0xe9: {  	[tilespmem:s15], [sflag:$0x2] =	stream.linear.gather [hbm4b:s23+s4], $0x1E0, $0x38;
	[tilespmem:$0x2B80] =	vst v63  }
0xea: {  	v2 =	vld [tilespmem:$0x2780];
	_ =	sdelay $0x7  }
0xeb: {  	[tilespmem:v2+s4+$0x0] =	vst.idx.add.f32.msk $0xffff, v1  }
0xec: {  	v2 =	vld [tilespmem:$0x2790];
	_ =	sdelay $0x7  }
0xed: {  	[tilespmem:v2+s4+$0x0] =	vst.idx.add.f32.msk $0xffff, v1  }
0xee: {  	v2 =	vld [tilespmem:$0x27A0];
	_ =	sdelay $0x7  }
0xef: {  	[tilespmem:v2+s4+$0x0] =	vst.idx.add.f32.msk $0xffff, v1  }
0xf0: {  	v2 =	vld [tilespmem:$0x27B0];
	_ =	sdelay $0x7  }
0xf1: {  	[tilespmem:v2+s4+$0x0] =	vst.idx.add.f32.msk $0xffff, v1  }
0xf2: {  	v2 =	vld [tilespmem:$0x27C0];
	_ =	sdelay $0x7  }
0xf3: {  	[tilespmem:v2+s4+$0x0] =	vst.idx.add.f32.msk $0xffff, v1  }
0xf4: {  	v2 =	vld [tilespmem:$0x27D0];
	_ =	sdelay $0x7  }
0xf5: {  	[tilespmem:v2+s4+$0x0] =	vst.idx.add.f32.msk $0xffff, v1  }
0xf6: {  	v2 =	vld [tilespmem:$0x27E0];
	_ =	sdelay $0x7  }
0xf7: {  	[tilespmem:v2+s4+$0x0] =	vst.idx.add.f32.msk $0xffff, v1  }
0xf8: {  	v2 =	vld [tilespmem:$0x27F0];
	_ =	sdelay $0x7  }
0xf9: {  	[tilespmem:v2+s4+$0x0] =	vst.idx.add.f32.msk $0xffff, v1  }
0xfa: {  	v2 =	vld [tilespmem:$0x2800];
	_ =	sdelay $0x7  }
0xfb: {  	[tilespmem:v2+s4+$0x0] =	vst.idx.add.f32.msk $0xffff, v1  }
0xfc: {  	v2 =	vld [tilespmem:$0x2810];
	_ =	sdelay $0x7  }
0xfd: {  	[tilespmem:v2+s4+$0x0] =	vst.idx.add.f32.msk $0xffff, v1  }
0xfe: {  	v2 =	vld [tilespmem:$0x2820];
	_ =	sdelay $0x7  }
0xff: {  	[tilespmem:v2+s4+$0x0] =	vst.idx.add.f32.msk $0xffff, v1  }
0x100: {  	v2 =	vld [tilespmem:$0x2830];
	_ =	sdelay $0x7  }
0x101: {  	[tilespmem:v2+s4+$0x0] =	vst.idx.add.f32.msk $0xffff, v1  }
0x102: {  	v2 =	vld [tilespmem:$0x2840];
	_ =	sdelay $0x7  }
0x103: {  	[tilespmem:v2+s4+$0x0] =	vst.idx.add.f32.msk $0xffff, v1  }
0x104: {  	v2 =	vld [tilespmem:$0x2850];
	_ =	sdelay $0x7  }
0x105: {  	[tilespmem:v2+s4+$0x0] =	vst.idx.add.f32.msk $0xffff, v1  }
0x106: {  	v2 =	vld [tilespmem:$0x2860];
	_ =	sdelay $0x7  }
0x107: {  	[tilespmem:v2+s4+$0x0] =	vst.idx.add.f32.msk $0xffff, v1  }
0x108: {  	v2 =	vld [tilespmem:$0x2870];
	_ =	sdelay $0x7  }
0x109: {  	[tilespmem:v2+s4+$0x0] =	vst.idx.add.f32.msk $0xffff, v1  }
0x10a: {  	v2 =	vld [tilespmem:$0x2880];
	_ =	sdelay $0x7  }
0x10b: {  	[tilespmem:v2+s4+$0x0] =	vst.idx.add.f32.msk $0xffff, v1  }
0x10c: {  	v2 =	vld [tilespmem:$0x2890];
	_ =	sdelay $0x7  }
0x10d: {  	[tilespmem:v2+s4+$0x0] =	vst.idx.add.f32.msk $0xffff, v1  }
0x10e: {  	v2 =	vld [tilespmem:$0x28A0];
	_ =	sdelay $0x7  }
0x10f: {  	[tilespmem:v2+s4+$0x0] =	vst.idx.add.f32.msk $0xffff, v1  }
0x110: {  	v2 =	vld [tilespmem:$0x28B0];
	_ =	sdelay $0x7  }
0x111: {  	[tilespmem:v2+s4+$0x0] =	vst.idx.add.f32.msk $0xffff, v1  }
0x112: {  	v2 =	vld [tilespmem:$0x28C0];
	_ =	sdelay $0x7  }
0x113: {  	[tilespmem:v2+s4+$0x0] =	vst.idx.add.f32.msk $0xffff, v1  }
0x114: {  	v2 =	vld [tilespmem:$0x28D0];
	_ =	sdelay $0x7  }
0x115: {  	[tilespmem:v2+s4+$0x0] =	vst.idx.add.f32.msk $0xffff, v1  }
0x116: {  	v2 =	vld [tilespmem:$0x28E0];
	_ =	sdelay $0x7  }
0x117: {  	[tilespmem:v2+s4+$0x0] =	vst.idx.add.f32.msk $0xffff, v1  }
0x118: {  	v2 =	vld [tilespmem:$0x28F0];
	_ =	sdelay $0x7  }
0x119: {  	[tilespmem:v2+s4+$0x0] =	vst.idx.add.f32.msk $0xffff, v1  }
0x11a: {  	v2 =	vld [tilespmem:$0x2900];
	_ =	sdelay $0x7  }
0x11b: {  	[tilespmem:v2+s4+$0x0] =	vst.idx.add.f32.msk $0xffff, v1  }
0x11c: {  	v2 =	vld [tilespmem:$0x2910];
	_ =	sdelay $0x7  }
0x11d: {  	[tilespmem:v2+s4+$0x0] =	vst.idx.add.f32.msk $0xffff, v1  }
0x11e: {  	v2 =	vld [tilespmem:$0x2920];
	_ =	sdelay $0x7  }
0x11f: {  	[tilespmem:v2+s4+$0x0] =	vst.idx.add.f32.msk $0xffff, v1  }
0x120: {  	v2 =	vld [tilespmem:$0x2930];
	_ =	sdelay $0x7  }
0x121: {  	[tilespmem:v2+s4+$0x0] =	vst.idx.add.f32.msk $0xffff, v1  }
0x122: {  	v2 =	vld [tilespmem:$0x2940];
	_ =	sdelay $0x7  }
0x123: {  	[tilespmem:v2+s4+$0x0] =	vst.idx.add.f32.msk $0xffff, v1  }
0x124: {  	v2 =	vld [tilespmem:$0x2950];
	_ =	sdelay $0x7  }
0x125: {  	[tilespmem:v2+s4+$0x0] =	vst.idx.add.f32.msk $0xffff, v1  }
0x126: {  	_ =	swait.ge [sflag:s16], $0x1E0  }
0x127: {  	s31 =	sshrl.u32 s22, $0x3;
	[sflag:s16] =	ssyncset.done $0x0  }
0x128: {  	s23 =	sadd.s32 s3, s31;
	[sflag:s16] =	ssyncadd.s32 $0xFFFFFE20  }
0x129: {  	[tilespmem:s13], [sflag:$0x1] =	stream.linear.gather [hbm4b:s23+s4], $0x1E0, $0x38;
	[tilespmem:$0x2B80] =	vst v63  }
0x12a: {  	v2 =	vld [tilespmem:$0x2980];
	_ =	sdelay $0x7  }
0x12b: {  	[tilespmem:v2+s4+$0x0] =	vst.idx.add.f32.msk $0xffff, v1  }
0x12c: {  	v2 =	vld [tilespmem:$0x2990];
	_ =	sdelay $0x7  }
0x12d: {  	[tilespmem:v2+s4+$0x0] =	vst.idx.add.f32.msk $0xffff, v1  }
0x12e: {  	v2 =	vld [tilespmem:$0x29A0];
	_ =	sdelay $0x7  }
0x12f: {  	[tilespmem:v2+s4+$0x0] =	vst.idx.add.f32.msk $0xffff, v1  }
0x130: {  	v2 =	vld [tilespmem:$0x29B0];
	_ =	sdelay $0x7  }
0x131: {  	[tilespmem:v2+s4+$0x0] =	vst.idx.add.f32.msk $0xffff, v1  }
0x132: {  	v2 =	vld [tilespmem:$0x29C0];
	_ =	sdelay $0x7  }
0x133: {  	[tilespmem:v2+s4+$0x0] =	vst.idx.add.f32.msk $0xffff, v1  }
0x134: {  	v2 =	vld [tilespmem:$0x29D0];
	_ =	sdelay $0x7  }
0x135: {  	[tilespmem:v2+s4+$0x0] =	vst.idx.add.f32.msk $0xffff, v1  }
0x136: {  	v2 =	vld [tilespmem:$0x29E0];
	_ =	sdelay $0x7  }
0x137: {  	[tilespmem:v2+s4+$0x0] =	vst.idx.add.f32.msk $0xffff, v1  }
0x138: {  	v2 =	vld [tilespmem:$0x29F0];
	_ =	sdelay $0x7  }
0x139: {  	[tilespmem:v2+s4+$0x0] =	vst.idx.add.f32.msk $0xffff, v1  }
0x13a: {  	v2 =	vld [tilespmem:$0x2A00];
	_ =	sdelay $0x7  }
0x13b: {  	[tilespmem:v2+s4+$0x0] =	vst.idx.add.f32.msk $0xffff, v1  }
0x13c: {  	v2 =	vld [tilespmem:$0x2A10];
	_ =	sdelay $0x7  }
0x13d: {  	[tilespmem:v2+s4+$0x0] =	vst.idx.add.f32.msk $0xffff, v1  }
0x13e: {  	v2 =	vld [tilespmem:$0x2A20];
	_ =	sdelay $0x7  }
0x13f: {  	[tilespmem:v2+s4+$0x0] =	vst.idx.add.f32.msk $0xffff, v1  }
0x140: {  	v2 =	vld [tilespmem:$0x2A30];
	_ =	sdelay $0x7  }
0x141: {  	[tilespmem:v2+s4+$0x0] =	vst.idx.add.f32.msk $0xffff, v1  }
0x142: {  	v2 =	vld [tilespmem:$0x2A40];
	_ =	sdelay $0x7  }
0x143: {  	[tilespmem:v2+s4+$0x0] =	vst.idx.add.f32.msk $0xffff, v1  }
0x144: {  	v2 =	vld [tilespmem:$0x2A50];
	_ =	sdelay $0x7  }
0x145: {  	[tilespmem:v2+s4+$0x0] =	vst.idx.add.f32.msk $0xffff, v1  }
0x146: {  	v2 =	vld [tilespmem:$0x2A60];
	_ =	sdelay $0x7  }
0x147: {  	[tilespmem:v2+s4+$0x0] =	vst.idx.add.f32.msk $0xffff, v1  }
0x148: {  	v2 =	vld [tilespmem:$0x2A70];
	_ =	sdelay $0x7  }
0x149: {  	[tilespmem:v2+s4+$0x0] =	vst.idx.add.f32.msk $0xffff, v1  }
0x14a: {  	v2 =	vld [tilespmem:$0x2A80];
	_ =	sdelay $0x7  }
0x14b: {  	[tilespmem:v2+s4+$0x0] =	vst.idx.add.f32.msk $0xffff, v1  }
0x14c: {  	v2 =	vld [tilespmem:$0x2A90];
	_ =	sdelay $0x7  }
0x14d: {  	[tilespmem:v2+s4+$0x0] =	vst.idx.add.f32.msk $0xffff, v1  }
0x14e: {  	v2 =	vld [tilespmem:$0x2AA0];
	_ =	sdelay $0x7  }
0x14f: {  	[tilespmem:v2+s4+$0x0] =	vst.idx.add.f32.msk $0xffff, v1  }
0x150: {  	v2 =	vld [tilespmem:$0x2AB0];
	_ =	sdelay $0x7  }
0x151: {  	[tilespmem:v2+s4+$0x0] =	vst.idx.add.f32.msk $0xffff, v1  }
0x152: {  	v2 =	vld [tilespmem:$0x2AC0];
	_ =	sdelay $0x7  }
0x153: {  	[tilespmem:v2+s4+$0x0] =	vst.idx.add.f32.msk $0xffff, v1  }
0x154: {  	v2 =	vld [tilespmem:$0x2AD0];
	_ =	sdelay $0x7  }
0x155: {  	[tilespmem:v2+s4+$0x0] =	vst.idx.add.f32.msk $0xffff, v1  }
0x156: {  	v2 =	vld [tilespmem:$0x2AE0];
	_ =	sdelay $0x7  }
0x157: {  	[tilespmem:v2+s4+$0x0] =	vst.idx.add.f32.msk $0xffff, v1  }
0x158: {  	v2 =	vld [tilespmem:$0x2AF0];
	_ =	sdelay $0x7  }
0x159: {  	[tilespmem:v2+s4+$0x0] =	vst.idx.add.f32.msk $0xffff, v1  }
0x15a: {  	v2 =	vld [tilespmem:$0x2B00];
	_ =	sdelay $0x7  }
0x15b: {  	[tilespmem:v2+s4+$0x0] =	vst.idx.add.f32.msk $0xffff, v1  }
0x15c: {  	v2 =	vld [tilespmem:$0x2B10];
	_ =	sdelay $0x7  }
0x15d: {  	[tilespmem:v2+s4+$0x0] =	vst.idx.add.f32.msk $0xffff, v1  }
0x15e: {  	v2 =	vld [tilespmem:$0x2B20];
	_ =	sdelay $0x7  }
0x15f: {  	[tilespmem:v2+s4+$0x0] =	vst.idx.add.f32.msk $0xffff, v1  }
0x160: {  	v2 =	vld [tilespmem:$0x2B30];
	_ =	sdelay $0x7  }
0x161: {  	[tilespmem:v2+s4+$0x0] =	vst.idx.add.f32.msk $0xffff, v1  }
0x162: {  	v2 =	vld [tilespmem:$0x2B40];
	_ =	sdelay $0x7  }
0x163: {  	[tilespmem:v2+s4+$0x0] =	vst.idx.add.f32.msk $0xffff, v1  }
0x164: {  	v2 =	vld [tilespmem:$0x2B50];
	_ =	sdelay $0x2  }
0x165: {  	p0 =	sne.s32 s21, $0x438  }
.Ltmp3:
0x166: {  	_ = 	snop;
	(pc) =	sbr.rel @p0 .LBB2_8-.Ltmp3, $2  }
0x167: {  	_ =	sdelay $0x2  }
0x168: {  	s22 =	sadd.s32 $0x3C0, s22;
	s21 =	sadd.s32 $0x78, s21;
	[tilespmem:v2+s4+$0x0] =	vst.idx.add.f32.msk $0xffff, v1  }
0x169: {  	_ =	swait.ge [sflag:s14], $0x1E0  }
0x16a: {  	[sflag:s14] =	ssyncset.done $0x0  }
0x16b: {  	[sflag:s14] =	ssyncadd.s32 $0xFFFFFE20  }
0x16c: {  	v2 =	vld [tilespmem:$0x2780];
	_ =	sdelay $0x7  }
0x16d: {  	[tilespmem:v2+s4+$0x0] =	vst.idx.add.f32.msk $0xffff, v1  }
0x16e: {  	v2 =	vld [tilespmem:$0x2790];
	_ =	sdelay $0x7  }
0x16f: {  	[tilespmem:v2+s4+$0x0] =	vst.idx.add.f32.msk $0xffff, v1  }
0x170: {  	v2 =	vld [tilespmem:$0x27A0];
	_ =	sdelay $0x7  }
0x171: {  	[tilespmem:v2+s4+$0x0] =	vst.idx.add.f32.msk $0xffff, v1  }
0x172: {  	v2 =	vld [tilespmem:$0x27B0];
	_ =	sdelay $0x7  }
0x173: {  	[tilespmem:v2+s4+$0x0] =	vst.idx.add.f32.msk $0xffff, v1  }
0x174: {  	v2 =	vld [tilespmem:$0x27C0];
	_ =	sdelay $0x7  }
0x175: {  	[tilespmem:v2+s4+$0x0] =	vst.idx.add.f32.msk $0xffff, v1  }
0x176: {  	v2 =	vld [tilespmem:$0x27D0];
	_ =	sdelay $0x7  }
0x177: {  	[tilespmem:v2+s4+$0x0] =	vst.idx.add.f32.msk $0xffff, v1  }
0x178: {  	v2 =	vld [tilespmem:$0x27E0];
	_ =	sdelay $0x7  }
0x179: {  	[tilespmem:v2+s4+$0x0] =	vst.idx.add.f32.msk $0xffff, v1  }
0x17a: {  	v2 =	vld [tilespmem:$0x27F0];
	_ =	sdelay $0x7  }
0x17b: {  	[tilespmem:v2+s4+$0x0] =	vst.idx.add.f32.msk $0xffff, v1  }
0x17c: {  	v2 =	vld [tilespmem:$0x2800];
	_ =	sdelay $0x7  }
0x17d: {  	[tilespmem:v2+s4+$0x0] =	vst.idx.add.f32.msk $0xffff, v1  }
0x17e: {  	v2 =	vld [tilespmem:$0x2810];
	_ =	sdelay $0x7  }
0x17f: {  	[tilespmem:v2+s4+$0x0] =	vst.idx.add.f32.msk $0xffff, v1  }
0x180: {  	v2 =	vld [tilespmem:$0x2820];
	_ =	sdelay $0x7  }
0x181: {  	[tilespmem:v2+s4+$0x0] =	vst.idx.add.f32.msk $0xffff, v1  }
0x182: {  	v2 =	vld [tilespmem:$0x2830];
	_ =	sdelay $0x7  }
0x183: {  	[tilespmem:v2+s4+$0x0] =	vst.idx.add.f32.msk $0xffff, v1  }
0x184: {  	v2 =	vld [tilespmem:$0x2840];
	_ =	sdelay $0x7  }
0x185: {  	[tilespmem:v2+s4+$0x0] =	vst.idx.add.f32.msk $0xffff, v1  }
0x186: {  	v2 =	vld [tilespmem:$0x2850];
	_ =	sdelay $0x7  }
0x187: {  	[tilespmem:v2+s4+$0x0] =	vst.idx.add.f32.msk $0xffff, v1  }
0x188: {  	v2 =	vld [tilespmem:$0x2860];
	_ =	sdelay $0x7  }
0x189: {  	[tilespmem:v2+s4+$0x0] =	vst.idx.add.f32.msk $0xffff, v1  }
0x18a: {  	v2 =	vld [tilespmem:$0x2870];
	_ =	sdelay $0x7  }
0x18b: {  	[tilespmem:v2+s4+$0x0] =	vst.idx.add.f32.msk $0xffff, v1  }
0x18c: {  	v2 =	vld [tilespmem:$0x2880];
	_ =	sdelay $0x7  }
0x18d: {  	[tilespmem:v2+s4+$0x0] =	vst.idx.add.f32.msk $0xffff, v1  }
0x18e: {  	v2 =	vld [tilespmem:$0x2890];
	_ =	sdelay $0x7  }
0x18f: {  	[tilespmem:v2+s4+$0x0] =	vst.idx.add.f32.msk $0xffff, v1  }
0x190: {  	v2 =	vld [tilespmem:$0x28A0];
	_ =	sdelay $0x7  }
0x191: {  	[tilespmem:v2+s4+$0x0] =	vst.idx.add.f32.msk $0xffff, v1  }
0x192: {  	v2 =	vld [tilespmem:$0x28B0];
	_ =	sdelay $0x7  }
0x193: {  	[tilespmem:v2+s4+$0x0] =	vst.idx.add.f32.msk $0xffff, v1  }
0x194: {  	v2 =	vld [tilespmem:$0x28C0];
	_ =	sdelay $0x7  }
0x195: {  	[tilespmem:v2+s4+$0x0] =	vst.idx.add.f32.msk $0xffff, v1  }
0x196: {  	v2 =	vld [tilespmem:$0x28D0];
	_ =	sdelay $0x7  }
0x197: {  	[tilespmem:v2+s4+$0x0] =	vst.idx.add.f32.msk $0xffff, v1  }
0x198: {  	v2 =	vld [tilespmem:$0x28E0];
	_ =	sdelay $0x7  }
0x199: {  	[tilespmem:v2+s4+$0x0] =	vst.idx.add.f32.msk $0xffff, v1  }
0x19a: {  	v2 =	vld [tilespmem:$0x28F0];
	_ =	sdelay $0x7  }
0x19b: {  	[tilespmem:v2+s4+$0x0] =	vst.idx.add.f32.msk $0xffff, v1  }
0x19c: {  	v2 =	vld [tilespmem:$0x2900];
	_ =	sdelay $0x7  }
0x19d: {  	[tilespmem:v2+s4+$0x0] =	vst.idx.add.f32.msk $0xffff, v1  }
0x19e: {  	v2 =	vld [tilespmem:$0x2910];
	_ =	sdelay $0x7  }
0x19f: {  	[tilespmem:v2+s4+$0x0] =	vst.idx.add.f32.msk $0xffff, v1  }
0x1a0: {  	v2 =	vld [tilespmem:$0x2920];
	_ =	sdelay $0x7  }
0x1a1: {  	[tilespmem:v2+s4+$0x0] =	vst.idx.add.f32.msk $0xffff, v1  }
0x1a2: {  	v2 =	vld [tilespmem:$0x2930];
	_ =	sdelay $0x7  }
0x1a3: {  	[tilespmem:v2+s4+$0x0] =	vst.idx.add.f32.msk $0xffff, v1  }
0x1a4: {  	v2 =	vld [tilespmem:$0x2940];
	_ =	sdelay $0x7  }
0x1a5: {  	[tilespmem:v2+s4+$0x0] =	vst.idx.add.f32.msk $0xffff, v1  }
0x1a6: {  	v2 =	vld [tilespmem:$0x2950];
	_ =	sdelay $0x5  }
0x1a7: {  	s20 =	sadd.s32 $0x1, s20  }
0x1a8: {  	p0 =	sne.s32 s20, s9  }
.Ltmp4:
0x1a9: {  	[tilespmem:v2+s4+$0x0] =	vst.idx.add.f32.msk $0xffff, v1;
	(pc) =	sbr.rel @p0 .LBB2_1-.Ltmp4, $4  }
0x1aa: {  	[hbm4b:s8+s17] =	stream.strided.scatter [tilespmem:s4], [sflag:$0x3], $0x2780, s18, s17, $0x38;
	[tilespmem:$0x2B80] =	vst v63  }
0x1ab: {  	_ =	swait.ge [sflag:s19], $0x2780  }
0x1ac: {  	[sflag:s19] =	ssyncset.done $0x0  }
0x1ad: {  	[sflag:s19] =	ssyncadd.s32 $0xFFFFD880  }
0x1ae: {  	_ =	sfence.sel $0x180000  }
0x1af: {  	[bflag:$0x0] =	sbarrier.arrive $0xFFFF  }
0x1b0: {  	p0 =	sne.s32 s2, $0x0;
	_ =	strace $0x90000047  }
0x1b1: {  	s0 =	sadd.s32 @!p0 $0x100000, s1;
	[bflag:$0x2] =	sbarrier.arrive $0xFFFF  }
0x1b2: {  	[sflag:s0] =	ssyncadd.tile.s32 @!p0 $0x1;
	_ =	shalt  }
.Lfunc_end2:
_tile_overlayer_lowered:
.L_overlay_start_2:
0x1b3: {  	(tag) =	ssettag $0x2  }
0x1b4: {  	s0 =	rddreg [dreg:$0x0];
	s2 =	stileid.u32  }
0x1b5: {  	s1 =	rddreg [dreg:$0x1];
	p0 =	sne.s32 s2, $0x0  }
0x1b6: {  	s3 =	rddreg [dreg:$0x2];
	[bflag:$0x3] =	sbarrier.arrive $0xFFFF;
	s2 =	simm.s32 @!p0 $0x1C03  }
0x1b7: {  	[timem:s3], [sflag:s2] =	dma.local @!p0 [hbm:s0], s1  }
0x1b8: {  	s0 =	simm.s32 @!p0 $0x3  }
0x1b9: {  	_ =	swait.ge @!p0 [sflag:s0], s1  }
0x1ba: {  	s1 =	ssub.s32 @!p0 $0x0, s1;
	[sflag:s0] =	ssyncset.done @!p0 $0x0  }
0x1bb: {  	[sflag:s0] =	ssyncadd.s32 @!p0 s1  }
0x1bc: {  	[bflag:$0x3] =	sbarrier.arrive $0xFFFF  }
0x1bd: {  	_ =	shalt  }

</sc_bundles>
